<compile_context>
chip_gen: v7x
topology: tpu7x:2x2x1
jax: 0.10.2.dev20260603
libtpu: 0.0.44.dev20260713+nightly
codegen_flags: <defaults>
</compile_context>

<pallas_src>
import functools

import jax
import jax.numpy as jnp
from jax import lax
from jax.experimental import pallas as pl
from jax.experimental.pallas import tpu as pltpu
from jax.experimental.pallas import tpu_sc as plsc

_N = 10000
_D = 128
_E = 320000

_NC = 2
_NS = 16
_NW = _NC * _NS
_CHUNK = 128
_K0 = 128
_K1 = 32
_SLOTS_PER_TILE = 128
_E0 = _NS * _K0 * _CHUNK
_E_PAD = _E0 + _NS * _K1 * _CHUNK
_ACC_ROWS = 10112
_ZERO_ROWS_PER_TILE = _ACC_ROWS // _NS
_OUT_ROWS_PER_TILE = _ACC_ROWS // _NS

_BN = 1000



def _lin_pair_first_body(h_ref, wl_ref, bl_ref, ws_ref, bs_ref, m_ref, s_ref):
    h = h_ref[...]
    m_ref[...] = jnp.dot(h, wl_ref[...], preferred_element_type=jnp.float32) + bl_ref[...]
    s_ref[...] = jnp.dot(h, ws_ref[...], preferred_element_type=jnp.float32) + bs_ref[...]


def _lin_pair_next_body(sp_ref, agg_ref, wl_ref, bl_ref, ws_ref, bs_ref, m_ref, s_ref):
    h = jnp.maximum(sp_ref[...] + agg_ref[0] + agg_ref[1], 0.0)
    m_ref[...] = jnp.dot(h, wl_ref[...], preferred_element_type=jnp.float32) + bl_ref[...]
    s_ref[...] = jnp.dot(h, ws_ref[...], preferred_element_type=jnp.float32) + bs_ref[...]


def _head_body(sp_ref, agg_ref, w1_ref, b1_ref, w2_ref, b2_ref, emb_ref, out_ref):
    emb = sp_ref[...] + agg_ref[0] + agg_ref[1]
    emb_ref[...] = emb
    h = jnp.maximum(emb, 0.0)
    t = jnp.maximum(
        jnp.dot(h, w1_ref[...], preferred_element_type=jnp.float32) + b1_ref[...], 0.0)
    out_ref[...] = jnp.dot(t, w2_ref[...], preferred_element_type=jnp.float32) + b2_ref[...]


_ROW_SPEC = pl.BlockSpec((_BN, _D), lambda i: (i, 0))
_W_SPEC = pl.BlockSpec((_D, _D), lambda i: (0, 0))
_B_SPEC = pl.BlockSpec((1, _D), lambda i: (0, 0))
_AGG_SPEC = pl.BlockSpec((_NC, _BN, _D), lambda i: (0, i, 0))
_GRID = (_N // _BN,)
_ND_OUT = jax.ShapeDtypeStruct((_N, _D), jnp.float32)


def _lin_pair_first(h, wl, bl, ws, bs):
    return pl.pallas_call(
        _lin_pair_first_body,
        grid=_GRID,
        in_specs=[_ROW_SPEC, _W_SPEC, _B_SPEC, _W_SPEC, _B_SPEC],
        out_specs=[_ROW_SPEC, _ROW_SPEC],
        out_shape=[_ND_OUT, _ND_OUT],
    )(h, wl, bl, ws, bs)


def _lin_pair_next(s_prev, agg, wl, bl, ws, bs):
    return pl.pallas_call(
        _lin_pair_next_body,
        grid=_GRID,
        in_specs=[_ROW_SPEC, _AGG_SPEC, _W_SPEC, _B_SPEC, _W_SPEC, _B_SPEC],
        out_specs=[_ROW_SPEC, _ROW_SPEC],
        out_shape=[_ND_OUT, _ND_OUT],
    )(s_prev, agg, wl, bl, ws, bs)


def _head(s_prev, agg, w1, b1, w2, b2):
    return pl.pallas_call(
        _head_body,
        grid=_GRID,
        in_specs=[_ROW_SPEC, _AGG_SPEC, _W_SPEC, _B_SPEC, _W_SPEC, _B_SPEC],
        out_specs=[_ROW_SPEC, _ROW_SPEC],
        out_shape=[_ND_OUT, _ND_OUT],
    )(s_prev, agg, w1, b1, w2, b2)



def _unpack_chunk(pidx_v, j, sidx_c, didx_c):
    for cc in range(_CHUNK // 16):
        v = pidx_v[j, pl.ds(cc * 16, 16)]
        sidx_c[pl.ds(cc * 16, 16)] = jnp.bitwise_and(v, 16383)
        didx_c[pl.ds(cc * 16, 16)] = lax.shift_right_logical(v, 14)


def _segsum_sc_body(m_hbm, packed_hbm, out_hbm,
                    pidx_v, sidx0, didx0, sidx1, didx1, rows0, rows1,
                    acc, sem0, sem1):
    c = lax.axis_index("c")
    s = lax.axis_index("s")
    wid = c * _NS + s
    nch = jnp.where(c == 0, _K0, _K1)

    zv = jnp.zeros((16,), jnp.float32)

    def zrow(r, carry):
        for cc in range(_D // 16):
            rows0[r, pl.ds(cc * 16, 16)] = zv
        return carry

    with jax.named_scope("zero_vec"):
        lax.fori_loop(0, _CHUNK, zrow, 0)
    with jax.named_scope("zero_acc"):
        zbase = s * _ZERO_ROWS_PER_TILE
        for z in range(_ZERO_ROWS_PER_TILE // _CHUNK):
            pltpu.sync_copy(rows0, acc.at[pl.ds(zbase + z * _CHUNK, _CHUNK)])
        rem = _ZERO_ROWS_PER_TILE % _CHUNK
        if rem:
            pltpu.sync_copy(
                rows0.at[pl.ds(0, rem)],
                acc.at[pl.ds(zbase + _ZERO_ROWS_PER_TILE - rem, rem)])
    with jax.named_scope("zbar"):
        plsc.subcore_barrier()

    with jax.named_scope("stage_idx"):
        pltpu.sync_copy(packed_hbm.at[wid], pidx_v)
        _unpack_chunk(pidx_v, 0, sidx0, didx0)
        pltpu.async_copy(m_hbm.at[sidx0], rows0, sem0)
        _unpack_chunk(pidx_v, 1, sidx1, didx1)

    def body(i, carry):
        j = 2 * i
        pltpu.async_copy(m_hbm.at[sidx1], rows1, sem1)
        pltpu.make_async_copy(m_hbm.at[sidx0], rows0, sem0).wait()
        pltpu.sync_copy(rows0, acc.at[didx0], add=True)

        @pl.when(j + 2 < nch)
        def _():
            _unpack_chunk(pidx_v, j + 2, sidx0, didx0)
            pltpu.async_copy(m_hbm.at[sidx0], rows0, sem0)

        pltpu.make_async_copy(m_hbm.at[sidx1], rows1, sem1).wait()
        pltpu.sync_copy(rows1, acc.at[didx1], add=True)

        @pl.when(j + 3 < nch)
        def _():
            _unpack_chunk(pidx_v, j + 3, sidx1, didx1)

        return carry

    with jax.named_scope("mainloop"):
        lax.fori_loop(0, nch // 2, body, 0)
    with jax.named_scope("endbar"):
        plsc.subcore_barrier()

    with jax.named_scope("writeback"):
        obase = s * _OUT_ROWS_PER_TILE
        pltpu.sync_copy(acc.at[pl.ds(obase, _OUT_ROWS_PER_TILE)],
                        out_hbm.at[c, pl.ds(obase, _OUT_ROWS_PER_TILE)])


def _segsum(m, packed):
    mesh = plsc.VectorSubcoreMesh(core_axis_name="c", subcore_axis_name="s")
    fn = functools.partial(
        pl.kernel,
        mesh=mesh,
        out_type=jax.ShapeDtypeStruct((_NC, _ACC_ROWS, _D), jnp.float32),
        scratch_types=[
            pltpu.VMEM((_SLOTS_PER_TILE, _CHUNK), jnp.int32),
            pltpu.VMEM((_CHUNK,), jnp.int32),
            pltpu.VMEM((_CHUNK,), jnp.int32),
            pltpu.VMEM((_CHUNK,), jnp.int32),
            pltpu.VMEM((_CHUNK,), jnp.int32),
            pltpu.VMEM((_CHUNK, _D), jnp.float32),
            pltpu.VMEM((_CHUNK, _D), jnp.float32),
            pltpu.VMEM_SHARED((_ACC_ROWS, _D), jnp.float32),
            pltpu.SemaphoreType.DMA,
            pltpu.SemaphoreType.DMA,
        ],
    )(_segsum_sc_body)
    return fn(m, packed)



def kernel(x, edge_index,
           W_lin0, b_lin0, W_self0, b_self0,
           W_lin1, b_lin1, W_self1, b_self1,
           W_lin2, b_lin2, W_self2, b_self2,
           W_mp1, b_mp1, W_mp2, b_mp2):
    src = edge_index[0]
    dst = edge_index[1]
    pad = _E_PAD - _E
    src_p = jnp.concatenate([src, jnp.zeros((pad,), jnp.int32)])
    dst_p = jnp.concatenate([dst, jnp.full((pad,), _N, jnp.int32)])
    packed_flat = jnp.bitwise_or(jnp.left_shift(dst_p, 14), src_p)
    e0 = packed_flat[:_E0].reshape(_NS, _K0, _CHUNK)
    e1 = packed_flat[_E0:].reshape(_NS, _K1, _CHUNK)
    slotpad = jnp.full((_NS, _SLOTS_PER_TILE - _K1, _CHUNK), _N << 14,
                       dtype=jnp.int32)
    e1 = jnp.concatenate([e1, slotpad], axis=1)
    packed = jnp.concatenate([e0, e1], axis=0)

    bl0 = b_lin0.reshape(1, _D)
    bs0 = b_self0.reshape(1, _D)
    bl1 = b_lin1.reshape(1, _D)
    bs1 = b_self1.reshape(1, _D)
    bl2 = b_lin2.reshape(1, _D)
    bs2 = b_self2.reshape(1, _D)
    bm1 = b_mp1.reshape(1, _D)
    bm2 = b_mp2.reshape(1, _D)

    m, s = _lin_pair_first(x, W_lin0, bl0, W_self0, bs0)
    agg = _segsum(m, packed)
    m, s = _lin_pair_next(s, agg, W_lin1, bl1, W_self1, bs1)
    agg = _segsum(m, packed)
    m, s = _lin_pair_next(s, agg, W_lin2, bl2, W_self2, bs2)
    agg = _segsum(m, packed)
    emb, out = _head(s, agg, W_mp1, bm1, W_mp2, bm2)
    return (emb, out)

# --- scband reference (transcript-rebuilt; emitter-appended) ---
"""Pipeline reference for scband-gnnstack-25580825215361 (READ-ONLY COPY).

The authoritative reference and input builder live on the scoring server;
editing this copy changes nothing except your own understanding.
"""

import jax, jax.numpy as jnp
import numpy as np

N = 10000
E = 320000
D = 128


def setup_inputs(seed: int = 0) -> dict:
    key = jax.random.key(seed)
    ks = jax.random.split(key, 16)
    inp = {}
    inp["x"] = jax.random.normal(ks[0], (N, D), dtype=jnp.float32)
    inp["edge_index"] = jax.random.randint(ks[1], (2, E), 0, N, dtype=jnp.int32)
    s = 1.0 / np.sqrt(D)
    for i in range(3):
        inp[f"W_lin{i}"] = jax.random.normal(ks[2 + 4 * i], (D, D), dtype=jnp.float32) * s
        inp[f"b_lin{i}"] = jnp.zeros((D,), dtype=jnp.float32)
        inp[f"W_self{i}"] = jax.random.normal(ks[3 + 4 * i], (D, D), dtype=jnp.float32) * s
        inp[f"b_self{i}"] = jnp.zeros((D,), dtype=jnp.float32)
    inp["W_mp1"] = jax.random.normal(ks[14], (D, D), dtype=jnp.float32) * s
    inp["b_mp1"] = jnp.zeros((D,), dtype=jnp.float32)
    inp["W_mp2"] = jax.random.normal(ks[15], (D, D), dtype=jnp.float32) * s
    inp["b_mp2"] = jnp.zeros((D,), dtype=jnp.float32)
    return inp


def _conv(x, edge_index, Wl, bl, Ws, bs):
    # CustomConv: self_lin(x) + sum-aggregation of lin(x) over incoming edges
    m = x @ Wl + bl
    src = edge_index[0]
    dst = edge_index[1]
    agg = jax.ops.segment_sum(m[src], dst, num_segments=N)
    return (x @ Ws + bs) + agg


def reference(x, edge_index, W_lin0, b_lin0, W_self0, b_self0, W_lin1, b_lin1, W_self1, b_self1, W_lin2, b_lin2, W_self2, b_self2, W_mp1, b_mp1, W_mp2, b_mp2):
    convs = [(W_lin0, b_lin0, W_self0, b_self0), (W_lin1, b_lin1, W_self1, b_self1), (W_lin2, b_lin2, W_self2, b_self2)]
    h = x
    emb = h
    for (Wl, bl, Ws, bs) in convs:
        h = _conv(h, edge_index, Wl, bl, Ws, bs)
        emb = h
        h = jax.nn.relu(h)
    out = jax.nn.relu(h @ W_mp1 + b_mp1) @ W_mp2 + b_mp2
    return (emb, out)

if __name__ == "__main__":
    import jax
    _d = setup_inputs()
    print(jax.jit(kernel)(*tuple(_d.values())))

</pallas_src>

<mosaic_0001>
#map = affine_map<(d0, d1) -> (0, 0)>
#map1 = affine_map<(d0, d1) -> (0, 0, 0)>
module attributes {stable_mosaic.version = 14 : i64} {
  func.func @_segsum_sc_body(%arg0: i32, %arg1: i32, %arg2: memref<10000x128xf32, #tpu.memory_space<hbm>>, %arg3: memref<32x128x128xi32, #tpu.memory_space<hbm>>, %arg4: memref<2x10112x128xf32, #tpu.memory_space<hbm>>, %arg5: memref<128x128xi32, #tpu.memory_space<vmem>>, %arg6: memref<128xi32, #tpu.memory_space<vmem>>, %arg7: memref<128xi32, #tpu.memory_space<vmem>>, %arg8: memref<128xi32, #tpu.memory_space<vmem>>, %arg9: memref<128xi32, #tpu.memory_space<vmem>>, %arg10: memref<128x128xf32, #tpu.memory_space<vmem>>, %arg11: memref<128x128xf32, #tpu.memory_space<vmem>>, %arg12: memref<10112x128xf32, #tpu.memory_space<vmem_shared>>, %arg13: memref<!tpu.dma_semaphore, #tpu.memory_space<semaphore_mem>>, %arg14: memref<!tpu.dma_semaphore, #tpu.memory_space<semaphore_mem>>) attributes {dimension_semantics = [#tpu.dimension_semantics<core_parallel>, #tpu.dimension_semantics<subcore_parallel>], iteration_bounds = array<i64: 2, 16>, scalar_prefetch = 0 : i64, scratch_operands = 10 : i64, tpu.core_type = #tpu.core_type<sc_vector_subcore>, window_params = [{transform_indices = #map}, {transform_indices = #map1}, {transform_indices = #map1}]} {
    %mul3A = arith.constant 16 : i32
    %mul3A_0 = arith.muli %arg0, %mul3A : i32
    %add3A = arith.addi %mul3A_0, %arg1 : i32
    %eq3A = arith.constant 0 : i32
    %eq3A_1 = arith.cmpi eq, %arg0, %eq3A : i32
    %jit3A = arith.constant 128 : i32
    %jit3A_2 = arith.constant 32 : i32
    %select_n3A = arith.select %eq3A_1, %jit3A, %jit3A_2 : i32
    %broadcast_in_dim3A = arith.constant 0.000000e+00 : f32
    %broadcast_in_dim3A_3 = vector.broadcast %broadcast_in_dim3A : f32 to vector<16xf32>
    "tpu.trace_start"() <{level = 10 : i32, message = "zero_vec"}> : () -> ()
    %scan3A = arith.constant 0 : i32
    %scan3A_4 = arith.constant 0 : i32
    %scan3A_5 = arith.constant 128 : i32
    %scan3A_6 = arith.addi %scan3A_4, %scan3A_5 : i32
    %scan3A_7 = arith.constant 1 : i32
    scf.for %scan3A_356 = %scan3A_4 to %scan3A_6 step %scan3A_7  : i32 {
      %swap3A_357 = arith.index_cast %scan3A_356 : i32 to index
      %swap3A_358 = arith.constant 0 : index
      %swap3A_359 = tpu.vector_load %arg10[%swap3A_357, %swap3A_358] {strides = array<i32>} : memref<128x128xf32, #tpu.memory_space<vmem>>, vector<1x16xf32>,
      %swap3A_360 = vector.shape_cast %swap3A_359 : vector<1x16xf32> to vector<16xf32>
      %swap3A_361 = vector.shape_cast %broadcast_in_dim3A_3 : vector<16xf32> to vector<1x16xf32>
      tpu.vector_store %arg10[%swap3A_357, %swap3A_358], %swap3A_361 {strides = array<i32>} : memref<128x128xf32, #tpu.memory_space<vmem>>, vector<1x16xf32>,
      %swap3A_362 = arith.index_cast %scan3A_356 : i32 to index
      %swap3A_363 = arith.constant 16 : index
      %swap3A_364 = tpu.vector_load %arg10[%swap3A_362, %swap3A_363] {strides = array<i32>} : memref<128x128xf32, #tpu.memory_space<vmem>>, vector<1x16xf32>,
      %swap3A_365 = vector.shape_cast %swap3A_364 : vector<1x16xf32> to vector<16xf32>
      %swap3A_366 = vector.shape_cast %broadcast_in_dim3A_3 : vector<16xf32> to vector<1x16xf32>
      tpu.vector_store %arg10[%swap3A_362, %swap3A_363], %swap3A_366 {strides = array<i32>} : memref<128x128xf32, #tpu.memory_space<vmem>>, vector<1x16xf32>,
      %swap3A_367 = arith.index_cast %scan3A_356 : i32 to index
      %swap3A_368 = arith.constant 32 : index
      %swap3A_369 = tpu.vector_load %arg10[%swap3A_367, %swap3A_368] {strides = array<i32>} : memref<128x128xf32, #tpu.memory_space<vmem>>, vector<1x16xf32>,
      %swap3A_370 = vector.shape_cast %swap3A_369 : vector<1x16xf32> to vector<16xf32>
      %swap3A_371 = vector.shape_cast %broadcast_in_dim3A_3 : vector<16xf32> to vector<1x16xf32>
      tpu.vector_store %arg10[%swap3A_367, %swap3A_368], %swap3A_371 {strides = array<i32>} : memref<128x128xf32, #tpu.memory_space<vmem>>, vector<1x16xf32>,
      %swap3A_372 = arith.index_cast %scan3A_356 : i32 to index
      %swap3A_373 = arith.constant 48 : index
      %swap3A_374 = tpu.vector_load %arg10[%swap3A_372, %swap3A_373] {strides = array<i32>} : memref<128x128xf32, #tpu.memory_space<vmem>>, vector<1x16xf32>,
      %swap3A_375 = vector.shape_cast %swap3A_374 : vector<1x16xf32> to vector<16xf32>
      %swap3A_376 = vector.shape_cast %broadcast_in_dim3A_3 : vector<16xf32> to vector<1x16xf32>
      tpu.vector_store %arg10[%swap3A_372, %swap3A_373], %swap3A_376 {strides = array<i32>} : memref<128x128xf32, #tpu.memory_space<vmem>>, vector<1x16xf32>,
      %swap3A_377 = arith.index_cast %scan3A_356 : i32 to index
      %swap3A_378 = arith.constant 64 : index
      %swap3A_379 = tpu.vector_load %arg10[%swap3A_377, %swap3A_378] {strides = array<i32>} : memref<128x128xf32, #tpu.memory_space<vmem>>, vector<1x16xf32>,
      %swap3A_380 = vector.shape_cast %swap3A_379 : vector<1x16xf32> to vector<16xf32>
      %swap3A_381 = vector.shape_cast %broadcast_in_dim3A_3 : vector<16xf32> to vector<1x16xf32>
      tpu.vector_store %arg10[%swap3A_377, %swap3A_378], %swap3A_381 {strides = array<i32>} : memref<128x128xf32, #tpu.memory_space<vmem>>, vector<1x16xf32>,
      %swap3A_382 = arith.index_cast %scan3A_356 : i32 to index
      %swap3A_383 = arith.constant 80 : index
      %swap3A_384 = tpu.vector_load %arg10[%swap3A_382, %swap3A_383] {strides = array<i32>} : memref<128x128xf32, #tpu.memory_space<vmem>>, vector<1x16xf32>,
      %swap3A_385 = vector.shape_cast %swap3A_384 : vector<1x16xf32> to vector<16xf32>
      %swap3A_386 = vector.shape_cast %broadcast_in_dim3A_3 : vector<16xf32> to vector<1x16xf32>
      tpu.vector_store %arg10[%swap3A_382, %swap3A_383], %swap3A_386 {strides = array<i32>} : memref<128x128xf32, #tpu.memory_space<vmem>>, vector<1x16xf32>,
      %swap3A_387 = arith.index_cast %scan3A_356 : i32 to index
      %swap3A_388 = arith.constant 96 : index
      %swap3A_389 = tpu.vector_load %arg10[%swap3A_387, %swap3A_388] {strides = array<i32>} : memref<128x128xf32, #tpu.memory_space<vmem>>, vector<1x16xf32>,
      %swap3A_390 = vector.shape_cast %swap3A_389 : vector<1x16xf32> to vector<16xf32>
      %swap3A_391 = vector.shape_cast %broadcast_in_dim3A_3 : vector<16xf32> to vector<1x16xf32>
      tpu.vector_store %arg10[%swap3A_387, %swap3A_388], %swap3A_391 {strides = array<i32>} : memref<128x128xf32, #tpu.memory_space<vmem>>, vector<1x16xf32>,
      %swap3A_392 = arith.index_cast %scan3A_356 : i32 to index
      %swap3A_393 = arith.constant 112 : index
      %swap3A_394 = tpu.vector_load %arg10[%swap3A_392, %swap3A_393] {strides = array<i32>} : memref<128x128xf32, #tpu.memory_space<vmem>>, vector<1x16xf32>,
      %swap3A_395 = vector.shape_cast %swap3A_394 : vector<1x16xf32> to vector<16xf32>
      %swap3A_396 = vector.shape_cast %broadcast_in_dim3A_3 : vector<16xf32> to vector<1x16xf32>
      tpu.vector_store %arg10[%swap3A_392, %swap3A_393], %swap3A_396 {strides = array<i32>} : memref<128x128xf32, #tpu.memory_space<vmem>>, vector<1x16xf32>,
    }
    %scan3A_8 = arith.constant 128 : i32
    "tpu.trace_stop"() : () -> ()
    "tpu.trace_start"() <{level = 10 : i32, message = "zero_acc"}> : () -> ()
    %mul3A_9 = arith.constant 632 : i32
    %mul3A_10 = arith.muli %arg1, %mul3A_9 : i32
    %add3A_11 = arith.constant 0 : i32
    %add3A_12 = arith.addi %mul3A_10, %add3A_11 : i32
    "tpu.region"() ({
      %run_scoped3A = tpu.sem_alloc : memref<!tpu.dma_semaphore, #tpu.memory_space<semaphore_mem>>
      %dma_start3A_356 = arith.constant 0 : i32
      %dma_start3A_357 = tpu.memref_slice %arg12[%add3A_12, %dma_start3A_356] : memref<10112x128xf32, #tpu.memory_space<vmem_shared>> -> memref<128x128xf32, #tpu.memory_space<vmem_shared>>
      %dma_start3A_358 = arith.constant 0 : i32
      %dma_start3A_359 = tpu.memref_slice %arg12[%add3A_12, %dma_start3A_358] : memref<10112x128xf32, #tpu.memory_space<vmem_shared>> -> memref<128x128xf32, #tpu.memory_space<vmem_shared>>
      tpu.enqueue_dma source(%arg10 : memref<128x128xf32, #tpu.memory_space<vmem>>) target(%dma_start3A_359 : memref<128x128xf32, #tpu.memory_space<vmem_shared>>) target_semaphore(%run_scoped3A : memref<!tpu.dma_semaphore, #tpu.memory_space<semaphore_mem>>)
      %dma_wait3A = arith.constant 0 : i32
      %dma_wait3A_360 = tpu.memref_slice %arg12[%add3A_12, %dma_wait3A] : memref<10112x128xf32, #tpu.memory_space<vmem_shared>> -> memref<128x128xf32, #tpu.memory_space<vmem_shared>>
      %dma_wait3A_361 = arith.constant 0 : i32
      %dma_wait3A_362 = tpu.memref_slice %arg12[%add3A_12, %dma_wait3A_361] : memref<10112x128xf32, #tpu.memory_space<vmem_shared>> -> memref<128x128xf32, #tpu.memory_space<vmem_shared>>
      tpu.wait_dma2 semaphore(%run_scoped3A : memref<!tpu.dma_semaphore, #tpu.memory_space<semaphore_mem>>) src(%arg10 : memref<128x128xf32, #tpu.memory_space<vmem>>) dst(%dma_wait3A_362 : memref<128x128xf32, #tpu.memory_space<vmem_shared>>)
      tpu.yield
    }) : () -> ()
    %add3A_13 = arith.constant 128 : i32
    %add3A_14 = arith.addi %mul3A_10, %add3A_13 : i32
    "tpu.region"() ({
      %run_scoped3A = tpu.sem_alloc : memref<!tpu.dma_semaphore, #tpu.memory_space<semaphore_mem>>
      %dma_start3A_356 = arith.constant 0 : i32
      %dma_start3A_357 = tpu.memref_slice %arg12[%add3A_14, %dma_start3A_356] : memref<10112x128xf32, #tpu.memory_space<vmem_shared>> -> memref<128x128xf32, #tpu.memory_space<vmem_shared>>
      %dma_start3A_358 = arith.constant 0 : i32
      %dma_start3A_359 = tpu.memref_slice %arg12[%add3A_14, %dma_start3A_358] : memref<10112x128xf32, #tpu.memory_space<vmem_shared>> -> memref<128x128xf32, #tpu.memory_space<vmem_shared>>
      tpu.enqueue_dma source(%arg10 : memref<128x128xf32, #tpu.memory_space<vmem>>) target(%dma_start3A_359 : memref<128x128xf32, #tpu.memory_space<vmem_shared>>) target_semaphore(%run_scoped3A : memref<!tpu.dma_semaphore, #tpu.memory_space<semaphore_mem>>)
      %dma_wait3A = arith.constant 0 : i32
      %dma_wait3A_360 = tpu.memref_slice %arg12[%add3A_14, %dma_wait3A] : memref<10112x128xf32, #tpu.memory_space<vmem_shared>> -> memref<128x128xf32, #tpu.memory_space<vmem_shared>>
      %dma_wait3A_361 = arith.constant 0 : i32
      %dma_wait3A_362 = tpu.memref_slice %arg12[%add3A_14, %dma_wait3A_361] : memref<10112x128xf32, #tpu.memory_space<vmem_shared>> -> memref<128x128xf32, #tpu.memory_space<vmem_shared>>
      tpu.wait_dma2 semaphore(%run_scoped3A : memref<!tpu.dma_semaphore, #tpu.memory_space<semaphore_mem>>) src(%arg10 : memref<128x128xf32, #tpu.memory_space<vmem>>) dst(%dma_wait3A_362 : memref<128x128xf32, #tpu.memory_space<vmem_shared>>)
      tpu.yield
    }) : () -> ()
    %add3A_15 = arith.constant 256 : i32
    %add3A_16 = arith.addi %mul3A_10, %add3A_15 : i32
    "tpu.region"() ({
      %run_scoped3A = tpu.sem_alloc : memref<!tpu.dma_semaphore, #tpu.memory_space<semaphore_mem>>
      %dma_start3A_356 = arith.constant 0 : i32
      %dma_start3A_357 = tpu.memref_slice %arg12[%add3A_16, %dma_start3A_356] : memref<10112x128xf32, #tpu.memory_space<vmem_shared>> -> memref<128x128xf32, #tpu.memory_space<vmem_shared>>
      %dma_start3A_358 = arith.constant 0 : i32
      %dma_start3A_359 = tpu.memref_slice %arg12[%add3A_16, %dma_start3A_358] : memref<10112x128xf32, #tpu.memory_space<vmem_shared>> -> memref<128x128xf32, #tpu.memory_space<vmem_shared>>
      tpu.enqueue_dma source(%arg10 : memref<128x128xf32, #tpu.memory_space<vmem>>) target(%dma_start3A_359 : memref<128x128xf32, #tpu.memory_space<vmem_shared>>) target_semaphore(%run_scoped3A : memref<!tpu.dma_semaphore, #tpu.memory_space<semaphore_mem>>)
      %dma_wait3A = arith.constant 0 : i32
      %dma_wait3A_360 = tpu.memref_slice %arg12[%add3A_16, %dma_wait3A] : memref<10112x128xf32, #tpu.memory_space<vmem_shared>> -> memref<128x128xf32, #tpu.memory_space<vmem_shared>>
      %dma_wait3A_361 = arith.constant 0 : i32
      %dma_wait3A_362 = tpu.memref_slice %arg12[%add3A_16, %dma_wait3A_361] : memref<10112x128xf32, #tpu.memory_space<vmem_shared>> -> memref<128x128xf32, #tpu.memory_space<vmem_shared>>
      tpu.wait_dma2 semaphore(%run_scoped3A : memref<!tpu.dma_semaphore, #tpu.memory_space<semaphore_mem>>) src(%arg10 : memref<128x128xf32, #tpu.memory_space<vmem>>) dst(%dma_wait3A_362 : memref<128x128xf32, #tpu.memory_space<vmem_shared>>)
      tpu.yield
    }) : () -> ()
    %add3A_17 = arith.constant 384 : i32
    %add3A_18 = arith.addi %mul3A_10, %add3A_17 : i32
    "tpu.region"() ({
      %run_scoped3A = tpu.sem_alloc : memref<!tpu.dma_semaphore, #tpu.memory_space<semaphore_mem>>
      %dma_start3A_356 = arith.constant 0 : i32
      %dma_start3A_357 = tpu.memref_slice %arg12[%add3A_18, %dma_start3A_356] : memref<10112x128xf32, #tpu.memory_space<vmem_shared>> -> memref<128x128xf32, #tpu.memory_space<vmem_shared>>
      %dma_start3A_358 = arith.constant 0 : i32
      %dma_start3A_359 = tpu.memref_slice %arg12[%add3A_18, %dma_start3A_358] : memref<10112x128xf32, #tpu.memory_space<vmem_shared>> -> memref<128x128xf32, #tpu.memory_space<vmem_shared>>
      tpu.enqueue_dma source(%arg10 : memref<128x128xf32, #tpu.memory_space<vmem>>) target(%dma_start3A_359 : memref<128x128xf32, #tpu.memory_space<vmem_shared>>) target_semaphore(%run_scoped3A : memref<!tpu.dma_semaphore, #tpu.memory_space<semaphore_mem>>)
      %dma_wait3A = arith.constant 0 : i32
      %dma_wait3A_360 = tpu.memref_slice %arg12[%add3A_18, %dma_wait3A] : memref<10112x128xf32, #tpu.memory_space<vmem_shared>> -> memref<128x128xf32, #tpu.memory_space<vmem_shared>>
      %dma_wait3A_361 = arith.constant 0 : i32
      %dma_wait3A_362 = tpu.memref_slice %arg12[%add3A_18, %dma_wait3A_361] : memref<10112x128xf32, #tpu.memory_space<vmem_shared>> -> memref<128x128xf32, #tpu.memory_space<vmem_shared>>
      tpu.wait_dma2 semaphore(%run_scoped3A : memref<!tpu.dma_semaphore, #tpu.memory_space<semaphore_mem>>) src(%arg10 : memref<128x128xf32, #tpu.memory_space<vmem>>) dst(%dma_wait3A_362 : memref<128x128xf32, #tpu.memory_space<vmem_shared>>)
      tpu.yield
    }) : () -> ()
    %add3A_19 = arith.constant 632 : i32
    %add3A_20 = arith.addi %mul3A_10, %add3A_19 : i32
    %sub3A = arith.constant 120 : i32
    %sub3A_21 = arith.subi %add3A_20, %sub3A : i32
    "tpu.region"() ({
      %run_scoped3A = tpu.sem_alloc : memref<!tpu.dma_semaphore, #tpu.memory_space<semaphore_mem>>
      %dma_start3A_356 = arith.constant 0 : i32
      %dma_start3A_357 = arith.constant 0 : i32
      %dma_start3A_358 = tpu.memref_slice %arg10[%dma_start3A_356, %dma_start3A_357] : memref<128x128xf32, #tpu.memory_space<vmem>> -> memref<120x128xf32, #tpu.memory_space<vmem>>
      %dma_start3A_359 = arith.constant 0 : i32
      %dma_start3A_360 = tpu.memref_slice %arg12[%sub3A_21, %dma_start3A_359] : memref<10112x128xf32, #tpu.memory_space<vmem_shared>> -> memref<120x128xf32, #tpu.memory_space<vmem_shared>>
      %dma_start3A_361 = arith.constant 0 : i32
      %dma_start3A_362 = tpu.memref_slice %arg12[%sub3A_21, %dma_start3A_361] : memref<10112x128xf32, #tpu.memory_space<vmem_shared>> -> memref<120x128xf32, #tpu.memory_space<vmem_shared>>
      %dma_start3A_363 = arith.constant 0 : i32
      %dma_start3A_364 = arith.constant 0 : i32
      %dma_start3A_365 = tpu.memref_slice %arg10[%dma_start3A_363, %dma_start3A_364] : memref<128x128xf32, #tpu.memory_space<vmem>> -> memref<120x128xf32, #tpu.memory_space<vmem>>
      tpu.enqueue_dma source(%dma_start3A_365 : memref<120x128xf32, #tpu.memory_space<vmem>>) target(%dma_start3A_362 : memref<120x128xf32, #tpu.memory_space<vmem_shared>>) target_semaphore(%run_scoped3A : memref<!tpu.dma_semaphore, #tpu.memory_space<semaphore_mem>>)
      %dma_wait3A = arith.constant 0 : i32
      %dma_wait3A_366 = arith.constant 0 : i32
      %dma_wait3A_367 = tpu.memref_slice %arg10[%dma_wait3A, %dma_wait3A_366] : memref<128x128xf32, #tpu.memory_space<vmem>> -> memref<120x128xf32, #tpu.memory_space<vmem>>
      %dma_wait3A_368 = arith.constant 0 : i32
      %dma_wait3A_369 = tpu.memref_slice %arg12[%sub3A_21, %dma_wait3A_368] : memref<10112x128xf32, #tpu.memory_space<vmem_shared>> -> memref<120x128xf32, #tpu.memory_space<vmem_shared>>
      %dma_wait3A_370 = arith.constant 0 : i32
      %dma_wait3A_371 = tpu.memref_slice %arg12[%sub3A_21, %dma_wait3A_370] : memref<10112x128xf32, #tpu.memory_space<vmem_shared>> -> memref<120x128xf32, #tpu.memory_space<vmem_shared>>
      %dma_wait3A_372 = arith.constant 0 : i32
      %dma_wait3A_373 = arith.constant 0 : i32
      %dma_wait3A_374 = tpu.memref_slice %arg10[%dma_wait3A_372, %dma_wait3A_373] : memref<128x128xf32, #tpu.memory_space<vmem>> -> memref<120x128xf32, #tpu.memory_space<vmem>>
      tpu.wait_dma2 semaphore(%run_scoped3A : memref<!tpu.dma_semaphore, #tpu.memory_space<semaphore_mem>>) src(%dma_wait3A_374 : memref<120x128xf32, #tpu.memory_space<vmem>>) dst(%dma_wait3A_371 : memref<120x128xf32, #tpu.memory_space<vmem_shared>>)
      tpu.yield
    }) : () -> ()
    "tpu.trace_stop"() : () -> ()
    "tpu.trace_start"() <{level = 10 : i32, message = "zbar"}> : () -> ()
    %barrier3A = arith.constant 0 : index
    tpu.barrier barrier_id(%barrier3A)
    "tpu.trace_stop"() : () -> ()
    "tpu.trace_start"() <{level = 10 : i32, message = "stage_idx"}> : () -> ()
    "tpu.region"() ({
      %run_scoped3A = tpu.sem_alloc : memref<!tpu.dma_semaphore, #tpu.memory_space<semaphore_mem>>
      %dma_start3A_356 = arith.constant 0 : i32
      %dma_start3A_357 = arith.constant 0 : i32
      %dma_start3A_358 = tpu.memref_slice %arg3[%add3A, %dma_start3A_356, %dma_start3A_357] : memref<32x128x128xi32, #tpu.memory_space<hbm>> -> memref<1x128x128xi32, #tpu.memory_space<hbm>>
      %dma_start3A_359 = tpu.memref_squeeze %dma_start3A_358 : memref<1x128x128xi32, #tpu.memory_space<hbm>> -> memref<128x128xi32, #tpu.memory_space<hbm>>
      %dma_start3A_360 = arith.constant 0 : i32
      %dma_start3A_361 = arith.constant 0 : i32
      %dma_start3A_362 = tpu.memref_slice %arg3[%add3A, %dma_start3A_360, %dma_start3A_361] : memref<32x128x128xi32, #tpu.memory_space<hbm>> -> memref<1x128x128xi32, #tpu.memory_space<hbm>>
      %dma_start3A_363 = tpu.memref_squeeze %dma_start3A_362 : memref<1x128x128xi32, #tpu.memory_space<hbm>> -> memref<128x128xi32, #tpu.memory_space<hbm>>
      tpu.enqueue_dma source(%dma_start3A_363 : memref<128x128xi32, #tpu.memory_space<hbm>>) target(%arg5 : memref<128x128xi32, #tpu.memory_space<vmem>>) target_semaphore(%run_scoped3A : memref<!tpu.dma_semaphore, #tpu.memory_space<semaphore_mem>>)
      %dma_wait3A = arith.constant 0 : i32
      %dma_wait3A_364 = arith.constant 0 : i32
      %dma_wait3A_365 = tpu.memref_slice %arg3[%add3A, %dma_wait3A, %dma_wait3A_364] : memref<32x128x128xi32, #tpu.memory_space<hbm>> -> memref<1x128x128xi32, #tpu.memory_space<hbm>>
      %dma_wait3A_366 = tpu.memref_squeeze %dma_wait3A_365 : memref<1x128x128xi32, #tpu.memory_space<hbm>> -> memref<128x128xi32, #tpu.memory_space<hbm>>
      %dma_wait3A_367 = arith.constant 0 : i32
      %dma_wait3A_368 = arith.constant 0 : i32
      %dma_wait3A_369 = tpu.memref_slice %arg3[%add3A, %dma_wait3A_367, %dma_wait3A_368] : memref<32x128x128xi32, #tpu.memory_space<hbm>> -> memref<1x128x128xi32, #tpu.memory_space<hbm>>
      %dma_wait3A_370 = tpu.memref_squeeze %dma_wait3A_369 : memref<1x128x128xi32, #tpu.memory_space<hbm>> -> memref<128x128xi32, #tpu.memory_space<hbm>>
      tpu.wait_dma2 semaphore(%run_scoped3A : memref<!tpu.dma_semaphore, #tpu.memory_space<semaphore_mem>>) src(%dma_wait3A_370 : memref<128x128xi32, #tpu.memory_space<hbm>>) dst(%arg5 : memref<128x128xi32, #tpu.memory_space<vmem>>)
      tpu.yield
    }) : () -> ()
    %get3A = arith.constant 0 : i32
    %get3A_22 = arith.index_cast %get3A : i32 to index
    %get3A_23 = arith.constant 0 : index
    %get3A_24 = tpu.vector_load %arg5[%get3A_22, %get3A_23] {strides = array<i32>} : memref<128x128xi32, #tpu.memory_space<vmem>>, vector<1x16xi32>,
    %get3A_25 = vector.shape_cast %get3A_24 : vector<1x16xi32> to vector<16xi32>
    %and3A = arith.constant 16383 : i32
    %and3A_26 = vector.broadcast %and3A : i32 to vector<16xi32>
    %and3A_27 = arith.andi %get3A_25, %and3A_26 : vector<16xi32>
    %swap3A = arith.constant 0 : index
    %swap3A_28 = tpu.vector_load %arg6[%swap3A] {strides = array<i32>} : memref<128xi32, #tpu.memory_space<vmem>>, vector<16xi32>,
    %swap3A_29 = vector.shape_cast %swap3A_28 : vector<16xi32> to vector<16xi32>
    %swap3A_30 = vector.shape_cast %and3A_27 : vector<16xi32> to vector<16xi32>
    tpu.vector_store %arg6[%swap3A], %swap3A_30 {strides = array<i32>} : memref<128xi32, #tpu.memory_space<vmem>>, vector<16xi32>,
    %shift_right_logical3A = arith.constant 14 : i32
    %shift_right_logical3A_31 = vector.broadcast %shift_right_logical3A : i32 to vector<16xi32>
    %shift_right_logical3A_32 = arith.shrui %get3A_25, %shift_right_logical3A_31 : vector<16xi32>
    %swap3A_33 = arith.constant 0 : index
    %swap3A_34 = tpu.vector_load %arg7[%swap3A_33] {strides = array<i32>} : memref<128xi32, #tpu.memory_space<vmem>>, vector<16xi32>,
    %swap3A_35 = vector.shape_cast %swap3A_34 : vector<16xi32> to vector<16xi32>
    %swap3A_36 = vector.shape_cast %shift_right_logical3A_32 : vector<16xi32> to vector<16xi32>
    tpu.vector_store %arg7[%swap3A_33], %swap3A_36 {strides = array<i32>} : memref<128xi32, #tpu.memory_space<vmem>>, vector<16xi32>,
    %get3A_37 = arith.constant 0 : i32
    %get3A_38 = arith.index_cast %get3A_37 : i32 to index
    %get3A_39 = arith.constant 16 : index
    %get3A_40 = tpu.vector_load %arg5[%get3A_38, %get3A_39] {strides = array<i32>} : memref<128x128xi32, #tpu.memory_space<vmem>>, vector<1x16xi32>,
    %get3A_41 = vector.shape_cast %get3A_40 : vector<1x16xi32> to vector<16xi32>
    %and3A_42 = arith.constant 16383 : i32
    %and3A_43 = vector.broadcast %and3A_42 : i32 to vector<16xi32>
    %and3A_44 = arith.andi %get3A_41, %and3A_43 : vector<16xi32>
    %swap3A_45 = arith.constant 16 : index
    %swap3A_46 = tpu.vector_load %arg6[%swap3A_45] {strides = array<i32>} : memref<128xi32, #tpu.memory_space<vmem>>, vector<16xi32>,
    %swap3A_47 = vector.shape_cast %swap3A_46 : vector<16xi32> to vector<16xi32>
    %swap3A_48 = vector.shape_cast %and3A_44 : vector<16xi32> to vector<16xi32>
    tpu.vector_store %arg6[%swap3A_45], %swap3A_48 {strides = array<i32>} : memref<128xi32, #tpu.memory_space<vmem>>, vector<16xi32>,
    %shift_right_logical3A_49 = arith.constant 14 : i32
    %shift_right_logical3A_50 = vector.broadcast %shift_right_logical3A_49 : i32 to vector<16xi32>
    %shift_right_logical3A_51 = arith.shrui %get3A_41, %shift_right_logical3A_50 : vector<16xi32>
    %swap3A_52 = arith.constant 16 : index
    %swap3A_53 = tpu.vector_load %arg7[%swap3A_52] {strides = array<i32>} : memref<128xi32, #tpu.memory_space<vmem>>, vector<16xi32>,
    %swap3A_54 = vector.shape_cast %swap3A_53 : vector<16xi32> to vector<16xi32>
    %swap3A_55 = vector.shape_cast %shift_right_logical3A_51 : vector<16xi32> to vector<16xi32>
    tpu.vector_store %arg7[%swap3A_52], %swap3A_55 {strides = array<i32>} : memref<128xi32, #tpu.memory_space<vmem>>, vector<16xi32>,
    %get3A_56 = arith.constant 0 : i32
    %get3A_57 = arith.index_cast %get3A_56 : i32 to index
    %get3A_58 = arith.constant 32 : index
    %get3A_59 = tpu.vector_load %arg5[%get3A_57, %get3A_58] {strides = array<i32>} : memref<128x128xi32, #tpu.memory_space<vmem>>, vector<1x16xi32>,
    %get3A_60 = vector.shape_cast %get3A_59 : vector<1x16xi32> to vector<16xi32>
    %and3A_61 = arith.constant 16383 : i32
    %and3A_62 = vector.broadcast %and3A_61 : i32 to vector<16xi32>
    %and3A_63 = arith.andi %get3A_60, %and3A_62 : vector<16xi32>
    %swap3A_64 = arith.constant 32 : index
    %swap3A_65 = tpu.vector_load %arg6[%swap3A_64] {strides = array<i32>} : memref<128xi32, #tpu.memory_space<vmem>>, vector<16xi32>,
    %swap3A_66 = vector.shape_cast %swap3A_65 : vector<16xi32> to vector<16xi32>
    %swap3A_67 = vector.shape_cast %and3A_63 : vector<16xi32> to vector<16xi32>
    tpu.vector_store %arg6[%swap3A_64], %swap3A_67 {strides = array<i32>} : memref<128xi32, #tpu.memory_space<vmem>>, vector<16xi32>,
    %shift_right_logical3A_68 = arith.constant 14 : i32
    %shift_right_logical3A_69 = vector.broadcast %shift_right_logical3A_68 : i32 to vector<16xi32>
    %shift_right_logical3A_70 = arith.shrui %get3A_60, %shift_right_logical3A_69 : vector<16xi32>
    %swap3A_71 = arith.constant 32 : index
    %swap3A_72 = tpu.vector_load %arg7[%swap3A_71] {strides = array<i32>} : memref<128xi32, #tpu.memory_space<vmem>>, vector<16xi32>,
    %swap3A_73 = vector.shape_cast %swap3A_72 : vector<16xi32> to vector<16xi32>
    %swap3A_74 = vector.shape_cast %shift_right_logical3A_70 : vector<16xi32> to vector<16xi32>
    tpu.vector_store %arg7[%swap3A_71], %swap3A_74 {strides = array<i32>} : memref<128xi32, #tpu.memory_space<vmem>>, vector<16xi32>,
    %get3A_75 = arith.constant 0 : i32
    %get3A_76 = arith.index_cast %get3A_75 : i32 to index
    %get3A_77 = arith.constant 48 : index
    %get3A_78 = tpu.vector_load %arg5[%get3A_76, %get3A_77] {strides = array<i32>} : memref<128x128xi32, #tpu.memory_space<vmem>>, vector<1x16xi32>,
    %get3A_79 = vector.shape_cast %get3A_78 : vector<1x16xi32> to vector<16xi32>
    %and3A_80 = arith.constant 16383 : i32
    %and3A_81 = vector.broadcast %and3A_80 : i32 to vector<16xi32>
    %and3A_82 = arith.andi %get3A_79, %and3A_81 : vector<16xi32>
    %swap3A_83 = arith.constant 48 : index
    %swap3A_84 = tpu.vector_load %arg6[%swap3A_83] {strides = array<i32>} : memref<128xi32, #tpu.memory_space<vmem>>, vector<16xi32>,
    %swap3A_85 = vector.shape_cast %swap3A_84 : vector<16xi32> to vector<16xi32>
    %swap3A_86 = vector.shape_cast %and3A_82 : vector<16xi32> to vector<16xi32>
    tpu.vector_store %arg6[%swap3A_83], %swap3A_86 {strides = array<i32>} : memref<128xi32, #tpu.memory_space<vmem>>, vector<16xi32>,
    %shift_right_logical3A_87 = arith.constant 14 : i32
    %shift_right_logical3A_88 = vector.broadcast %shift_right_logical3A_87 : i32 to vector<16xi32>
    %shift_right_logical3A_89 = arith.shrui %get3A_79, %shift_right_logical3A_88 : vector<16xi32>
    %swap3A_90 = arith.constant 48 : index
    %swap3A_91 = tpu.vector_load %arg7[%swap3A_90] {strides = array<i32>} : memref<128xi32, #tpu.memory_space<vmem>>, vector<16xi32>,
    %swap3A_92 = vector.shape_cast %swap3A_91 : vector<16xi32> to vector<16xi32>
    %swap3A_93 = vector.shape_cast %shift_right_logical3A_89 : vector<16xi32> to vector<16xi32>
    tpu.vector_store %arg7[%swap3A_90], %swap3A_93 {strides = array<i32>} : memref<128xi32, #tpu.memory_space<vmem>>, vector<16xi32>,
    %get3A_94 = arith.constant 0 : i32
    %get3A_95 = arith.index_cast %get3A_94 : i32 to index
    %get3A_96 = arith.constant 64 : index
    %get3A_97 = tpu.vector_load %arg5[%get3A_95, %get3A_96] {strides = array<i32>} : memref<128x128xi32, #tpu.memory_space<vmem>>, vector<1x16xi32>,
    %get3A_98 = vector.shape_cast %get3A_97 : vector<1x16xi32> to vector<16xi32>
    %and3A_99 = arith.constant 16383 : i32
    %and3A_100 = vector.broadcast %and3A_99 : i32 to vector<16xi32>
    %and3A_101 = arith.andi %get3A_98, %and3A_100 : vector<16xi32>
    %swap3A_102 = arith.constant 64 : index
    %swap3A_103 = tpu.vector_load %arg6[%swap3A_102] {strides = array<i32>} : memref<128xi32, #tpu.memory_space<vmem>>, vector<16xi32>,
    %swap3A_104 = vector.shape_cast %swap3A_103 : vector<16xi32> to vector<16xi32>
    %swap3A_105 = vector.shape_cast %and3A_101 : vector<16xi32> to vector<16xi32>
    tpu.vector_store %arg6[%swap3A_102], %swap3A_105 {strides = array<i32>} : memref<128xi32, #tpu.memory_space<vmem>>, vector<16xi32>,
    %shift_right_logical3A_106 = arith.constant 14 : i32
    %shift_right_logical3A_107 = vector.broadcast %shift_right_logical3A_106 : i32 to vector<16xi32>
    %shift_right_logical3A_108 = arith.shrui %get3A_98, %shift_right_logical3A_107 : vector<16xi32>
    %swap3A_109 = arith.constant 64 : index
    %swap3A_110 = tpu.vector_load %arg7[%swap3A_109] {strides = array<i32>} : memref<128xi32, #tpu.memory_space<vmem>>, vector<16xi32>,
    %swap3A_111 = vector.shape_cast %swap3A_110 : vector<16xi32> to vector<16xi32>
    %swap3A_112 = vector.shape_cast %shift_right_logical3A_108 : vector<16xi32> to vector<16xi32>
    tpu.vector_store %arg7[%swap3A_109], %swap3A_112 {strides = array<i32>} : memref<128xi32, #tpu.memory_space<vmem>>, vector<16xi32>,
    %get3A_113 = arith.constant 0 : i32
    %get3A_114 = arith.index_cast %get3A_113 : i32 to index
    %get3A_115 = arith.constant 80 : index
    %get3A_116 = tpu.vector_load %arg5[%get3A_114, %get3A_115] {strides = array<i32>} : memref<128x128xi32, #tpu.memory_space<vmem>>, vector<1x16xi32>,
    %get3A_117 = vector.shape_cast %get3A_116 : vector<1x16xi32> to vector<16xi32>
    %and3A_118 = arith.constant 16383 : i32
    %and3A_119 = vector.broadcast %and3A_118 : i32 to vector<16xi32>
    %and3A_120 = arith.andi %get3A_117, %and3A_119 : vector<16xi32>
    %swap3A_121 = arith.constant 80 : index
    %swap3A_122 = tpu.vector_load %arg6[%swap3A_121] {strides = array<i32>} : memref<128xi32, #tpu.memory_space<vmem>>, vector<16xi32>,
    %swap3A_123 = vector.shape_cast %swap3A_122 : vector<16xi32> to vector<16xi32>
    %swap3A_124 = vector.shape_cast %and3A_120 : vector<16xi32> to vector<16xi32>
    tpu.vector_store %arg6[%swap3A_121], %swap3A_124 {strides = array<i32>} : memref<128xi32, #tpu.memory_space<vmem>>, vector<16xi32>,
    %shift_right_logical3A_125 = arith.constant 14 : i32
    %shift_right_logical3A_126 = vector.broadcast %shift_right_logical3A_125 : i32 to vector<16xi32>
    %shift_right_logical3A_127 = arith.shrui %get3A_117, %shift_right_logical3A_126 : vector<16xi32>
    %swap3A_128 = arith.constant 80 : index
    %swap3A_129 = tpu.vector_load %arg7[%swap3A_128] {strides = array<i32>} : memref<128xi32, #tpu.memory_space<vmem>>, vector<16xi32>,
    %swap3A_130 = vector.shape_cast %swap3A_129 : vector<16xi32> to vector<16xi32>
    %swap3A_131 = vector.shape_cast %shift_right_logical3A_127 : vector<16xi32> to vector<16xi32>
    tpu.vector_store %arg7[%swap3A_128], %swap3A_131 {strides = array<i32>} : memref<128xi32, #tpu.memory_space<vmem>>, vector<16xi32>,
    %get3A_132 = arith.constant 0 : i32
    %get3A_133 = arith.index_cast %get3A_132 : i32 to index
    %get3A_134 = arith.constant 96 : index
    %get3A_135 = tpu.vector_load %arg5[%get3A_133, %get3A_134] {strides = array<i32>} : memref<128x128xi32, #tpu.memory_space<vmem>>, vector<1x16xi32>,
    %get3A_136 = vector.shape_cast %get3A_135 : vector<1x16xi32> to vector<16xi32>
    %and3A_137 = arith.constant 16383 : i32
    %and3A_138 = vector.broadcast %and3A_137 : i32 to vector<16xi32>
    %and3A_139 = arith.andi %get3A_136, %and3A_138 : vector<16xi32>
    %swap3A_140 = arith.constant 96 : index
    %swap3A_141 = tpu.vector_load %arg6[%swap3A_140] {strides = array<i32>} : memref<128xi32, #tpu.memory_space<vmem>>, vector<16xi32>,
    %swap3A_142 = vector.shape_cast %swap3A_141 : vector<16xi32> to vector<16xi32>
    %swap3A_143 = vector.shape_cast %and3A_139 : vector<16xi32> to vector<16xi32>
    tpu.vector_store %arg6[%swap3A_140], %swap3A_143 {strides = array<i32>} : memref<128xi32, #tpu.memory_space<vmem>>, vector<16xi32>,
    %shift_right_logical3A_144 = arith.constant 14 : i32
    %shift_right_logical3A_145 = vector.broadcast %shift_right_logical3A_144 : i32 to vector<16xi32>
    %shift_right_logical3A_146 = arith.shrui %get3A_136, %shift_right_logical3A_145 : vector<16xi32>
    %swap3A_147 = arith.constant 96 : index
    %swap3A_148 = tpu.vector_load %arg7[%swap3A_147] {strides = array<i32>} : memref<128xi32, #tpu.memory_space<vmem>>, vector<16xi32>,
    %swap3A_149 = vector.shape_cast %swap3A_148 : vector<16xi32> to vector<16xi32>
    %swap3A_150 = vector.shape_cast %shift_right_logical3A_146 : vector<16xi32> to vector<16xi32>
    tpu.vector_store %arg7[%swap3A_147], %swap3A_150 {strides = array<i32>} : memref<128xi32, #tpu.memory_space<vmem>>, vector<16xi32>,
    %get3A_151 = arith.constant 0 : i32
    %get3A_152 = arith.index_cast %get3A_151 : i32 to index
    %get3A_153 = arith.constant 112 : index
    %get3A_154 = tpu.vector_load %arg5[%get3A_152, %get3A_153] {strides = array<i32>} : memref<128x128xi32, #tpu.memory_space<vmem>>, vector<1x16xi32>,
    %get3A_155 = vector.shape_cast %get3A_154 : vector<1x16xi32> to vector<16xi32>
    %and3A_156 = arith.constant 16383 : i32
    %and3A_157 = vector.broadcast %and3A_156 : i32 to vector<16xi32>
    %and3A_158 = arith.andi %get3A_155, %and3A_157 : vector<16xi32>
    %swap3A_159 = arith.constant 112 : index
    %swap3A_160 = tpu.vector_load %arg6[%swap3A_159] {strides = array<i32>} : memref<128xi32, #tpu.memory_space<vmem>>, vector<16xi32>,
    %swap3A_161 = vector.shape_cast %swap3A_160 : vector<16xi32> to vector<16xi32>
    %swap3A_162 = vector.shape_cast %and3A_158 : vector<16xi32> to vector<16xi32>
    tpu.vector_store %arg6[%swap3A_159], %swap3A_162 {strides = array<i32>} : memref<128xi32, #tpu.memory_space<vmem>>, vector<16xi32>,
    %shift_right_logical3A_163 = arith.constant 14 : i32
    %shift_right_logical3A_164 = vector.broadcast %shift_right_logical3A_163 : i32 to vector<16xi32>
    %shift_right_logical3A_165 = arith.shrui %get3A_155, %shift_right_logical3A_164 : vector<16xi32>
    %swap3A_166 = arith.constant 112 : index
    %swap3A_167 = tpu.vector_load %arg7[%swap3A_166] {strides = array<i32>} : memref<128xi32, #tpu.memory_space<vmem>>, vector<16xi32>,
    %swap3A_168 = vector.shape_cast %swap3A_167 : vector<16xi32> to vector<16xi32>
    %swap3A_169 = vector.shape_cast %shift_right_logical3A_165 : vector<16xi32> to vector<16xi32>
    tpu.vector_store %arg7[%swap3A_166], %swap3A_169 {strides = array<i32>} : memref<128xi32, #tpu.memory_space<vmem>>, vector<16xi32>,
    %dma_start3A = arith.constant 0 : i32
    %dma_start3A_170 = arith.constant 0 : i32
    %dma_start3A_171 = tpu.memref_slice %arg2[%dma_start3A, %dma_start3A_170] : memref<10000x128xf32, #tpu.memory_space<hbm>> -> memref<10000x128xf32, #tpu.memory_space<hbm>>
    tpu.enqueue_indirect_dma source(%dma_start3A_171 : memref<10000x128xf32, #tpu.memory_space<hbm>>) target(%arg10 : memref<128x128xf32, #tpu.memory_space<vmem>>) offsets(%arg6 : memref<128xi32, #tpu.memory_space<vmem>>) semaphore(%arg13 : memref<!tpu.dma_semaphore, #tpu.memory_space<semaphore_mem>>)
    %get3A_172 = arith.constant 1 : i32
    %get3A_173 = arith.index_cast %get3A_172 : i32 to index
    %get3A_174 = arith.constant 0 : index
    %get3A_175 = tpu.vector_load %arg5[%get3A_173, %get3A_174] {strides = array<i32>} : memref<128x128xi32, #tpu.memory_space<vmem>>, vector<1x16xi32>,
    %get3A_176 = vector.shape_cast %get3A_175 : vector<1x16xi32> to vector<16xi32>
    %and3A_177 = arith.constant 16383 : i32
    %and3A_178 = vector.broadcast %and3A_177 : i32 to vector<16xi32>
    %and3A_179 = arith.andi %get3A_176, %and3A_178 : vector<16xi32>
    %swap3A_180 = arith.constant 0 : index
    %swap3A_181 = tpu.vector_load %arg8[%swap3A_180] {strides = array<i32>} : memref<128xi32, #tpu.memory_space<vmem>>, vector<16xi32>,
    %swap3A_182 = vector.shape_cast %swap3A_181 : vector<16xi32> to vector<16xi32>
    %swap3A_183 = vector.shape_cast %and3A_179 : vector<16xi32> to vector<16xi32>
    tpu.vector_store %arg8[%swap3A_180], %swap3A_183 {strides = array<i32>} : memref<128xi32, #tpu.memory_space<vmem>>, vector<16xi32>,
    %shift_right_logical3A_184 = arith.constant 14 : i32
    %shift_right_logical3A_185 = vector.broadcast %shift_right_logical3A_184 : i32 to vector<16xi32>
    %shift_right_logical3A_186 = arith.shrui %get3A_176, %shift_right_logical3A_185 : vector<16xi32>
    %swap3A_187 = arith.constant 0 : index
    %swap3A_188 = tpu.vector_load %arg9[%swap3A_187] {strides = array<i32>} : memref<128xi32, #tpu.memory_space<vmem>>, vector<16xi32>,
    %swap3A_189 = vector.shape_cast %swap3A_188 : vector<16xi32> to vector<16xi32>
    %swap3A_190 = vector.shape_cast %shift_right_logical3A_186 : vector<16xi32> to vector<16xi32>
    tpu.vector_store %arg9[%swap3A_187], %swap3A_190 {strides = array<i32>} : memref<128xi32, #tpu.memory_space<vmem>>, vector<16xi32>,
    %get3A_191 = arith.constant 1 : i32
    %get3A_192 = arith.index_cast %get3A_191 : i32 to index
    %get3A_193 = arith.constant 16 : index
    %get3A_194 = tpu.vector_load %arg5[%get3A_192, %get3A_193] {strides = array<i32>} : memref<128x128xi32, #tpu.memory_space<vmem>>, vector<1x16xi32>,
    %get3A_195 = vector.shape_cast %get3A_194 : vector<1x16xi32> to vector<16xi32>
    %and3A_196 = arith.constant 16383 : i32
    %and3A_197 = vector.broadcast %and3A_196 : i32 to vector<16xi32>
    %and3A_198 = arith.andi %get3A_195, %and3A_197 : vector<16xi32>
    %swap3A_199 = arith.constant 16 : index
    %swap3A_200 = tpu.vector_load %arg8[%swap3A_199] {strides = array<i32>} : memref<128xi32, #tpu.memory_space<vmem>>, vector<16xi32>,
    %swap3A_201 = vector.shape_cast %swap3A_200 : vector<16xi32> to vector<16xi32>
    %swap3A_202 = vector.shape_cast %and3A_198 : vector<16xi32> to vector<16xi32>
    tpu.vector_store %arg8[%swap3A_199], %swap3A_202 {strides = array<i32>} : memref<128xi32, #tpu.memory_space<vmem>>, vector<16xi32>,
    %shift_right_logical3A_203 = arith.constant 14 : i32
    %shift_right_logical3A_204 = vector.broadcast %shift_right_logical3A_203 : i32 to vector<16xi32>
    %shift_right_logical3A_205 = arith.shrui %get3A_195, %shift_right_logical3A_204 : vector<16xi32>
    %swap3A_206 = arith.constant 16 : index
    %swap3A_207 = tpu.vector_load %arg9[%swap3A_206] {strides = array<i32>} : memref<128xi32, #tpu.memory_space<vmem>>, vector<16xi32>,
    %swap3A_208 = vector.shape_cast %swap3A_207 : vector<16xi32> to vector<16xi32>
    %swap3A_209 = vector.shape_cast %shift_right_logical3A_205 : vector<16xi32> to vector<16xi32>
    tpu.vector_store %arg9[%swap3A_206], %swap3A_209 {strides = array<i32>} : memref<128xi32, #tpu.memory_space<vmem>>, vector<16xi32>,
    %get3A_210 = arith.constant 1 : i32
    %get3A_211 = arith.index_cast %get3A_210 : i32 to index
    %get3A_212 = arith.constant 32 : index
    %get3A_213 = tpu.vector_load %arg5[%get3A_211, %get3A_212] {strides = array<i32>} : memref<128x128xi32, #tpu.memory_space<vmem>>, vector<1x16xi32>,
    %get3A_214 = vector.shape_cast %get3A_213 : vector<1x16xi32> to vector<16xi32>
    %and3A_215 = arith.constant 16383 : i32
    %and3A_216 = vector.broadcast %and3A_215 : i32 to vector<16xi32>
    %and3A_217 = arith.andi %get3A_214, %and3A_216 : vector<16xi32>
    %swap3A_218 = arith.constant 32 : index
    %swap3A_219 = tpu.vector_load %arg8[%swap3A_218] {strides = array<i32>} : memref<128xi32, #tpu.memory_space<vmem>>, vector<16xi32>,
    %swap3A_220 = vector.shape_cast %swap3A_219 : vector<16xi32> to vector<16xi32>
    %swap3A_221 = vector.shape_cast %and3A_217 : vector<16xi32> to vector<16xi32>
    tpu.vector_store %arg8[%swap3A_218], %swap3A_221 {strides = array<i32>} : memref<128xi32, #tpu.memory_space<vmem>>, vector<16xi32>,
    %shift_right_logical3A_222 = arith.constant 14 : i32
    %shift_right_logical3A_223 = vector.broadcast %shift_right_logical3A_222 : i32 to vector<16xi32>
    %shift_right_logical3A_224 = arith.shrui %get3A_214, %shift_right_logical3A_223 : vector<16xi32>
    %swap3A_225 = arith.constant 32 : index
    %swap3A_226 = tpu.vector_load %arg9[%swap3A_225] {strides = array<i32>} : memref<128xi32, #tpu.memory_space<vmem>>, vector<16xi32>,
    %swap3A_227 = vector.shape_cast %swap3A_226 : vector<16xi32> to vector<16xi32>
    %swap3A_228 = vector.shape_cast %shift_right_logical3A_224 : vector<16xi32> to vector<16xi32>
    tpu.vector_store %arg9[%swap3A_225], %swap3A_228 {strides = array<i32>} : memref<128xi32, #tpu.memory_space<vmem>>, vector<16xi32>,
    %get3A_229 = arith.constant 1 : i32
    %get3A_230 = arith.index_cast %get3A_229 : i32 to index
    %get3A_231 = arith.constant 48 : index
    %get3A_232 = tpu.vector_load %arg5[%get3A_230, %get3A_231] {strides = array<i32>} : memref<128x128xi32, #tpu.memory_space<vmem>>, vector<1x16xi32>,
    %get3A_233 = vector.shape_cast %get3A_232 : vector<1x16xi32> to vector<16xi32>
    %and3A_234 = arith.constant 16383 : i32
    %and3A_235 = vector.broadcast %and3A_234 : i32 to vector<16xi32>
    %and3A_236 = arith.andi %get3A_233, %and3A_235 : vector<16xi32>
    %swap3A_237 = arith.constant 48 : index
    %swap3A_238 = tpu.vector_load %arg8[%swap3A_237] {strides = array<i32>} : memref<128xi32, #tpu.memory_space<vmem>>, vector<16xi32>,
    %swap3A_239 = vector.shape_cast %swap3A_238 : vector<16xi32> to vector<16xi32>
    %swap3A_240 = vector.shape_cast %and3A_236 : vector<16xi32> to vector<16xi32>
    tpu.vector_store %arg8[%swap3A_237], %swap3A_240 {strides = array<i32>} : memref<128xi32, #tpu.memory_space<vmem>>, vector<16xi32>,
    %shift_right_logical3A_241 = arith.constant 14 : i32
    %shift_right_logical3A_242 = vector.broadcast %shift_right_logical3A_241 : i32 to vector<16xi32>
    %shift_right_logical3A_243 = arith.shrui %get3A_233, %shift_right_logical3A_242 : vector<16xi32>
    %swap3A_244 = arith.constant 48 : index
    %swap3A_245 = tpu.vector_load %arg9[%swap3A_244] {strides = array<i32>} : memref<128xi32, #tpu.memory_space<vmem>>, vector<16xi32>,
    %swap3A_246 = vector.shape_cast %swap3A_245 : vector<16xi32> to vector<16xi32>
    %swap3A_247 = vector.shape_cast %shift_right_logical3A_243 : vector<16xi32> to vector<16xi32>
    tpu.vector_store %arg9[%swap3A_244], %swap3A_247 {strides = array<i32>} : memref<128xi32, #tpu.memory_space<vmem>>, vector<16xi32>,
    %get3A_248 = arith.constant 1 : i32
    %get3A_249 = arith.index_cast %get3A_248 : i32 to index
    %get3A_250 = arith.constant 64 : index
    %get3A_251 = tpu.vector_load %arg5[%get3A_249, %get3A_250] {strides = array<i32>} : memref<128x128xi32, #tpu.memory_space<vmem>>, vector<1x16xi32>,
    %get3A_252 = vector.shape_cast %get3A_251 : vector<1x16xi32> to vector<16xi32>
    %and3A_253 = arith.constant 16383 : i32
    %and3A_254 = vector.broadcast %and3A_253 : i32 to vector<16xi32>
    %and3A_255 = arith.andi %get3A_252, %and3A_254 : vector<16xi32>
    %swap3A_256 = arith.constant 64 : index
    %swap3A_257 = tpu.vector_load %arg8[%swap3A_256] {strides = array<i32>} : memref<128xi32, #tpu.memory_space<vmem>>, vector<16xi32>,
    %swap3A_258 = vector.shape_cast %swap3A_257 : vector<16xi32> to vector<16xi32>
    %swap3A_259 = vector.shape_cast %and3A_255 : vector<16xi32> to vector<16xi32>
    tpu.vector_store %arg8[%swap3A_256], %swap3A_259 {strides = array<i32>} : memref<128xi32, #tpu.memory_space<vmem>>, vector<16xi32>,
    %shift_right_logical3A_260 = arith.constant 14 : i32
    %shift_right_logical3A_261 = vector.broadcast %shift_right_logical3A_260 : i32 to vector<16xi32>
    %shift_right_logical3A_262 = arith.shrui %get3A_252, %shift_right_logical3A_261 : vector<16xi32>
    %swap3A_263 = arith.constant 64 : index
    %swap3A_264 = tpu.vector_load %arg9[%swap3A_263] {strides = array<i32>} : memref<128xi32, #tpu.memory_space<vmem>>, vector<16xi32>,
    %swap3A_265 = vector.shape_cast %swap3A_264 : vector<16xi32> to vector<16xi32>
    %swap3A_266 = vector.shape_cast %shift_right_logical3A_262 : vector<16xi32> to vector<16xi32>
    tpu.vector_store %arg9[%swap3A_263], %swap3A_266 {strides = array<i32>} : memref<128xi32, #tpu.memory_space<vmem>>, vector<16xi32>,
    %get3A_267 = arith.constant 1 : i32
    %get3A_268 = arith.index_cast %get3A_267 : i32 to index
    %get3A_269 = arith.constant 80 : index
    %get3A_270 = tpu.vector_load %arg5[%get3A_268, %get3A_269] {strides = array<i32>} : memref<128x128xi32, #tpu.memory_space<vmem>>, vector<1x16xi32>,
    %get3A_271 = vector.shape_cast %get3A_270 : vector<1x16xi32> to vector<16xi32>
    %and3A_272 = arith.constant 16383 : i32
    %and3A_273 = vector.broadcast %and3A_272 : i32 to vector<16xi32>
    %and3A_274 = arith.andi %get3A_271, %and3A_273 : vector<16xi32>
    %swap3A_275 = arith.constant 80 : index
    %swap3A_276 = tpu.vector_load %arg8[%swap3A_275] {strides = array<i32>} : memref<128xi32, #tpu.memory_space<vmem>>, vector<16xi32>,
    %swap3A_277 = vector.shape_cast %swap3A_276 : vector<16xi32> to vector<16xi32>
    %swap3A_278 = vector.shape_cast %and3A_274 : vector<16xi32> to vector<16xi32>
    tpu.vector_store %arg8[%swap3A_275], %swap3A_278 {strides = array<i32>} : memref<128xi32, #tpu.memory_space<vmem>>, vector<16xi32>,
    %shift_right_logical3A_279 = arith.constant 14 : i32
    %shift_right_logical3A_280 = vector.broadcast %shift_right_logical3A_279 : i32 to vector<16xi32>
    %shift_right_logical3A_281 = arith.shrui %get3A_271, %shift_right_logical3A_280 : vector<16xi32>
    %swap3A_282 = arith.constant 80 : index
    %swap3A_283 = tpu.vector_load %arg9[%swap3A_282] {strides = array<i32>} : memref<128xi32, #tpu.memory_space<vmem>>, vector<16xi32>,
    %swap3A_284 = vector.shape_cast %swap3A_283 : vector<16xi32> to vector<16xi32>
    %swap3A_285 = vector.shape_cast %shift_right_logical3A_281 : vector<16xi32> to vector<16xi32>
    tpu.vector_store %arg9[%swap3A_282], %swap3A_285 {strides = array<i32>} : memref<128xi32, #tpu.memory_space<vmem>>, vector<16xi32>,
    %get3A_286 = arith.constant 1 : i32
    %get3A_287 = arith.index_cast %get3A_286 : i32 to index
    %get3A_288 = arith.constant 96 : index
    %get3A_289 = tpu.vector_load %arg5[%get3A_287, %get3A_288] {strides = array<i32>} : memref<128x128xi32, #tpu.memory_space<vmem>>, vector<1x16xi32>,
    %get3A_290 = vector.shape_cast %get3A_289 : vector<1x16xi32> to vector<16xi32>
    %and3A_291 = arith.constant 16383 : i32
    %and3A_292 = vector.broadcast %and3A_291 : i32 to vector<16xi32>
    %and3A_293 = arith.andi %get3A_290, %and3A_292 : vector<16xi32>
    %swap3A_294 = arith.constant 96 : index
    %swap3A_295 = tpu.vector_load %arg8[%swap3A_294] {strides = array<i32>} : memref<128xi32, #tpu.memory_space<vmem>>, vector<16xi32>,
    %swap3A_296 = vector.shape_cast %swap3A_295 : vector<16xi32> to vector<16xi32>
    %swap3A_297 = vector.shape_cast %and3A_293 : vector<16xi32> to vector<16xi32>
    tpu.vector_store %arg8[%swap3A_294], %swap3A_297 {strides = array<i32>} : memref<128xi32, #tpu.memory_space<vmem>>, vector<16xi32>,
    %shift_right_logical3A_298 = arith.constant 14 : i32
    %shift_right_logical3A_299 = vector.broadcast %shift_right_logical3A_298 : i32 to vector<16xi32>
    %shift_right_logical3A_300 = arith.shrui %get3A_290, %shift_right_logical3A_299 : vector<16xi32>
    %swap3A_301 = arith.constant 96 : index
    %swap3A_302 = tpu.vector_load %arg9[%swap3A_301] {strides = array<i32>} : memref<128xi32, #tpu.memory_space<vmem>>, vector<16xi32>,
    %swap3A_303 = vector.shape_cast %swap3A_302 : vector<16xi32> to vector<16xi32>
    %swap3A_304 = vector.shape_cast %shift_right_logical3A_300 : vector<16xi32> to vector<16xi32>
    tpu.vector_store %arg9[%swap3A_301], %swap3A_304 {strides = array<i32>} : memref<128xi32, #tpu.memory_space<vmem>>, vector<16xi32>,
    %get3A_305 = arith.constant 1 : i32
    %get3A_306 = arith.index_cast %get3A_305 : i32 to index
    %get3A_307 = arith.constant 112 : index
    %get3A_308 = tpu.vector_load %arg5[%get3A_306, %get3A_307] {strides = array<i32>} : memref<128x128xi32, #tpu.memory_space<vmem>>, vector<1x16xi32>,
    %get3A_309 = vector.shape_cast %get3A_308 : vector<1x16xi32> to vector<16xi32>
    %and3A_310 = arith.constant 16383 : i32
    %and3A_311 = vector.broadcast %and3A_310 : i32 to vector<16xi32>
    %and3A_312 = arith.andi %get3A_309, %and3A_311 : vector<16xi32>
    %swap3A_313 = arith.constant 112 : index
    %swap3A_314 = tpu.vector_load %arg8[%swap3A_313] {strides = array<i32>} : memref<128xi32, #tpu.memory_space<vmem>>, vector<16xi32>,
    %swap3A_315 = vector.shape_cast %swap3A_314 : vector<16xi32> to vector<16xi32>
    %swap3A_316 = vector.shape_cast %and3A_312 : vector<16xi32> to vector<16xi32>
    tpu.vector_store %arg8[%swap3A_313], %swap3A_316 {strides = array<i32>} : memref<128xi32, #tpu.memory_space<vmem>>, vector<16xi32>,
    %shift_right_logical3A_317 = arith.constant 14 : i32
    %shift_right_logical3A_318 = vector.broadcast %shift_right_logical3A_317 : i32 to vector<16xi32>
    %shift_right_logical3A_319 = arith.shrui %get3A_309, %shift_right_logical3A_318 : vector<16xi32>
    %swap3A_320 = arith.constant 112 : index
    %swap3A_321 = tpu.vector_load %arg9[%swap3A_320] {strides = array<i32>} : memref<128xi32, #tpu.memory_space<vmem>>, vector<16xi32>,
    %swap3A_322 = vector.shape_cast %swap3A_321 : vector<16xi32> to vector<16xi32>
    %swap3A_323 = vector.shape_cast %shift_right_logical3A_319 : vector<16xi32> to vector<16xi32>
    tpu.vector_store %arg9[%swap3A_320], %swap3A_323 {strides = array<i32>} : memref<128xi32, #tpu.memory_space<vmem>>, vector<16xi32>,
    %jit3A_324 = arith.constant 2 : i32
    "tpu.trace_stop"() : () -> ()
    "tpu.trace_start"() <{level = 10 : i32, message = "mainloop"}> : () -> ()
    %div3A = arith.divsi %select_n3A, %jit3A_324 : i32
    %sign3A = arith.constant 0 : i32
    %sign3A_325 = arith.cmpi sgt, %select_n3A, %sign3A : i32
    %sign3A_326 = arith.extui %sign3A_325 : i1 to i32
    %sign3A_327 = arith.constant 0 : i32
    %sign3A_328 = arith.cmpi slt, %select_n3A, %sign3A_327 : i32
    %sign3A_329 = arith.extui %sign3A_328 : i1 to i32
    %sign3A_330 = arith.subi %sign3A_326, %sign3A_329 : i32
    %sign3A_331 = arith.constant 0 : i32
    %sign3A_332 = arith.cmpi sgt, %jit3A_324, %sign3A_331 : i32
    %sign3A_333 = arith.extui %sign3A_332 : i1 to i32
    %sign3A_334 = arith.constant 0 : i32
    %sign3A_335 = arith.cmpi slt, %jit3A_324, %sign3A_334 : i32
    %sign3A_336 = arith.extui %sign3A_335 : i1 to i32
    %sign3A_337 = arith.subi %sign3A_333, %sign3A_336 : i32
    %ne3A = arith.cmpi ne, %sign3A_330, %sign3A_337 : i32
    %rem3A = arith.remsi %select_n3A, %jit3A_324 : i32
    %ne3A_338 = arith.constant 0 : i32
    %ne3A_339 = arith.cmpi ne, %rem3A, %ne3A_338 : i32
    %and3A_340 = arith.andi %ne3A, %ne3A_339 : i1
    %sub3A_341 = arith.constant 1 : i32
    %sub3A_342 = arith.subi %div3A, %sub3A_341 : i32
    %select_n3A_343 = arith.select %and3A_340, %sub3A_342, %div3A : i32
    %while3A = arith.constant 0 : i32
    %while3A_344 = arith.constant 0 : i32
    %while3A_345 = arith.subi %select_n3A_343, %while3A_344 : i32
    %while3A_346 = arith.addi %while3A_344, %while3A_345 : i32
    %while3A_347 = arith.constant 1 : i32
    %while3A_348 = arith.divsi %while3A_345, %while3A_347 : i32
    %while3A_349 = arith.muli %while3A_348, %while3A_347 : i32
    %while3A_350 = arith.addi %while3A_344, %while3A_349 : i32
    %while3A_351 = arith.constant 1 : i32
    scf.for %while3A_356 = %while3A_344 to %while3A_350 step %while3A_351  : i32 {
      %mul3A_357 = arith.constant 2 : i32
      %mul3A_358 = arith.muli %mul3A_357, %while3A_356 : i32
      %dma_start3A_359 = arith.constant 0 : i32
      %dma_start3A_360 = arith.constant 0 : i32
      %dma_start3A_361 = tpu.memref_slice %arg2[%dma_start3A_359, %dma_start3A_360] : memref<10000x128xf32, #tpu.memory_space<hbm>> -> memref<10000x128xf32, #tpu.memory_space<hbm>>
      tpu.enqueue_indirect_dma source(%dma_start3A_361 : memref<10000x128xf32, #tpu.memory_space<hbm>>) target(%arg11 : memref<128x128xf32, #tpu.memory_space<vmem>>) offsets(%arg8 : memref<128xi32, #tpu.memory_space<vmem>>) semaphore(%arg14 : memref<!tpu.dma_semaphore, #tpu.memory_space<semaphore_mem>>)
      %dma_wait3A = arith.constant 0 : i32
      %dma_wait3A_362 = arith.constant 0 : i32
      %dma_wait3A_363 = tpu.memref_slice %arg2[%dma_wait3A, %dma_wait3A_362] : memref<10000x128xf32, #tpu.memory_space<hbm>> -> memref<10000x128xf32, #tpu.memory_space<hbm>>
      tpu.wait_indirect_dma semaphore(%arg13 : memref<!tpu.dma_semaphore, #tpu.memory_space<semaphore_mem>>) src(%dma_wait3A_363 : memref<10000x128xf32, #tpu.memory_space<hbm>>) dst(%arg10 : memref<128x128xf32, #tpu.memory_space<vmem>>)
      "tpu.region"() ({
        %run_scoped3A = tpu.sem_alloc : memref<!tpu.dma_semaphore, #tpu.memory_space<semaphore_mem>>
        %dma_start3A_376 = arith.constant 0 : i32
        %dma_start3A_377 = arith.constant 0 : i32
        %dma_start3A_378 = tpu.memref_slice %arg12[%dma_start3A_376, %dma_start3A_377] : memref<10112x128xf32, #tpu.memory_space<vmem_shared>> -> memref<10112x128xf32, #tpu.memory_space<vmem_shared>>
        tpu.enqueue_indirect_dma source(%arg10 : memref<128x128xf32, #tpu.memory_space<vmem>>) target(%dma_start3A_378 : memref<10112x128xf32, #tpu.memory_space<vmem_shared>>) offsets(%arg7 : memref<128xi32, #tpu.memory_space<vmem>>) semaphore(%run_scoped3A : memref<!tpu.dma_semaphore, #tpu.memory_space<semaphore_mem>>) {add = true}
        %dma_wait3A_379 = arith.constant 0 : i32
        %dma_wait3A_380 = arith.constant 0 : i32
        %dma_wait3A_381 = tpu.memref_slice %arg12[%dma_wait3A_379, %dma_wait3A_380] : memref<10112x128xf32, #tpu.memory_space<vmem_shared>> -> memref<10112x128xf32, #tpu.memory_space<vmem_shared>>
        tpu.wait_indirect_dma semaphore(%run_scoped3A : memref<!tpu.dma_semaphore, #tpu.memory_space<semaphore_mem>>) src(%arg10 : memref<128x128xf32, #tpu.memory_space<vmem>>) dst(%dma_wait3A_381 : memref<10112x128xf32, #tpu.memory_space<vmem_shared>>)
        tpu.yield
      }) : () -> ()
      %add3A_364 = arith.constant 2 : i32
      %add3A_365 = arith.addi %mul3A_358, %add3A_364 : i32
      %lt3A = arith.cmpi slt, %add3A_365, %select_n3A : i32
      %convert_element_type3A = arith.extui %lt3A : i1 to i32
      %cond3A = arith.constant 0 : i32
      %cond3A_366 = arith.cmpi ne, %convert_element_type3A, %cond3A : i32
      scf.if %cond3A_366 {
        %add3A_376 = arith.constant 2 : i32
        %add3A_377 = arith.addi %mul3A_358, %add3A_376 : i32
        %get3A_378 = arith.index_cast %add3A_377 : i32 to index
        %get3A_379 = arith.constant 0 : index
        %get3A_380 = tpu.vector_load %arg5[%get3A_378, %get3A_379] {strides = array<i32>} : memref<128x128xi32, #tpu.memory_space<vmem>>, vector<1x16xi32>,
        %get3A_381 = vector.shape_cast %get3A_380 : vector<1x16xi32> to vector<16xi32>
        %and3A_382 = arith.constant 16383 : i32
        %and3A_383 = vector.broadcast %and3A_382 : i32 to vector<16xi32>
        %and3A_384 = arith.andi %get3A_381, %and3A_383 : vector<16xi32>
        %swap3A_385 = arith.constant 0 : index
        %swap3A_386 = tpu.vector_load %arg6[%swap3A_385] {strides = array<i32>} : memref<128xi32, #tpu.memory_space<vmem>>, vector<16xi32>,
        %swap3A_387 = vector.shape_cast %swap3A_386 : vector<16xi32> to vector<16xi32>
        %swap3A_388 = vector.shape_cast %and3A_384 : vector<16xi32> to vector<16xi32>
        tpu.vector_store %arg6[%swap3A_385], %swap3A_388 {strides = array<i32>} : memref<128xi32, #tpu.memory_space<vmem>>, vector<16xi32>,
        %shift_right_logical3A_389 = arith.constant 14 : i32
        %shift_right_logical3A_390 = vector.broadcast %shift_right_logical3A_389 : i32 to vector<16xi32>
        %shift_right_logical3A_391 = arith.shrui %get3A_381, %shift_right_logical3A_390 : vector<16xi32>
        %swap3A_392 = arith.constant 0 : index
        %swap3A_393 = tpu.vector_load %arg7[%swap3A_392] {strides = array<i32>} : memref<128xi32, #tpu.memory_space<vmem>>, vector<16xi32>,
        %swap3A_394 = vector.shape_cast %swap3A_393 : vector<16xi32> to vector<16xi32>
        %swap3A_395 = vector.shape_cast %shift_right_logical3A_391 : vector<16xi32> to vector<16xi32>
        tpu.vector_store %arg7[%swap3A_392], %swap3A_395 {strides = array<i32>} : memref<128xi32, #tpu.memory_space<vmem>>, vector<16xi32>,
        %get3A_396 = arith.index_cast %add3A_377 : i32 to index
        %get3A_397 = arith.constant 16 : index
        %get3A_398 = tpu.vector_load %arg5[%get3A_396, %get3A_397] {strides = array<i32>} : memref<128x128xi32, #tpu.memory_space<vmem>>, vector<1x16xi32>,
        %get3A_399 = vector.shape_cast %get3A_398 : vector<1x16xi32> to vector<16xi32>
        %and3A_400 = arith.constant 16383 : i32
        %and3A_401 = vector.broadcast %and3A_400 : i32 to vector<16xi32>
        %and3A_402 = arith.andi %get3A_399, %and3A_401 : vector<16xi32>
        %swap3A_403 = arith.constant 16 : index
        %swap3A_404 = tpu.vector_load %arg6[%swap3A_403] {strides = array<i32>} : memref<128xi32, #tpu.memory_space<vmem>>, vector<16xi32>,
        %swap3A_405 = vector.shape_cast %swap3A_404 : vector<16xi32> to vector<16xi32>
        %swap3A_406 = vector.shape_cast %and3A_402 : vector<16xi32> to vector<16xi32>
        tpu.vector_store %arg6[%swap3A_403], %swap3A_406 {strides = array<i32>} : memref<128xi32, #tpu.memory_space<vmem>>, vector<16xi32>,
        %shift_right_logical3A_407 = arith.constant 14 : i32
        %shift_right_logical3A_408 = vector.broadcast %shift_right_logical3A_407 : i32 to vector<16xi32>
        %shift_right_logical3A_409 = arith.shrui %get3A_399, %shift_right_logical3A_408 : vector<16xi32>
        %swap3A_410 = arith.constant 16 : index
        %swap3A_411 = tpu.vector_load %arg7[%swap3A_410] {strides = array<i32>} : memref<128xi32, #tpu.memory_space<vmem>>, vector<16xi32>,
        %swap3A_412 = vector.shape_cast %swap3A_411 : vector<16xi32> to vector<16xi32>
        %swap3A_413 = vector.shape_cast %shift_right_logical3A_409 : vector<16xi32> to vector<16xi32>
        tpu.vector_store %arg7[%swap3A_410], %swap3A_413 {strides = array<i32>} : memref<128xi32, #tpu.memory_space<vmem>>, vector<16xi32>,
        %get3A_414 = arith.index_cast %add3A_377 : i32 to index
        %get3A_415 = arith.constant 32 : index
        %get3A_416 = tpu.vector_load %arg5[%get3A_414, %get3A_415] {strides = array<i32>} : memref<128x128xi32, #tpu.memory_space<vmem>>, vector<1x16xi32>,
        %get3A_417 = vector.shape_cast %get3A_416 : vector<1x16xi32> to vector<16xi32>
        %and3A_418 = arith.constant 16383 : i32
        %and3A_419 = vector.broadcast %and3A_418 : i32 to vector<16xi32>
        %and3A_420 = arith.andi %get3A_417, %and3A_419 : vector<16xi32>
        %swap3A_421 = arith.constant 32 : index
        %swap3A_422 = tpu.vector_load %arg6[%swap3A_421] {strides = array<i32>} : memref<128xi32, #tpu.memory_space<vmem>>, vector<16xi32>,
        %swap3A_423 = vector.shape_cast %swap3A_422 : vector<16xi32> to vector<16xi32>
        %swap3A_424 = vector.shape_cast %and3A_420 : vector<16xi32> to vector<16xi32>
        tpu.vector_store %arg6[%swap3A_421], %swap3A_424 {strides = array<i32>} : memref<128xi32, #tpu.memory_space<vmem>>, vector<16xi32>,
        %shift_right_logical3A_425 = arith.constant 14 : i32
        %shift_right_logical3A_426 = vector.broadcast %shift_right_logical3A_425 : i32 to vector<16xi32>
        %shift_right_logical3A_427 = arith.shrui %get3A_417, %shift_right_logical3A_426 : vector<16xi32>
        %swap3A_428 = arith.constant 32 : index
        %swap3A_429 = tpu.vector_load %arg7[%swap3A_428] {strides = array<i32>} : memref<128xi32, #tpu.memory_space<vmem>>, vector<16xi32>,
        %swap3A_430 = vector.shape_cast %swap3A_429 : vector<16xi32> to vector<16xi32>
        %swap3A_431 = vector.shape_cast %shift_right_logical3A_427 : vector<16xi32> to vector<16xi32>
        tpu.vector_store %arg7[%swap3A_428], %swap3A_431 {strides = array<i32>} : memref<128xi32, #tpu.memory_space<vmem>>, vector<16xi32>,
        %get3A_432 = arith.index_cast %add3A_377 : i32 to index
        %get3A_433 = arith.constant 48 : index
        %get3A_434 = tpu.vector_load %arg5[%get3A_432, %get3A_433] {strides = array<i32>} : memref<128x128xi32, #tpu.memory_space<vmem>>, vector<1x16xi32>,
        %get3A_435 = vector.shape_cast %get3A_434 : vector<1x16xi32> to vector<16xi32>
        %and3A_436 = arith.constant 16383 : i32
        %and3A_437 = vector.broadcast %and3A_436 : i32 to vector<16xi32>
        %and3A_438 = arith.andi %get3A_435, %and3A_437 : vector<16xi32>
        %swap3A_439 = arith.constant 48 : index
        %swap3A_440 = tpu.vector_load %arg6[%swap3A_439] {strides = array<i32>} : memref<128xi32, #tpu.memory_space<vmem>>, vector<16xi32>,
        %swap3A_441 = vector.shape_cast %swap3A_440 : vector<16xi32> to vector<16xi32>
        %swap3A_442 = vector.shape_cast %and3A_438 : vector<16xi32> to vector<16xi32>
        tpu.vector_store %arg6[%swap3A_439], %swap3A_442 {strides = array<i32>} : memref<128xi32, #tpu.memory_space<vmem>>, vector<16xi32>,
        %shift_right_logical3A_443 = arith.constant 14 : i32
        %shift_right_logical3A_444 = vector.broadcast %shift_right_logical3A_443 : i32 to vector<16xi32>
        %shift_right_logical3A_445 = arith.shrui %get3A_435, %shift_right_logical3A_444 : vector<16xi32>
        %swap3A_446 = arith.constant 48 : index
        %swap3A_447 = tpu.vector_load %arg7[%swap3A_446] {strides = array<i32>} : memref<128xi32, #tpu.memory_space<vmem>>, vector<16xi32>,
        %swap3A_448 = vector.shape_cast %swap3A_447 : vector<16xi32> to vector<16xi32>
        %swap3A_449 = vector.shape_cast %shift_right_logical3A_445 : vector<16xi32> to vector<16xi32>
        tpu.vector_store %arg7[%swap3A_446], %swap3A_449 {strides = array<i32>} : memref<128xi32, #tpu.memory_space<vmem>>, vector<16xi32>,
        %get3A_450 = arith.index_cast %add3A_377 : i32 to index
        %get3A_451 = arith.constant 64 : index
        %get3A_452 = tpu.vector_load %arg5[%get3A_450, %get3A_451] {strides = array<i32>} : memref<128x128xi32, #tpu.memory_space<vmem>>, vector<1x16xi32>,
        %get3A_453 = vector.shape_cast %get3A_452 : vector<1x16xi32> to vector<16xi32>
        %and3A_454 = arith.constant 16383 : i32
        %and3A_455 = vector.broadcast %and3A_454 : i32 to vector<16xi32>
        %and3A_456 = arith.andi %get3A_453, %and3A_455 : vector<16xi32>
        %swap3A_457 = arith.constant 64 : index
        %swap3A_458 = tpu.vector_load %arg6[%swap3A_457] {strides = array<i32>} : memref<128xi32, #tpu.memory_space<vmem>>, vector<16xi32>,
        %swap3A_459 = vector.shape_cast %swap3A_458 : vector<16xi32> to vector<16xi32>
        %swap3A_460 = vector.shape_cast %and3A_456 : vector<16xi32> to vector<16xi32>
        tpu.vector_store %arg6[%swap3A_457], %swap3A_460 {strides = array<i32>} : memref<128xi32, #tpu.memory_space<vmem>>, vector<16xi32>,
        %shift_right_logical3A_461 = arith.constant 14 : i32
        %shift_right_logical3A_462 = vector.broadcast %shift_right_logical3A_461 : i32 to vector<16xi32>
        %shift_right_logical3A_463 = arith.shrui %get3A_453, %shift_right_logical3A_462 : vector<16xi32>
        %swap3A_464 = arith.constant 64 : index
        %swap3A_465 = tpu.vector_load %arg7[%swap3A_464] {strides = array<i32>} : memref<128xi32, #tpu.memory_space<vmem>>, vector<16xi32>,
        %swap3A_466 = vector.shape_cast %swap3A_465 : vector<16xi32> to vector<16xi32>
        %swap3A_467 = vector.shape_cast %shift_right_logical3A_463 : vector<16xi32> to vector<16xi32>
        tpu.vector_store %arg7[%swap3A_464], %swap3A_467 {strides = array<i32>} : memref<128xi32, #tpu.memory_space<vmem>>, vector<16xi32>,
        %get3A_468 = arith.index_cast %add3A_377 : i32 to index
        %get3A_469 = arith.constant 80 : index
        %get3A_470 = tpu.vector_load %arg5[%get3A_468, %get3A_469] {strides = array<i32>} : memref<128x128xi32, #tpu.memory_space<vmem>>, vector<1x16xi32>,
        %get3A_471 = vector.shape_cast %get3A_470 : vector<1x16xi32> to vector<16xi32>
        %and3A_472 = arith.constant 16383 : i32
        %and3A_473 = vector.broadcast %and3A_472 : i32 to vector<16xi32>
        %and3A_474 = arith.andi %get3A_471, %and3A_473 : vector<16xi32>
        %swap3A_475 = arith.constant 80 : index
        %swap3A_476 = tpu.vector_load %arg6[%swap3A_475] {strides = array<i32>} : memref<128xi32, #tpu.memory_space<vmem>>, vector<16xi32>,
        %swap3A_477 = vector.shape_cast %swap3A_476 : vector<16xi32> to vector<16xi32>
        %swap3A_478 = vector.shape_cast %and3A_474 : vector<16xi32> to vector<16xi32>
        tpu.vector_store %arg6[%swap3A_475], %swap3A_478 {strides = array<i32>} : memref<128xi32, #tpu.memory_space<vmem>>, vector<16xi32>,
        %shift_right_logical3A_479 = arith.constant 14 : i32
        %shift_right_logical3A_480 = vector.broadcast %shift_right_logical3A_479 : i32 to vector<16xi32>
        %shift_right_logical3A_481 = arith.shrui %get3A_471, %shift_right_logical3A_480 : vector<16xi32>
        %swap3A_482 = arith.constant 80 : index
        %swap3A_483 = tpu.vector_load %arg7[%swap3A_482] {strides = array<i32>} : memref<128xi32, #tpu.memory_space<vmem>>, vector<16xi32>,
        %swap3A_484 = vector.shape_cast %swap3A_483 : vector<16xi32> to vector<16xi32>
        %swap3A_485 = vector.shape_cast %shift_right_logical3A_481 : vector<16xi32> to vector<16xi32>
        tpu.vector_store %arg7[%swap3A_482], %swap3A_485 {strides = array<i32>} : memref<128xi32, #tpu.memory_space<vmem>>, vector<16xi32>,
        %get3A_486 = arith.index_cast %add3A_377 : i32 to index
        %get3A_487 = arith.constant 96 : index
        %get3A_488 = tpu.vector_load %arg5[%get3A_486, %get3A_487] {strides = array<i32>} : memref<128x128xi32, #tpu.memory_space<vmem>>, vector<1x16xi32>,
        %get3A_489 = vector.shape_cast %get3A_488 : vector<1x16xi32> to vector<16xi32>
        %and3A_490 = arith.constant 16383 : i32
        %and3A_491 = vector.broadcast %and3A_490 : i32 to vector<16xi32>
        %and3A_492 = arith.andi %get3A_489, %and3A_491 : vector<16xi32>
        %swap3A_493 = arith.constant 96 : index
        %swap3A_494 = tpu.vector_load %arg6[%swap3A_493] {strides = array<i32>} : memref<128xi32, #tpu.memory_space<vmem>>, vector<16xi32>,
        %swap3A_495 = vector.shape_cast %swap3A_494 : vector<16xi32> to vector<16xi32>
        %swap3A_496 = vector.shape_cast %and3A_492 : vector<16xi32> to vector<16xi32>
        tpu.vector_store %arg6[%swap3A_493], %swap3A_496 {strides = array<i32>} : memref<128xi32, #tpu.memory_space<vmem>>, vector<16xi32>,
        %shift_right_logical3A_497 = arith.constant 14 : i32
        %shift_right_logical3A_498 = vector.broadcast %shift_right_logical3A_497 : i32 to vector<16xi32>
        %shift_right_logical3A_499 = arith.shrui %get3A_489, %shift_right_logical3A_498 : vector<16xi32>
        %swap3A_500 = arith.constant 96 : index
        %swap3A_501 = tpu.vector_load %arg7[%swap3A_500] {strides = array<i32>} : memref<128xi32, #tpu.memory_space<vmem>>, vector<16xi32>,
        %swap3A_502 = vector.shape_cast %swap3A_501 : vector<16xi32> to vector<16xi32>
        %swap3A_503 = vector.shape_cast %shift_right_logical3A_499 : vector<16xi32> to vector<16xi32>
        tpu.vector_store %arg7[%swap3A_500], %swap3A_503 {strides = array<i32>} : memref<128xi32, #tpu.memory_space<vmem>>, vector<16xi32>,
        %get3A_504 = arith.index_cast %add3A_377 : i32 to index
        %get3A_505 = arith.constant 112 : index
        %get3A_506 = tpu.vector_load %arg5[%get3A_504, %get3A_505] {strides = array<i32>} : memref<128x128xi32, #tpu.memory_space<vmem>>, vector<1x16xi32>,
        %get3A_507 = vector.shape_cast %get3A_506 : vector<1x16xi32> to vector<16xi32>
        %and3A_508 = arith.constant 16383 : i32
        %and3A_509 = vector.broadcast %and3A_508 : i32 to vector<16xi32>
        %and3A_510 = arith.andi %get3A_507, %and3A_509 : vector<16xi32>
        %swap3A_511 = arith.constant 112 : index
        %swap3A_512 = tpu.vector_load %arg6[%swap3A_511] {strides = array<i32>} : memref<128xi32, #tpu.memory_space<vmem>>, vector<16xi32>,
        %swap3A_513 = vector.shape_cast %swap3A_512 : vector<16xi32> to vector<16xi32>
        %swap3A_514 = vector.shape_cast %and3A_510 : vector<16xi32> to vector<16xi32>
        tpu.vector_store %arg6[%swap3A_511], %swap3A_514 {strides = array<i32>} : memref<128xi32, #tpu.memory_space<vmem>>, vector<16xi32>,
        %shift_right_logical3A_515 = arith.constant 14 : i32
        %shift_right_logical3A_516 = vector.broadcast %shift_right_logical3A_515 : i32 to vector<16xi32>
        %shift_right_logical3A_517 = arith.shrui %get3A_507, %shift_right_logical3A_516 : vector<16xi32>
        %swap3A_518 = arith.constant 112 : index
        %swap3A_519 = tpu.vector_load %arg7[%swap3A_518] {strides = array<i32>} : memref<128xi32, #tpu.memory_space<vmem>>, vector<16xi32>,
        %swap3A_520 = vector.shape_cast %swap3A_519 : vector<16xi32> to vector<16xi32>
        %swap3A_521 = vector.shape_cast %shift_right_logical3A_517 : vector<16xi32> to vector<16xi32>
        tpu.vector_store %arg7[%swap3A_518], %swap3A_521 {strides = array<i32>} : memref<128xi32, #tpu.memory_space<vmem>>, vector<16xi32>,
        %dma_start3A_522 = arith.constant 0 : i32
        %dma_start3A_523 = arith.constant 0 : i32
        %dma_start3A_524 = tpu.memref_slice %arg2[%dma_start3A_522, %dma_start3A_523] : memref<10000x128xf32, #tpu.memory_space<hbm>> -> memref<10000x128xf32, #tpu.memory_space<hbm>>
        tpu.enqueue_indirect_dma source(%dma_start3A_524 : memref<10000x128xf32, #tpu.memory_space<hbm>>) target(%arg10 : memref<128x128xf32, #tpu.memory_space<vmem>>) offsets(%arg6 : memref<128xi32, #tpu.memory_space<vmem>>) semaphore(%arg13 : memref<!tpu.dma_semaphore, #tpu.memory_space<semaphore_mem>>)
      } else {
      }
      %dma_wait3A_367 = arith.constant 0 : i32
      %dma_wait3A_368 = arith.constant 0 : i32
      %dma_wait3A_369 = tpu.memref_slice %arg2[%dma_wait3A_367, %dma_wait3A_368] : memref<10000x128xf32, #tpu.memory_space<hbm>> -> memref<10000x128xf32, #tpu.memory_space<hbm>>
      tpu.wait_indirect_dma semaphore(%arg14 : memref<!tpu.dma_semaphore, #tpu.memory_space<semaphore_mem>>) src(%dma_wait3A_369 : memref<10000x128xf32, #tpu.memory_space<hbm>>) dst(%arg11 : memref<128x128xf32, #tpu.memory_space<vmem>>)
      "tpu.region"() ({
        %run_scoped3A = tpu.sem_alloc : memref<!tpu.dma_semaphore, #tpu.memory_space<semaphore_mem>>
        %dma_start3A_376 = arith.constant 0 : i32
        %dma_start3A_377 = arith.constant 0 : i32
        %dma_start3A_378 = tpu.memref_slice %arg12[%dma_start3A_376, %dma_start3A_377] : memref<10112x128xf32, #tpu.memory_space<vmem_shared>> -> memref<10112x128xf32, #tpu.memory_space<vmem_shared>>
        tpu.enqueue_indirect_dma source(%arg11 : memref<128x128xf32, #tpu.memory_space<vmem>>) target(%dma_start3A_378 : memref<10112x128xf32, #tpu.memory_space<vmem_shared>>) offsets(%arg9 : memref<128xi32, #tpu.memory_space<vmem>>) semaphore(%run_scoped3A : memref<!tpu.dma_semaphore, #tpu.memory_space<semaphore_mem>>) {add = true}
        %dma_wait3A_379 = arith.constant 0 : i32
        %dma_wait3A_380 = arith.constant 0 : i32
        %dma_wait3A_381 = tpu.memref_slice %arg12[%dma_wait3A_379, %dma_wait3A_380] : memref<10112x128xf32, #tpu.memory_space<vmem_shared>> -> memref<10112x128xf32, #tpu.memory_space<vmem_shared>>
        tpu.wait_indirect_dma semaphore(%run_scoped3A : memref<!tpu.dma_semaphore, #tpu.memory_space<semaphore_mem>>) src(%arg11 : memref<128x128xf32, #tpu.memory_space<vmem>>) dst(%dma_wait3A_381 : memref<10112x128xf32, #tpu.memory_space<vmem_shared>>)
        tpu.yield
      }) : () -> ()
      %add3A_370 = arith.constant 3 : i32
      %add3A_371 = arith.addi %mul3A_358, %add3A_370 : i32
      %lt3A_372 = arith.cmpi slt, %add3A_371, %select_n3A : i32
      %convert_element_type3A_373 = arith.extui %lt3A_372 : i1 to i32
      %cond3A_374 = arith.constant 0 : i32
      %cond3A_375 = arith.cmpi ne, %convert_element_type3A_373, %cond3A_374 : i32
      scf.if %cond3A_375 {
        %add3A_376 = arith.constant 3 : i32
        %add3A_377 = arith.addi %mul3A_358, %add3A_376 : i32
        %get3A_378 = arith.index_cast %add3A_377 : i32 to index
        %get3A_379 = arith.constant 0 : index
        %get3A_380 = tpu.vector_load %arg5[%get3A_378, %get3A_379] {strides = array<i32>} : memref<128x128xi32, #tpu.memory_space<vmem>>, vector<1x16xi32>,
        %get3A_381 = vector.shape_cast %get3A_380 : vector<1x16xi32> to vector<16xi32>
        %and3A_382 = arith.constant 16383 : i32
        %and3A_383 = vector.broadcast %and3A_382 : i32 to vector<16xi32>
        %and3A_384 = arith.andi %get3A_381, %and3A_383 : vector<16xi32>
        %swap3A_385 = arith.constant 0 : index
        %swap3A_386 = tpu.vector_load %arg8[%swap3A_385] {strides = array<i32>} : memref<128xi32, #tpu.memory_space<vmem>>, vector<16xi32>,
        %swap3A_387 = vector.shape_cast %swap3A_386 : vector<16xi32> to vector<16xi32>
        %swap3A_388 = vector.shape_cast %and3A_384 : vector<16xi32> to vector<16xi32>
        tpu.vector_store %arg8[%swap3A_385], %swap3A_388 {strides = array<i32>} : memref<128xi32, #tpu.memory_space<vmem>>, vector<16xi32>,
        %shift_right_logical3A_389 = arith.constant 14 : i32
        %shift_right_logical3A_390 = vector.broadcast %shift_right_logical3A_389 : i32 to vector<16xi32>
        %shift_right_logical3A_391 = arith.shrui %get3A_381, %shift_right_logical3A_390 : vector<16xi32>
        %swap3A_392 = arith.constant 0 : index
        %swap3A_393 = tpu.vector_load %arg9[%swap3A_392] {strides = array<i32>} : memref<128xi32, #tpu.memory_space<vmem>>, vector<16xi32>,
        %swap3A_394 = vector.shape_cast %swap3A_393 : vector<16xi32> to vector<16xi32>
        %swap3A_395 = vector.shape_cast %shift_right_logical3A_391 : vector<16xi32> to vector<16xi32>
        tpu.vector_store %arg9[%swap3A_392], %swap3A_395 {strides = array<i32>} : memref<128xi32, #tpu.memory_space<vmem>>, vector<16xi32>,
        %get3A_396 = arith.index_cast %add3A_377 : i32 to index
        %get3A_397 = arith.constant 16 : index
        %get3A_398 = tpu.vector_load %arg5[%get3A_396, %get3A_397] {strides = array<i32>} : memref<128x128xi32, #tpu.memory_space<vmem>>, vector<1x16xi32>,
        %get3A_399 = vector.shape_cast %get3A_398 : vector<1x16xi32> to vector<16xi32>
        %and3A_400 = arith.constant 16383 : i32
        %and3A_401 = vector.broadcast %and3A_400 : i32 to vector<16xi32>
        %and3A_402 = arith.andi %get3A_399, %and3A_401 : vector<16xi32>
        %swap3A_403 = arith.constant 16 : index
        %swap3A_404 = tpu.vector_load %arg8[%swap3A_403] {strides = array<i32>} : memref<128xi32, #tpu.memory_space<vmem>>, vector<16xi32>,
        %swap3A_405 = vector.shape_cast %swap3A_404 : vector<16xi32> to vector<16xi32>
        %swap3A_406 = vector.shape_cast %and3A_402 : vector<16xi32> to vector<16xi32>
        tpu.vector_store %arg8[%swap3A_403], %swap3A_406 {strides = array<i32>} : memref<128xi32, #tpu.memory_space<vmem>>, vector<16xi32>,
        %shift_right_logical3A_407 = arith.constant 14 : i32
        %shift_right_logical3A_408 = vector.broadcast %shift_right_logical3A_407 : i32 to vector<16xi32>
        %shift_right_logical3A_409 = arith.shrui %get3A_399, %shift_right_logical3A_408 : vector<16xi32>
        %swap3A_410 = arith.constant 16 : index
        %swap3A_411 = tpu.vector_load %arg9[%swap3A_410] {strides = array<i32>} : memref<128xi32, #tpu.memory_space<vmem>>, vector<16xi32>,
        %swap3A_412 = vector.shape_cast %swap3A_411 : vector<16xi32> to vector<16xi32>
        %swap3A_413 = vector.shape_cast %shift_right_logical3A_409 : vector<16xi32> to vector<16xi32>
        tpu.vector_store %arg9[%swap3A_410], %swap3A_413 {strides = array<i32>} : memref<128xi32, #tpu.memory_space<vmem>>, vector<16xi32>,
        %get3A_414 = arith.index_cast %add3A_377 : i32 to index
        %get3A_415 = arith.constant 32 : index
        %get3A_416 = tpu.vector_load %arg5[%get3A_414, %get3A_415] {strides = array<i32>} : memref<128x128xi32, #tpu.memory_space<vmem>>, vector<1x16xi32>,
        %get3A_417 = vector.shape_cast %get3A_416 : vector<1x16xi32> to vector<16xi32>
        %and3A_418 = arith.constant 16383 : i32
        %and3A_419 = vector.broadcast %and3A_418 : i32 to vector<16xi32>
        %and3A_420 = arith.andi %get3A_417, %and3A_419 : vector<16xi32>
        %swap3A_421 = arith.constant 32 : index
        %swap3A_422 = tpu.vector_load %arg8[%swap3A_421] {strides = array<i32>} : memref<128xi32, #tpu.memory_space<vmem>>, vector<16xi32>,
        %swap3A_423 = vector.shape_cast %swap3A_422 : vector<16xi32> to vector<16xi32>
        %swap3A_424 = vector.shape_cast %and3A_420 : vector<16xi32> to vector<16xi32>
        tpu.vector_store %arg8[%swap3A_421], %swap3A_424 {strides = array<i32>} : memref<128xi32, #tpu.memory_space<vmem>>, vector<16xi32>,
        %shift_right_logical3A_425 = arith.constant 14 : i32
        %shift_right_logical3A_426 = vector.broadcast %shift_right_logical3A_425 : i32 to vector<16xi32>
        %shift_right_logical3A_427 = arith.shrui %get3A_417, %shift_right_logical3A_426 : vector<16xi32>
        %swap3A_428 = arith.constant 32 : index
        %swap3A_429 = tpu.vector_load %arg9[%swap3A_428] {strides = array<i32>} : memref<128xi32, #tpu.memory_space<vmem>>, vector<16xi32>,
        %swap3A_430 = vector.shape_cast %swap3A_429 : vector<16xi32> to vector<16xi32>
        %swap3A_431 = vector.shape_cast %shift_right_logical3A_427 : vector<16xi32> to vector<16xi32>
        tpu.vector_store %arg9[%swap3A_428], %swap3A_431 {strides = array<i32>} : memref<128xi32, #tpu.memory_space<vmem>>, vector<16xi32>,
        %get3A_432 = arith.index_cast %add3A_377 : i32 to index
        %get3A_433 = arith.constant 48 : index
        %get3A_434 = tpu.vector_load %arg5[%get3A_432, %get3A_433] {strides = array<i32>} : memref<128x128xi32, #tpu.memory_space<vmem>>, vector<1x16xi32>,
        %get3A_435 = vector.shape_cast %get3A_434 : vector<1x16xi32> to vector<16xi32>
        %and3A_436 = arith.constant 16383 : i32
        %and3A_437 = vector.broadcast %and3A_436 : i32 to vector<16xi32>
        %and3A_438 = arith.andi %get3A_435, %and3A_437 : vector<16xi32>
        %swap3A_439 = arith.constant 48 : index
        %swap3A_440 = tpu.vector_load %arg8[%swap3A_439] {strides = array<i32>} : memref<128xi32, #tpu.memory_space<vmem>>, vector<16xi32>,
        %swap3A_441 = vector.shape_cast %swap3A_440 : vector<16xi32> to vector<16xi32>
        %swap3A_442 = vector.shape_cast %and3A_438 : vector<16xi32> to vector<16xi32>
        tpu.vector_store %arg8[%swap3A_439], %swap3A_442 {strides = array<i32>} : memref<128xi32, #tpu.memory_space<vmem>>, vector<16xi32>,
        %shift_right_logical3A_443 = arith.constant 14 : i32
        %shift_right_logical3A_444 = vector.broadcast %shift_right_logical3A_443 : i32 to vector<16xi32>
        %shift_right_logical3A_445 = arith.shrui %get3A_435, %shift_right_logical3A_444 : vector<16xi32>
        %swap3A_446 = arith.constant 48 : index
        %swap3A_447 = tpu.vector_load %arg9[%swap3A_446] {strides = array<i32>} : memref<128xi32, #tpu.memory_space<vmem>>, vector<16xi32>,
        %swap3A_448 = vector.shape_cast %swap3A_447 : vector<16xi32> to vector<16xi32>
        %swap3A_449 = vector.shape_cast %shift_right_logical3A_445 : vector<16xi32> to vector<16xi32>
        tpu.vector_store %arg9[%swap3A_446], %swap3A_449 {strides = array<i32>} : memref<128xi32, #tpu.memory_space<vmem>>, vector<16xi32>,
        %get3A_450 = arith.index_cast %add3A_377 : i32 to index
        %get3A_451 = arith.constant 64 : index
        %get3A_452 = tpu.vector_load %arg5[%get3A_450, %get3A_451] {strides = array<i32>} : memref<128x128xi32, #tpu.memory_space<vmem>>, vector<1x16xi32>,
        %get3A_453 = vector.shape_cast %get3A_452 : vector<1x16xi32> to vector<16xi32>
        %and3A_454 = arith.constant 16383 : i32
        %and3A_455 = vector.broadcast %and3A_454 : i32 to vector<16xi32>
        %and3A_456 = arith.andi %get3A_453, %and3A_455 : vector<16xi32>
        %swap3A_457 = arith.constant 64 : index
        %swap3A_458 = tpu.vector_load %arg8[%swap3A_457] {strides = array<i32>} : memref<128xi32, #tpu.memory_space<vmem>>, vector<16xi32>,
        %swap3A_459 = vector.shape_cast %swap3A_458 : vector<16xi32> to vector<16xi32>
        %swap3A_460 = vector.shape_cast %and3A_456 : vector<16xi32> to vector<16xi32>
        tpu.vector_store %arg8[%swap3A_457], %swap3A_460 {strides = array<i32>} : memref<128xi32, #tpu.memory_space<vmem>>, vector<16xi32>,
        %shift_right_logical3A_461 = arith.constant 14 : i32
        %shift_right_logical3A_462 = vector.broadcast %shift_right_logical3A_461 : i32 to vector<16xi32>
        %shift_right_logical3A_463 = arith.shrui %get3A_453, %shift_right_logical3A_462 : vector<16xi32>
        %swap3A_464 = arith.constant 64 : index
        %swap3A_465 = tpu.vector_load %arg9[%swap3A_464] {strides = array<i32>} : memref<128xi32, #tpu.memory_space<vmem>>, vector<16xi32>,
        %swap3A_466 = vector.shape_cast %swap3A_465 : vector<16xi32> to vector<16xi32>
        %swap3A_467 = vector.shape_cast %shift_right_logical3A_463 : vector<16xi32> to vector<16xi32>
        tpu.vector_store %arg9[%swap3A_464], %swap3A_467 {strides = array<i32>} : memref<128xi32, #tpu.memory_space<vmem>>, vector<16xi32>,
        %get3A_468 = arith.index_cast %add3A_377 : i32 to index
        %get3A_469 = arith.constant 80 : index
        %get3A_470 = tpu.vector_load %arg5[%get3A_468, %get3A_469] {strides = array<i32>} : memref<128x128xi32, #tpu.memory_space<vmem>>, vector<1x16xi32>,
        %get3A_471 = vector.shape_cast %get3A_470 : vector<1x16xi32> to vector<16xi32>
        %and3A_472 = arith.constant 16383 : i32
        %and3A_473 = vector.broadcast %and3A_472 : i32 to vector<16xi32>
        %and3A_474 = arith.andi %get3A_471, %and3A_473 : vector<16xi32>
        %swap3A_475 = arith.constant 80 : index
        %swap3A_476 = tpu.vector_load %arg8[%swap3A_475] {strides = array<i32>} : memref<128xi32, #tpu.memory_space<vmem>>, vector<16xi32>,
        %swap3A_477 = vector.shape_cast %swap3A_476 : vector<16xi32> to vector<16xi32>
        %swap3A_478 = vector.shape_cast %and3A_474 : vector<16xi32> to vector<16xi32>
        tpu.vector_store %arg8[%swap3A_475], %swap3A_478 {strides = array<i32>} : memref<128xi32, #tpu.memory_space<vmem>>, vector<16xi32>,
        %shift_right_logical3A_479 = arith.constant 14 : i32
        %shift_right_logical3A_480 = vector.broadcast %shift_right_logical3A_479 : i32 to vector<16xi32>
        %shift_right_logical3A_481 = arith.shrui %get3A_471, %shift_right_logical3A_480 : vector<16xi32>
        %swap3A_482 = arith.constant 80 : index
        %swap3A_483 = tpu.vector_load %arg9[%swap3A_482] {strides = array<i32>} : memref<128xi32, #tpu.memory_space<vmem>>, vector<16xi32>,
        %swap3A_484 = vector.shape_cast %swap3A_483 : vector<16xi32> to vector<16xi32>
        %swap3A_485 = vector.shape_cast %shift_right_logical3A_481 : vector<16xi32> to vector<16xi32>
        tpu.vector_store %arg9[%swap3A_482], %swap3A_485 {strides = array<i32>} : memref<128xi32, #tpu.memory_space<vmem>>, vector<16xi32>,
        %get3A_486 = arith.index_cast %add3A_377 : i32 to index
        %get3A_487 = arith.constant 96 : index
        %get3A_488 = tpu.vector_load %arg5[%get3A_486, %get3A_487] {strides = array<i32>} : memref<128x128xi32, #tpu.memory_space<vmem>>, vector<1x16xi32>,
        %get3A_489 = vector.shape_cast %get3A_488 : vector<1x16xi32> to vector<16xi32>
        %and3A_490 = arith.constant 16383 : i32
        %and3A_491 = vector.broadcast %and3A_490 : i32 to vector<16xi32>
        %and3A_492 = arith.andi %get3A_489, %and3A_491 : vector<16xi32>
        %swap3A_493 = arith.constant 96 : index
        %swap3A_494 = tpu.vector_load %arg8[%swap3A_493] {strides = array<i32>} : memref<128xi32, #tpu.memory_space<vmem>>, vector<16xi32>,
        %swap3A_495 = vector.shape_cast %swap3A_494 : vector<16xi32> to vector<16xi32>
        %swap3A_496 = vector.shape_cast %and3A_492 : vector<16xi32> to vector<16xi32>
        tpu.vector_store %arg8[%swap3A_493], %swap3A_496 {strides = array<i32>} : memref<128xi32, #tpu.memory_space<vmem>>, vector<16xi32>,
        %shift_right_logical3A_497 = arith.constant 14 : i32
        %shift_right_logical3A_498 = vector.broadcast %shift_right_logical3A_497 : i32 to vector<16xi32>
        %shift_right_logical3A_499 = arith.shrui %get3A_489, %shift_right_logical3A_498 : vector<16xi32>
        %swap3A_500 = arith.constant 96 : index
        %swap3A_501 = tpu.vector_load %arg9[%swap3A_500] {strides = array<i32>} : memref<128xi32, #tpu.memory_space<vmem>>, vector<16xi32>,
        %swap3A_502 = vector.shape_cast %swap3A_501 : vector<16xi32> to vector<16xi32>
        %swap3A_503 = vector.shape_cast %shift_right_logical3A_499 : vector<16xi32> to vector<16xi32>
        tpu.vector_store %arg9[%swap3A_500], %swap3A_503 {strides = array<i32>} : memref<128xi32, #tpu.memory_space<vmem>>, vector<16xi32>,
        %get3A_504 = arith.index_cast %add3A_377 : i32 to index
        %get3A_505 = arith.constant 112 : index
        %get3A_506 = tpu.vector_load %arg5[%get3A_504, %get3A_505] {strides = array<i32>} : memref<128x128xi32, #tpu.memory_space<vmem>>, vector<1x16xi32>,
        %get3A_507 = vector.shape_cast %get3A_506 : vector<1x16xi32> to vector<16xi32>
        %and3A_508 = arith.constant 16383 : i32
        %and3A_509 = vector.broadcast %and3A_508 : i32 to vector<16xi32>
        %and3A_510 = arith.andi %get3A_507, %and3A_509 : vector<16xi32>
        %swap3A_511 = arith.constant 112 : index
        %swap3A_512 = tpu.vector_load %arg8[%swap3A_511] {strides = array<i32>} : memref<128xi32, #tpu.memory_space<vmem>>, vector<16xi32>,
        %swap3A_513 = vector.shape_cast %swap3A_512 : vector<16xi32> to vector<16xi32>
        %swap3A_514 = vector.shape_cast %and3A_510 : vector<16xi32> to vector<16xi32>
        tpu.vector_store %arg8[%swap3A_511], %swap3A_514 {strides = array<i32>} : memref<128xi32, #tpu.memory_space<vmem>>, vector<16xi32>,
        %shift_right_logical3A_515 = arith.constant 14 : i32
        %shift_right_logical3A_516 = vector.broadcast %shift_right_logical3A_515 : i32 to vector<16xi32>
        %shift_right_logical3A_517 = arith.shrui %get3A_507, %shift_right_logical3A_516 : vector<16xi32>
        %swap3A_518 = arith.constant 112 : index
        %swap3A_519 = tpu.vector_load %arg9[%swap3A_518] {strides = array<i32>} : memref<128xi32, #tpu.memory_space<vmem>>, vector<16xi32>,
        %swap3A_520 = vector.shape_cast %swap3A_519 : vector<16xi32> to vector<16xi32>
        %swap3A_521 = vector.shape_cast %shift_right_logical3A_517 : vector<16xi32> to vector<16xi32>
        tpu.vector_store %arg9[%swap3A_518], %swap3A_521 {strides = array<i32>} : memref<128xi32, #tpu.memory_space<vmem>>, vector<16xi32>,
      } else {
      }
    }
    %while3A_352 = arith.constant 1 : i32
    scf.for %while3A_356 = %while3A_350 to %while3A_346 step %while3A_352  : i32 {
      %mul3A_357 = arith.constant 2 : i32
      %mul3A_358 = arith.muli %mul3A_357, %while3A_356 : i32
      %dma_start3A_359 = arith.constant 0 : i32
      %dma_start3A_360 = arith.constant 0 : i32
      %dma_start3A_361 = tpu.memref_slice %arg2[%dma_start3A_359, %dma_start3A_360] : memref<10000x128xf32, #tpu.memory_space<hbm>> -> memref<10000x128xf32, #tpu.memory_space<hbm>>
      tpu.enqueue_indirect_dma source(%dma_start3A_361 : memref<10000x128xf32, #tpu.memory_space<hbm>>) target(%arg11 : memref<128x128xf32, #tpu.memory_space<vmem>>) offsets(%arg8 : memref<128xi32, #tpu.memory_space<vmem>>) semaphore(%arg14 : memref<!tpu.dma_semaphore, #tpu.memory_space<semaphore_mem>>)
      %dma_wait3A = arith.constant 0 : i32
      %dma_wait3A_362 = arith.constant 0 : i32
      %dma_wait3A_363 = tpu.memref_slice %arg2[%dma_wait3A, %dma_wait3A_362] : memref<10000x128xf32, #tpu.memory_space<hbm>> -> memref<10000x128xf32, #tpu.memory_space<hbm>>
      tpu.wait_indirect_dma semaphore(%arg13 : memref<!tpu.dma_semaphore, #tpu.memory_space<semaphore_mem>>) src(%dma_wait3A_363 : memref<10000x128xf32, #tpu.memory_space<hbm>>) dst(%arg10 : memref<128x128xf32, #tpu.memory_space<vmem>>)
      "tpu.region"() ({
        %run_scoped3A = tpu.sem_alloc : memref<!tpu.dma_semaphore, #tpu.memory_space<semaphore_mem>>
        %dma_start3A_376 = arith.constant 0 : i32
        %dma_start3A_377 = arith.constant 0 : i32
        %dma_start3A_378 = tpu.memref_slice %arg12[%dma_start3A_376, %dma_start3A_377] : memref<10112x128xf32, #tpu.memory_space<vmem_shared>> -> memref<10112x128xf32, #tpu.memory_space<vmem_shared>>
        tpu.enqueue_indirect_dma source(%arg10 : memref<128x128xf32, #tpu.memory_space<vmem>>) target(%dma_start3A_378 : memref<10112x128xf32, #tpu.memory_space<vmem_shared>>) offsets(%arg7 : memref<128xi32, #tpu.memory_space<vmem>>) semaphore(%run_scoped3A : memref<!tpu.dma_semaphore, #tpu.memory_space<semaphore_mem>>) {add = true}
        %dma_wait3A_379 = arith.constant 0 : i32
        %dma_wait3A_380 = arith.constant 0 : i32
        %dma_wait3A_381 = tpu.memref_slice %arg12[%dma_wait3A_379, %dma_wait3A_380] : memref<10112x128xf32, #tpu.memory_space<vmem_shared>> -> memref<10112x128xf32, #tpu.memory_space<vmem_shared>>
        tpu.wait_indirect_dma semaphore(%run_scoped3A : memref<!tpu.dma_semaphore, #tpu.memory_space<semaphore_mem>>) src(%arg10 : memref<128x128xf32, #tpu.memory_space<vmem>>) dst(%dma_wait3A_381 : memref<10112x128xf32, #tpu.memory_space<vmem_shared>>)
        tpu.yield
      }) : () -> ()
      %add3A_364 = arith.constant 2 : i32
      %add3A_365 = arith.addi %mul3A_358, %add3A_364 : i32
      %lt3A = arith.cmpi slt, %add3A_365, %select_n3A : i32
      %convert_element_type3A = arith.extui %lt3A : i1 to i32
      %cond3A = arith.constant 0 : i32
      %cond3A_366 = arith.cmpi ne, %convert_element_type3A, %cond3A : i32
      scf.if %cond3A_366 {
        %add3A_376 = arith.constant 2 : i32
        %add3A_377 = arith.addi %mul3A_358, %add3A_376 : i32
        %get3A_378 = arith.index_cast %add3A_377 : i32 to index
        %get3A_379 = arith.constant 0 : index
        %get3A_380 = tpu.vector_load %arg5[%get3A_378, %get3A_379] {strides = array<i32>} : memref<128x128xi32, #tpu.memory_space<vmem>>, vector<1x16xi32>,
        %get3A_381 = vector.shape_cast %get3A_380 : vector<1x16xi32> to vector<16xi32>
        %and3A_382 = arith.constant 16383 : i32
        %and3A_383 = vector.broadcast %and3A_382 : i32 to vector<16xi32>
        %and3A_384 = arith.andi %get3A_381, %and3A_383 : vector<16xi32>
        %swap3A_385 = arith.constant 0 : index
        %swap3A_386 = tpu.vector_load %arg6[%swap3A_385] {strides = array<i32>} : memref<128xi32, #tpu.memory_space<vmem>>, vector<16xi32>,
        %swap3A_387 = vector.shape_cast %swap3A_386 : vector<16xi32> to vector<16xi32>
        %swap3A_388 = vector.shape_cast %and3A_384 : vector<16xi32> to vector<16xi32>
        tpu.vector_store %arg6[%swap3A_385], %swap3A_388 {strides = array<i32>} : memref<128xi32, #tpu.memory_space<vmem>>, vector<16xi32>,
        %shift_right_logical3A_389 = arith.constant 14 : i32
        %shift_right_logical3A_390 = vector.broadcast %shift_right_logical3A_389 : i32 to vector<16xi32>
        %shift_right_logical3A_391 = arith.shrui %get3A_381, %shift_right_logical3A_390 : vector<16xi32>
        %swap3A_392 = arith.constant 0 : index
        %swap3A_393 = tpu.vector_load %arg7[%swap3A_392] {strides = array<i32>} : memref<128xi32, #tpu.memory_space<vmem>>, vector<16xi32>,
        %swap3A_394 = vector.shape_cast %swap3A_393 : vector<16xi32> to vector<16xi32>
        %swap3A_395 = vector.shape_cast %shift_right_logical3A_391 : vector<16xi32> to vector<16xi32>
        tpu.vector_store %arg7[%swap3A_392], %swap3A_395 {strides = array<i32>} : memref<128xi32, #tpu.memory_space<vmem>>, vector<16xi32>,
        %get3A_396 = arith.index_cast %add3A_377 : i32 to index
        %get3A_397 = arith.constant 16 : index
        %get3A_398 = tpu.vector_load %arg5[%get3A_396, %get3A_397] {strides = array<i32>} : memref<128x128xi32, #tpu.memory_space<vmem>>, vector<1x16xi32>,
        %get3A_399 = vector.shape_cast %get3A_398 : vector<1x16xi32> to vector<16xi32>
        %and3A_400 = arith.constant 16383 : i32
        %and3A_401 = vector.broadcast %and3A_400 : i32 to vector<16xi32>
        %and3A_402 = arith.andi %get3A_399, %and3A_401 : vector<16xi32>
        %swap3A_403 = arith.constant 16 : index
        %swap3A_404 = tpu.vector_load %arg6[%swap3A_403] {strides = array<i32>} : memref<128xi32, #tpu.memory_space<vmem>>, vector<16xi32>,
        %swap3A_405 = vector.shape_cast %swap3A_404 : vector<16xi32> to vector<16xi32>
        %swap3A_406 = vector.shape_cast %and3A_402 : vector<16xi32> to vector<16xi32>
        tpu.vector_store %arg6[%swap3A_403], %swap3A_406 {strides = array<i32>} : memref<128xi32, #tpu.memory_space<vmem>>, vector<16xi32>,
        %shift_right_logical3A_407 = arith.constant 14 : i32
        %shift_right_logical3A_408 = vector.broadcast %shift_right_logical3A_407 : i32 to vector<16xi32>
        %shift_right_logical3A_409 = arith.shrui %get3A_399, %shift_right_logical3A_408 : vector<16xi32>
        %swap3A_410 = arith.constant 16 : index
        %swap3A_411 = tpu.vector_load %arg7[%swap3A_410] {strides = array<i32>} : memref<128xi32, #tpu.memory_space<vmem>>, vector<16xi32>,
        %swap3A_412 = vector.shape_cast %swap3A_411 : vector<16xi32> to vector<16xi32>
        %swap3A_413 = vector.shape_cast %shift_right_logical3A_409 : vector<16xi32> to vector<16xi32>
        tpu.vector_store %arg7[%swap3A_410], %swap3A_413 {strides = array<i32>} : memref<128xi32, #tpu.memory_space<vmem>>, vector<16xi32>,
        %get3A_414 = arith.index_cast %add3A_377 : i32 to index
        %get3A_415 = arith.constant 32 : index
        %get3A_416 = tpu.vector_load %arg5[%get3A_414, %get3A_415] {strides = array<i32>} : memref<128x128xi32, #tpu.memory_space<vmem>>, vector<1x16xi32>,
        %get3A_417 = vector.shape_cast %get3A_416 : vector<1x16xi32> to vector<16xi32>
        %and3A_418 = arith.constant 16383 : i32
        %and3A_419 = vector.broadcast %and3A_418 : i32 to vector<16xi32>
        %and3A_420 = arith.andi %get3A_417, %and3A_419 : vector<16xi32>
        %swap3A_421 = arith.constant 32 : index
        %swap3A_422 = tpu.vector_load %arg6[%swap3A_421] {strides = array<i32>} : memref<128xi32, #tpu.memory_space<vmem>>, vector<16xi32>,
        %swap3A_423 = vector.shape_cast %swap3A_422 : vector<16xi32> to vector<16xi32>
        %swap3A_424 = vector.shape_cast %and3A_420 : vector<16xi32> to vector<16xi32>
        tpu.vector_store %arg6[%swap3A_421], %swap3A_424 {strides = array<i32>} : memref<128xi32, #tpu.memory_space<vmem>>, vector<16xi32>,
        %shift_right_logical3A_425 = arith.constant 14 : i32
        %shift_right_logical3A_426 = vector.broadcast %shift_right_logical3A_425 : i32 to vector<16xi32>
        %shift_right_logical3A_427 = arith.shrui %get3A_417, %shift_right_logical3A_426 : vector<16xi32>
        %swap3A_428 = arith.constant 32 : index
        %swap3A_429 = tpu.vector_load %arg7[%swap3A_428] {strides = array<i32>} : memref<128xi32, #tpu.memory_space<vmem>>, vector<16xi32>,
        %swap3A_430 = vector.shape_cast %swap3A_429 : vector<16xi32> to vector<16xi32>
        %swap3A_431 = vector.shape_cast %shift_right_logical3A_427 : vector<16xi32> to vector<16xi32>
        tpu.vector_store %arg7[%swap3A_428], %swap3A_431 {strides = array<i32>} : memref<128xi32, #tpu.memory_space<vmem>>, vector<16xi32>,
        %get3A_432 = arith.index_cast %add3A_377 : i32 to index
        %get3A_433 = arith.constant 48 : index
        %get3A_434 = tpu.vector_load %arg5[%get3A_432, %get3A_433] {strides = array<i32>} : memref<128x128xi32, #tpu.memory_space<vmem>>, vector<1x16xi32>,
        %get3A_435 = vector.shape_cast %get3A_434 : vector<1x16xi32> to vector<16xi32>
        %and3A_436 = arith.constant 16383 : i32
        %and3A_437 = vector.broadcast %and3A_436 : i32 to vector<16xi32>
        %and3A_438 = arith.andi %get3A_435, %and3A_437 : vector<16xi32>
        %swap3A_439 = arith.constant 48 : index
        %swap3A_440 = tpu.vector_load %arg6[%swap3A_439] {strides = array<i32>} : memref<128xi32, #tpu.memory_space<vmem>>, vector<16xi32>,
        %swap3A_441 = vector.shape_cast %swap3A_440 : vector<16xi32> to vector<16xi32>
        %swap3A_442 = vector.shape_cast %and3A_438 : vector<16xi32> to vector<16xi32>
        tpu.vector_store %arg6[%swap3A_439], %swap3A_442 {strides = array<i32>} : memref<128xi32, #tpu.memory_space<vmem>>, vector<16xi32>,
        %shift_right_logical3A_443 = arith.constant 14 : i32
        %shift_right_logical3A_444 = vector.broadcast %shift_right_logical3A_443 : i32 to vector<16xi32>
        %shift_right_logical3A_445 = arith.shrui %get3A_435, %shift_right_logical3A_444 : vector<16xi32>
        %swap3A_446 = arith.constant 48 : index
        %swap3A_447 = tpu.vector_load %arg7[%swap3A_446] {strides = array<i32>} : memref<128xi32, #tpu.memory_space<vmem>>, vector<16xi32>,
        %swap3A_448 = vector.shape_cast %swap3A_447 : vector<16xi32> to vector<16xi32>
        %swap3A_449 = vector.shape_cast %shift_right_logical3A_445 : vector<16xi32> to vector<16xi32>
        tpu.vector_store %arg7[%swap3A_446], %swap3A_449 {strides = array<i32>} : memref<128xi32, #tpu.memory_space<vmem>>, vector<16xi32>,
        %get3A_450 = arith.index_cast %add3A_377 : i32 to index
        %get3A_451 = arith.constant 64 : index
        %get3A_452 = tpu.vector_load %arg5[%get3A_450, %get3A_451] {strides = array<i32>} : memref<128x128xi32, #tpu.memory_space<vmem>>, vector<1x16xi32>,
        %get3A_453 = vector.shape_cast %get3A_452 : vector<1x16xi32> to vector<16xi32>
        %and3A_454 = arith.constant 16383 : i32
        %and3A_455 = vector.broadcast %and3A_454 : i32 to vector<16xi32>
        %and3A_456 = arith.andi %get3A_453, %and3A_455 : vector<16xi32>
        %swap3A_457 = arith.constant 64 : index
        %swap3A_458 = tpu.vector_load %arg6[%swap3A_457] {strides = array<i32>} : memref<128xi32, #tpu.memory_space<vmem>>, vector<16xi32>,
        %swap3A_459 = vector.shape_cast %swap3A_458 : vector<16xi32> to vector<16xi32>
        %swap3A_460 = vector.shape_cast %and3A_456 : vector<16xi32> to vector<16xi32>
        tpu.vector_store %arg6[%swap3A_457], %swap3A_460 {strides = array<i32>} : memref<128xi32, #tpu.memory_space<vmem>>, vector<16xi32>,
        %shift_right_logical3A_461 = arith.constant 14 : i32
        %shift_right_logical3A_462 = vector.broadcast %shift_right_logical3A_461 : i32 to vector<16xi32>
        %shift_right_logical3A_463 = arith.shrui %get3A_453, %shift_right_logical3A_462 : vector<16xi32>
        %swap3A_464 = arith.constant 64 : index
        %swap3A_465 = tpu.vector_load %arg7[%swap3A_464] {strides = array<i32>} : memref<128xi32, #tpu.memory_space<vmem>>, vector<16xi32>,
        %swap3A_466 = vector.shape_cast %swap3A_465 : vector<16xi32> to vector<16xi32>
        %swap3A_467 = vector.shape_cast %shift_right_logical3A_463 : vector<16xi32> to vector<16xi32>
        tpu.vector_store %arg7[%swap3A_464], %swap3A_467 {strides = array<i32>} : memref<128xi32, #tpu.memory_space<vmem>>, vector<16xi32>,
        %get3A_468 = arith.index_cast %add3A_377 : i32 to index
        %get3A_469 = arith.constant 80 : index
        %get3A_470 = tpu.vector_load %arg5[%get3A_468, %get3A_469] {strides = array<i32>} : memref<128x128xi32, #tpu.memory_space<vmem>>, vector<1x16xi32>,
        %get3A_471 = vector.shape_cast %get3A_470 : vector<1x16xi32> to vector<16xi32>
        %and3A_472 = arith.constant 16383 : i32
        %and3A_473 = vector.broadcast %and3A_472 : i32 to vector<16xi32>
        %and3A_474 = arith.andi %get3A_471, %and3A_473 : vector<16xi32>
        %swap3A_475 = arith.constant 80 : index
        %swap3A_476 = tpu.vector_load %arg6[%swap3A_475] {strides = array<i32>} : memref<128xi32, #tpu.memory_space<vmem>>, vector<16xi32>,
        %swap3A_477 = vector.shape_cast %swap3A_476 : vector<16xi32> to vector<16xi32>
        %swap3A_478 = vector.shape_cast %and3A_474 : vector<16xi32> to vector<16xi32>
        tpu.vector_store %arg6[%swap3A_475], %swap3A_478 {strides = array<i32>} : memref<128xi32, #tpu.memory_space<vmem>>, vector<16xi32>,
        %shift_right_logical3A_479 = arith.constant 14 : i32
        %shift_right_logical3A_480 = vector.broadcast %shift_right_logical3A_479 : i32 to vector<16xi32>
        %shift_right_logical3A_481 = arith.shrui %get3A_471, %shift_right_logical3A_480 : vector<16xi32>
        %swap3A_482 = arith.constant 80 : index
        %swap3A_483 = tpu.vector_load %arg7[%swap3A_482] {strides = array<i32>} : memref<128xi32, #tpu.memory_space<vmem>>, vector<16xi32>,
        %swap3A_484 = vector.shape_cast %swap3A_483 : vector<16xi32> to vector<16xi32>
        %swap3A_485 = vector.shape_cast %shift_right_logical3A_481 : vector<16xi32> to vector<16xi32>
        tpu.vector_store %arg7[%swap3A_482], %swap3A_485 {strides = array<i32>} : memref<128xi32, #tpu.memory_space<vmem>>, vector<16xi32>,
        %get3A_486 = arith.index_cast %add3A_377 : i32 to index
        %get3A_487 = arith.constant 96 : index
        %get3A_488 = tpu.vector_load %arg5[%get3A_486, %get3A_487] {strides = array<i32>} : memref<128x128xi32, #tpu.memory_space<vmem>>, vector<1x16xi32>,
        %get3A_489 = vector.shape_cast %get3A_488 : vector<1x16xi32> to vector<16xi32>
        %and3A_490 = arith.constant 16383 : i32
        %and3A_491 = vector.broadcast %and3A_490 : i32 to vector<16xi32>
        %and3A_492 = arith.andi %get3A_489, %and3A_491 : vector<16xi32>
        %swap3A_493 = arith.constant 96 : index
        %swap3A_494 = tpu.vector_load %arg6[%swap3A_493] {strides = array<i32>} : memref<128xi32, #tpu.memory_space<vmem>>, vector<16xi32>,
        %swap3A_495 = vector.shape_cast %swap3A_494 : vector<16xi32> to vector<16xi32>
        %swap3A_496 = vector.shape_cast %and3A_492 : vector<16xi32> to vector<16xi32>
        tpu.vector_store %arg6[%swap3A_493], %swap3A_496 {strides = array<i32>} : memref<128xi32, #tpu.memory_space<vmem>>, vector<16xi32>,
        %shift_right_logical3A_497 = arith.constant 14 : i32
        %shift_right_logical3A_498 = vector.broadcast %shift_right_logical3A_497 : i32 to vector<16xi32>
        %shift_right_logical3A_499 = arith.shrui %get3A_489, %shift_right_logical3A_498 : vector<16xi32>
        %swap3A_500 = arith.constant 96 : index
        %swap3A_501 = tpu.vector_load %arg7[%swap3A_500] {strides = array<i32>} : memref<128xi32, #tpu.memory_space<vmem>>, vector<16xi32>,
        %swap3A_502 = vector.shape_cast %swap3A_501 : vector<16xi32> to vector<16xi32>
        %swap3A_503 = vector.shape_cast %shift_right_logical3A_499 : vector<16xi32> to vector<16xi32>
        tpu.vector_store %arg7[%swap3A_500], %swap3A_503 {strides = array<i32>} : memref<128xi32, #tpu.memory_space<vmem>>, vector<16xi32>,
        %get3A_504 = arith.index_cast %add3A_377 : i32 to index
        %get3A_505 = arith.constant 112 : index
        %get3A_506 = tpu.vector_load %arg5[%get3A_504, %get3A_505] {strides = array<i32>} : memref<128x128xi32, #tpu.memory_space<vmem>>, vector<1x16xi32>,
        %get3A_507 = vector.shape_cast %get3A_506 : vector<1x16xi32> to vector<16xi32>
        %and3A_508 = arith.constant 16383 : i32
        %and3A_509 = vector.broadcast %and3A_508 : i32 to vector<16xi32>
        %and3A_510 = arith.andi %get3A_507, %and3A_509 : vector<16xi32>
        %swap3A_511 = arith.constant 112 : index
        %swap3A_512 = tpu.vector_load %arg6[%swap3A_511] {strides = array<i32>} : memref<128xi32, #tpu.memory_space<vmem>>, vector<16xi32>,
        %swap3A_513 = vector.shape_cast %swap3A_512 : vector<16xi32> to vector<16xi32>
        %swap3A_514 = vector.shape_cast %and3A_510 : vector<16xi32> to vector<16xi32>
        tpu.vector_store %arg6[%swap3A_511], %swap3A_514 {strides = array<i32>} : memref<128xi32, #tpu.memory_space<vmem>>, vector<16xi32>,
        %shift_right_logical3A_515 = arith.constant 14 : i32
        %shift_right_logical3A_516 = vector.broadcast %shift_right_logical3A_515 : i32 to vector<16xi32>
        %shift_right_logical3A_517 = arith.shrui %get3A_507, %shift_right_logical3A_516 : vector<16xi32>
        %swap3A_518 = arith.constant 112 : index
        %swap3A_519 = tpu.vector_load %arg7[%swap3A_518] {strides = array<i32>} : memref<128xi32, #tpu.memory_space<vmem>>, vector<16xi32>,
        %swap3A_520 = vector.shape_cast %swap3A_519 : vector<16xi32> to vector<16xi32>
        %swap3A_521 = vector.shape_cast %shift_right_logical3A_517 : vector<16xi32> to vector<16xi32>
        tpu.vector_store %arg7[%swap3A_518], %swap3A_521 {strides = array<i32>} : memref<128xi32, #tpu.memory_space<vmem>>, vector<16xi32>,
        %dma_start3A_522 = arith.constant 0 : i32
        %dma_start3A_523 = arith.constant 0 : i32
        %dma_start3A_524 = tpu.memref_slice %arg2[%dma_start3A_522, %dma_start3A_523] : memref<10000x128xf32, #tpu.memory_space<hbm>> -> memref<10000x128xf32, #tpu.memory_space<hbm>>
        tpu.enqueue_indirect_dma source(%dma_start3A_524 : memref<10000x128xf32, #tpu.memory_space<hbm>>) target(%arg10 : memref<128x128xf32, #tpu.memory_space<vmem>>) offsets(%arg6 : memref<128xi32, #tpu.memory_space<vmem>>) semaphore(%arg13 : memref<!tpu.dma_semaphore, #tpu.memory_space<semaphore_mem>>)
      } else {
      }
      %dma_wait3A_367 = arith.constant 0 : i32
      %dma_wait3A_368 = arith.constant 0 : i32
      %dma_wait3A_369 = tpu.memref_slice %arg2[%dma_wait3A_367, %dma_wait3A_368] : memref<10000x128xf32, #tpu.memory_space<hbm>> -> memref<10000x128xf32, #tpu.memory_space<hbm>>
      tpu.wait_indirect_dma semaphore(%arg14 : memref<!tpu.dma_semaphore, #tpu.memory_space<semaphore_mem>>) src(%dma_wait3A_369 : memref<10000x128xf32, #tpu.memory_space<hbm>>) dst(%arg11 : memref<128x128xf32, #tpu.memory_space<vmem>>)
      "tpu.region"() ({
        %run_scoped3A = tpu.sem_alloc : memref<!tpu.dma_semaphore, #tpu.memory_space<semaphore_mem>>
        %dma_start3A_376 = arith.constant 0 : i32
        %dma_start3A_377 = arith.constant 0 : i32
        %dma_start3A_378 = tpu.memref_slice %arg12[%dma_start3A_376, %dma_start3A_377] : memref<10112x128xf32, #tpu.memory_space<vmem_shared>> -> memref<10112x128xf32, #tpu.memory_space<vmem_shared>>
        tpu.enqueue_indirect_dma source(%arg11 : memref<128x128xf32, #tpu.memory_space<vmem>>) target(%dma_start3A_378 : memref<10112x128xf32, #tpu.memory_space<vmem_shared>>) offsets(%arg9 : memref<128xi32, #tpu.memory_space<vmem>>) semaphore(%run_scoped3A : memref<!tpu.dma_semaphore, #tpu.memory_space<semaphore_mem>>) {add = true}
        %dma_wait3A_379 = arith.constant 0 : i32
        %dma_wait3A_380 = arith.constant 0 : i32
        %dma_wait3A_381 = tpu.memref_slice %arg12[%dma_wait3A_379, %dma_wait3A_380] : memref<10112x128xf32, #tpu.memory_space<vmem_shared>> -> memref<10112x128xf32, #tpu.memory_space<vmem_shared>>
        tpu.wait_indirect_dma semaphore(%run_scoped3A : memref<!tpu.dma_semaphore, #tpu.memory_space<semaphore_mem>>) src(%arg11 : memref<128x128xf32, #tpu.memory_space<vmem>>) dst(%dma_wait3A_381 : memref<10112x128xf32, #tpu.memory_space<vmem_shared>>)
        tpu.yield
      }) : () -> ()
      %add3A_370 = arith.constant 3 : i32
      %add3A_371 = arith.addi %mul3A_358, %add3A_370 : i32
      %lt3A_372 = arith.cmpi slt, %add3A_371, %select_n3A : i32
      %convert_element_type3A_373 = arith.extui %lt3A_372 : i1 to i32
      %cond3A_374 = arith.constant 0 : i32
      %cond3A_375 = arith.cmpi ne, %convert_element_type3A_373, %cond3A_374 : i32
      scf.if %cond3A_375 {
        %add3A_376 = arith.constant 3 : i32
        %add3A_377 = arith.addi %mul3A_358, %add3A_376 : i32
        %get3A_378 = arith.index_cast %add3A_377 : i32 to index
        %get3A_379 = arith.constant 0 : index
        %get3A_380 = tpu.vector_load %arg5[%get3A_378, %get3A_379] {strides = array<i32>} : memref<128x128xi32, #tpu.memory_space<vmem>>, vector<1x16xi32>,
        %get3A_381 = vector.shape_cast %get3A_380 : vector<1x16xi32> to vector<16xi32>
        %and3A_382 = arith.constant 16383 : i32
        %and3A_383 = vector.broadcast %and3A_382 : i32 to vector<16xi32>
        %and3A_384 = arith.andi %get3A_381, %and3A_383 : vector<16xi32>
        %swap3A_385 = arith.constant 0 : index
        %swap3A_386 = tpu.vector_load %arg8[%swap3A_385] {strides = array<i32>} : memref<128xi32, #tpu.memory_space<vmem>>, vector<16xi32>,
        %swap3A_387 = vector.shape_cast %swap3A_386 : vector<16xi32> to vector<16xi32>
        %swap3A_388 = vector.shape_cast %and3A_384 : vector<16xi32> to vector<16xi32>
        tpu.vector_store %arg8[%swap3A_385], %swap3A_388 {strides = array<i32>} : memref<128xi32, #tpu.memory_space<vmem>>, vector<16xi32>,
        %shift_right_logical3A_389 = arith.constant 14 : i32
        %shift_right_logical3A_390 = vector.broadcast %shift_right_logical3A_389 : i32 to vector<16xi32>
        %shift_right_logical3A_391 = arith.shrui %get3A_381, %shift_right_logical3A_390 : vector<16xi32>
        %swap3A_392 = arith.constant 0 : index
        %swap3A_393 = tpu.vector_load %arg9[%swap3A_392] {strides = array<i32>} : memref<128xi32, #tpu.memory_space<vmem>>, vector<16xi32>,
        %swap3A_394 = vector.shape_cast %swap3A_393 : vector<16xi32> to vector<16xi32>
        %swap3A_395 = vector.shape_cast %shift_right_logical3A_391 : vector<16xi32> to vector<16xi32>
        tpu.vector_store %arg9[%swap3A_392], %swap3A_395 {strides = array<i32>} : memref<128xi32, #tpu.memory_space<vmem>>, vector<16xi32>,
        %get3A_396 = arith.index_cast %add3A_377 : i32 to index
        %get3A_397 = arith.constant 16 : index
        %get3A_398 = tpu.vector_load %arg5[%get3A_396, %get3A_397] {strides = array<i32>} : memref<128x128xi32, #tpu.memory_space<vmem>>, vector<1x16xi32>,
        %get3A_399 = vector.shape_cast %get3A_398 : vector<1x16xi32> to vector<16xi32>
        %and3A_400 = arith.constant 16383 : i32
        %and3A_401 = vector.broadcast %and3A_400 : i32 to vector<16xi32>
        %and3A_402 = arith.andi %get3A_399, %and3A_401 : vector<16xi32>
        %swap3A_403 = arith.constant 16 : index
        %swap3A_404 = tpu.vector_load %arg8[%swap3A_403] {strides = array<i32>} : memref<128xi32, #tpu.memory_space<vmem>>, vector<16xi32>,
        %swap3A_405 = vector.shape_cast %swap3A_404 : vector<16xi32> to vector<16xi32>
        %swap3A_406 = vector.shape_cast %and3A_402 : vector<16xi32> to vector<16xi32>
        tpu.vector_store %arg8[%swap3A_403], %swap3A_406 {strides = array<i32>} : memref<128xi32, #tpu.memory_space<vmem>>, vector<16xi32>,
        %shift_right_logical3A_407 = arith.constant 14 : i32
        %shift_right_logical3A_408 = vector.broadcast %shift_right_logical3A_407 : i32 to vector<16xi32>
        %shift_right_logical3A_409 = arith.shrui %get3A_399, %shift_right_logical3A_408 : vector<16xi32>
        %swap3A_410 = arith.constant 16 : index
        %swap3A_411 = tpu.vector_load %arg9[%swap3A_410] {strides = array<i32>} : memref<128xi32, #tpu.memory_space<vmem>>, vector<16xi32>,
        %swap3A_412 = vector.shape_cast %swap3A_411 : vector<16xi32> to vector<16xi32>
        %swap3A_413 = vector.shape_cast %shift_right_logical3A_409 : vector<16xi32> to vector<16xi32>
        tpu.vector_store %arg9[%swap3A_410], %swap3A_413 {strides = array<i32>} : memref<128xi32, #tpu.memory_space<vmem>>, vector<16xi32>,
        %get3A_414 = arith.index_cast %add3A_377 : i32 to index
        %get3A_415 = arith.constant 32 : index
        %get3A_416 = tpu.vector_load %arg5[%get3A_414, %get3A_415] {strides = array<i32>} : memref<128x128xi32, #tpu.memory_space<vmem>>, vector<1x16xi32>,
        %get3A_417 = vector.shape_cast %get3A_416 : vector<1x16xi32> to vector<16xi32>
        %and3A_418 = arith.constant 16383 : i32
        %and3A_419 = vector.broadcast %and3A_418 : i32 to vector<16xi32>
        %and3A_420 = arith.andi %get3A_417, %and3A_419 : vector<16xi32>
        %swap3A_421 = arith.constant 32 : index
        %swap3A_422 = tpu.vector_load %arg8[%swap3A_421] {strides = array<i32>} : memref<128xi32, #tpu.memory_space<vmem>>, vector<16xi32>,
        %swap3A_423 = vector.shape_cast %swap3A_422 : vector<16xi32> to vector<16xi32>
        %swap3A_424 = vector.shape_cast %and3A_420 : vector<16xi32> to vector<16xi32>
        tpu.vector_store %arg8[%swap3A_421], %swap3A_424 {strides = array<i32>} : memref<128xi32, #tpu.memory_space<vmem>>, vector<16xi32>,
        %shift_right_logical3A_425 = arith.constant 14 : i32
        %shift_right_logical3A_426 = vector.broadcast %shift_right_logical3A_425 : i32 to vector<16xi32>
        %shift_right_logical3A_427 = arith.shrui %get3A_417, %shift_right_logical3A_426 : vector<16xi32>
        %swap3A_428 = arith.constant 32 : index
        %swap3A_429 = tpu.vector_load %arg9[%swap3A_428] {strides = array<i32>} : memref<128xi32, #tpu.memory_space<vmem>>, vector<16xi32>,
        %swap3A_430 = vector.shape_cast %swap3A_429 : vector<16xi32> to vector<16xi32>
        %swap3A_431 = vector.shape_cast %shift_right_logical3A_427 : vector<16xi32> to vector<16xi32>
        tpu.vector_store %arg9[%swap3A_428], %swap3A_431 {strides = array<i32>} : memref<128xi32, #tpu.memory_space<vmem>>, vector<16xi32>,
        %get3A_432 = arith.index_cast %add3A_377 : i32 to index
        %get3A_433 = arith.constant 48 : index
        %get3A_434 = tpu.vector_load %arg5[%get3A_432, %get3A_433] {strides = array<i32>} : memref<128x128xi32, #tpu.memory_space<vmem>>, vector<1x16xi32>,
        %get3A_435 = vector.shape_cast %get3A_434 : vector<1x16xi32> to vector<16xi32>
        %and3A_436 = arith.constant 16383 : i32
        %and3A_437 = vector.broadcast %and3A_436 : i32 to vector<16xi32>
        %and3A_438 = arith.andi %get3A_435, %and3A_437 : vector<16xi32>
        %swap3A_439 = arith.constant 48 : index
        %swap3A_440 = tpu.vector_load %arg8[%swap3A_439] {strides = array<i32>} : memref<128xi32, #tpu.memory_space<vmem>>, vector<16xi32>,
        %swap3A_441 = vector.shape_cast %swap3A_440 : vector<16xi32> to vector<16xi32>
        %swap3A_442 = vector.shape_cast %and3A_438 : vector<16xi32> to vector<16xi32>
        tpu.vector_store %arg8[%swap3A_439], %swap3A_442 {strides = array<i32>} : memref<128xi32, #tpu.memory_space<vmem>>, vector<16xi32>,
        %shift_right_logical3A_443 = arith.constant 14 : i32
        %shift_right_logical3A_444 = vector.broadcast %shift_right_logical3A_443 : i32 to vector<16xi32>
        %shift_right_logical3A_445 = arith.shrui %get3A_435, %shift_right_logical3A_444 : vector<16xi32>
        %swap3A_446 = arith.constant 48 : index
        %swap3A_447 = tpu.vector_load %arg9[%swap3A_446] {strides = array<i32>} : memref<128xi32, #tpu.memory_space<vmem>>, vector<16xi32>,
        %swap3A_448 = vector.shape_cast %swap3A_447 : vector<16xi32> to vector<16xi32>
        %swap3A_449 = vector.shape_cast %shift_right_logical3A_445 : vector<16xi32> to vector<16xi32>
        tpu.vector_store %arg9[%swap3A_446], %swap3A_449 {strides = array<i32>} : memref<128xi32, #tpu.memory_space<vmem>>, vector<16xi32>,
        %get3A_450 = arith.index_cast %add3A_377 : i32 to index
        %get3A_451 = arith.constant 64 : index
        %get3A_452 = tpu.vector_load %arg5[%get3A_450, %get3A_451] {strides = array<i32>} : memref<128x128xi32, #tpu.memory_space<vmem>>, vector<1x16xi32>,
        %get3A_453 = vector.shape_cast %get3A_452 : vector<1x16xi32> to vector<16xi32>
        %and3A_454 = arith.constant 16383 : i32
        %and3A_455 = vector.broadcast %and3A_454 : i32 to vector<16xi32>
        %and3A_456 = arith.andi %get3A_453, %and3A_455 : vector<16xi32>
        %swap3A_457 = arith.constant 64 : index
        %swap3A_458 = tpu.vector_load %arg8[%swap3A_457] {strides = array<i32>} : memref<128xi32, #tpu.memory_space<vmem>>, vector<16xi32>,
        %swap3A_459 = vector.shape_cast %swap3A_458 : vector<16xi32> to vector<16xi32>
        %swap3A_460 = vector.shape_cast %and3A_456 : vector<16xi32> to vector<16xi32>
        tpu.vector_store %arg8[%swap3A_457], %swap3A_460 {strides = array<i32>} : memref<128xi32, #tpu.memory_space<vmem>>, vector<16xi32>,
        %shift_right_logical3A_461 = arith.constant 14 : i32
        %shift_right_logical3A_462 = vector.broadcast %shift_right_logical3A_461 : i32 to vector<16xi32>
        %shift_right_logical3A_463 = arith.shrui %get3A_453, %shift_right_logical3A_462 : vector<16xi32>
        %swap3A_464 = arith.constant 64 : index
        %swap3A_465 = tpu.vector_load %arg9[%swap3A_464] {strides = array<i32>} : memref<128xi32, #tpu.memory_space<vmem>>, vector<16xi32>,
        %swap3A_466 = vector.shape_cast %swap3A_465 : vector<16xi32> to vector<16xi32>
        %swap3A_467 = vector.shape_cast %shift_right_logical3A_463 : vector<16xi32> to vector<16xi32>
        tpu.vector_store %arg9[%swap3A_464], %swap3A_467 {strides = array<i32>} : memref<128xi32, #tpu.memory_space<vmem>>, vector<16xi32>,
        %get3A_468 = arith.index_cast %add3A_377 : i32 to index
        %get3A_469 = arith.constant 80 : index
        %get3A_470 = tpu.vector_load %arg5[%get3A_468, %get3A_469] {strides = array<i32>} : memref<128x128xi32, #tpu.memory_space<vmem>>, vector<1x16xi32>,
        %get3A_471 = vector.shape_cast %get3A_470 : vector<1x16xi32> to vector<16xi32>
        %and3A_472 = arith.constant 16383 : i32
        %and3A_473 = vector.broadcast %and3A_472 : i32 to vector<16xi32>
        %and3A_474 = arith.andi %get3A_471, %and3A_473 : vector<16xi32>
        %swap3A_475 = arith.constant 80 : index
        %swap3A_476 = tpu.vector_load %arg8[%swap3A_475] {strides = array<i32>} : memref<128xi32, #tpu.memory_space<vmem>>, vector<16xi32>,
        %swap3A_477 = vector.shape_cast %swap3A_476 : vector<16xi32> to vector<16xi32>
        %swap3A_478 = vector.shape_cast %and3A_474 : vector<16xi32> to vector<16xi32>
        tpu.vector_store %arg8[%swap3A_475], %swap3A_478 {strides = array<i32>} : memref<128xi32, #tpu.memory_space<vmem>>, vector<16xi32>,
        %shift_right_logical3A_479 = arith.constant 14 : i32
        %shift_right_logical3A_480 = vector.broadcast %shift_right_logical3A_479 : i32 to vector<16xi32>
        %shift_right_logical3A_481 = arith.shrui %get3A_471, %shift_right_logical3A_480 : vector<16xi32>
        %swap3A_482 = arith.constant 80 : index
        %swap3A_483 = tpu.vector_load %arg9[%swap3A_482] {strides = array<i32>} : memref<128xi32, #tpu.memory_space<vmem>>, vector<16xi32>,
        %swap3A_484 = vector.shape_cast %swap3A_483 : vector<16xi32> to vector<16xi32>
        %swap3A_485 = vector.shape_cast %shift_right_logical3A_481 : vector<16xi32> to vector<16xi32>
        tpu.vector_store %arg9[%swap3A_482], %swap3A_485 {strides = array<i32>} : memref<128xi32, #tpu.memory_space<vmem>>, vector<16xi32>,
        %get3A_486 = arith.index_cast %add3A_377 : i32 to index
        %get3A_487 = arith.constant 96 : index
        %get3A_488 = tpu.vector_load %arg5[%get3A_486, %get3A_487] {strides = array<i32>} : memref<128x128xi32, #tpu.memory_space<vmem>>, vector<1x16xi32>,
        %get3A_489 = vector.shape_cast %get3A_488 : vector<1x16xi32> to vector<16xi32>
        %and3A_490 = arith.constant 16383 : i32
        %and3A_491 = vector.broadcast %and3A_490 : i32 to vector<16xi32>
        %and3A_492 = arith.andi %get3A_489, %and3A_491 : vector<16xi32>
        %swap3A_493 = arith.constant 96 : index
        %swap3A_494 = tpu.vector_load %arg8[%swap3A_493] {strides = array<i32>} : memref<128xi32, #tpu.memory_space<vmem>>, vector<16xi32>,
        %swap3A_495 = vector.shape_cast %swap3A_494 : vector<16xi32> to vector<16xi32>
        %swap3A_496 = vector.shape_cast %and3A_492 : vector<16xi32> to vector<16xi32>
        tpu.vector_store %arg8[%swap3A_493], %swap3A_496 {strides = array<i32>} : memref<128xi32, #tpu.memory_space<vmem>>, vector<16xi32>,
        %shift_right_logical3A_497 = arith.constant 14 : i32
        %shift_right_logical3A_498 = vector.broadcast %shift_right_logical3A_497 : i32 to vector<16xi32>
        %shift_right_logical3A_499 = arith.shrui %get3A_489, %shift_right_logical3A_498 : vector<16xi32>
        %swap3A_500 = arith.constant 96 : index
        %swap3A_501 = tpu.vector_load %arg9[%swap3A_500] {strides = array<i32>} : memref<128xi32, #tpu.memory_space<vmem>>, vector<16xi32>,
        %swap3A_502 = vector.shape_cast %swap3A_501 : vector<16xi32> to vector<16xi32>
        %swap3A_503 = vector.shape_cast %shift_right_logical3A_499 : vector<16xi32> to vector<16xi32>
        tpu.vector_store %arg9[%swap3A_500], %swap3A_503 {strides = array<i32>} : memref<128xi32, #tpu.memory_space<vmem>>, vector<16xi32>,
        %get3A_504 = arith.index_cast %add3A_377 : i32 to index
        %get3A_505 = arith.constant 112 : index
        %get3A_506 = tpu.vector_load %arg5[%get3A_504, %get3A_505] {strides = array<i32>} : memref<128x128xi32, #tpu.memory_space<vmem>>, vector<1x16xi32>,
        %get3A_507 = vector.shape_cast %get3A_506 : vector<1x16xi32> to vector<16xi32>
        %and3A_508 = arith.constant 16383 : i32
        %and3A_509 = vector.broadcast %and3A_508 : i32 to vector<16xi32>
        %and3A_510 = arith.andi %get3A_507, %and3A_509 : vector<16xi32>
        %swap3A_511 = arith.constant 112 : index
        %swap3A_512 = tpu.vector_load %arg8[%swap3A_511] {strides = array<i32>} : memref<128xi32, #tpu.memory_space<vmem>>, vector<16xi32>,
        %swap3A_513 = vector.shape_cast %swap3A_512 : vector<16xi32> to vector<16xi32>
        %swap3A_514 = vector.shape_cast %and3A_510 : vector<16xi32> to vector<16xi32>
        tpu.vector_store %arg8[%swap3A_511], %swap3A_514 {strides = array<i32>} : memref<128xi32, #tpu.memory_space<vmem>>, vector<16xi32>,
        %shift_right_logical3A_515 = arith.constant 14 : i32
        %shift_right_logical3A_516 = vector.broadcast %shift_right_logical3A_515 : i32 to vector<16xi32>
        %shift_right_logical3A_517 = arith.shrui %get3A_507, %shift_right_logical3A_516 : vector<16xi32>
        %swap3A_518 = arith.constant 112 : index
        %swap3A_519 = tpu.vector_load %arg9[%swap3A_518] {strides = array<i32>} : memref<128xi32, #tpu.memory_space<vmem>>, vector<16xi32>,
        %swap3A_520 = vector.shape_cast %swap3A_519 : vector<16xi32> to vector<16xi32>
        %swap3A_521 = vector.shape_cast %shift_right_logical3A_517 : vector<16xi32> to vector<16xi32>
        tpu.vector_store %arg9[%swap3A_518], %swap3A_521 {strides = array<i32>} : memref<128xi32, #tpu.memory_space<vmem>>, vector<16xi32>,
      } else {
      }
    }
    "tpu.trace_stop"() : () -> ()
    "tpu.trace_start"() <{level = 10 : i32, message = "endbar"}> : () -> ()
    %barrier3A_353 = arith.constant 0 : index
    tpu.barrier barrier_id(%barrier3A_353)
    "tpu.trace_stop"() : () -> ()
    "tpu.trace_start"() <{level = 10 : i32, message = "writeback"}> : () -> ()
    %mul3A_354 = arith.constant 632 : i32
    %mul3A_355 = arith.muli %arg1, %mul3A_354 : i32
    "tpu.region"() ({
      %run_scoped3A = tpu.sem_alloc : memref<!tpu.dma_semaphore, #tpu.memory_space<semaphore_mem>>
      %dma_start3A_356 = arith.constant 0 : i32
      %dma_start3A_357 = tpu.memref_slice %arg4[%arg0, %mul3A_355, %dma_start3A_356] : memref<2x10112x128xf32, #tpu.memory_space<hbm>> -> memref<1x632x128xf32, #tpu.memory_space<hbm>>
      %dma_start3A_358 = tpu.memref_squeeze %dma_start3A_357 : memref<1x632x128xf32, #tpu.memory_space<hbm>> -> memref<632x128xf32, #tpu.memory_space<hbm>>
      %dma_start3A_359 = arith.constant 0 : i32
      %dma_start3A_360 = tpu.memref_slice %arg12[%mul3A_355, %dma_start3A_359] : memref<10112x128xf32, #tpu.memory_space<vmem_shared>> -> memref<632x128xf32, #tpu.memory_space<vmem_shared>>
      tpu.enqueue_dma source(%dma_start3A_360 : memref<632x128xf32, #tpu.memory_space<vmem_shared>>) target(%dma_start3A_358 : memref<632x128xf32, #tpu.memory_space<hbm>>) target_semaphore(%run_scoped3A : memref<!tpu.dma_semaphore, #tpu.memory_space<semaphore_mem>>)
      %dma_wait3A = arith.constant 0 : i32
      %dma_wait3A_361 = tpu.memref_slice %arg4[%arg0, %mul3A_355, %dma_wait3A] : memref<2x10112x128xf32, #tpu.memory_space<hbm>> -> memref<1x632x128xf32, #tpu.memory_space<hbm>>
      %dma_wait3A_362 = tpu.memref_squeeze %dma_wait3A_361 : memref<1x632x128xf32, #tpu.memory_space<hbm>> -> memref<632x128xf32, #tpu.memory_space<hbm>>
      %dma_wait3A_363 = arith.constant 0 : i32
      %dma_wait3A_364 = tpu.memref_slice %arg12[%mul3A_355, %dma_wait3A_363] : memref<10112x128xf32, #tpu.memory_space<vmem_shared>> -> memref<632x128xf32, #tpu.memory_space<vmem_shared>>
      tpu.wait_dma2 semaphore(%run_scoped3A : memref<!tpu.dma_semaphore, #tpu.memory_space<semaphore_mem>>) src(%dma_wait3A_364 : memref<632x128xf32, #tpu.memory_space<vmem_shared>>) dst(%dma_wait3A_362 : memref<632x128xf32, #tpu.memory_space<hbm>>)
      tpu.yield
    }) : () -> ()
    "tpu.trace_stop"() : () -> ()
    return
  }
}

#map = affine_map<(d0, d1) -> (0, 0)>
#map1 = affine_map<(d0, d1) -> (0, 0, 0)>
module attributes {stable_mosaic.version = 14 : i64} {
  func.func @_segsum_sc_body(%arg0: i32, %arg1: i32, %arg2: memref<10000x128xf32, #tpu.memory_space<hbm>>, %arg3: memref<32x128x128xi32, #tpu.memory_space<hbm>>, %arg4: memref<2x10112x128xf32, #tpu.memory_space<hbm>>, %arg5: memref<128x128xi32, #tpu.memory_space<vmem>>, %arg6: memref<128xi32, #tpu.memory_space<vmem>>, %arg7: memref<128xi32, #tpu.memory_space<vmem>>, %arg8: memref<128xi32, #tpu.memory_space<vmem>>, %arg9: memref<128xi32, #tpu.memory_space<vmem>>, %arg10: memref<128x128xf32, #tpu.memory_space<vmem>>, %arg11: memref<128x128xf32, #tpu.memory_space<vmem>>, %arg12: memref<10112x128xf32, #tpu.memory_space<vmem_shared>>, %arg13: memref<!tpu.dma_semaphore, #tpu.memory_space<semaphore_mem>>, %arg14: memref<!tpu.dma_semaphore, #tpu.memory_space<semaphore_mem>>) attributes {dimension_semantics = [#tpu.dimension_semantics<core_parallel>, #tpu.dimension_semantics<subcore_parallel>], iteration_bounds = array<i64: 2, 16>, scalar_prefetch = 0 : i64, scratch_operands = 10 : i64, tpu.core_type = #tpu.core_type<sc_vector_subcore>, window_params = [{transform_indices = #map}, {transform_indices = #map1}, {transform_indices = #map1}]} {
    %mul3A = arith.constant 16 : i32
    %mul3A_0 = arith.muli %arg0, %mul3A : i32
    %add3A = arith.addi %mul3A_0, %arg1 : i32
    %eq3A = arith.constant 0 : i32
    %eq3A_1 = arith.cmpi eq, %arg0, %eq3A : i32
    %jit3A = arith.constant 128 : i32
    %jit3A_2 = arith.constant 32 : i32
    %select_n3A = arith.select %eq3A_1, %jit3A, %jit3A_2 : i32
    %broadcast_in_dim3A = arith.constant 0.000000e+00 : f32
    %broadcast_in_dim3A_3 = vector.broadcast %broadcast_in_dim3A : f32 to vector<16xf32>
    "tpu.trace_start"() <{level = 10 : i32, message = "zero_vec"}> : () -> ()
    %scan3A = arith.constant 0 : i32
    %scan3A_4 = arith.constant 0 : i32
    %scan3A_5 = arith.constant 128 : i32
    %scan3A_6 = arith.addi %scan3A_4, %scan3A_5 : i32
    %scan3A_7 = arith.constant 1 : i32
    scf.for %scan3A_356 = %scan3A_4 to %scan3A_6 step %scan3A_7  : i32 {
      %swap3A_357 = arith.index_cast %scan3A_356 : i32 to index
      %swap3A_358 = arith.constant 0 : index
      %swap3A_359 = tpu.vector_load %arg10[%swap3A_357, %swap3A_358] {strides = array<i32>} : memref<128x128xf32, #tpu.memory_space<vmem>>, vector<1x16xf32>,
      %swap3A_360 = vector.shape_cast %swap3A_359 : vector<1x16xf32> to vector<16xf32>
      %swap3A_361 = vector.shape_cast %broadcast_in_dim3A_3 : vector<16xf32> to vector<1x16xf32>
      tpu.vector_store %arg10[%swap3A_357, %swap3A_358], %swap3A_361 {strides = array<i32>} : memref<128x128xf32, #tpu.memory_space<vmem>>, vector<1x16xf32>,
      %swap3A_362 = arith.index_cast %scan3A_356 : i32 to index
      %swap3A_363 = arith.constant 16 : index
      %swap3A_364 = tpu.vector_load %arg10[%swap3A_362, %swap3A_363] {strides = array<i32>} : memref<128x128xf32, #tpu.memory_space<vmem>>, vector<1x16xf32>,
      %swap3A_365 = vector.shape_cast %swap3A_364 : vector<1x16xf32> to vector<16xf32>
      %swap3A_366 = vector.shape_cast %broadcast_in_dim3A_3 : vector<16xf32> to vector<1x16xf32>
      tpu.vector_store %arg10[%swap3A_362, %swap3A_363], %swap3A_366 {strides = array<i32>} : memref<128x128xf32, #tpu.memory_space<vmem>>, vector<1x16xf32>,
      %swap3A_367 = arith.index_cast %scan3A_356 : i32 to index
      %swap3A_368 = arith.constant 32 : index
      %swap3A_369 = tpu.vector_load %arg10[%swap3A_367, %swap3A_368] {strides = array<i32>} : memref<128x128xf32, #tpu.memory_space<vmem>>, vector<1x16xf32>,
      %swap3A_370 = vector.shape_cast %swap3A_369 : vector<1x16xf32> to vector<16xf32>
      %swap3A_371 = vector.shape_cast %broadcast_in_dim3A_3 : vector<16xf32> to vector<1x16xf32>
      tpu.vector_store %arg10[%swap3A_367, %swap3A_368], %swap3A_371 {strides = array<i32>} : memref<128x128xf32, #tpu.memory_space<vmem>>, vector<1x16xf32>,
      %swap3A_372 = arith.index_cast %scan3A_356 : i32 to index
      %swap3A_373 = arith.constant 48 : index
      %swap3A_374 = tpu.vector_load %arg10[%swap3A_372, %swap3A_373] {strides = array<i32>} : memref<128x128xf32, #tpu.memory_space<vmem>>, vector<1x16xf32>,
      %swap3A_375 = vector.shape_cast %swap3A_374 : vector<1x16xf32> to vector<16xf32>
      %swap3A_376 = vector.shape_cast %broadcast_in_dim3A_3 : vector<16xf32> to vector<1x16xf32>
      tpu.vector_store %arg10[%swap3A_372, %swap3A_373], %swap3A_376 {strides = array<i32>} : memref<128x128xf32, #tpu.memory_space<vmem>>, vector<1x16xf32>,
      %swap3A_377 = arith.index_cast %scan3A_356 : i32 to index
      %swap3A_378 = arith.constant 64 : index
      %swap3A_379 = tpu.vector_load %arg10[%swap3A_377, %swap3A_378] {strides = array<i32>} : memref<128x128xf32, #tpu.memory_space<vmem>>, vector<1x16xf32>,
      %swap3A_380 = vector.shape_cast %swap3A_379 : vector<1x16xf32> to vector<16xf32>
      %swap3A_381 = vector.shape_cast %broadcast_in_dim3A_3 : vector<16xf32> to vector<1x16xf32>
      tpu.vector_store %arg10[%swap3A_377, %swap3A_378], %swap3A_381 {strides = array<i32>} : memref<128x128xf32, #tpu.memory_space<vmem>>, vector<1x16xf32>,
      %swap3A_382 = arith.index_cast %scan3A_356 : i32 to index
      %swap3A_383 = arith.constant 80 : index
      %swap3A_384 = tpu.vector_load %arg10[%swap3A_382, %swap3A_383] {strides = array<i32>} : memref<128x128xf32, #tpu.memory_space<vmem>>, vector<1x16xf32>,
      %swap3A_385 = vector.shape_cast %swap3A_384 : vector<1x16xf32> to vector<16xf32>
      %swap3A_386 = vector.shape_cast %broadcast_in_dim3A_3 : vector<16xf32> to vector<1x16xf32>
      tpu.vector_store %arg10[%swap3A_382, %swap3A_383], %swap3A_386 {strides = array<i32>} : memref<128x128xf32, #tpu.memory_space<vmem>>, vector<1x16xf32>,
      %swap3A_387 = arith.index_cast %scan3A_356 : i32 to index
      %swap3A_388 = arith.constant 96 : index
      %swap3A_389 = tpu.vector_load %arg10[%swap3A_387, %swap3A_388] {strides = array<i32>} : memref<128x128xf32, #tpu.memory_space<vmem>>, vector<1x16xf32>,
      %swap3A_390 = vector.shape_cast %swap3A_389 : vector<1x16xf32> to vector<16xf32>
      %swap3A_391 = vector.shape_cast %broadcast_in_dim3A_3 : vector<16xf32> to vector<1x16xf32>
      tpu.vector_store %arg10[%swap3A_387, %swap3A_388], %swap3A_391 {strides = array<i32>} : memref<128x128xf32, #tpu.memory_space<vmem>>, vector<1x16xf32>,
      %swap3A_392 = arith.index_cast %scan3A_356 : i32 to index
      %swap3A_393 = arith.constant 112 : index
      %swap3A_394 = tpu.vector_load %arg10[%swap3A_392, %swap3A_393] {strides = array<i32>} : memref<128x128xf32, #tpu.memory_space<vmem>>, vector<1x16xf32>,
      %swap3A_395 = vector.shape_cast %swap3A_394 : vector<1x16xf32> to vector<16xf32>
      %swap3A_396 = vector.shape_cast %broadcast_in_dim3A_3 : vector<16xf32> to vector<1x16xf32>
      tpu.vector_store %arg10[%swap3A_392, %swap3A_393], %swap3A_396 {strides = array<i32>} : memref<128x128xf32, #tpu.memory_space<vmem>>, vector<1x16xf32>,
    }
    %scan3A_8 = arith.constant 128 : i32
    "tpu.trace_stop"() : () -> ()
    "tpu.trace_start"() <{level = 10 : i32, message = "zero_acc"}> : () -> ()
    %mul3A_9 = arith.constant 632 : i32
    %mul3A_10 = arith.muli %arg1, %mul3A_9 : i32
    %add3A_11 = arith.constant 0 : i32
    %add3A_12 = arith.addi %mul3A_10, %add3A_11 : i32
    "tpu.region"() ({
      %run_scoped3A = tpu.sem_alloc : memref<!tpu.dma_semaphore, #tpu.memory_space<semaphore_mem>>
      %dma_start3A_356 = arith.constant 0 : i32
      %dma_start3A_357 = tpu.memref_slice %arg12[%add3A_12, %dma_start3A_356] : memref<10112x128xf32, #tpu.memory_space<vmem_shared>> -> memref<128x128xf32, #tpu.memory_space<vmem_shared>>
      %dma_start3A_358 = arith.constant 0 : i32
      %dma_start3A_359 = tpu.memref_slice %arg12[%add3A_12, %dma_start3A_358] : memref<10112x128xf32, #tpu.memory_space<vmem_shared>> -> memref<128x128xf32, #tpu.memory_space<vmem_shared>>
      tpu.enqueue_dma source(%arg10 : memref<128x128xf32, #tpu.memory_space<vmem>>) target(%dma_start3A_359 : memref<128x128xf32, #tpu.memory_space<vmem_shared>>) target_semaphore(%run_scoped3A : memref<!tpu.dma_semaphore, #tpu.memory_space<semaphore_mem>>)
      %dma_wait3A = arith.constant 0 : i32
      %dma_wait3A_360 = tpu.memref_slice %arg12[%add3A_12, %dma_wait3A] : memref<10112x128xf32, #tpu.memory_space<vmem_shared>> -> memref<128x128xf32, #tpu.memory_space<vmem_shared>>
      %dma_wait3A_361 = arith.constant 0 : i32
      %dma_wait3A_362 = tpu.memref_slice %arg12[%add3A_12, %dma_wait3A_361] : memref<10112x128xf32, #tpu.memory_space<vmem_shared>> -> memref<128x128xf32, #tpu.memory_space<vmem_shared>>
      tpu.wait_dma2 semaphore(%run_scoped3A : memref<!tpu.dma_semaphore, #tpu.memory_space<semaphore_mem>>) src(%arg10 : memref<128x128xf32, #tpu.memory_space<vmem>>) dst(%dma_wait3A_362 : memref<128x128xf32, #tpu.memory_space<vmem_shared>>)
      tpu.yield
    }) : () -> ()
    %add3A_13 = arith.constant 128 : i32
    %add3A_14 = arith.addi %mul3A_10, %add3A_13 : i32
    "tpu.region"() ({
      %run_scoped3A = tpu.sem_alloc : memref<!tpu.dma_semaphore, #tpu.memory_space<semaphore_mem>>
      %dma_start3A_356 = arith.constant 0 : i32
      %dma_start3A_357 = tpu.memref_slice %arg12[%add3A_14, %dma_start3A_356] : memref<10112x128xf32, #tpu.memory_space<vmem_shared>> -> memref<128x128xf32, #tpu.memory_space<vmem_shared>>
      %dma_start3A_358 = arith.constant 0 : i32
      %dma_start3A_359 = tpu.memref_slice %arg12[%add3A_14, %dma_start3A_358] : memref<10112x128xf32, #tpu.memory_space<vmem_shared>> -> memref<128x128xf32, #tpu.memory_space<vmem_shared>>
      tpu.enqueue_dma source(%arg10 : memref<128x128xf32, #tpu.memory_space<vmem>>) target(%dma_start3A_359 : memref<128x128xf32, #tpu.memory_space<vmem_shared>>) target_semaphore(%run_scoped3A : memref<!tpu.dma_semaphore, #tpu.memory_space<semaphore_mem>>)
      %dma_wait3A = arith.constant 0 : i32
      %dma_wait3A_360 = tpu.memref_slice %arg12[%add3A_14, %dma_wait3A] : memref<10112x128xf32, #tpu.memory_space<vmem_shared>> -> memref<128x128xf32, #tpu.memory_space<vmem_shared>>
      %dma_wait3A_361 = arith.constant 0 : i32
      %dma_wait3A_362 = tpu.memref_slice %arg12[%add3A_14, %dma_wait3A_361] : memref<10112x128xf32, #tpu.memory_space<vmem_shared>> -> memref<128x128xf32, #tpu.memory_space<vmem_shared>>
      tpu.wait_dma2 semaphore(%run_scoped3A : memref<!tpu.dma_semaphore, #tpu.memory_space<semaphore_mem>>) src(%arg10 : memref<128x128xf32, #tpu.memory_space<vmem>>) dst(%dma_wait3A_362 : memref<128x128xf32, #tpu.memory_space<vmem_shared>>)
      tpu.yield
    }) : () -> ()
    %add3A_15 = arith.constant 256 : i32
    %add3A_16 = arith.addi %mul3A_10, %add3A_15 : i32
    "tpu.region"() ({
      %run_scoped3A = tpu.sem_alloc : memref<!tpu.dma_semaphore, #tpu.memory_space<semaphore_mem>>
      %dma_start3A_356 = arith.constant 0 : i32
      %dma_start3A_357 = tpu.memref_slice %arg12[%add3A_16, %dma_start3A_356] : memref<10112x128xf32, #tpu.memory_space<vmem_shared>> -> memref<128x128xf32, #tpu.memory_space<vmem_shared>>
      %dma_start3A_358 = arith.constant 0 : i32
      %dma_start3A_359 = tpu.memref_slice %arg12[%add3A_16, %dma_start3A_358] : memref<10112x128xf32, #tpu.memory_space<vmem_shared>> -> memref<128x128xf32, #tpu.memory_space<vmem_shared>>
      tpu.enqueue_dma source(%arg10 : memref<128x128xf32, #tpu.memory_space<vmem>>) target(%dma_start3A_359 : memref<128x128xf32, #tpu.memory_space<vmem_shared>>) target_semaphore(%run_scoped3A : memref<!tpu.dma_semaphore, #tpu.memory_space<semaphore_mem>>)
      %dma_wait3A = arith.constant 0 : i32
      %dma_wait3A_360 = tpu.memref_slice %arg12[%add3A_16, %dma_wait3A] : memref<10112x128xf32, #tpu.memory_space<vmem_shared>> -> memref<128x128xf32, #tpu.memory_space<vmem_shared>>
      %dma_wait3A_361 = arith.constant 0 : i32
      %dma_wait3A_362 = tpu.memref_slice %arg12[%add3A_16, %dma_wait3A_361] : memref<10112x128xf32, #tpu.memory_space<vmem_shared>> -> memref<128x128xf32, #tpu.memory_space<vmem_shared>>
      tpu.wait_dma2 semaphore(%run_scoped3A : memref<!tpu.dma_semaphore, #tpu.memory_space<semaphore_mem>>) src(%arg10 : memref<128x128xf32, #tpu.memory_space<vmem>>) dst(%dma_wait3A_362 : memref<128x128xf32, #tpu.memory_space<vmem_shared>>)
      tpu.yield
    }) : () -> ()
    %add3A_17 = arith.constant 384 : i32
    %add3A_18 = arith.addi %mul3A_10, %add3A_17 : i32
    "tpu.region"() ({
      %run_scoped3A = tpu.sem_alloc : memref<!tpu.dma_semaphore, #tpu.memory_space<semaphore_mem>>
      %dma_start3A_356 = arith.constant 0 : i32
      %dma_start3A_357 = tpu.memref_slice %arg12[%add3A_18, %dma_start3A_356] : memref<10112x128xf32, #tpu.memory_space<vmem_shared>> -> memref<128x128xf32, #tpu.memory_space<vmem_shared>>
      %dma_start3A_358 = arith.constant 0 : i32
      %dma_start3A_359 = tpu.memref_slice %arg12[%add3A_18, %dma_start3A_358] : memref<10112x128xf32, #tpu.memory_space<vmem_shared>> -> memref<128x128xf32, #tpu.memory_space<vmem_shared>>
      tpu.enqueue_dma source(%arg10 : memref<128x128xf32, #tpu.memory_space<vmem>>) target(%dma_start3A_359 : memref<128x128xf32, #tpu.memory_space<vmem_shared>>) target_semaphore(%run_scoped3A : memref<!tpu.dma_semaphore, #tpu.memory_space<semaphore_mem>>)
      %dma_wait3A = arith.constant 0 : i32
      %dma_wait3A_360 = tpu.memref_slice %arg12[%add3A_18, %dma_wait3A] : memref<10112x128xf32, #tpu.memory_space<vmem_shared>> -> memref<128x128xf32, #tpu.memory_space<vmem_shared>>
      %dma_wait3A_361 = arith.constant 0 : i32
      %dma_wait3A_362 = tpu.memref_slice %arg12[%add3A_18, %dma_wait3A_361] : memref<10112x128xf32, #tpu.memory_space<vmem_shared>> -> memref<128x128xf32, #tpu.memory_space<vmem_shared>>
      tpu.wait_dma2 semaphore(%run_scoped3A : memref<!tpu.dma_semaphore, #tpu.memory_space<semaphore_mem>>) src(%arg10 : memref<128x128xf32, #tpu.memory_space<vmem>>) dst(%dma_wait3A_362 : memref<128x128xf32, #tpu.memory_space<vmem_shared>>)
      tpu.yield
    }) : () -> ()
    %add3A_19 = arith.constant 632 : i32
    %add3A_20 = arith.addi %mul3A_10, %add3A_19 : i32
    %sub3A = arith.constant 120 : i32
    %sub3A_21 = arith.subi %add3A_20, %sub3A : i32
    "tpu.region"() ({
      %run_scoped3A = tpu.sem_alloc : memref<!tpu.dma_semaphore, #tpu.memory_space<semaphore_mem>>
      %dma_start3A_356 = arith.constant 0 : i32
      %dma_start3A_357 = arith.constant 0 : i32
      %dma_start3A_358 = tpu.memref_slice %arg10[%dma_start3A_356, %dma_start3A_357] : memref<128x128xf32, #tpu.memory_space<vmem>> -> memref<120x128xf32, #tpu.memory_space<vmem>>
      %dma_start3A_359 = arith.constant 0 : i32
      %dma_start3A_360 = tpu.memref_slice %arg12[%sub3A_21, %dma_start3A_359] : memref<10112x128xf32, #tpu.memory_space<vmem_shared>> -> memref<120x128xf32, #tpu.memory_space<vmem_shared>>
      %dma_start3A_361 = arith.constant 0 : i32
      %dma_start3A_362 = tpu.memref_slice %arg12[%sub3A_21, %dma_start3A_361] : memref<10112x128xf32, #tpu.memory_space<vmem_shared>> -> memref<120x128xf32, #tpu.memory_space<vmem_shared>>
      %dma_start3A_363 = arith.constant 0 : i32
      %dma_start3A_364 = arith.constant 0 : i32
      %dma_start3A_365 = tpu.memref_slice %arg10[%dma_start3A_363, %dma_start3A_364] : memref<128x128xf32, #tpu.memory_space<vmem>> -> memref<120x128xf32, #tpu.memory_space<vmem>>
      tpu.enqueue_dma source(%dma_start3A_365 : memref<120x128xf32, #tpu.memory_space<vmem>>) target(%dma_start3A_362 : memref<120x128xf32, #tpu.memory_space<vmem_shared>>) target_semaphore(%run_scoped3A : memref<!tpu.dma_semaphore, #tpu.memory_space<semaphore_mem>>)
      %dma_wait3A = arith.constant 0 : i32
      %dma_wait3A_366 = arith.constant 0 : i32
      %dma_wait3A_367 = tpu.memref_slice %arg10[%dma_wait3A, %dma_wait3A_366] : memref<128x128xf32, #tpu.memory_space<vmem>> -> memref<120x128xf32, #tpu.memory_space<vmem>>
      %dma_wait3A_368 = arith.constant 0 : i32
      %dma_wait3A_369 = tpu.memref_slice %arg12[%sub3A_21, %dma_wait3A_368] : memref<10112x128xf32, #tpu.memory_space<vmem_shared>> -> memref<120x128xf32, #tpu.memory_space<vmem_shared>>
      %dma_wait3A_370 = arith.constant 0 : i32
      %dma_wait3A_371 = tpu.memref_slice %arg12[%sub3A_21, %dma_wait3A_370] : memref<10112x128xf32, #tpu.memory_space<vmem_shared>> -> memref<120x128xf32, #tpu.memory_space<vmem_shared>>
      %dma_wait3A_372 = arith.constant 0 : i32
      %dma_wait3A_373 = arith.constant 0 : i32
      %dma_wait3A_374 = tpu.memref_slice %arg10[%dma_wait3A_372, %dma_wait3A_373] : memref<128x128xf32, #tpu.memory_space<vmem>> -> memref<120x128xf32, #tpu.memory_space<vmem>>
      tpu.wait_dma2 semaphore(%run_scoped3A : memref<!tpu.dma_semaphore, #tpu.memory_space<semaphore_mem>>) src(%dma_wait3A_374 : memref<120x128xf32, #tpu.memory_space<vmem>>) dst(%dma_wait3A_371 : memref<120x128xf32, #tpu.memory_space<vmem_shared>>)
      tpu.yield
    }) : () -> ()
    "tpu.trace_stop"() : () -> ()
    "tpu.trace_start"() <{level = 10 : i32, message = "zbar"}> : () -> ()
    %barrier3A = arith.constant 0 : index
    tpu.barrier barrier_id(%barrier3A)
    "tpu.trace_stop"() : () -> ()
    "tpu.trace_start"() <{level = 10 : i32, message = "stage_idx"}> : () -> ()
    "tpu.region"() ({
      %run_scoped3A = tpu.sem_alloc : memref<!tpu.dma_semaphore, #tpu.memory_space<semaphore_mem>>
      %dma_start3A_356 = arith.constant 0 : i32
      %dma_start3A_357 = arith.constant 0 : i32
      %dma_start3A_358 = tpu.memref_slice %arg3[%add3A, %dma_start3A_356, %dma_start3A_357] : memref<32x128x128xi32, #tpu.memory_space<hbm>> -> memref<1x128x128xi32, #tpu.memory_space<hbm>>
      %dma_start3A_359 = tpu.memref_squeeze %dma_start3A_358 : memref<1x128x128xi32, #tpu.memory_space<hbm>> -> memref<128x128xi32, #tpu.memory_space<hbm>>
      %dma_start3A_360 = arith.constant 0 : i32
      %dma_start3A_361 = arith.constant 0 : i32
      %dma_start3A_362 = tpu.memref_slice %arg3[%add3A, %dma_start3A_360, %dma_start3A_361] : memref<32x128x128xi32, #tpu.memory_space<hbm>> -> memref<1x128x128xi32, #tpu.memory_space<hbm>>
      %dma_start3A_363 = tpu.memref_squeeze %dma_start3A_362 : memref<1x128x128xi32, #tpu.memory_space<hbm>> -> memref<128x128xi32, #tpu.memory_space<hbm>>
      tpu.enqueue_dma source(%dma_start3A_363 : memref<128x128xi32, #tpu.memory_space<hbm>>) target(%arg5 : memref<128x128xi32, #tpu.memory_space<vmem>>) target_semaphore(%run_scoped3A : memref<!tpu.dma_semaphore, #tpu.memory_space<semaphore_mem>>)
      %dma_wait3A = arith.constant 0 : i32
      %dma_wait3A_364 = arith.constant 0 : i32
      %dma_wait3A_365 = tpu.memref_slice %arg3[%add3A, %dma_wait3A, %dma_wait3A_364] : memref<32x128x128xi32, #tpu.memory_space<hbm>> -> memref<1x128x128xi32, #tpu.memory_space<hbm>>
      %dma_wait3A_366 = tpu.memref_squeeze %dma_wait3A_365 : memref<1x128x128xi32, #tpu.memory_space<hbm>> -> memref<128x128xi32, #tpu.memory_space<hbm>>
      %dma_wait3A_367 = arith.constant 0 : i32
      %dma_wait3A_368 = arith.constant 0 : i32
      %dma_wait3A_369 = tpu.memref_slice %arg3[%add3A, %dma_wait3A_367, %dma_wait3A_368] : memref<32x128x128xi32, #tpu.memory_space<hbm>> -> memref<1x128x128xi32, #tpu.memory_space<hbm>>
      %dma_wait3A_370 = tpu.memref_squeeze %dma_wait3A_369 : memref<1x128x128xi32, #tpu.memory_space<hbm>> -> memref<128x128xi32, #tpu.memory_space<hbm>>
      tpu.wait_dma2 semaphore(%run_scoped3A : memref<!tpu.dma_semaphore, #tpu.memory_space<semaphore_mem>>) src(%dma_wait3A_370 : memref<128x128xi32, #tpu.memory_space<hbm>>) dst(%arg5 : memref<128x128xi32, #tpu.memory_space<vmem>>)
      tpu.yield
    }) : () -> ()
    %get3A = arith.constant 0 : i32
    %get3A_22 = arith.index_cast %get3A : i32 to index
    %get3A_23 = arith.constant 0 : index
    %get3A_24 = tpu.vector_load %arg5[%get3A_22, %get3A_23] {strides = array<i32>} : memref<128x128xi32, #tpu.memory_space<vmem>>, vector<1x16xi32>,
    %get3A_25 = vector.shape_cast %get3A_24 : vector<1x16xi32> to vector<16xi32>
    %and3A = arith.constant 16383 : i32
    %and3A_26 = vector.broadcast %and3A : i32 to vector<16xi32>
    %and3A_27 = arith.andi %get3A_25, %and3A_26 : vector<16xi32>
    %swap3A = arith.constant 0 : index
    %swap3A_28 = tpu.vector_load %arg6[%swap3A] {strides = array<i32>} : memref<128xi32, #tpu.memory_space<vmem>>, vector<16xi32>,
    %swap3A_29 = vector.shape_cast %swap3A_28 : vector<16xi32> to vector<16xi32>
    %swap3A_30 = vector.shape_cast %and3A_27 : vector<16xi32> to vector<16xi32>
    tpu.vector_store %arg6[%swap3A], %swap3A_30 {strides = array<i32>} : memref<128xi32, #tpu.memory_space<vmem>>, vector<16xi32>,
    %shift_right_logical3A = arith.constant 14 : i32
    %shift_right_logical3A_31 = vector.broadcast %shift_right_logical3A : i32 to vector<16xi32>
    %shift_right_logical3A_32 = arith.shrui %get3A_25, %shift_right_logical3A_31 : vector<16xi32>
    %swap3A_33 = arith.constant 0 : index
    %swap3A_34 = tpu.vector_load %arg7[%swap3A_33] {strides = array<i32>} : memref<128xi32, #tpu.memory_space<vmem>>, vector<16xi32>,
    %swap3A_35 = vector.shape_cast %swap3A_34 : vector<16xi32> to vector<16xi32>
    %swap3A_36 = vector.shape_cast %shift_right_logical3A_32 : vector<16xi32> to vector<16xi32>
    tpu.vector_store %arg7[%swap3A_33], %swap3A_36 {strides = array<i32>} : memref<128xi32, #tpu.memory_space<vmem>>, vector<16xi32>,
    %get3A_37 = arith.constant 0 : i32
    %get3A_38 = arith.index_cast %get3A_37 : i32 to index
    %get3A_39 = arith.constant 16 : index
    %get3A_40 = tpu.vector_load %arg5[%get3A_38, %get3A_39] {strides = array<i32>} : memref<128x128xi32, #tpu.memory_space<vmem>>, vector<1x16xi32>,
    %get3A_41 = vector.shape_cast %get3A_40 : vector<1x16xi32> to vector<16xi32>
    %and3A_42 = arith.constant 16383 : i32
    %and3A_43 = vector.broadcast %and3A_42 : i32 to vector<16xi32>
    %and3A_44 = arith.andi %get3A_41, %and3A_43 : vector<16xi32>
    %swap3A_45 = arith.constant 16 : index
    %swap3A_46 = tpu.vector_load %arg6[%swap3A_45] {strides = array<i32>} : memref<128xi32, #tpu.memory_space<vmem>>, vector<16xi32>,
    %swap3A_47 = vector.shape_cast %swap3A_46 : vector<16xi32> to vector<16xi32>
    %swap3A_48 = vector.shape_cast %and3A_44 : vector<16xi32> to vector<16xi32>
    tpu.vector_store %arg6[%swap3A_45], %swap3A_48 {strides = array<i32>} : memref<128xi32, #tpu.memory_space<vmem>>, vector<16xi32>,
    %shift_right_logical3A_49 = arith.constant 14 : i32
    %shift_right_logical3A_50 = vector.broadcast %shift_right_logical3A_49 : i32 to vector<16xi32>
    %shift_right_logical3A_51 = arith.shrui %get3A_41, %shift_right_logical3A_50 : vector<16xi32>
    %swap3A_52 = arith.constant 16 : index
    %swap3A_53 = tpu.vector_load %arg7[%swap3A_52] {strides = array<i32>} : memref<128xi32, #tpu.memory_space<vmem>>, vector<16xi32>,
    %swap3A_54 = vector.shape_cast %swap3A_53 : vector<16xi32> to vector<16xi32>
    %swap3A_55 = vector.shape_cast %shift_right_logical3A_51 : vector<16xi32> to vector<16xi32>
    tpu.vector_store %arg7[%swap3A_52], %swap3A_55 {strides = array<i32>} : memref<128xi32, #tpu.memory_space<vmem>>, vector<16xi32>,
    %get3A_56 = arith.constant 0 : i32
    %get3A_57 = arith.index_cast %get3A_56 : i32 to index
    %get3A_58 = arith.constant 32 : index
    %get3A_59 = tpu.vector_load %arg5[%get3A_57, %get3A_58] {strides = array<i32>} : memref<128x128xi32, #tpu.memory_space<vmem>>, vector<1x16xi32>,
    %get3A_60 = vector.shape_cast %get3A_59 : vector<1x16xi32> to vector<16xi32>
    %and3A_61 = arith.constant 16383 : i32
    %and3A_62 = vector.broadcast %and3A_61 : i32 to vector<16xi32>
    %and3A_63 = arith.andi %get3A_60, %and3A_62 : vector<16xi32>
    %swap3A_64 = arith.constant 32 : index
    %swap3A_65 = tpu.vector_load %arg6[%swap3A_64] {strides = array<i32>} : memref<128xi32, #tpu.memory_space<vmem>>, vector<16xi32>,
    %swap3A_66 = vector.shape_cast %swap3A_65 : vector<16xi32> to vector<16xi32>
    %swap3A_67 = vector.shape_cast %and3A_63 : vector<16xi32> to vector<16xi32>
    tpu.vector_store %arg6[%swap3A_64], %swap3A_67 {strides = array<i32>} : memref<128xi32, #tpu.memory_space<vmem>>, vector<16xi32>,
    %shift_right_logical3A_68 = arith.constant 14 : i32
    %shift_right_logical3A_69 = vector.broadcast %shift_right_logical3A_68 : i32 to vector<16xi32>
    %shift_right_logical3A_70 = arith.shrui %get3A_60, %shift_right_logical3A_69 : vector<16xi32>
    %swap3A_71 = arith.constant 32 : index
    %swap3A_72 = tpu.vector_load %arg7[%swap3A_71] {strides = array<i32>} : memref<128xi32, #tpu.memory_space<vmem>>, vector<16xi32>,
    %swap3A_73 = vector.shape_cast %swap3A_72 : vector<16xi32> to vector<16xi32>
    %swap3A_74 = vector.shape_cast %shift_right_logical3A_70 : vector<16xi32> to vector<16xi32>
    tpu.vector_store %arg7[%swap3A_71], %swap3A_74 {strides = array<i32>} : memref<128xi32, #tpu.memory_space<vmem>>, vector<16xi32>,
    %get3A_75 = arith.constant 0 : i32
    %get3A_76 = arith.index_cast %get3A_75 : i32 to index
    %get3A_77 = arith.constant 48 : index
    %get3A_78 = tpu.vector_load %arg5[%get3A_76, %get3A_77] {strides = array<i32>} : memref<128x128xi32, #tpu.memory_space<vmem>>, vector<1x16xi32>,
    %get3A_79 = vector.shape_cast %get3A_78 : vector<1x16xi32> to vector<16xi32>
    %and3A_80 = arith.constant 16383 : i32
    %and3A_81 = vector.broadcast %and3A_80 : i32 to vector<16xi32>
    %and3A_82 = arith.andi %get3A_79, %and3A_81 : vector<16xi32>
    %swap3A_83 = arith.constant 48 : index
    %swap3A_84 = tpu.vector_load %arg6[%swap3A_83] {strides = array<i32>} : memref<128xi32, #tpu.memory_space<vmem>>, vector<16xi32>,
    %swap3A_85 = vector.shape_cast %swap3A_84 : vector<16xi32> to vector<16xi32>
    %swap3A_86 = vector.shape_cast %and3A_82 : vector<16xi32> to vector<16xi32>
    tpu.vector_store %arg6[%swap3A_83], %swap3A_86 {strides = array<i32>} : memref<128xi32, #tpu.memory_space<vmem>>, vector<16xi32>,
    %shift_right_logical3A_87 = arith.constant 14 : i32
    %shift_right_logical3A_88 = vector.broadcast %shift_right_logical3A_87 : i32 to vector<16xi32>
    %shift_right_logical3A_89 = arith.shrui %get3A_79, %shift_right_logical3A_88 : vector<16xi32>
    %swap3A_90 = arith.constant 48 : index
    %swap3A_91 = tpu.vector_load %arg7[%swap3A_90] {strides = array<i32>} : memref<128xi32, #tpu.memory_space<vmem>>, vector<16xi32>,
    %swap3A_92 = vector.shape_cast %swap3A_91 : vector<16xi32> to vector<16xi32>
    %swap3A_93 = vector.shape_cast %shift_right_logical3A_89 : vector<16xi32> to vector<16xi32>
    tpu.vector_store %arg7[%swap3A_90], %swap3A_93 {strides = array<i32>} : memref<128xi32, #tpu.memory_space<vmem>>, vector<16xi32>,
    %get3A_94 = arith.constant 0 : i32
    %get3A_95 = arith.index_cast %get3A_94 : i32 to index
    %get3A_96 = arith.constant 64 : index
    %get3A_97 = tpu.vector_load %arg5[%get3A_95, %get3A_96] {strides = array<i32>} : memref<128x128xi32, #tpu.memory_space<vmem>>, vector<1x16xi32>,
    %get3A_98 = vector.shape_cast %get3A_97 : vector<1x16xi32> to vector<16xi32>
    %and3A_99 = arith.constant 16383 : i32
    %and3A_100 = vector.broadcast %and3A_99 : i32 to vector<16xi32>
    %and3A_101 = arith.andi %get3A_98, %and3A_100 : vector<16xi32>
    %swap3A_102 = arith.constant 64 : index
    %swap3A_103 = tpu.vector_load %arg6[%swap3A_102] {strides = array<i32>} : memref<128xi32, #tpu.memory_space<vmem>>, vector<16xi32>,
    %swap3A_104 = vector.shape_cast %swap3A_103 : vector<16xi32> to vector<16xi32>
    %swap3A_105 = vector.shape_cast %and3A_101 : vector<16xi32> to vector<16xi32>
    tpu.vector_store %arg6[%swap3A_102], %swap3A_105 {strides = array<i32>} : memref<128xi32, #tpu.memory_space<vmem>>, vector<16xi32>,
    %shift_right_logical3A_106 = arith.constant 14 : i32
    %shift_right_logical3A_107 = vector.broadcast %shift_right_logical3A_106 : i32 to vector<16xi32>
    %shift_right_logical3A_108 = arith.shrui %get3A_98, %shift_right_logical3A_107 : vector<16xi32>
    %swap3A_109 = arith.constant 64 : index
    %swap3A_110 = tpu.vector_load %arg7[%swap3A_109] {strides = array<i32>} : memref<128xi32, #tpu.memory_space<vmem>>, vector<16xi32>,
    %swap3A_111 = vector.shape_cast %swap3A_110 : vector<16xi32> to vector<16xi32>
    %swap3A_112 = vector.shape_cast %shift_right_logical3A_108 : vector<16xi32> to vector<16xi32>
    tpu.vector_store %arg7[%swap3A_109], %swap3A_112 {strides = array<i32>} : memref<128xi32, #tpu.memory_space<vmem>>, vector<16xi32>,
    %get3A_113 = arith.constant 0 : i32
    %get3A_114 = arith.index_cast %get3A_113 : i32 to index
    %get3A_115 = arith.constant 80 : index
    %get3A_116 = tpu.vector_load %arg5[%get3A_114, %get3A_115] {strides = array<i32>} : memref<128x128xi32, #tpu.memory_space<vmem>>, vector<1x16xi32>,
    %get3A_117 = vector.shape_cast %get3A_116 : vector<1x16xi32> to vector<16xi32>
    %and3A_118 = arith.constant 16383 : i32
    %and3A_119 = vector.broadcast %and3A_118 : i32 to vector<16xi32>
    %and3A_120 = arith.andi %get3A_117, %and3A_119 : vector<16xi32>
    %swap3A_121 = arith.constant 80 : index
    %swap3A_122 = tpu.vector_load %arg6[%swap3A_121] {strides = array<i32>} : memref<128xi32, #tpu.memory_space<vmem>>, vector<16xi32>,
    %swap3A_123 = vector.shape_cast %swap3A_122 : vector<16xi32> to vector<16xi32>
    %swap3A_124 = vector.shape_cast %and3A_120 : vector<16xi32> to vector<16xi32>
    tpu.vector_store %arg6[%swap3A_121], %swap3A_124 {strides = array<i32>} : memref<128xi32, #tpu.memory_space<vmem>>, vector<16xi32>,
    %shift_right_logical3A_125 = arith.constant 14 : i32
    %shift_right_logical3A_126 = vector.broadcast %shift_right_logical3A_125 : i32 to vector<16xi32>
    %shift_right_logical3A_127 = arith.shrui %get3A_117, %shift_right_logical3A_126 : vector<16xi32>
    %swap3A_128 = arith.constant 80 : index
    %swap3A_129 = tpu.vector_load %arg7[%swap3A_128] {strides = array<i32>} : memref<128xi32, #tpu.memory_space<vmem>>, vector<16xi32>,
    %swap3A_130 = vector.shape_cast %swap3A_129 : vector<16xi32> to vector<16xi32>
    %swap3A_131 = vector.shape_cast %shift_right_logical3A_127 : vector<16xi32> to vector<16xi32>
    tpu.vector_store %arg7[%swap3A_128], %swap3A_131 {strides = array<i32>} : memref<128xi32, #tpu.memory_space<vmem>>, vector<16xi32>,
    %get3A_132 = arith.constant 0 : i32
    %get3A_133 = arith.index_cast %get3A_132 : i32 to index
    %get3A_134 = arith.constant 96 : index
    %get3A_135 = tpu.vector_load %arg5[%get3A_133, %get3A_134] {strides = array<i32>} : memref<128x128xi32, #tpu.memory_space<vmem>>, vector<1x16xi32>,
    %get3A_136 = vector.shape_cast %get3A_135 : vector<1x16xi32> to vector<16xi32>
    %and3A_137 = arith.constant 16383 : i32
    %and3A_138 = vector.broadcast %and3A_137 : i32 to vector<16xi32>
    %and3A_139 = arith.andi %get3A_136, %and3A_138 : vector<16xi32>
    %swap3A_140 = arith.constant 96 : index
    %swap3A_141 = tpu.vector_load %arg6[%swap3A_140] {strides = array<i32>} : memref<128xi32, #tpu.memory_space<vmem>>, vector<16xi32>,
    %swap3A_142 = vector.shape_cast %swap3A_141 : vector<16xi32> to vector<16xi32>
    %swap3A_143 = vector.shape_cast %and3A_139 : vector<16xi32> to vector<16xi32>
    tpu.vector_store %arg6[%swap3A_140], %swap3A_143 {strides = array<i32>} : memref<128xi32, #tpu.memory_space<vmem>>, vector<16xi32>,
    %shift_right_logical3A_144 = arith.constant 14 : i32
    %shift_right_logical3A_145 = vector.broadcast %shift_right_logical3A_144 : i32 to vector<16xi32>
    %shift_right_logical3A_146 = arith.shrui %get3A_136, %shift_right_logical3A_145 : vector<16xi32>
    %swap3A_147 = arith.constant 96 : index
    %swap3A_148 = tpu.vector_load %arg7[%swap3A_147] {strides = array<i32>} : memref<128xi32, #tpu.memory_space<vmem>>, vector<16xi32>,
    %swap3A_149 = vector.shape_cast %swap3A_148 : vector<16xi32> to vector<16xi32>
    %swap3A_150 = vector.shape_cast %shift_right_logical3A_146 : vector<16xi32> to vector<16xi32>
    tpu.vector_store %arg7[%swap3A_147], %swap3A_150 {strides = array<i32>} : memref<128xi32, #tpu.memory_space<vmem>>, vector<16xi32>,
    %get3A_151 = arith.constant 0 : i32
    %get3A_152 = arith.index_cast %get3A_151 : i32 to index
    %get3A_153 = arith.constant 112 : index
    %get3A_154 = tpu.vector_load %arg5[%get3A_152, %get3A_153] {strides = array<i32>} : memref<128x128xi32, #tpu.memory_space<vmem>>, vector<1x16xi32>,
    %get3A_155 = vector.shape_cast %get3A_154 : vector<1x16xi32> to vector<16xi32>
    %and3A_156 = arith.constant 16383 : i32
    %and3A_157 = vector.broadcast %and3A_156 : i32 to vector<16xi32>
    %and3A_158 = arith.andi %get3A_155, %and3A_157 : vector<16xi32>
    %swap3A_159 = arith.constant 112 : index
    %swap3A_160 = tpu.vector_load %arg6[%swap3A_159] {strides = array<i32>} : memref<128xi32, #tpu.memory_space<vmem>>, vector<16xi32>,
    %swap3A_161 = vector.shape_cast %swap3A_160 : vector<16xi32> to vector<16xi32>
    %swap3A_162 = vector.shape_cast %and3A_158 : vector<16xi32> to vector<16xi32>
    tpu.vector_store %arg6[%swap3A_159], %swap3A_162 {strides = array<i32>} : memref<128xi32, #tpu.memory_space<vmem>>, vector<16xi32>,
    %shift_right_logical3A_163 = arith.constant 14 : i32
    %shift_right_logical3A_164 = vector.broadcast %shift_right_logical3A_163 : i32 to vector<16xi32>
    %shift_right_logical3A_165 = arith.shrui %get3A_155, %shift_right_logical3A_164 : vector<16xi32>
    %swap3A_166 = arith.constant 112 : index
    %swap3A_167 = tpu.vector_load %arg7[%swap3A_166] {strides = array<i32>} : memref<128xi32, #tpu.memory_space<vmem>>, vector<16xi32>,
    %swap3A_168 = vector.shape_cast %swap3A_167 : vector<16xi32> to vector<16xi32>
    %swap3A_169 = vector.shape_cast %shift_right_logical3A_165 : vector<16xi32> to vector<16xi32>
    tpu.vector_store %arg7[%swap3A_166], %swap3A_169 {strides = array<i32>} : memref<128xi32, #tpu.memory_space<vmem>>, vector<16xi32>,
    %dma_start3A = arith.constant 0 : i32
    %dma_start3A_170 = arith.constant 0 : i32
    %dma_start3A_171 = tpu.memref_slice %arg2[%dma_start3A, %dma_start3A_170] : memref<10000x128xf32, #tpu.memory_space<hbm>> -> memref<10000x128xf32, #tpu.memory_space<hbm>>
    tpu.enqueue_indirect_dma source(%dma_start3A_171 : memref<10000x128xf32, #tpu.memory_space<hbm>>) target(%arg10 : memref<128x128xf32, #tpu.memory_space<vmem>>) offsets(%arg6 : memref<128xi32, #tpu.memory_space<vmem>>) semaphore(%arg13 : memref<!tpu.dma_semaphore, #tpu.memory_space<semaphore_mem>>)
    %get3A_172 = arith.constant 1 : i32
    %get3A_173 = arith.index_cast %get3A_172 : i32 to index
    %get3A_174 = arith.constant 0 : index
    %get3A_175 = tpu.vector_load %arg5[%get3A_173, %get3A_174] {strides = array<i32>} : memref<128x128xi32, #tpu.memory_space<vmem>>, vector<1x16xi32>,
    %get3A_176 = vector.shape_cast %get3A_175 : vector<1x16xi32> to vector<16xi32>
    %and3A_177 = arith.constant 16383 : i32
    %and3A_178 = vector.broadcast %and3A_177 : i32 to vector<16xi32>
    %and3A_179 = arith.andi %get3A_176, %and3A_178 : vector<16xi32>
    %swap3A_180 = arith.constant 0 : index
    %swap3A_181 = tpu.vector_load %arg8[%swap3A_180] {strides = array<i32>} : memref<128xi32, #tpu.memory_space<vmem>>, vector<16xi32>,
    %swap3A_182 = vector.shape_cast %swap3A_181 : vector<16xi32> to vector<16xi32>
    %swap3A_183 = vector.shape_cast %and3A_179 : vector<16xi32> to vector<16xi32>
    tpu.vector_store %arg8[%swap3A_180], %swap3A_183 {strides = array<i32>} : memref<128xi32, #tpu.memory_space<vmem>>, vector<16xi32>,
    %shift_right_logical3A_184 = arith.constant 14 : i32
    %shift_right_logical3A_185 = vector.broadcast %shift_right_logical3A_184 : i32 to vector<16xi32>
    %shift_right_logical3A_186 = arith.shrui %get3A_176, %shift_right_logical3A_185 : vector<16xi32>
    %swap3A_187 = arith.constant 0 : index
    %swap3A_188 = tpu.vector_load %arg9[%swap3A_187] {strides = array<i32>} : memref<128xi32, #tpu.memory_space<vmem>>, vector<16xi32>,
    %swap3A_189 = vector.shape_cast %swap3A_188 : vector<16xi32> to vector<16xi32>
    %swap3A_190 = vector.shape_cast %shift_right_logical3A_186 : vector<16xi32> to vector<16xi32>
    tpu.vector_store %arg9[%swap3A_187], %swap3A_190 {strides = array<i32>} : memref<128xi32, #tpu.memory_space<vmem>>, vector<16xi32>,
    %get3A_191 = arith.constant 1 : i32
    %get3A_192 = arith.index_cast %get3A_191 : i32 to index
    %get3A_193 = arith.constant 16 : index
    %get3A_194 = tpu.vector_load %arg5[%get3A_192, %get3A_193] {strides = array<i32>} : memref<128x128xi32, #tpu.memory_space<vmem>>, vector<1x16xi32>,
    %get3A_195 = vector.shape_cast %get3A_194 : vector<1x16xi32> to vector<16xi32>
    %and3A_196 = arith.constant 16383 : i32
    %and3A_197 = vector.broadcast %and3A_196 : i32 to vector<16xi32>
    %and3A_198 = arith.andi %get3A_195, %and3A_197 : vector<16xi32>
    %swap3A_199 = arith.constant 16 : index
    %swap3A_200 = tpu.vector_load %arg8[%swap3A_199] {strides = array<i32>} : memref<128xi32, #tpu.memory_space<vmem>>, vector<16xi32>,
    %swap3A_201 = vector.shape_cast %swap3A_200 : vector<16xi32> to vector<16xi32>
    %swap3A_202 = vector.shape_cast %and3A_198 : vector<16xi32> to vector<16xi32>
    tpu.vector_store %arg8[%swap3A_199], %swap3A_202 {strides = array<i32>} : memref<128xi32, #tpu.memory_space<vmem>>, vector<16xi32>,
    %shift_right_logical3A_203 = arith.constant 14 : i32
    %shift_right_logical3A_204 = vector.broadcast %shift_right_logical3A_203 : i32 to vector<16xi32>
    %shift_right_logical3A_205 = arith.shrui %get3A_195, %shift_right_logical3A_204 : vector<16xi32>
    %swap3A_206 = arith.constant 16 : index
    %swap3A_207 = tpu.vector_load %arg9[%swap3A_206] {strides = array<i32>} : memref<128xi32, #tpu.memory_space<vmem>>, vector<16xi32>,
    %swap3A_208 = vector.shape_cast %swap3A_207 : vector<16xi32> to vector<16xi32>
    %swap3A_209 = vector.shape_cast %shift_right_logical3A_205 : vector<16xi32> to vector<16xi32>
    tpu.vector_store %arg9[%swap3A_206], %swap3A_209 {strides = array<i32>} : memref<128xi32, #tpu.memory_space<vmem>>, vector<16xi32>,
    %get3A_210 = arith.constant 1 : i32
    %get3A_211 = arith.index_cast %get3A_210 : i32 to index
    %get3A_212 = arith.constant 32 : index
    %get3A_213 = tpu.vector_load %arg5[%get3A_211, %get3A_212] {strides = array<i32>} : memref<128x128xi32, #tpu.memory_space<vmem>>, vector<1x16xi32>,
    %get3A_214 = vector.shape_cast %get3A_213 : vector<1x16xi32> to vector<16xi32>
    %and3A_215 = arith.constant 16383 : i32
    %and3A_216 = vector.broadcast %and3A_215 : i32 to vector<16xi32>
    %and3A_217 = arith.andi %get3A_214, %and3A_216 : vector<16xi32>
    %swap3A_218 = arith.constant 32 : index
    %swap3A_219 = tpu.vector_load %arg8[%swap3A_218] {strides = array<i32>} : memref<128xi32, #tpu.memory_space<vmem>>, vector<16xi32>,
    %swap3A_220 = vector.shape_cast %swap3A_219 : vector<16xi32> to vector<16xi32>
    %swap3A_221 = vector.shape_cast %and3A_217 : vector<16xi32> to vector<16xi32>
    tpu.vector_store %arg8[%swap3A_218], %swap3A_221 {strides = array<i32>} : memref<128xi32, #tpu.memory_space<vmem>>, vector<16xi32>,
    %shift_right_logical3A_222 = arith.constant 14 : i32
    %shift_right_logical3A_223 = vector.broadcast %shift_right_logical3A_222 : i32 to vector<16xi32>
    %shift_right_logical3A_224 = arith.shrui %get3A_214, %shift_right_logical3A_223 : vector<16xi32>
    %swap3A_225 = arith.constant 32 : index
    %swap3A_226 = tpu.vector_load %arg9[%swap3A_225] {strides = array<i32>} : memref<128xi32, #tpu.memory_space<vmem>>, vector<16xi32>,
    %swap3A_227 = vector.shape_cast %swap3A_226 : vector<16xi32> to vector<16xi32>
    %swap3A_228 = vector.shape_cast %shift_right_logical3A_224 : vector<16xi32> to vector<16xi32>
    tpu.vector_store %arg9[%swap3A_225], %swap3A_228 {strides = array<i32>} : memref<128xi32, #tpu.memory_space<vmem>>, vector<16xi32>,
    %get3A_229 = arith.constant 1 : i32
    %get3A_230 = arith.index_cast %get3A_229 : i32 to index
    %get3A_231 = arith.constant 48 : index
    %get3A_232 = tpu.vector_load %arg5[%get3A_230, %get3A_231] {strides = array<i32>} : memref<128x128xi32, #tpu.memory_space<vmem>>, vector<1x16xi32>,
    %get3A_233 = vector.shape_cast %get3A_232 : vector<1x16xi32> to vector<16xi32>
    %and3A_234 = arith.constant 16383 : i32
    %and3A_235 = vector.broadcast %and3A_234 : i32 to vector<16xi32>
    %and3A_236 = arith.andi %get3A_233, %and3A_235 : vector<16xi32>
    %swap3A_237 = arith.constant 48 : index
    %swap3A_238 = tpu.vector_load %arg8[%swap3A_237] {strides = array<i32>} : memref<128xi32, #tpu.memory_space<vmem>>, vector<16xi32>,
    %swap3A_239 = vector.shape_cast %swap3A_238 : vector<16xi32> to vector<16xi32>
    %swap3A_240 = vector.shape_cast %and3A_236 : vector<16xi32> to vector<16xi32>
    tpu.vector_store %arg8[%swap3A_237], %swap3A_240 {strides = array<i32>} : memref<128xi32, #tpu.memory_space<vmem>>, vector<16xi32>,
    %shift_right_logical3A_241 = arith.constant 14 : i32
    %shift_right_logical3A_242 = vector.broadcast %shift_right_logical3A_241 : i32 to vector<16xi32>
    %shift_right_logical3A_243 = arith.shrui %get3A_233, %shift_right_logical3A_242 : vector<16xi32>
    %swap3A_244 = arith.constant 48 : index
    %swap3A_245 = tpu.vector_load %arg9[%swap3A_244] {strides = array<i32>} : memref<128xi32, #tpu.memory_space<vmem>>, vector<16xi32>,
    %swap3A_246 = vector.shape_cast %swap3A_245 : vector<16xi32> to vector<16xi32>
    %swap3A_247 = vector.shape_cast %shift_right_logical3A_243 : vector<16xi32> to vector<16xi32>
    tpu.vector_store %arg9[%swap3A_244], %swap3A_247 {strides = array<i32>} : memref<128xi32, #tpu.memory_space<vmem>>, vector<16xi32>,
    %get3A_248 = arith.constant 1 : i32
    %get3A_249 = arith.index_cast %get3A_248 : i32 to index
    %get3A_250 = arith.constant 64 : index
    %get3A_251 = tpu.vector_load %arg5[%get3A_249, %get3A_250] {strides = array<i32>} : memref<128x128xi32, #tpu.memory_space<vmem>>, vector<1x16xi32>,
    %get3A_252 = vector.shape_cast %get3A_251 : vector<1x16xi32> to vector<16xi32>
    %and3A_253 = arith.constant 16383 : i32
    %and3A_254 = vector.broadcast %and3A_253 : i32 to vector<16xi32>
    %and3A_255 = arith.andi %get3A_252, %and3A_254 : vector<16xi32>
    %swap3A_256 = arith.constant 64 : index
    %swap3A_257 = tpu.vector_load %arg8[%swap3A_256] {strides = array<i32>} : memref<128xi32, #tpu.memory_space<vmem>>, vector<16xi32>,
    %swap3A_258 = vector.shape_cast %swap3A_257 : vector<16xi32> to vector<16xi32>
    %swap3A_259 = vector.shape_cast %and3A_255 : vector<16xi32> to vector<16xi32>
    tpu.vector_store %arg8[%swap3A_256], %swap3A_259 {strides = array<i32>} : memref<128xi32, #tpu.memory_space<vmem>>, vector<16xi32>,
    %shift_right_logical3A_260 = arith.constant 14 : i32
    %shift_right_logical3A_261 = vector.broadcast %shift_right_logical3A_260 : i32 to vector<16xi32>
    %shift_right_logical3A_262 = arith.shrui %get3A_252, %shift_right_logical3A_261 : vector<16xi32>
    %swap3A_263 = arith.constant 64 : index
    %swap3A_264 = tpu.vector_load %arg9[%swap3A_263] {strides = array<i32>} : memref<128xi32, #tpu.memory_space<vmem>>, vector<16xi32>,
    %swap3A_265 = vector.shape_cast %swap3A_264 : vector<16xi32> to vector<16xi32>
    %swap3A_266 = vector.shape_cast %shift_right_logical3A_262 : vector<16xi32> to vector<16xi32>
    tpu.vector_store %arg9[%swap3A_263], %swap3A_266 {strides = array<i32>} : memref<128xi32, #tpu.memory_space<vmem>>, vector<16xi32>,
    %get3A_267 = arith.constant 1 : i32
    %get3A_268 = arith.index_cast %get3A_267 : i32 to index
    %get3A_269 = arith.constant 80 : index
    %get3A_270 = tpu.vector_load %arg5[%get3A_268, %get3A_269] {strides = array<i32>} : memref<128x128xi32, #tpu.memory_space<vmem>>, vector<1x16xi32>,
    %get3A_271 = vector.shape_cast %get3A_270 : vector<1x16xi32> to vector<16xi32>
    %and3A_272 = arith.constant 16383 : i32
    %and3A_273 = vector.broadcast %and3A_272 : i32 to vector<16xi32>
    %and3A_274 = arith.andi %get3A_271, %and3A_273 : vector<16xi32>
    %swap3A_275 = arith.constant 80 : index
    %swap3A_276 = tpu.vector_load %arg8[%swap3A_275] {strides = array<i32>} : memref<128xi32, #tpu.memory_space<vmem>>, vector<16xi32>,
    %swap3A_277 = vector.shape_cast %swap3A_276 : vector<16xi32> to vector<16xi32>
    %swap3A_278 = vector.shape_cast %and3A_274 : vector<16xi32> to vector<16xi32>
    tpu.vector_store %arg8[%swap3A_275], %swap3A_278 {strides = array<i32>} : memref<128xi32, #tpu.memory_space<vmem>>, vector<16xi32>,
    %shift_right_logical3A_279 = arith.constant 14 : i32
    %shift_right_logical3A_280 = vector.broadcast %shift_right_logical3A_279 : i32 to vector<16xi32>
    %shift_right_logical3A_281 = arith.shrui %get3A_271, %shift_right_logical3A_280 : vector<16xi32>
    %swap3A_282 = arith.constant 80 : index
    %swap3A_283 = tpu.vector_load %arg9[%swap3A_282] {strides = array<i32>} : memref<128xi32, #tpu.memory_space<vmem>>, vector<16xi32>,
    %swap3A_284 = vector.shape_cast %swap3A_283 : vector<16xi32> to vector<16xi32>
    %swap3A_285 = vector.shape_cast %shift_right_logical3A_281 : vector<16xi32> to vector<16xi32>
    tpu.vector_store %arg9[%swap3A_282], %swap3A_285 {strides = array<i32>} : memref<128xi32, #tpu.memory_space<vmem>>, vector<16xi32>,
    %get3A_286 = arith.constant 1 : i32
    %get3A_287 = arith.index_cast %get3A_286 : i32 to index
    %get3A_288 = arith.constant 96 : index
    %get3A_289 = tpu.vector_load %arg5[%get3A_287, %get3A_288] {strides = array<i32>} : memref<128x128xi32, #tpu.memory_space<vmem>>, vector<1x16xi32>,
    %get3A_290 = vector.shape_cast %get3A_289 : vector<1x16xi32> to vector<16xi32>
    %and3A_291 = arith.constant 16383 : i32
    %and3A_292 = vector.broadcast %and3A_291 : i32 to vector<16xi32>
    %and3A_293 = arith.andi %get3A_290, %and3A_292 : vector<16xi32>
    %swap3A_294 = arith.constant 96 : index
    %swap3A_295 = tpu.vector_load %arg8[%swap3A_294] {strides = array<i32>} : memref<128xi32, #tpu.memory_space<vmem>>, vector<16xi32>,
    %swap3A_296 = vector.shape_cast %swap3A_295 : vector<16xi32> to vector<16xi32>
    %swap3A_297 = vector.shape_cast %and3A_293 : vector<16xi32> to vector<16xi32>
    tpu.vector_store %arg8[%swap3A_294], %swap3A_297 {strides = array<i32>} : memref<128xi32, #tpu.memory_space<vmem>>, vector<16xi32>,
    %shift_right_logical3A_298 = arith.constant 14 : i32
    %shift_right_logical3A_299 = vector.broadcast %shift_right_logical3A_298 : i32 to vector<16xi32>
    %shift_right_logical3A_300 = arith.shrui %get3A_290, %shift_right_logical3A_299 : vector<16xi32>
    %swap3A_301 = arith.constant 96 : index
    %swap3A_302 = tpu.vector_load %arg9[%swap3A_301] {strides = array<i32>} : memref<128xi32, #tpu.memory_space<vmem>>, vector<16xi32>,
    %swap3A_303 = vector.shape_cast %swap3A_302 : vector<16xi32> to vector<16xi32>
    %swap3A_304 = vector.shape_cast %shift_right_logical3A_300 : vector<16xi32> to vector<16xi32>
    tpu.vector_store %arg9[%swap3A_301], %swap3A_304 {strides = array<i32>} : memref<128xi32, #tpu.memory_space<vmem>>, vector<16xi32>,
    %get3A_305 = arith.constant 1 : i32
    %get3A_306 = arith.index_cast %get3A_305 : i32 to index
    %get3A_307 = arith.constant 112 : index
    %get3A_308 = tpu.vector_load %arg5[%get3A_306, %get3A_307] {strides = array<i32>} : memref<128x128xi32, #tpu.memory_space<vmem>>, vector<1x16xi32>,
    %get3A_309 = vector.shape_cast %get3A_308 : vector<1x16xi32> to vector<16xi32>
    %and3A_310 = arith.constant 16383 : i32
    %and3A_311 = vector.broadcast %and3A_310 : i32 to vector<16xi32>
    %and3A_312 = arith.andi %get3A_309, %and3A_311 : vector<16xi32>
    %swap3A_313 = arith.constant 112 : index
    %swap3A_314 = tpu.vector_load %arg8[%swap3A_313] {strides = array<i32>} : memref<128xi32, #tpu.memory_space<vmem>>, vector<16xi32>,
    %swap3A_315 = vector.shape_cast %swap3A_314 : vector<16xi32> to vector<16xi32>
    %swap3A_316 = vector.shape_cast %and3A_312 : vector<16xi32> to vector<16xi32>
    tpu.vector_store %arg8[%swap3A_313], %swap3A_316 {strides = array<i32>} : memref<128xi32, #tpu.memory_space<vmem>>, vector<16xi32>,
    %shift_right_logical3A_317 = arith.constant 14 : i32
    %shift_right_logical3A_318 = vector.broadcast %shift_right_logical3A_317 : i32 to vector<16xi32>
    %shift_right_logical3A_319 = arith.shrui %get3A_309, %shift_right_logical3A_318 : vector<16xi32>
    %swap3A_320 = arith.constant 112 : index
    %swap3A_321 = tpu.vector_load %arg9[%swap3A_320] {strides = array<i32>} : memref<128xi32, #tpu.memory_space<vmem>>, vector<16xi32>,
    %swap3A_322 = vector.shape_cast %swap3A_321 : vector<16xi32> to vector<16xi32>
    %swap3A_323 = vector.shape_cast %shift_right_logical3A_319 : vector<16xi32> to vector<16xi32>
    tpu.vector_store %arg9[%swap3A_320], %swap3A_323 {strides = array<i32>} : memref<128xi32, #tpu.memory_space<vmem>>, vector<16xi32>,
    %jit3A_324 = arith.constant 2 : i32
    "tpu.trace_stop"() : () -> ()
    "tpu.trace_start"() <{level = 10 : i32, message = "mainloop"}> : () -> ()
    %div3A = arith.divsi %select_n3A, %jit3A_324 : i32
    %sign3A = arith.constant 0 : i32
    %sign3A_325 = arith.cmpi sgt, %select_n3A, %sign3A : i32
    %sign3A_326 = arith.extui %sign3A_325 : i1 to i32
    %sign3A_327 = arith.constant 0 : i32
    %sign3A_328 = arith.cmpi slt, %select_n3A, %sign3A_327 : i32
    %sign3A_329 = arith.extui %sign3A_328 : i1 to i32
    %sign3A_330 = arith.subi %sign3A_326, %sign3A_329 : i32
    %sign3A_331 = arith.constant 0 : i32
    %sign3A_332 = arith.cmpi sgt, %jit3A_324, %sign3A_331 : i32
    %sign3A_333 = arith.extui %sign3A_332 : i1 to i32
    %sign3A_334 = arith.constant 0 : i32
    %sign3A_335 = arith.cmpi slt, %jit3A_324, %sign3A_334 : i32
    %sign3A_336 = arith.extui %sign3A_335 : i1 to i32
    %sign3A_337 = arith.subi %sign3A_333, %sign3A_336 : i32
    %ne3A = arith.cmpi ne, %sign3A_330, %sign3A_337 : i32
    %rem3A = arith.remsi %select_n3A, %jit3A_324 : i32
    %ne3A_338 = arith.constant 0 : i32
    %ne3A_339 = arith.cmpi ne, %rem3A, %ne3A_338 : i32
    %and3A_340 = arith.andi %ne3A, %ne3A_339 : i1
    %sub3A_341 = arith.constant 1 : i32
    %sub3A_342 = arith.subi %div3A, %sub3A_341 : i32
    %select_n3A_343 = arith.select %and3A_340, %sub3A_342, %div3A : i32
    %while3A = arith.constant 0 : i32
    %while3A_344 = arith.constant 0 : i32
    %while3A_345 = arith.subi %select_n3A_343, %while3A_344 : i32
    %while3A_346 = arith.addi %while3A_344, %while3A_345 : i32
    %while3A_347 = arith.constant 1 : i32
    %while3A_348 = arith.divsi %while3A_345, %while3A_347 : i32
    %while3A_349 = arith.muli %while3A_348, %while3A_347 : i32
    %while3A_350 = arith.addi %while3A_344, %while3A_349 : i32
    %while3A_351 = arith.constant 1 : i32
    scf.for %while3A_356 = %while3A_344 to %while3A_350 step %while3A_351  : i32 {
      %mul3A_357 = arith.constant 2 : i32
      %mul3A_358 = arith.muli %mul3A_357, %while3A_356 : i32
      %dma_start3A_359 = arith.constant 0 : i32
      %dma_start3A_360 = arith.constant 0 : i32
      %dma_start3A_361 = tpu.memref_slice %arg2[%dma_start3A_359, %dma_start3A_360] : memref<10000x128xf32, #tpu.memory_space<hbm>> -> memref<10000x128xf32, #tpu.memory_space<hbm>>
      tpu.enqueue_indirect_dma source(%dma_start3A_361 : memref<10000x128xf32, #tpu.memory_space<hbm>>) target(%arg11 : memref<128x128xf32, #tpu.memory_space<vmem>>) offsets(%arg8 : memref<128xi32, #tpu.memory_space<vmem>>) semaphore(%arg14 : memref<!tpu.dma_semaphore, #tpu.memory_space<semaphore_mem>>)
      %dma_wait3A = arith.constant 0 : i32
      %dma_wait3A_362 = arith.constant 0 : i32
      %dma_wait3A_363 = tpu.memref_slice %arg2[%dma_wait3A, %dma_wait3A_362] : memref<10000x128xf32, #tpu.memory_space<hbm>> -> memref<10000x128xf32, #tpu.memory_space<hbm>>
      tpu.wait_indirect_dma semaphore(%arg13 : memref<!tpu.dma_semaphore, #tpu.memory_space<semaphore_mem>>) src(%dma_wait3A_363 : memref<10000x128xf32, #tpu.memory_space<hbm>>) dst(%arg10 : memref<128x128xf32, #tpu.memory_space<vmem>>)
      "tpu.region"() ({
        %run_scoped3A = tpu.sem_alloc : memref<!tpu.dma_semaphore, #tpu.memory_space<semaphore_mem>>
        %dma_start3A_376 = arith.constant 0 : i32
        %dma_start3A_377 = arith.constant 0 : i32
        %dma_start3A_378 = tpu.memref_slice %arg12[%dma_start3A_376, %dma_start3A_377] : memref<10112x128xf32, #tpu.memory_space<vmem_shared>> -> memref<10112x128xf32, #tpu.memory_space<vmem_shared>>
        tpu.enqueue_indirect_dma source(%arg10 : memref<128x128xf32, #tpu.memory_space<vmem>>) target(%dma_start3A_378 : memref<10112x128xf32, #tpu.memory_space<vmem_shared>>) offsets(%arg7 : memref<128xi32, #tpu.memory_space<vmem>>) semaphore(%run_scoped3A : memref<!tpu.dma_semaphore, #tpu.memory_space<semaphore_mem>>) {add = true}
        %dma_wait3A_379 = arith.constant 0 : i32
        %dma_wait3A_380 = arith.constant 0 : i32
        %dma_wait3A_381 = tpu.memref_slice %arg12[%dma_wait3A_379, %dma_wait3A_380] : memref<10112x128xf32, #tpu.memory_space<vmem_shared>> -> memref<10112x128xf32, #tpu.memory_space<vmem_shared>>
        tpu.wait_indirect_dma semaphore(%run_scoped3A : memref<!tpu.dma_semaphore, #tpu.memory_space<semaphore_mem>>) src(%arg10 : memref<128x128xf32, #tpu.memory_space<vmem>>) dst(%dma_wait3A_381 : memref<10112x128xf32, #tpu.memory_space<vmem_shared>>)
        tpu.yield
      }) : () -> ()
      %add3A_364 = arith.constant 2 : i32
      %add3A_365 = arith.addi %mul3A_358, %add3A_364 : i32
      %lt3A = arith.cmpi slt, %add3A_365, %select_n3A : i32
      %convert_element_type3A = arith.extui %lt3A : i1 to i32
      %cond3A = arith.constant 0 : i32
      %cond3A_366 = arith.cmpi ne, %convert_element_type3A, %cond3A : i32
      scf.if %cond3A_366 {
        %add3A_376 = arith.constant 2 : i32
        %add3A_377 = arith.addi %mul3A_358, %add3A_376 : i32
        %get3A_378 = arith.index_cast %add3A_377 : i32 to index
        %get3A_379 = arith.constant 0 : index
        %get3A_380 = tpu.vector_load %arg5[%get3A_378, %get3A_379] {strides = array<i32>} : memref<128x128xi32, #tpu.memory_space<vmem>>, vector<1x16xi32>,
        %get3A_381 = vector.shape_cast %get3A_380 : vector<1x16xi32> to vector<16xi32>
        %and3A_382 = arith.constant 16383 : i32
        %and3A_383 = vector.broadcast %and3A_382 : i32 to vector<16xi32>
        %and3A_384 = arith.andi %get3A_381, %and3A_383 : vector<16xi32>
        %swap3A_385 = arith.constant 0 : index
        %swap3A_386 = tpu.vector_load %arg6[%swap3A_385] {strides = array<i32>} : memref<128xi32, #tpu.memory_space<vmem>>, vector<16xi32>,
        %swap3A_387 = vector.shape_cast %swap3A_386 : vector<16xi32> to vector<16xi32>
        %swap3A_388 = vector.shape_cast %and3A_384 : vector<16xi32> to vector<16xi32>
        tpu.vector_store %arg6[%swap3A_385], %swap3A_388 {strides = array<i32>} : memref<128xi32, #tpu.memory_space<vmem>>, vector<16xi32>,
        %shift_right_logical3A_389 = arith.constant 14 : i32
        %shift_right_logical3A_390 = vector.broadcast %shift_right_logical3A_389 : i32 to vector<16xi32>
        %shift_right_logical3A_391 = arith.shrui %get3A_381, %shift_right_logical3A_390 : vector<16xi32>
        %swap3A_392 = arith.constant 0 : index
        %swap3A_393 = tpu.vector_load %arg7[%swap3A_392] {strides = array<i32>} : memref<128xi32, #tpu.memory_space<vmem>>, vector<16xi32>,
        %swap3A_394 = vector.shape_cast %swap3A_393 : vector<16xi32> to vector<16xi32>
        %swap3A_395 = vector.shape_cast %shift_right_logical3A_391 : vector<16xi32> to vector<16xi32>
        tpu.vector_store %arg7[%swap3A_392], %swap3A_395 {strides = array<i32>} : memref<128xi32, #tpu.memory_space<vmem>>, vector<16xi32>,
        %get3A_396 = arith.index_cast %add3A_377 : i32 to index
        %get3A_397 = arith.constant 16 : index
        %get3A_398 = tpu.vector_load %arg5[%get3A_396, %get3A_397] {strides = array<i32>} : memref<128x128xi32, #tpu.memory_space<vmem>>, vector<1x16xi32>,
        %get3A_399 = vector.shape_cast %get3A_398 : vector<1x16xi32> to vector<16xi32>
        %and3A_400 = arith.constant 16383 : i32
        %and3A_401 = vector.broadcast %and3A_400 : i32 to vector<16xi32>
        %and3A_402 = arith.andi %get3A_399, %and3A_401 : vector<16xi32>
        %swap3A_403 = arith.constant 16 : index
        %swap3A_404 = tpu.vector_load %arg6[%swap3A_403] {strides = array<i32>} : memref<128xi32, #tpu.memory_space<vmem>>, vector<16xi32>,
        %swap3A_405 = vector.shape_cast %swap3A_404 : vector<16xi32> to vector<16xi32>
        %swap3A_406 = vector.shape_cast %and3A_402 : vector<16xi32> to vector<16xi32>
        tpu.vector_store %arg6[%swap3A_403], %swap3A_406 {strides = array<i32>} : memref<128xi32, #tpu.memory_space<vmem>>, vector<16xi32>,
        %shift_right_logical3A_407 = arith.constant 14 : i32
        %shift_right_logical3A_408 = vector.broadcast %shift_right_logical3A_407 : i32 to vector<16xi32>
        %shift_right_logical3A_409 = arith.shrui %get3A_399, %shift_right_logical3A_408 : vector<16xi32>
        %swap3A_410 = arith.constant 16 : index
        %swap3A_411 = tpu.vector_load %arg7[%swap3A_410] {strides = array<i32>} : memref<128xi32, #tpu.memory_space<vmem>>, vector<16xi32>,
        %swap3A_412 = vector.shape_cast %swap3A_411 : vector<16xi32> to vector<16xi32>
        %swap3A_413 = vector.shape_cast %shift_right_logical3A_409 : vector<16xi32> to vector<16xi32>
        tpu.vector_store %arg7[%swap3A_410], %swap3A_413 {strides = array<i32>} : memref<128xi32, #tpu.memory_space<vmem>>, vector<16xi32>,
        %get3A_414 = arith.index_cast %add3A_377 : i32 to index
        %get3A_415 = arith.constant 32 : index
        %get3A_416 = tpu.vector_load %arg5[%get3A_414, %get3A_415] {strides = array<i32>} : memref<128x128xi32, #tpu.memory_space<vmem>>, vector<1x16xi32>,
        %get3A_417 = vector.shape_cast %get3A_416 : vector<1x16xi32> to vector<16xi32>
        %and3A_418 = arith.constant 16383 : i32
        %and3A_419 = vector.broadcast %and3A_418 : i32 to vector<16xi32>
        %and3A_420 = arith.andi %get3A_417, %and3A_419 : vector<16xi32>
        %swap3A_421 = arith.constant 32 : index
        %swap3A_422 = tpu.vector_load %arg6[%swap3A_421] {strides = array<i32>} : memref<128xi32, #tpu.memory_space<vmem>>, vector<16xi32>,
        %swap3A_423 = vector.shape_cast %swap3A_422 : vector<16xi32> to vector<16xi32>
        %swap3A_424 = vector.shape_cast %and3A_420 : vector<16xi32> to vector<16xi32>
        tpu.vector_store %arg6[%swap3A_421], %swap3A_424 {strides = array<i32>} : memref<128xi32, #tpu.memory_space<vmem>>, vector<16xi32>,
        %shift_right_logical3A_425 = arith.constant 14 : i32
        %shift_right_logical3A_426 = vector.broadcast %shift_right_logical3A_425 : i32 to vector<16xi32>
        %shift_right_logical3A_427 = arith.shrui %get3A_417, %shift_right_logical3A_426 : vector<16xi32>
        %swap3A_428 = arith.constant 32 : index
        %swap3A_429 = tpu.vector_load %arg7[%swap3A_428] {strides = array<i32>} : memref<128xi32, #tpu.memory_space<vmem>>, vector<16xi32>,
        %swap3A_430 = vector.shape_cast %swap3A_429 : vector<16xi32> to vector<16xi32>
        %swap3A_431 = vector.shape_cast %shift_right_logical3A_427 : vector<16xi32> to vector<16xi32>
        tpu.vector_store %arg7[%swap3A_428], %swap3A_431 {strides = array<i32>} : memref<128xi32, #tpu.memory_space<vmem>>, vector<16xi32>,
        %get3A_432 = arith.index_cast %add3A_377 : i32 to index
        %get3A_433 = arith.constant 48 : index
        %get3A_434 = tpu.vector_load %arg5[%get3A_432, %get3A_433] {strides = array<i32>} : memref<128x128xi32, #tpu.memory_space<vmem>>, vector<1x16xi32>,
        %get3A_435 = vector.shape_cast %get3A_434 : vector<1x16xi32> to vector<16xi32>
        %and3A_436 = arith.constant 16383 : i32
        %and3A_437 = vector.broadcast %and3A_436 : i32 to vector<16xi32>
        %and3A_438 = arith.andi %get3A_435, %and3A_437 : vector<16xi32>
        %swap3A_439 = arith.constant 48 : index
        %swap3A_440 = tpu.vector_load %arg6[%swap3A_439] {strides = array<i32>} : memref<128xi32, #tpu.memory_space<vmem>>, vector<16xi32>,
        %swap3A_441 = vector.shape_cast %swap3A_440 : vector<16xi32> to vector<16xi32>
        %swap3A_442 = vector.shape_cast %and3A_438 : vector<16xi32> to vector<16xi32>
        tpu.vector_store %arg6[%swap3A_439], %swap3A_442 {strides = array<i32>} : memref<128xi32, #tpu.memory_space<vmem>>, vector<16xi32>,
        %shift_right_logical3A_443 = arith.constant 14 : i32
        %shift_right_logical3A_444 = vector.broadcast %shift_right_logical3A_443 : i32 to vector<16xi32>
        %shift_right_logical3A_445 = arith.shrui %get3A_435, %shift_right_logical3A_444 : vector<16xi32>
        %swap3A_446 = arith.constant 48 : index
        %swap3A_447 = tpu.vector_load %arg7[%swap3A_446] {strides = array<i32>} : memref<128xi32, #tpu.memory_space<vmem>>, vector<16xi32>,
        %swap3A_448 = vector.shape_cast %swap3A_447 : vector<16xi32> to vector<16xi32>
        %swap3A_449 = vector.shape_cast %shift_right_logical3A_445 : vector<16xi32> to vector<16xi32>
        tpu.vector_store %arg7[%swap3A_446], %swap3A_449 {strides = array<i32>} : memref<128xi32, #tpu.memory_space<vmem>>, vector<16xi32>,
        %get3A_450 = arith.index_cast %add3A_377 : i32 to index
        %get3A_451 = arith.constant 64 : index
        %get3A_452 = tpu.vector_load %arg5[%get3A_450, %get3A_451] {strides = array<i32>} : memref<128x128xi32, #tpu.memory_space<vmem>>, vector<1x16xi32>,
        %get3A_453 = vector.shape_cast %get3A_452 : vector<1x16xi32> to vector<16xi32>
        %and3A_454 = arith.constant 16383 : i32
        %and3A_455 = vector.broadcast %and3A_454 : i32 to vector<16xi32>
        %and3A_456 = arith.andi %get3A_453, %and3A_455 : vector<16xi32>
        %swap3A_457 = arith.constant 64 : index
        %swap3A_458 = tpu.vector_load %arg6[%swap3A_457] {strides = array<i32>} : memref<128xi32, #tpu.memory_space<vmem>>, vector<16xi32>,
        %swap3A_459 = vector.shape_cast %swap3A_458 : vector<16xi32> to vector<16xi32>
        %swap3A_460 = vector.shape_cast %and3A_456 : vector<16xi32> to vector<16xi32>
        tpu.vector_store %arg6[%swap3A_457], %swap3A_460 {strides = array<i32>} : memref<128xi32, #tpu.memory_space<vmem>>, vector<16xi32>,
        %shift_right_logical3A_461 = arith.constant 14 : i32
        %shift_right_logical3A_462 = vector.broadcast %shift_right_logical3A_461 : i32 to vector<16xi32>
        %shift_right_logical3A_463 = arith.shrui %get3A_453, %shift_right_logical3A_462 : vector<16xi32>
        %swap3A_464 = arith.constant 64 : index
        %swap3A_465 = tpu.vector_load %arg7[%swap3A_464] {strides = array<i32>} : memref<128xi32, #tpu.memory_space<vmem>>, vector<16xi32>,
        %swap3A_466 = vector.shape_cast %swap3A_465 : vector<16xi32> to vector<16xi32>
        %swap3A_467 = vector.shape_cast %shift_right_logical3A_463 : vector<16xi32> to vector<16xi32>
        tpu.vector_store %arg7[%swap3A_464], %swap3A_467 {strides = array<i32>} : memref<128xi32, #tpu.memory_space<vmem>>, vector<16xi32>,
        %get3A_468 = arith.index_cast %add3A_377 : i32 to index
        %get3A_469 = arith.constant 80 : index
        %get3A_470 = tpu.vector_load %arg5[%get3A_468, %get3A_469] {strides = array<i32>} : memref<128x128xi32, #tpu.memory_space<vmem>>, vector<1x16xi32>,
        %get3A_471 = vector.shape_cast %get3A_470 : vector<1x16xi32> to vector<16xi32>
        %and3A_472 = arith.constant 16383 : i32
        %and3A_473 = vector.broadcast %and3A_472 : i32 to vector<16xi32>
        %and3A_474 = arith.andi %get3A_471, %and3A_473 : vector<16xi32>
        %swap3A_475 = arith.constant 80 : index
        %swap3A_476 = tpu.vector_load %arg6[%swap3A_475] {strides = array<i32>} : memref<128xi32, #tpu.memory_space<vmem>>, vector<16xi32>,
        %swap3A_477 = vector.shape_cast %swap3A_476 : vector<16xi32> to vector<16xi32>
        %swap3A_478 = vector.shape_cast %and3A_474 : vector<16xi32> to vector<16xi32>
        tpu.vector_store %arg6[%swap3A_475], %swap3A_478 {strides = array<i32>} : memref<128xi32, #tpu.memory_space<vmem>>, vector<16xi32>,
        %shift_right_logical3A_479 = arith.constant 14 : i32
        %shift_right_logical3A_480 = vector.broadcast %shift_right_logical3A_479 : i32 to vector<16xi32>
        %shift_right_logical3A_481 = arith.shrui %get3A_471, %shift_right_logical3A_480 : vector<16xi32>
        %swap3A_482 = arith.constant 80 : index
        %swap3A_483 = tpu.vector_load %arg7[%swap3A_482] {strides = array<i32>} : memref<128xi32, #tpu.memory_space<vmem>>, vector<16xi32>,
        %swap3A_484 = vector.shape_cast %swap3A_483 : vector<16xi32> to vector<16xi32>
        %swap3A_485 = vector.shape_cast %shift_right_logical3A_481 : vector<16xi32> to vector<16xi32>
        tpu.vector_store %arg7[%swap3A_482], %swap3A_485 {strides = array<i32>} : memref<128xi32, #tpu.memory_space<vmem>>, vector<16xi32>,
        %get3A_486 = arith.index_cast %add3A_377 : i32 to index
        %get3A_487 = arith.constant 96 : index
        %get3A_488 = tpu.vector_load %arg5[%get3A_486, %get3A_487] {strides = array<i32>} : memref<128x128xi32, #tpu.memory_space<vmem>>, vector<1x16xi32>,
        %get3A_489 = vector.shape_cast %get3A_488 : vector<1x16xi32> to vector<16xi32>
        %and3A_490 = arith.constant 16383 : i32
        %and3A_491 = vector.broadcast %and3A_490 : i32 to vector<16xi32>
        %and3A_492 = arith.andi %get3A_489, %and3A_491 : vector<16xi32>
        %swap3A_493 = arith.constant 96 : index
        %swap3A_494 = tpu.vector_load %arg6[%swap3A_493] {strides = array<i32>} : memref<128xi32, #tpu.memory_space<vmem>>, vector<16xi32>,
        %swap3A_495 = vector.shape_cast %swap3A_494 : vector<16xi32> to vector<16xi32>
        %swap3A_496 = vector.shape_cast %and3A_492 : vector<16xi32> to vector<16xi32>
        tpu.vector_store %arg6[%swap3A_493], %swap3A_496 {strides = array<i32>} : memref<128xi32, #tpu.memory_space<vmem>>, vector<16xi32>,
        %shift_right_logical3A_497 = arith.constant 14 : i32
        %shift_right_logical3A_498 = vector.broadcast %shift_right_logical3A_497 : i32 to vector<16xi32>
        %shift_right_logical3A_499 = arith.shrui %get3A_489, %shift_right_logical3A_498 : vector<16xi32>
        %swap3A_500 = arith.constant 96 : index
        %swap3A_501 = tpu.vector_load %arg7[%swap3A_500] {strides = array<i32>} : memref<128xi32, #tpu.memory_space<vmem>>, vector<16xi32>,
        %swap3A_502 = vector.shape_cast %swap3A_501 : vector<16xi32> to vector<16xi32>
        %swap3A_503 = vector.shape_cast %shift_right_logical3A_499 : vector<16xi32> to vector<16xi32>
        tpu.vector_store %arg7[%swap3A_500], %swap3A_503 {strides = array<i32>} : memref<128xi32, #tpu.memory_space<vmem>>, vector<16xi32>,
        %get3A_504 = arith.index_cast %add3A_377 : i32 to index
        %get3A_505 = arith.constant 112 : index
        %get3A_506 = tpu.vector_load %arg5[%get3A_504, %get3A_505] {strides = array<i32>} : memref<128x128xi32, #tpu.memory_space<vmem>>, vector<1x16xi32>,
        %get3A_507 = vector.shape_cast %get3A_506 : vector<1x16xi32> to vector<16xi32>
        %and3A_508 = arith.constant 16383 : i32
        %and3A_509 = vector.broadcast %and3A_508 : i32 to vector<16xi32>
        %and3A_510 = arith.andi %get3A_507, %and3A_509 : vector<16xi32>
        %swap3A_511 = arith.constant 112 : index
        %swap3A_512 = tpu.vector_load %arg6[%swap3A_511] {strides = array<i32>} : memref<128xi32, #tpu.memory_space<vmem>>, vector<16xi32>,
        %swap3A_513 = vector.shape_cast %swap3A_512 : vector<16xi32> to vector<16xi32>
        %swap3A_514 = vector.shape_cast %and3A_510 : vector<16xi32> to vector<16xi32>
        tpu.vector_store %arg6[%swap3A_511], %swap3A_514 {strides = array<i32>} : memref<128xi32, #tpu.memory_space<vmem>>, vector<16xi32>,
        %shift_right_logical3A_515 = arith.constant 14 : i32
        %shift_right_logical3A_516 = vector.broadcast %shift_right_logical3A_515 : i32 to vector<16xi32>
        %shift_right_logical3A_517 = arith.shrui %get3A_507, %shift_right_logical3A_516 : vector<16xi32>
        %swap3A_518 = arith.constant 112 : index
        %swap3A_519 = tpu.vector_load %arg7[%swap3A_518] {strides = array<i32>} : memref<128xi32, #tpu.memory_space<vmem>>, vector<16xi32>,
        %swap3A_520 = vector.shape_cast %swap3A_519 : vector<16xi32> to vector<16xi32>
        %swap3A_521 = vector.shape_cast %shift_right_logical3A_517 : vector<16xi32> to vector<16xi32>
        tpu.vector_store %arg7[%swap3A_518], %swap3A_521 {strides = array<i32>} : memref<128xi32, #tpu.memory_space<vmem>>, vector<16xi32>,
        %dma_start3A_522 = arith.constant 0 : i32
        %dma_start3A_523 = arith.constant 0 : i32
        %dma_start3A_524 = tpu.memref_slice %arg2[%dma_start3A_522, %dma_start3A_523] : memref<10000x128xf32, #tpu.memory_space<hbm>> -> memref<10000x128xf32, #tpu.memory_space<hbm>>
        tpu.enqueue_indirect_dma source(%dma_start3A_524 : memref<10000x128xf32, #tpu.memory_space<hbm>>) target(%arg10 : memref<128x128xf32, #tpu.memory_space<vmem>>) offsets(%arg6 : memref<128xi32, #tpu.memory_space<vmem>>) semaphore(%arg13 : memref<!tpu.dma_semaphore, #tpu.memory_space<semaphore_mem>>)
      } else {
      }
      %dma_wait3A_367 = arith.constant 0 : i32
      %dma_wait3A_368 = arith.constant 0 : i32
      %dma_wait3A_369 = tpu.memref_slice %arg2[%dma_wait3A_367, %dma_wait3A_368] : memref<10000x128xf32, #tpu.memory_space<hbm>> -> memref<10000x128xf32, #tpu.memory_space<hbm>>
      tpu.wait_indirect_dma semaphore(%arg14 : memref<!tpu.dma_semaphore, #tpu.memory_space<semaphore_mem>>) src(%dma_wait3A_369 : memref<10000x128xf32, #tpu.memory_space<hbm>>) dst(%arg11 : memref<128x128xf32, #tpu.memory_space<vmem>>)
      "tpu.region"() ({
        %run_scoped3A = tpu.sem_alloc : memref<!tpu.dma_semaphore, #tpu.memory_space<semaphore_mem>>
        %dma_start3A_376 = arith.constant 0 : i32
        %dma_start3A_377 = arith.constant 0 : i32
        %dma_start3A_378 = tpu.memref_slice %arg12[%dma_start3A_376, %dma_start3A_377] : memref<10112x128xf32, #tpu.memory_space<vmem_shared>> -> memref<10112x128xf32, #tpu.memory_space<vmem_shared>>
        tpu.enqueue_indirect_dma source(%arg11 : memref<128x128xf32, #tpu.memory_space<vmem>>) target(%dma_start3A_378 : memref<10112x128xf32, #tpu.memory_space<vmem_shared>>) offsets(%arg9 : memref<128xi32, #tpu.memory_space<vmem>>) semaphore(%run_scoped3A : memref<!tpu.dma_semaphore, #tpu.memory_space<semaphore_mem>>) {add = true}
        %dma_wait3A_379 = arith.constant 0 : i32
        %dma_wait3A_380 = arith.constant 0 : i32
        %dma_wait3A_381 = tpu.memref_slice %arg12[%dma_wait3A_379, %dma_wait3A_380] : memref<10112x128xf32, #tpu.memory_space<vmem_shared>> -> memref<10112x128xf32, #tpu.memory_space<vmem_shared>>
        tpu.wait_indirect_dma semaphore(%run_scoped3A : memref<!tpu.dma_semaphore, #tpu.memory_space<semaphore_mem>>) src(%arg11 : memref<128x128xf32, #tpu.memory_space<vmem>>) dst(%dma_wait3A_381 : memref<10112x128xf32, #tpu.memory_space<vmem_shared>>)
        tpu.yield
      }) : () -> ()
      %add3A_370 = arith.constant 3 : i32
      %add3A_371 = arith.addi %mul3A_358, %add3A_370 : i32
      %lt3A_372 = arith.cmpi slt, %add3A_371, %select_n3A : i32
      %convert_element_type3A_373 = arith.extui %lt3A_372 : i1 to i32
      %cond3A_374 = arith.constant 0 : i32
      %cond3A_375 = arith.cmpi ne, %convert_element_type3A_373, %cond3A_374 : i32
      scf.if %cond3A_375 {
        %add3A_376 = arith.constant 3 : i32
        %add3A_377 = arith.addi %mul3A_358, %add3A_376 : i32
        %get3A_378 = arith.index_cast %add3A_377 : i32 to index
        %get3A_379 = arith.constant 0 : index
        %get3A_380 = tpu.vector_load %arg5[%get3A_378, %get3A_379] {strides = array<i32>} : memref<128x128xi32, #tpu.memory_space<vmem>>, vector<1x16xi32>,
        %get3A_381 = vector.shape_cast %get3A_380 : vector<1x16xi32> to vector<16xi32>
        %and3A_382 = arith.constant 16383 : i32
        %and3A_383 = vector.broadcast %and3A_382 : i32 to vector<16xi32>
        %and3A_384 = arith.andi %get3A_381, %and3A_383 : vector<16xi32>
        %swap3A_385 = arith.constant 0 : index
        %swap3A_386 = tpu.vector_load %arg8[%swap3A_385] {strides = array<i32>} : memref<128xi32, #tpu.memory_space<vmem>>, vector<16xi32>,
        %swap3A_387 = vector.shape_cast %swap3A_386 : vector<16xi32> to vector<16xi32>
        %swap3A_388 = vector.shape_cast %and3A_384 : vector<16xi32> to vector<16xi32>
        tpu.vector_store %arg8[%swap3A_385], %swap3A_388 {strides = array<i32>} : memref<128xi32, #tpu.memory_space<vmem>>, vector<16xi32>,
        %shift_right_logical3A_389 = arith.constant 14 : i32
        %shift_right_logical3A_390 = vector.broadcast %shift_right_logical3A_389 : i32 to vector<16xi32>
        %shift_right_logical3A_391 = arith.shrui %get3A_381, %shift_right_logical3A_390 : vector<16xi32>
        %swap3A_392 = arith.constant 0 : index
        %swap3A_393 = tpu.vector_load %arg9[%swap3A_392] {strides = array<i32>} : memref<128xi32, #tpu.memory_space<vmem>>, vector<16xi32>,
        %swap3A_394 = vector.shape_cast %swap3A_393 : vector<16xi32> to vector<16xi32>
        %swap3A_395 = vector.shape_cast %shift_right_logical3A_391 : vector<16xi32> to vector<16xi32>
        tpu.vector_store %arg9[%swap3A_392], %swap3A_395 {strides = array<i32>} : memref<128xi32, #tpu.memory_space<vmem>>, vector<16xi32>,
        %get3A_396 = arith.index_cast %add3A_377 : i32 to index
        %get3A_397 = arith.constant 16 : index
        %get3A_398 = tpu.vector_load %arg5[%get3A_396, %get3A_397] {strides = array<i32>} : memref<128x128xi32, #tpu.memory_space<vmem>>, vector<1x16xi32>,
        %get3A_399 = vector.shape_cast %get3A_398 : vector<1x16xi32> to vector<16xi32>
        %and3A_400 = arith.constant 16383 : i32
        %and3A_401 = vector.broadcast %and3A_400 : i32 to vector<16xi32>
        %and3A_402 = arith.andi %get3A_399, %and3A_401 : vector<16xi32>
        %swap3A_403 = arith.constant 16 : index
        %swap3A_404 = tpu.vector_load %arg8[%swap3A_403] {strides = array<i32>} : memref<128xi32, #tpu.memory_space<vmem>>, vector<16xi32>,
        %swap3A_405 = vector.shape_cast %swap3A_404 : vector<16xi32> to vector<16xi32>
        %swap3A_406 = vector.shape_cast %and3A_402 : vector<16xi32> to vector<16xi32>
        tpu.vector_store %arg8[%swap3A_403], %swap3A_406 {strides = array<i32>} : memref<128xi32, #tpu.memory_space<vmem>>, vector<16xi32>,
        %shift_right_logical3A_407 = arith.constant 14 : i32
        %shift_right_logical3A_408 = vector.broadcast %shift_right_logical3A_407 : i32 to vector<16xi32>
        %shift_right_logical3A_409 = arith.shrui %get3A_399, %shift_right_logical3A_408 : vector<16xi32>
        %swap3A_410 = arith.constant 16 : index
        %swap3A_411 = tpu.vector_load %arg9[%swap3A_410] {strides = array<i32>} : memref<128xi32, #tpu.memory_space<vmem>>, vector<16xi32>,
        %swap3A_412 = vector.shape_cast %swap3A_411 : vector<16xi32> to vector<16xi32>
        %swap3A_413 = vector.shape_cast %shift_right_logical3A_409 : vector<16xi32> to vector<16xi32>
        tpu.vector_store %arg9[%swap3A_410], %swap3A_413 {strides = array<i32>} : memref<128xi32, #tpu.memory_space<vmem>>, vector<16xi32>,
        %get3A_414 = arith.index_cast %add3A_377 : i32 to index
        %get3A_415 = arith.constant 32 : index
        %get3A_416 = tpu.vector_load %arg5[%get3A_414, %get3A_415] {strides = array<i32>} : memref<128x128xi32, #tpu.memory_space<vmem>>, vector<1x16xi32>,
        %get3A_417 = vector.shape_cast %get3A_416 : vector<1x16xi32> to vector<16xi32>
        %and3A_418 = arith.constant 16383 : i32
        %and3A_419 = vector.broadcast %and3A_418 : i32 to vector<16xi32>
        %and3A_420 = arith.andi %get3A_417, %and3A_419 : vector<16xi32>
        %swap3A_421 = arith.constant 32 : index
        %swap3A_422 = tpu.vector_load %arg8[%swap3A_421] {strides = array<i32>} : memref<128xi32, #tpu.memory_space<vmem>>, vector<16xi32>,
        %swap3A_423 = vector.shape_cast %swap3A_422 : vector<16xi32> to vector<16xi32>
        %swap3A_424 = vector.shape_cast %and3A_420 : vector<16xi32> to vector<16xi32>
        tpu.vector_store %arg8[%swap3A_421], %swap3A_424 {strides = array<i32>} : memref<128xi32, #tpu.memory_space<vmem>>, vector<16xi32>,
        %shift_right_logical3A_425 = arith.constant 14 : i32
        %shift_right_logical3A_426 = vector.broadcast %shift_right_logical3A_425 : i32 to vector<16xi32>
        %shift_right_logical3A_427 = arith.shrui %get3A_417, %shift_right_logical3A_426 : vector<16xi32>
        %swap3A_428 = arith.constant 32 : index
        %swap3A_429 = tpu.vector_load %arg9[%swap3A_428] {strides = array<i32>} : memref<128xi32, #tpu.memory_space<vmem>>, vector<16xi32>,
        %swap3A_430 = vector.shape_cast %swap3A_429 : vector<16xi32> to vector<16xi32>
        %swap3A_431 = vector.shape_cast %shift_right_logical3A_427 : vector<16xi32> to vector<16xi32>
        tpu.vector_store %arg9[%swap3A_428], %swap3A_431 {strides = array<i32>} : memref<128xi32, #tpu.memory_space<vmem>>, vector<16xi32>,
        %get3A_432 = arith.index_cast %add3A_377 : i32 to index
        %get3A_433 = arith.constant 48 : index
        %get3A_434 = tpu.vector_load %arg5[%get3A_432, %get3A_433] {strides = array<i32>} : memref<128x128xi32, #tpu.memory_space<vmem>>, vector<1x16xi32>,
        %get3A_435 = vector.shape_cast %get3A_434 : vector<1x16xi32> to vector<16xi32>
        %and3A_436 = arith.constant 16383 : i32
        %and3A_437 = vector.broadcast %and3A_436 : i32 to vector<16xi32>
        %and3A_438 = arith.andi %get3A_435, %and3A_437 : vector<16xi32>
        %swap3A_439 = arith.constant 48 : index
        %swap3A_440 = tpu.vector_load %arg8[%swap3A_439] {strides = array<i32>} : memref<128xi32, #tpu.memory_space<vmem>>, vector<16xi32>,
        %swap3A_441 = vector.shape_cast %swap3A_440 : vector<16xi32> to vector<16xi32>
        %swap3A_442 = vector.shape_cast %and3A_438 : vector<16xi32> to vector<16xi32>
        tpu.vector_store %arg8[%swap3A_439], %swap3A_442 {strides = array<i32>} : memref<128xi32, #tpu.memory_space<vmem>>, vector<16xi32>,
        %shift_right_logical3A_443 = arith.constant 14 : i32
        %shift_right_logical3A_444 = vector.broadcast %shift_right_logical3A_443 : i32 to vector<16xi32>
        %shift_right_logical3A_445 = arith.shrui %get3A_435, %shift_right_logical3A_444 : vector<16xi32>
        %swap3A_446 = arith.constant 48 : index
        %swap3A_447 = tpu.vector_load %arg9[%swap3A_446] {strides = array<i32>} : memref<128xi32, #tpu.memory_space<vmem>>, vector<16xi32>,
        %swap3A_448 = vector.shape_cast %swap3A_447 : vector<16xi32> to vector<16xi32>
        %swap3A_449 = vector.shape_cast %shift_right_logical3A_445 : vector<16xi32> to vector<16xi32>
        tpu.vector_store %arg9[%swap3A_446], %swap3A_449 {strides = array<i32>} : memref<128xi32, #tpu.memory_space<vmem>>, vector<16xi32>,
        %get3A_450 = arith.index_cast %add3A_377 : i32 to index
        %get3A_451 = arith.constant 64 : index
        %get3A_452 = tpu.vector_load %arg5[%get3A_450, %get3A_451] {strides = array<i32>} : memref<128x128xi32, #tpu.memory_space<vmem>>, vector<1x16xi32>,
        %get3A_453 = vector.shape_cast %get3A_452 : vector<1x16xi32> to vector<16xi32>
        %and3A_454 = arith.constant 16383 : i32
        %and3A_455 = vector.broadcast %and3A_454 : i32 to vector<16xi32>
        %and3A_456 = arith.andi %get3A_453, %and3A_455 : vector<16xi32>
        %swap3A_457 = arith.constant 64 : index
        %swap3A_458 = tpu.vector_load %arg8[%swap3A_457] {strides = array<i32>} : memref<128xi32, #tpu.memory_space<vmem>>, vector<16xi32>,
        %swap3A_459 = vector.shape_cast %swap3A_458 : vector<16xi32> to vector<16xi32>
        %swap3A_460 = vector.shape_cast %and3A_456 : vector<16xi32> to vector<16xi32>
        tpu.vector_store %arg8[%swap3A_457], %swap3A_460 {strides = array<i32>} : memref<128xi32, #tpu.memory_space<vmem>>, vector<16xi32>,
        %shift_right_logical3A_461 = arith.constant 14 : i32
        %shift_right_logical3A_462 = vector.broadcast %shift_right_logical3A_461 : i32 to vector<16xi32>
        %shift_right_logical3A_463 = arith.shrui %get3A_453, %shift_right_logical3A_462 : vector<16xi32>
        %swap3A_464 = arith.constant 64 : index
        %swap3A_465 = tpu.vector_load %arg9[%swap3A_464] {strides = array<i32>} : memref<128xi32, #tpu.memory_space<vmem>>, vector<16xi32>,
        %swap3A_466 = vector.shape_cast %swap3A_465 : vector<16xi32> to vector<16xi32>
        %swap3A_467 = vector.shape_cast %shift_right_logical3A_463 : vector<16xi32> to vector<16xi32>
        tpu.vector_store %arg9[%swap3A_464], %swap3A_467 {strides = array<i32>} : memref<128xi32, #tpu.memory_space<vmem>>, vector<16xi32>,
        %get3A_468 = arith.index_cast %add3A_377 : i32 to index
        %get3A_469 = arith.constant 80 : index
        %get3A_470 = tpu.vector_load %arg5[%get3A_468, %get3A_469] {strides = array<i32>} : memref<128x128xi32, #tpu.memory_space<vmem>>, vector<1x16xi32>,
        %get3A_471 = vector.shape_cast %get3A_470 : vector<1x16xi32> to vector<16xi32>
        %and3A_472 = arith.constant 16383 : i32
        %and3A_473 = vector.broadcast %and3A_472 : i32 to vector<16xi32>
        %and3A_474 = arith.andi %get3A_471, %and3A_473 : vector<16xi32>
        %swap3A_475 = arith.constant 80 : index
        %swap3A_476 = tpu.vector_load %arg8[%swap3A_475] {strides = array<i32>} : memref<128xi32, #tpu.memory_space<vmem>>, vector<16xi32>,
        %swap3A_477 = vector.shape_cast %swap3A_476 : vector<16xi32> to vector<16xi32>
        %swap3A_478 = vector.shape_cast %and3A_474 : vector<16xi32> to vector<16xi32>
        tpu.vector_store %arg8[%swap3A_475], %swap3A_478 {strides = array<i32>} : memref<128xi32, #tpu.memory_space<vmem>>, vector<16xi32>,
        %shift_right_logical3A_479 = arith.constant 14 : i32
        %shift_right_logical3A_480 = vector.broadcast %shift_right_logical3A_479 : i32 to vector<16xi32>
        %shift_right_logical3A_481 = arith.shrui %get3A_471, %shift_right_logical3A_480 : vector<16xi32>
        %swap3A_482 = arith.constant 80 : index
        %swap3A_483 = tpu.vector_load %arg9[%swap3A_482] {strides = array<i32>} : memref<128xi32, #tpu.memory_space<vmem>>, vector<16xi32>,
        %swap3A_484 = vector.shape_cast %swap3A_483 : vector<16xi32> to vector<16xi32>
        %swap3A_485 = vector.shape_cast %shift_right_logical3A_481 : vector<16xi32> to vector<16xi32>
        tpu.vector_store %arg9[%swap3A_482], %swap3A_485 {strides = array<i32>} : memref<128xi32, #tpu.memory_space<vmem>>, vector<16xi32>,
        %get3A_486 = arith.index_cast %add3A_377 : i32 to index
        %get3A_487 = arith.constant 96 : index
        %get3A_488 = tpu.vector_load %arg5[%get3A_486, %get3A_487] {strides = array<i32>} : memref<128x128xi32, #tpu.memory_space<vmem>>, vector<1x16xi32>,
        %get3A_489 = vector.shape_cast %get3A_488 : vector<1x16xi32> to vector<16xi32>
        %and3A_490 = arith.constant 16383 : i32
        %and3A_491 = vector.broadcast %and3A_490 : i32 to vector<16xi32>
        %and3A_492 = arith.andi %get3A_489, %and3A_491 : vector<16xi32>
        %swap3A_493 = arith.constant 96 : index
        %swap3A_494 = tpu.vector_load %arg8[%swap3A_493] {strides = array<i32>} : memref<128xi32, #tpu.memory_space<vmem>>, vector<16xi32>,
        %swap3A_495 = vector.shape_cast %swap3A_494 : vector<16xi32> to vector<16xi32>
        %swap3A_496 = vector.shape_cast %and3A_492 : vector<16xi32> to vector<16xi32>
        tpu.vector_store %arg8[%swap3A_493], %swap3A_496 {strides = array<i32>} : memref<128xi32, #tpu.memory_space<vmem>>, vector<16xi32>,
        %shift_right_logical3A_497 = arith.constant 14 : i32
        %shift_right_logical3A_498 = vector.broadcast %shift_right_logical3A_497 : i32 to vector<16xi32>
        %shift_right_logical3A_499 = arith.shrui %get3A_489, %shift_right_logical3A_498 : vector<16xi32>
        %swap3A_500 = arith.constant 96 : index
        %swap3A_501 = tpu.vector_load %arg9[%swap3A_500] {strides = array<i32>} : memref<128xi32, #tpu.memory_space<vmem>>, vector<16xi32>,
        %swap3A_502 = vector.shape_cast %swap3A_501 : vector<16xi32> to vector<16xi32>
        %swap3A_503 = vector.shape_cast %shift_right_logical3A_499 : vector<16xi32> to vector<16xi32>
        tpu.vector_store %arg9[%swap3A_500], %swap3A_503 {strides = array<i32>} : memref<128xi32, #tpu.memory_space<vmem>>, vector<16xi32>,
        %get3A_504 = arith.index_cast %add3A_377 : i32 to index
        %get3A_505 = arith.constant 112 : index
        %get3A_506 = tpu.vector_load %arg5[%get3A_504, %get3A_505] {strides = array<i32>} : memref<128x128xi32, #tpu.memory_space<vmem>>, vector<1x16xi32>,
        %get3A_507 = vector.shape_cast %get3A_506 : vector<1x16xi32> to vector<16xi32>
        %and3A_508 = arith.constant 16383 : i32
        %and3A_509 = vector.broadcast %and3A_508 : i32 to vector<16xi32>
        %and3A_510 = arith.andi %get3A_507, %and3A_509 : vector<16xi32>
        %swap3A_511 = arith.constant 112 : index
        %swap3A_512 = tpu.vector_load %arg8[%swap3A_511] {strides = array<i32>} : memref<128xi32, #tpu.memory_space<vmem>>, vector<16xi32>,
        %swap3A_513 = vector.shape_cast %swap3A_512 : vector<16xi32> to vector<16xi32>
        %swap3A_514 = vector.shape_cast %and3A_510 : vector<16xi32> to vector<16xi32>
        tpu.vector_store %arg8[%swap3A_511], %swap3A_514 {strides = array<i32>} : memref<128xi32, #tpu.memory_space<vmem>>, vector<16xi32>,
        %shift_right_logical3A_515 = arith.constant 14 : i32
        %shift_right_logical3A_516 = vector.broadcast %shift_right_logical3A_515 : i32 to vector<16xi32>
        %shift_right_logical3A_517 = arith.shrui %get3A_507, %shift_right_logical3A_516 : vector<16xi32>
        %swap3A_518 = arith.constant 112 : index
        %swap3A_519 = tpu.vector_load %arg9[%swap3A_518] {strides = array<i32>} : memref<128xi32, #tpu.memory_space<vmem>>, vector<16xi32>,
        %swap3A_520 = vector.shape_cast %swap3A_519 : vector<16xi32> to vector<16xi32>
        %swap3A_521 = vector.shape_cast %shift_right_logical3A_517 : vector<16xi32> to vector<16xi32>
        tpu.vector_store %arg9[%swap3A_518], %swap3A_521 {strides = array<i32>} : memref<128xi32, #tpu.memory_space<vmem>>, vector<16xi32>,
      } else {
      }
    }
    %while3A_352 = arith.constant 1 : i32
    scf.for %while3A_356 = %while3A_350 to %while3A_346 step %while3A_352  : i32 {
      %mul3A_357 = arith.constant 2 : i32
      %mul3A_358 = arith.muli %mul3A_357, %while3A_356 : i32
      %dma_start3A_359 = arith.constant 0 : i32
      %dma_start3A_360 = arith.constant 0 : i32
      %dma_start3A_361 = tpu.memref_slice %arg2[%dma_start3A_359, %dma_start3A_360] : memref<10000x128xf32, #tpu.memory_space<hbm>> -> memref<10000x128xf32, #tpu.memory_space<hbm>>
      tpu.enqueue_indirect_dma source(%dma_start3A_361 : memref<10000x128xf32, #tpu.memory_space<hbm>>) target(%arg11 : memref<128x128xf32, #tpu.memory_space<vmem>>) offsets(%arg8 : memref<128xi32, #tpu.memory_space<vmem>>) semaphore(%arg14 : memref<!tpu.dma_semaphore, #tpu.memory_space<semaphore_mem>>)
      %dma_wait3A = arith.constant 0 : i32
      %dma_wait3A_362 = arith.constant 0 : i32
      %dma_wait3A_363 = tpu.memref_slice %arg2[%dma_wait3A, %dma_wait3A_362] : memref<10000x128xf32, #tpu.memory_space<hbm>> -> memref<10000x128xf32, #tpu.memory_space<hbm>>
      tpu.wait_indirect_dma semaphore(%arg13 : memref<!tpu.dma_semaphore, #tpu.memory_space<semaphore_mem>>) src(%dma_wait3A_363 : memref<10000x128xf32, #tpu.memory_space<hbm>>) dst(%arg10 : memref<128x128xf32, #tpu.memory_space<vmem>>)
      "tpu.region"() ({
        %run_scoped3A = tpu.sem_alloc : memref<!tpu.dma_semaphore, #tpu.memory_space<semaphore_mem>>
        %dma_start3A_376 = arith.constant 0 : i32
        %dma_start3A_377 = arith.constant 0 : i32
        %dma_start3A_378 = tpu.memref_slice %arg12[%dma_start3A_376, %dma_start3A_377] : memref<10112x128xf32, #tpu.memory_space<vmem_shared>> -> memref<10112x128xf32, #tpu.memory_space<vmem_shared>>
        tpu.enqueue_indirect_dma source(%arg10 : memref<128x128xf32, #tpu.memory_space<vmem>>) target(%dma_start3A_378 : memref<10112x128xf32, #tpu.memory_space<vmem_shared>>) offsets(%arg7 : memref<128xi32, #tpu.memory_space<vmem>>) semaphore(%run_scoped3A : memref<!tpu.dma_semaphore, #tpu.memory_space<semaphore_mem>>) {add = true}
        %dma_wait3A_379 = arith.constant 0 : i32
        %dma_wait3A_380 = arith.constant 0 : i32
        %dma_wait3A_381 = tpu.memref_slice %arg12[%dma_wait3A_379, %dma_wait3A_380] : memref<10112x128xf32, #tpu.memory_space<vmem_shared>> -> memref<10112x128xf32, #tpu.memory_space<vmem_shared>>
        tpu.wait_indirect_dma semaphore(%run_scoped3A : memref<!tpu.dma_semaphore, #tpu.memory_space<semaphore_mem>>) src(%arg10 : memref<128x128xf32, #tpu.memory_space<vmem>>) dst(%dma_wait3A_381 : memref<10112x128xf32, #tpu.memory_space<vmem_shared>>)
        tpu.yield
      }) : () -> ()
      %add3A_364 = arith.constant 2 : i32
      %add3A_365 = arith.addi %mul3A_358, %add3A_364 : i32
      %lt3A = arith.cmpi slt, %add3A_365, %select_n3A : i32
      %convert_element_type3A = arith.extui %lt3A : i1 to i32
      %cond3A = arith.constant 0 : i32
      %cond3A_366 = arith.cmpi ne, %convert_element_type3A, %cond3A : i32
      scf.if %cond3A_366 {
        %add3A_376 = arith.constant 2 : i32
        %add3A_377 = arith.addi %mul3A_358, %add3A_376 : i32
        %get3A_378 = arith.index_cast %add3A_377 : i32 to index
        %get3A_379 = arith.constant 0 : index
        %get3A_380 = tpu.vector_load %arg5[%get3A_378, %get3A_379] {strides = array<i32>} : memref<128x128xi32, #tpu.memory_space<vmem>>, vector<1x16xi32>,
        %get3A_381 = vector.shape_cast %get3A_380 : vector<1x16xi32> to vector<16xi32>
        %and3A_382 = arith.constant 16383 : i32
        %and3A_383 = vector.broadcast %and3A_382 : i32 to vector<16xi32>
        %and3A_384 = arith.andi %get3A_381, %and3A_383 : vector<16xi32>
        %swap3A_385 = arith.constant 0 : index
        %swap3A_386 = tpu.vector_load %arg6[%swap3A_385] {strides = array<i32>} : memref<128xi32, #tpu.memory_space<vmem>>, vector<16xi32>,
        %swap3A_387 = vector.shape_cast %swap3A_386 : vector<16xi32> to vector<16xi32>
        %swap3A_388 = vector.shape_cast %and3A_384 : vector<16xi32> to vector<16xi32>
        tpu.vector_store %arg6[%swap3A_385], %swap3A_388 {strides = array<i32>} : memref<128xi32, #tpu.memory_space<vmem>>, vector<16xi32>,
        %shift_right_logical3A_389 = arith.constant 14 : i32
        %shift_right_logical3A_390 = vector.broadcast %shift_right_logical3A_389 : i32 to vector<16xi32>
        %shift_right_logical3A_391 = arith.shrui %get3A_381, %shift_right_logical3A_390 : vector<16xi32>
        %swap3A_392 = arith.constant 0 : index
        %swap3A_393 = tpu.vector_load %arg7[%swap3A_392] {strides = array<i32>} : memref<128xi32, #tpu.memory_space<vmem>>, vector<16xi32>,
        %swap3A_394 = vector.shape_cast %swap3A_393 : vector<16xi32> to vector<16xi32>
        %swap3A_395 = vector.shape_cast %shift_right_logical3A_391 : vector<16xi32> to vector<16xi32>
        tpu.vector_store %arg7[%swap3A_392], %swap3A_395 {strides = array<i32>} : memref<128xi32, #tpu.memory_space<vmem>>, vector<16xi32>,
        %get3A_396 = arith.index_cast %add3A_377 : i32 to index
        %get3A_397 = arith.constant 16 : index
        %get3A_398 = tpu.vector_load %arg5[%get3A_396, %get3A_397] {strides = array<i32>} : memref<128x128xi32, #tpu.memory_space<vmem>>, vector<1x16xi32>,
        %get3A_399 = vector.shape_cast %get3A_398 : vector<1x16xi32> to vector<16xi32>
        %and3A_400 = arith.constant 16383 : i32
        %and3A_401 = vector.broadcast %and3A_400 : i32 to vector<16xi32>
        %and3A_402 = arith.andi %get3A_399, %and3A_401 : vector<16xi32>
        %swap3A_403 = arith.constant 16 : index
        %swap3A_404 = tpu.vector_load %arg6[%swap3A_403] {strides = array<i32>} : memref<128xi32, #tpu.memory_space<vmem>>, vector<16xi32>,
        %swap3A_405 = vector.shape_cast %swap3A_404 : vector<16xi32> to vector<16xi32>
        %swap3A_406 = vector.shape_cast %and3A_402 : vector<16xi32> to vector<16xi32>
        tpu.vector_store %arg6[%swap3A_403], %swap3A_406 {strides = array<i32>} : memref<128xi32, #tpu.memory_space<vmem>>, vector<16xi32>,
        %shift_right_logical3A_407 = arith.constant 14 : i32
        %shift_right_logical3A_408 = vector.broadcast %shift_right_logical3A_407 : i32 to vector<16xi32>
        %shift_right_logical3A_409 = arith.shrui %get3A_399, %shift_right_logical3A_408 : vector<16xi32>
        %swap3A_410 = arith.constant 16 : index
        %swap3A_411 = tpu.vector_load %arg7[%swap3A_410] {strides = array<i32>} : memref<128xi32, #tpu.memory_space<vmem>>, vector<16xi32>,
        %swap3A_412 = vector.shape_cast %swap3A_411 : vector<16xi32> to vector<16xi32>
        %swap3A_413 = vector.shape_cast %shift_right_logical3A_409 : vector<16xi32> to vector<16xi32>
        tpu.vector_store %arg7[%swap3A_410], %swap3A_413 {strides = array<i32>} : memref<128xi32, #tpu.memory_space<vmem>>, vector<16xi32>,
        %get3A_414 = arith.index_cast %add3A_377 : i32 to index
        %get3A_415 = arith.constant 32 : index
        %get3A_416 = tpu.vector_load %arg5[%get3A_414, %get3A_415] {strides = array<i32>} : memref<128x128xi32, #tpu.memory_space<vmem>>, vector<1x16xi32>,
        %get3A_417 = vector.shape_cast %get3A_416 : vector<1x16xi32> to vector<16xi32>
        %and3A_418 = arith.constant 16383 : i32
        %and3A_419 = vector.broadcast %and3A_418 : i32 to vector<16xi32>
        %and3A_420 = arith.andi %get3A_417, %and3A_419 : vector<16xi32>
        %swap3A_421 = arith.constant 32 : index
        %swap3A_422 = tpu.vector_load %arg6[%swap3A_421] {strides = array<i32>} : memref<128xi32, #tpu.memory_space<vmem>>, vector<16xi32>,
        %swap3A_423 = vector.shape_cast %swap3A_422 : vector<16xi32> to vector<16xi32>
        %swap3A_424 = vector.shape_cast %and3A_420 : vector<16xi32> to vector<16xi32>
        tpu.vector_store %arg6[%swap3A_421], %swap3A_424 {strides = array<i32>} : memref<128xi32, #tpu.memory_space<vmem>>, vector<16xi32>,
        %shift_right_logical3A_425 = arith.constant 14 : i32
        %shift_right_logical3A_426 = vector.broadcast %shift_right_logical3A_425 : i32 to vector<16xi32>
        %shift_right_logical3A_427 = arith.shrui %get3A_417, %shift_right_logical3A_426 : vector<16xi32>
        %swap3A_428 = arith.constant 32 : index
        %swap3A_429 = tpu.vector_load %arg7[%swap3A_428] {strides = array<i32>} : memref<128xi32, #tpu.memory_space<vmem>>, vector<16xi32>,
        %swap3A_430 = vector.shape_cast %swap3A_429 : vector<16xi32> to vector<16xi32>
        %swap3A_431 = vector.shape_cast %shift_right_logical3A_427 : vector<16xi32> to vector<16xi32>
        tpu.vector_store %arg7[%swap3A_428], %swap3A_431 {strides = array<i32>} : memref<128xi32, #tpu.memory_space<vmem>>, vector<16xi32>,
        %get3A_432 = arith.index_cast %add3A_377 : i32 to index
        %get3A_433 = arith.constant 48 : index
        %get3A_434 = tpu.vector_load %arg5[%get3A_432, %get3A_433] {strides = array<i32>} : memref<128x128xi32, #tpu.memory_space<vmem>>, vector<1x16xi32>,
        %get3A_435 = vector.shape_cast %get3A_434 : vector<1x16xi32> to vector<16xi32>
        %and3A_436 = arith.constant 16383 : i32
        %and3A_437 = vector.broadcast %and3A_436 : i32 to vector<16xi32>
        %and3A_438 = arith.andi %get3A_435, %and3A_437 : vector<16xi32>
        %swap3A_439 = arith.constant 48 : index
        %swap3A_440 = tpu.vector_load %arg6[%swap3A_439] {strides = array<i32>} : memref<128xi32, #tpu.memory_space<vmem>>, vector<16xi32>,
        %swap3A_441 = vector.shape_cast %swap3A_440 : vector<16xi32> to vector<16xi32>
        %swap3A_442 = vector.shape_cast %and3A_438 : vector<16xi32> to vector<16xi32>
        tpu.vector_store %arg6[%swap3A_439], %swap3A_442 {strides = array<i32>} : memref<128xi32, #tpu.memory_space<vmem>>, vector<16xi32>,
        %shift_right_logical3A_443 = arith.constant 14 : i32
        %shift_right_logical3A_444 = vector.broadcast %shift_right_logical3A_443 : i32 to vector<16xi32>
        %shift_right_logical3A_445 = arith.shrui %get3A_435, %shift_right_logical3A_444 : vector<16xi32>
        %swap3A_446 = arith.constant 48 : index
        %swap3A_447 = tpu.vector_load %arg7[%swap3A_446] {strides = array<i32>} : memref<128xi32, #tpu.memory_space<vmem>>, vector<16xi32>,
        %swap3A_448 = vector.shape_cast %swap3A_447 : vector<16xi32> to vector<16xi32>
        %swap3A_449 = vector.shape_cast %shift_right_logical3A_445 : vector<16xi32> to vector<16xi32>
        tpu.vector_store %arg7[%swap3A_446], %swap3A_449 {strides = array<i32>} : memref<128xi32, #tpu.memory_space<vmem>>, vector<16xi32>,
        %get3A_450 = arith.index_cast %add3A_377 : i32 to index
        %get3A_451 = arith.constant 64 : index
        %get3A_452 = tpu.vector_load %arg5[%get3A_450, %get3A_451] {strides = array<i32>} : memref<128x128xi32, #tpu.memory_space<vmem>>, vector<1x16xi32>,
        %get3A_453 = vector.shape_cast %get3A_452 : vector<1x16xi32> to vector<16xi32>
        %and3A_454 = arith.constant 16383 : i32
        %and3A_455 = vector.broadcast %and3A_454 : i32 to vector<16xi32>
        %and3A_456 = arith.andi %get3A_453, %and3A_455 : vector<16xi32>
        %swap3A_457 = arith.constant 64 : index
        %swap3A_458 = tpu.vector_load %arg6[%swap3A_457] {strides = array<i32>} : memref<128xi32, #tpu.memory_space<vmem>>, vector<16xi32>,
        %swap3A_459 = vector.shape_cast %swap3A_458 : vector<16xi32> to vector<16xi32>
        %swap3A_460 = vector.shape_cast %and3A_456 : vector<16xi32> to vector<16xi32>
        tpu.vector_store %arg6[%swap3A_457], %swap3A_460 {strides = array<i32>} : memref<128xi32, #tpu.memory_space<vmem>>, vector<16xi32>,
        %shift_right_logical3A_461 = arith.constant 14 : i32
        %shift_right_logical3A_462 = vector.broadcast %shift_right_logical3A_461 : i32 to vector<16xi32>
        %shift_right_logical3A_463 = arith.shrui %get3A_453, %shift_right_logical3A_462 : vector<16xi32>
        %swap3A_464 = arith.constant 64 : index
        %swap3A_465 = tpu.vector_load %arg7[%swap3A_464] {strides = array<i32>} : memref<128xi32, #tpu.memory_space<vmem>>, vector<16xi32>,
        %swap3A_466 = vector.shape_cast %swap3A_465 : vector<16xi32> to vector<16xi32>
        %swap3A_467 = vector.shape_cast %shift_right_logical3A_463 : vector<16xi32> to vector<16xi32>
        tpu.vector_store %arg7[%swap3A_464], %swap3A_467 {strides = array<i32>} : memref<128xi32, #tpu.memory_space<vmem>>, vector<16xi32>,
        %get3A_468 = arith.index_cast %add3A_377 : i32 to index
        %get3A_469 = arith.constant 80 : index
        %get3A_470 = tpu.vector_load %arg5[%get3A_468, %get3A_469] {strides = array<i32>} : memref<128x128xi32, #tpu.memory_space<vmem>>, vector<1x16xi32>,
        %get3A_471 = vector.shape_cast %get3A_470 : vector<1x16xi32> to vector<16xi32>
        %and3A_472 = arith.constant 16383 : i32
        %and3A_473 = vector.broadcast %and3A_472 : i32 to vector<16xi32>
        %and3A_474 = arith.andi %get3A_471, %and3A_473 : vector<16xi32>
        %swap3A_475 = arith.constant 80 : index
        %swap3A_476 = tpu.vector_load %arg6[%swap3A_475] {strides = array<i32>} : memref<128xi32, #tpu.memory_space<vmem>>, vector<16xi32>,
        %swap3A_477 = vector.shape_cast %swap3A_476 : vector<16xi32> to vector<16xi32>
        %swap3A_478 = vector.shape_cast %and3A_474 : vector<16xi32> to vector<16xi32>
        tpu.vector_store %arg6[%swap3A_475], %swap3A_478 {strides = array<i32>} : memref<128xi32, #tpu.memory_space<vmem>>, vector<16xi32>,
        %shift_right_logical3A_479 = arith.constant 14 : i32
        %shift_right_logical3A_480 = vector.broadcast %shift_right_logical3A_479 : i32 to vector<16xi32>
        %shift_right_logical3A_481 = arith.shrui %get3A_471, %shift_right_logical3A_480 : vector<16xi32>
        %swap3A_482 = arith.constant 80 : index
        %swap3A_483 = tpu.vector_load %arg7[%swap3A_482] {strides = array<i32>} : memref<128xi32, #tpu.memory_space<vmem>>, vector<16xi32>,
        %swap3A_484 = vector.shape_cast %swap3A_483 : vector<16xi32> to vector<16xi32>
        %swap3A_485 = vector.shape_cast %shift_right_logical3A_481 : vector<16xi32> to vector<16xi32>
        tpu.vector_store %arg7[%swap3A_482], %swap3A_485 {strides = array<i32>} : memref<128xi32, #tpu.memory_space<vmem>>, vector<16xi32>,
        %get3A_486 = arith.index_cast %add3A_377 : i32 to index
        %get3A_487 = arith.constant 96 : index
        %get3A_488 = tpu.vector_load %arg5[%get3A_486, %get3A_487] {strides = array<i32>} : memref<128x128xi32, #tpu.memory_space<vmem>>, vector<1x16xi32>,
        %get3A_489 = vector.shape_cast %get3A_488 : vector<1x16xi32> to vector<16xi32>
        %and3A_490 = arith.constant 16383 : i32
        %and3A_491 = vector.broadcast %and3A_490 : i32 to vector<16xi32>
        %and3A_492 = arith.andi %get3A_489, %and3A_491 : vector<16xi32>
        %swap3A_493 = arith.constant 96 : index
        %swap3A_494 = tpu.vector_load %arg6[%swap3A_493] {strides = array<i32>} : memref<128xi32, #tpu.memory_space<vmem>>, vector<16xi32>,
        %swap3A_495 = vector.shape_cast %swap3A_494 : vector<16xi32> to vector<16xi32>
        %swap3A_496 = vector.shape_cast %and3A_492 : vector<16xi32> to vector<16xi32>
        tpu.vector_store %arg6[%swap3A_493], %swap3A_496 {strides = array<i32>} : memref<128xi32, #tpu.memory_space<vmem>>, vector<16xi32>,
        %shift_right_logical3A_497 = arith.constant 14 : i32
        %shift_right_logical3A_498 = vector.broadcast %shift_right_logical3A_497 : i32 to vector<16xi32>
        %shift_right_logical3A_499 = arith.shrui %get3A_489, %shift_right_logical3A_498 : vector<16xi32>
        %swap3A_500 = arith.constant 96 : index
        %swap3A_501 = tpu.vector_load %arg7[%swap3A_500] {strides = array<i32>} : memref<128xi32, #tpu.memory_space<vmem>>, vector<16xi32>,
        %swap3A_502 = vector.shape_cast %swap3A_501 : vector<16xi32> to vector<16xi32>
        %swap3A_503 = vector.shape_cast %shift_right_logical3A_499 : vector<16xi32> to vector<16xi32>
        tpu.vector_store %arg7[%swap3A_500], %swap3A_503 {strides = array<i32>} : memref<128xi32, #tpu.memory_space<vmem>>, vector<16xi32>,
        %get3A_504 = arith.index_cast %add3A_377 : i32 to index
        %get3A_505 = arith.constant 112 : index
        %get3A_506 = tpu.vector_load %arg5[%get3A_504, %get3A_505] {strides = array<i32>} : memref<128x128xi32, #tpu.memory_space<vmem>>, vector<1x16xi32>,
        %get3A_507 = vector.shape_cast %get3A_506 : vector<1x16xi32> to vector<16xi32>
        %and3A_508 = arith.constant 16383 : i32
        %and3A_509 = vector.broadcast %and3A_508 : i32 to vector<16xi32>
        %and3A_510 = arith.andi %get3A_507, %and3A_509 : vector<16xi32>
        %swap3A_511 = arith.constant 112 : index
        %swap3A_512 = tpu.vector_load %arg6[%swap3A_511] {strides = array<i32>} : memref<128xi32, #tpu.memory_space<vmem>>, vector<16xi32>,
        %swap3A_513 = vector.shape_cast %swap3A_512 : vector<16xi32> to vector<16xi32>
        %swap3A_514 = vector.shape_cast %and3A_510 : vector<16xi32> to vector<16xi32>
        tpu.vector_store %arg6[%swap3A_511], %swap3A_514 {strides = array<i32>} : memref<128xi32, #tpu.memory_space<vmem>>, vector<16xi32>,
        %shift_right_logical3A_515 = arith.constant 14 : i32
        %shift_right_logical3A_516 = vector.broadcast %shift_right_logical3A_515 : i32 to vector<16xi32>
        %shift_right_logical3A_517 = arith.shrui %get3A_507, %shift_right_logical3A_516 : vector<16xi32>
        %swap3A_518 = arith.constant 112 : index
        %swap3A_519 = tpu.vector_load %arg7[%swap3A_518] {strides = array<i32>} : memref<128xi32, #tpu.memory_space<vmem>>, vector<16xi32>,
        %swap3A_520 = vector.shape_cast %swap3A_519 : vector<16xi32> to vector<16xi32>
        %swap3A_521 = vector.shape_cast %shift_right_logical3A_517 : vector<16xi32> to vector<16xi32>
        tpu.vector_store %arg7[%swap3A_518], %swap3A_521 {strides = array<i32>} : memref<128xi32, #tpu.memory_space<vmem>>, vector<16xi32>,
        %dma_start3A_522 = arith.constant 0 : i32
        %dma_start3A_523 = arith.constant 0 : i32
        %dma_start3A_524 = tpu.memref_slice %arg2[%dma_start3A_522, %dma_start3A_523] : memref<10000x128xf32, #tpu.memory_space<hbm>> -> memref<10000x128xf32, #tpu.memory_space<hbm>>
        tpu.enqueue_indirect_dma source(%dma_start3A_524 : memref<10000x128xf32, #tpu.memory_space<hbm>>) target(%arg10 : memref<128x128xf32, #tpu.memory_space<vmem>>) offsets(%arg6 : memref<128xi32, #tpu.memory_space<vmem>>) semaphore(%arg13 : memref<!tpu.dma_semaphore, #tpu.memory_space<semaphore_mem>>)
      } else {
      }
      %dma_wait3A_367 = arith.constant 0 : i32
      %dma_wait3A_368 = arith.constant 0 : i32
      %dma_wait3A_369 = tpu.memref_slice %arg2[%dma_wait3A_367, %dma_wait3A_368] : memref<10000x128xf32, #tpu.memory_space<hbm>> -> memref<10000x128xf32, #tpu.memory_space<hbm>>
      tpu.wait_indirect_dma semaphore(%arg14 : memref<!tpu.dma_semaphore, #tpu.memory_space<semaphore_mem>>) src(%dma_wait3A_369 : memref<10000x128xf32, #tpu.memory_space<hbm>>) dst(%arg11 : memref<128x128xf32, #tpu.memory_space<vmem>>)
      "tpu.region"() ({
        %run_scoped3A = tpu.sem_alloc : memref<!tpu.dma_semaphore, #tpu.memory_space<semaphore_mem>>
        %dma_start3A_376 = arith.constant 0 : i32
        %dma_start3A_377 = arith.constant 0 : i32
        %dma_start3A_378 = tpu.memref_slice %arg12[%dma_start3A_376, %dma_start3A_377] : memref<10112x128xf32, #tpu.memory_space<vmem_shared>> -> memref<10112x128xf32, #tpu.memory_space<vmem_shared>>
        tpu.enqueue_indirect_dma source(%arg11 : memref<128x128xf32, #tpu.memory_space<vmem>>) target(%dma_start3A_378 : memref<10112x128xf32, #tpu.memory_space<vmem_shared>>) offsets(%arg9 : memref<128xi32, #tpu.memory_space<vmem>>) semaphore(%run_scoped3A : memref<!tpu.dma_semaphore, #tpu.memory_space<semaphore_mem>>) {add = true}
        %dma_wait3A_379 = arith.constant 0 : i32
        %dma_wait3A_380 = arith.constant 0 : i32
        %dma_wait3A_381 = tpu.memref_slice %arg12[%dma_wait3A_379, %dma_wait3A_380] : memref<10112x128xf32, #tpu.memory_space<vmem_shared>> -> memref<10112x128xf32, #tpu.memory_space<vmem_shared>>
        tpu.wait_indirect_dma semaphore(%run_scoped3A : memref<!tpu.dma_semaphore, #tpu.memory_space<semaphore_mem>>) src(%arg11 : memref<128x128xf32, #tpu.memory_space<vmem>>) dst(%dma_wait3A_381 : memref<10112x128xf32, #tpu.memory_space<vmem_shared>>)
        tpu.yield
      }) : () -> ()
      %add3A_370 = arith.constant 3 : i32
      %add3A_371 = arith.addi %mul3A_358, %add3A_370 : i32
      %lt3A_372 = arith.cmpi slt, %add3A_371, %select_n3A : i32
      %convert_element_type3A_373 = arith.extui %lt3A_372 : i1 to i32
      %cond3A_374 = arith.constant 0 : i32
      %cond3A_375 = arith.cmpi ne, %convert_element_type3A_373, %cond3A_374 : i32
      scf.if %cond3A_375 {
        %add3A_376 = arith.constant 3 : i32
        %add3A_377 = arith.addi %mul3A_358, %add3A_376 : i32
        %get3A_378 = arith.index_cast %add3A_377 : i32 to index
        %get3A_379 = arith.constant 0 : index
        %get3A_380 = tpu.vector_load %arg5[%get3A_378, %get3A_379] {strides = array<i32>} : memref<128x128xi32, #tpu.memory_space<vmem>>, vector<1x16xi32>,
        %get3A_381 = vector.shape_cast %get3A_380 : vector<1x16xi32> to vector<16xi32>
        %and3A_382 = arith.constant 16383 : i32
        %and3A_383 = vector.broadcast %and3A_382 : i32 to vector<16xi32>
        %and3A_384 = arith.andi %get3A_381, %and3A_383 : vector<16xi32>
        %swap3A_385 = arith.constant 0 : index
        %swap3A_386 = tpu.vector_load %arg8[%swap3A_385] {strides = array<i32>} : memref<128xi32, #tpu.memory_space<vmem>>, vector<16xi32>,
        %swap3A_387 = vector.shape_cast %swap3A_386 : vector<16xi32> to vector<16xi32>
        %swap3A_388 = vector.shape_cast %and3A_384 : vector<16xi32> to vector<16xi32>
        tpu.vector_store %arg8[%swap3A_385], %swap3A_388 {strides = array<i32>} : memref<128xi32, #tpu.memory_space<vmem>>, vector<16xi32>,
        %shift_right_logical3A_389 = arith.constant 14 : i32
        %shift_right_logical3A_390 = vector.broadcast %shift_right_logical3A_389 : i32 to vector<16xi32>
        %shift_right_logical3A_391 = arith.shrui %get3A_381, %shift_right_logical3A_390 : vector<16xi32>
        %swap3A_392 = arith.constant 0 : index
        %swap3A_393 = tpu.vector_load %arg9[%swap3A_392] {strides = array<i32>} : memref<128xi32, #tpu.memory_space<vmem>>, vector<16xi32>,
        %swap3A_394 = vector.shape_cast %swap3A_393 : vector<16xi32> to vector<16xi32>
        %swap3A_395 = vector.shape_cast %shift_right_logical3A_391 : vector<16xi32> to vector<16xi32>
        tpu.vector_store %arg9[%swap3A_392], %swap3A_395 {strides = array<i32>} : memref<128xi32, #tpu.memory_space<vmem>>, vector<16xi32>,
        %get3A_396 = arith.index_cast %add3A_377 : i32 to index
        %get3A_397 = arith.constant 16 : index
        %get3A_398 = tpu.vector_load %arg5[%get3A_396, %get3A_397] {strides = array<i32>} : memref<128x128xi32, #tpu.memory_space<vmem>>, vector<1x16xi32>,
        %get3A_399 = vector.shape_cast %get3A_398 : vector<1x16xi32> to vector<16xi32>
        %and3A_400 = arith.constant 16383 : i32
        %and3A_401 = vector.broadcast %and3A_400 : i32 to vector<16xi32>
        %and3A_402 = arith.andi %get3A_399, %and3A_401 : vector<16xi32>
        %swap3A_403 = arith.constant 16 : index
        %swap3A_404 = tpu.vector_load %arg8[%swap3A_403] {strides = array<i32>} : memref<128xi32, #tpu.memory_space<vmem>>, vector<16xi32>,
        %swap3A_405 = vector.shape_cast %swap3A_404 : vector<16xi32> to vector<16xi32>
        %swap3A_406 = vector.shape_cast %and3A_402 : vector<16xi32> to vector<16xi32>
        tpu.vector_store %arg8[%swap3A_403], %swap3A_406 {strides = array<i32>} : memref<128xi32, #tpu.memory_space<vmem>>, vector<16xi32>,
        %shift_right_logical3A_407 = arith.constant 14 : i32
        %shift_right_logical3A_408 = vector.broadcast %shift_right_logical3A_407 : i32 to vector<16xi32>
        %shift_right_logical3A_409 = arith.shrui %get3A_399, %shift_right_logical3A_408 : vector<16xi32>
        %swap3A_410 = arith.constant 16 : index
        %swap3A_411 = tpu.vector_load %arg9[%swap3A_410] {strides = array<i32>} : memref<128xi32, #tpu.memory_space<vmem>>, vector<16xi32>,
        %swap3A_412 = vector.shape_cast %swap3A_411 : vector<16xi32> to vector<16xi32>
        %swap3A_413 = vector.shape_cast %shift_right_logical3A_409 : vector<16xi32> to vector<16xi32>
        tpu.vector_store %arg9[%swap3A_410], %swap3A_413 {strides = array<i32>} : memref<128xi32, #tpu.memory_space<vmem>>, vector<16xi32>,
        %get3A_414 = arith.index_cast %add3A_377 : i32 to index
        %get3A_415 = arith.constant 32 : index
        %get3A_416 = tpu.vector_load %arg5[%get3A_414, %get3A_415] {strides = array<i32>} : memref<128x128xi32, #tpu.memory_space<vmem>>, vector<1x16xi32>,
        %get3A_417 = vector.shape_cast %get3A_416 : vector<1x16xi32> to vector<16xi32>
        %and3A_418 = arith.constant 16383 : i32
        %and3A_419 = vector.broadcast %and3A_418 : i32 to vector<16xi32>
        %and3A_420 = arith.andi %get3A_417, %and3A_419 : vector<16xi32>
        %swap3A_421 = arith.constant 32 : index
        %swap3A_422 = tpu.vector_load %arg8[%swap3A_421] {strides = array<i32>} : memref<128xi32, #tpu.memory_space<vmem>>, vector<16xi32>,
        %swap3A_423 = vector.shape_cast %swap3A_422 : vector<16xi32> to vector<16xi32>
        %swap3A_424 = vector.shape_cast %and3A_420 : vector<16xi32> to vector<16xi32>
        tpu.vector_store %arg8[%swap3A_421], %swap3A_424 {strides = array<i32>} : memref<128xi32, #tpu.memory_space<vmem>>, vector<16xi32>,
        %shift_right_logical3A_425 = arith.constant 14 : i32
        %shift_right_logical3A_426 = vector.broadcast %shift_right_logical3A_425 : i32 to vector<16xi32>
        %shift_right_logical3A_427 = arith.shrui %get3A_417, %shift_right_logical3A_426 : vector<16xi32>
        %swap3A_428 = arith.constant 32 : index
        %swap3A_429 = tpu.vector_load %arg9[%swap3A_428] {strides = array<i32>} : memref<128xi32, #tpu.memory_space<vmem>>, vector<16xi32>,
        %swap3A_430 = vector.shape_cast %swap3A_429 : vector<16xi32> to vector<16xi32>
        %swap3A_431 = vector.shape_cast %shift_right_logical3A_427 : vector<16xi32> to vector<16xi32>
        tpu.vector_store %arg9[%swap3A_428], %swap3A_431 {strides = array<i32>} : memref<128xi32, #tpu.memory_space<vmem>>, vector<16xi32>,
        %get3A_432 = arith.index_cast %add3A_377 : i32 to index
        %get3A_433 = arith.constant 48 : index
        %get3A_434 = tpu.vector_load %arg5[%get3A_432, %get3A_433] {strides = array<i32>} : memref<128x128xi32, #tpu.memory_space<vmem>>, vector<1x16xi32>,
        %get3A_435 = vector.shape_cast %get3A_434 : vector<1x16xi32> to vector<16xi32>
        %and3A_436 = arith.constant 16383 : i32
        %and3A_437 = vector.broadcast %and3A_436 : i32 to vector<16xi32>
        %and3A_438 = arith.andi %get3A_435, %and3A_437 : vector<16xi32>
        %swap3A_439 = arith.constant 48 : index
        %swap3A_440 = tpu.vector_load %arg8[%swap3A_439] {strides = array<i32>} : memref<128xi32, #tpu.memory_space<vmem>>, vector<16xi32>,
        %swap3A_441 = vector.shape_cast %swap3A_440 : vector<16xi32> to vector<16xi32>
        %swap3A_442 = vector.shape_cast %and3A_438 : vector<16xi32> to vector<16xi32>
        tpu.vector_store %arg8[%swap3A_439], %swap3A_442 {strides = array<i32>} : memref<128xi32, #tpu.memory_space<vmem>>, vector<16xi32>,
        %shift_right_logical3A_443 = arith.constant 14 : i32
        %shift_right_logical3A_444 = vector.broadcast %shift_right_logical3A_443 : i32 to vector<16xi32>
        %shift_right_logical3A_445 = arith.shrui %get3A_435, %shift_right_logical3A_444 : vector<16xi32>
        %swap3A_446 = arith.constant 48 : index
        %swap3A_447 = tpu.vector_load %arg9[%swap3A_446] {strides = array<i32>} : memref<128xi32, #tpu.memory_space<vmem>>, vector<16xi32>,
        %swap3A_448 = vector.shape_cast %swap3A_447 : vector<16xi32> to vector<16xi32>
        %swap3A_449 = vector.shape_cast %shift_right_logical3A_445 : vector<16xi32> to vector<16xi32>
        tpu.vector_store %arg9[%swap3A_446], %swap3A_449 {strides = array<i32>} : memref<128xi32, #tpu.memory_space<vmem>>, vector<16xi32>,
        %get3A_450 = arith.index_cast %add3A_377 : i32 to index
        %get3A_451 = arith.constant 64 : index
        %get3A_452 = tpu.vector_load %arg5[%get3A_450, %get3A_451] {strides = array<i32>} : memref<128x128xi32, #tpu.memory_space<vmem>>, vector<1x16xi32>,
        %get3A_453 = vector.shape_cast %get3A_452 : vector<1x16xi32> to vector<16xi32>
        %and3A_454 = arith.constant 16383 : i32
        %and3A_455 = vector.broadcast %and3A_454 : i32 to vector<16xi32>
        %and3A_456 = arith.andi %get3A_453, %and3A_455 : vector<16xi32>
        %swap3A_457 = arith.constant 64 : index
        %swap3A_458 = tpu.vector_load %arg8[%swap3A_457] {strides = array<i32>} : memref<128xi32, #tpu.memory_space<vmem>>, vector<16xi32>,
        %swap3A_459 = vector.shape_cast %swap3A_458 : vector<16xi32> to vector<16xi32>
        %swap3A_460 = vector.shape_cast %and3A_456 : vector<16xi32> to vector<16xi32>
        tpu.vector_store %arg8[%swap3A_457], %swap3A_460 {strides = array<i32>} : memref<128xi32, #tpu.memory_space<vmem>>, vector<16xi32>,
        %shift_right_logical3A_461 = arith.constant 14 : i32
        %shift_right_logical3A_462 = vector.broadcast %shift_right_logical3A_461 : i32 to vector<16xi32>
        %shift_right_logical3A_463 = arith.shrui %get3A_453, %shift_right_logical3A_462 : vector<16xi32>
        %swap3A_464 = arith.constant 64 : index
        %swap3A_465 = tpu.vector_load %arg9[%swap3A_464] {strides = array<i32>} : memref<128xi32, #tpu.memory_space<vmem>>, vector<16xi32>,
        %swap3A_466 = vector.shape_cast %swap3A_465 : vector<16xi32> to vector<16xi32>
        %swap3A_467 = vector.shape_cast %shift_right_logical3A_463 : vector<16xi32> to vector<16xi32>
        tpu.vector_store %arg9[%swap3A_464], %swap3A_467 {strides = array<i32>} : memref<128xi32, #tpu.memory_space<vmem>>, vector<16xi32>,
        %get3A_468 = arith.index_cast %add3A_377 : i32 to index
        %get3A_469 = arith.constant 80 : index
        %get3A_470 = tpu.vector_load %arg5[%get3A_468, %get3A_469] {strides = array<i32>} : memref<128x128xi32, #tpu.memory_space<vmem>>, vector<1x16xi32>,
        %get3A_471 = vector.shape_cast %get3A_470 : vector<1x16xi32> to vector<16xi32>
        %and3A_472 = arith.constant 16383 : i32
        %and3A_473 = vector.broadcast %and3A_472 : i32 to vector<16xi32>
        %and3A_474 = arith.andi %get3A_471, %and3A_473 : vector<16xi32>
        %swap3A_475 = arith.constant 80 : index
        %swap3A_476 = tpu.vector_load %arg8[%swap3A_475] {strides = array<i32>} : memref<128xi32, #tpu.memory_space<vmem>>, vector<16xi32>,
        %swap3A_477 = vector.shape_cast %swap3A_476 : vector<16xi32> to vector<16xi32>
        %swap3A_478 = vector.shape_cast %and3A_474 : vector<16xi32> to vector<16xi32>
        tpu.vector_store %arg8[%swap3A_475], %swap3A_478 {strides = array<i32>} : memref<128xi32, #tpu.memory_space<vmem>>, vector<16xi32>,
        %shift_right_logical3A_479 = arith.constant 14 : i32
        %shift_right_logical3A_480 = vector.broadcast %shift_right_logical3A_479 : i32 to vector<16xi32>
        %shift_right_logical3A_481 = arith.shrui %get3A_471, %shift_right_logical3A_480 : vector<16xi32>
        %swap3A_482 = arith.constant 80 : index
        %swap3A_483 = tpu.vector_load %arg9[%swap3A_482] {strides = array<i32>} : memref<128xi32, #tpu.memory_space<vmem>>, vector<16xi32>,
        %swap3A_484 = vector.shape_cast %swap3A_483 : vector<16xi32> to vector<16xi32>
        %swap3A_485 = vector.shape_cast %shift_right_logical3A_481 : vector<16xi32> to vector<16xi32>
        tpu.vector_store %arg9[%swap3A_482], %swap3A_485 {strides = array<i32>} : memref<128xi32, #tpu.memory_space<vmem>>, vector<16xi32>,
        %get3A_486 = arith.index_cast %add3A_377 : i32 to index
        %get3A_487 = arith.constant 96 : index
        %get3A_488 = tpu.vector_load %arg5[%get3A_486, %get3A_487] {strides = array<i32>} : memref<128x128xi32, #tpu.memory_space<vmem>>, vector<1x16xi32>,
        %get3A_489 = vector.shape_cast %get3A_488 : vector<1x16xi32> to vector<16xi32>
        %and3A_490 = arith.constant 16383 : i32
        %and3A_491 = vector.broadcast %and3A_490 : i32 to vector<16xi32>
        %and3A_492 = arith.andi %get3A_489, %and3A_491 : vector<16xi32>
        %swap3A_493 = arith.constant 96 : index
        %swap3A_494 = tpu.vector_load %arg8[%swap3A_493] {strides = array<i32>} : memref<128xi32, #tpu.memory_space<vmem>>, vector<16xi32>,
        %swap3A_495 = vector.shape_cast %swap3A_494 : vector<16xi32> to vector<16xi32>
        %swap3A_496 = vector.shape_cast %and3A_492 : vector<16xi32> to vector<16xi32>
        tpu.vector_store %arg8[%swap3A_493], %swap3A_496 {strides = array<i32>} : memref<128xi32, #tpu.memory_space<vmem>>, vector<16xi32>,
        %shift_right_logical3A_497 = arith.constant 14 : i32
        %shift_right_logical3A_498 = vector.broadcast %shift_right_logical3A_497 : i32 to vector<16xi32>
        %shift_right_logical3A_499 = arith.shrui %get3A_489, %shift_right_logical3A_498 : vector<16xi32>
        %swap3A_500 = arith.constant 96 : index
        %swap3A_501 = tpu.vector_load %arg9[%swap3A_500] {strides = array<i32>} : memref<128xi32, #tpu.memory_space<vmem>>, vector<16xi32>,
        %swap3A_502 = vector.shape_cast %swap3A_501 : vector<16xi32> to vector<16xi32>
        %swap3A_503 = vector.shape_cast %shift_right_logical3A_499 : vector<16xi32> to vector<16xi32>
        tpu.vector_store %arg9[%swap3A_500], %swap3A_503 {strides = array<i32>} : memref<128xi32, #tpu.memory_space<vmem>>, vector<16xi32>,
        %get3A_504 = arith.index_cast %add3A_377 : i32 to index
        %get3A_505 = arith.constant 112 : index
        %get3A_506 = tpu.vector_load %arg5[%get3A_504, %get3A_505] {strides = array<i32>} : memref<128x128xi32, #tpu.memory_space<vmem>>, vector<1x16xi32>,
        %get3A_507 = vector.shape_cast %get3A_506 : vector<1x16xi32> to vector<16xi32>
        %and3A_508 = arith.constant 16383 : i32
        %and3A_509 = vector.broadcast %and3A_508 : i32 to vector<16xi32>
        %and3A_510 = arith.andi %get3A_507, %and3A_509 : vector<16xi32>
        %swap3A_511 = arith.constant 112 : index
        %swap3A_512 = tpu.vector_load %arg8[%swap3A_511] {strides = array<i32>} : memref<128xi32, #tpu.memory_space<vmem>>, vector<16xi32>,
        %swap3A_513 = vector.shape_cast %swap3A_512 : vector<16xi32> to vector<16xi32>
        %swap3A_514 = vector.shape_cast %and3A_510 : vector<16xi32> to vector<16xi32>
        tpu.vector_store %arg8[%swap3A_511], %swap3A_514 {strides = array<i32>} : memref<128xi32, #tpu.memory_space<vmem>>, vector<16xi32>,
        %shift_right_logical3A_515 = arith.constant 14 : i32
        %shift_right_logical3A_516 = vector.broadcast %shift_right_logical3A_515 : i32 to vector<16xi32>
        %shift_right_logical3A_517 = arith.shrui %get3A_507, %shift_right_logical3A_516 : vector<16xi32>
        %swap3A_518 = arith.constant 112 : index
        %swap3A_519 = tpu.vector_load %arg9[%swap3A_518] {strides = array<i32>} : memref<128xi32, #tpu.memory_space<vmem>>, vector<16xi32>,
        %swap3A_520 = vector.shape_cast %swap3A_519 : vector<16xi32> to vector<16xi32>
        %swap3A_521 = vector.shape_cast %shift_right_logical3A_517 : vector<16xi32> to vector<16xi32>
        tpu.vector_store %arg9[%swap3A_518], %swap3A_521 {strides = array<i32>} : memref<128xi32, #tpu.memory_space<vmem>>, vector<16xi32>,
      } else {
      }
    }
    "tpu.trace_stop"() : () -> ()
    "tpu.trace_start"() <{level = 10 : i32, message = "endbar"}> : () -> ()
    %barrier3A_353 = arith.constant 0 : index
    tpu.barrier barrier_id(%barrier3A_353)
    "tpu.trace_stop"() : () -> ()
    "tpu.trace_start"() <{level = 10 : i32, message = "writeback"}> : () -> ()
    %mul3A_354 = arith.constant 632 : i32
    %mul3A_355 = arith.muli %arg1, %mul3A_354 : i32
    "tpu.region"() ({
      %run_scoped3A = tpu.sem_alloc : memref<!tpu.dma_semaphore, #tpu.memory_space<semaphore_mem>>
      %dma_start3A_356 = arith.constant 0 : i32
      %dma_start3A_357 = tpu.memref_slice %arg4[%arg0, %mul3A_355, %dma_start3A_356] : memref<2x10112x128xf32, #tpu.memory_space<hbm>> -> memref<1x632x128xf32, #tpu.memory_space<hbm>>
      %dma_start3A_358 = tpu.memref_squeeze %dma_start3A_357 : memref<1x632x128xf32, #tpu.memory_space<hbm>> -> memref<632x128xf32, #tpu.memory_space<hbm>>
      %dma_start3A_359 = arith.constant 0 : i32
      %dma_start3A_360 = tpu.memref_slice %arg12[%mul3A_355, %dma_start3A_359] : memref<10112x128xf32, #tpu.memory_space<vmem_shared>> -> memref<632x128xf32, #tpu.memory_space<vmem_shared>>
      tpu.enqueue_dma source(%dma_start3A_360 : memref<632x128xf32, #tpu.memory_space<vmem_shared>>) target(%dma_start3A_358 : memref<632x128xf32, #tpu.memory_space<hbm>>) target_semaphore(%run_scoped3A : memref<!tpu.dma_semaphore, #tpu.memory_space<semaphore_mem>>)
      %dma_wait3A = arith.constant 0 : i32
      %dma_wait3A_361 = tpu.memref_slice %arg4[%arg0, %mul3A_355, %dma_wait3A] : memref<2x10112x128xf32, #tpu.memory_space<hbm>> -> memref<1x632x128xf32, #tpu.memory_space<hbm>>
      %dma_wait3A_362 = tpu.memref_squeeze %dma_wait3A_361 : memref<1x632x128xf32, #tpu.memory_space<hbm>> -> memref<632x128xf32, #tpu.memory_space<hbm>>
      %dma_wait3A_363 = arith.constant 0 : i32
      %dma_wait3A_364 = tpu.memref_slice %arg12[%mul3A_355, %dma_wait3A_363] : memref<10112x128xf32, #tpu.memory_space<vmem_shared>> -> memref<632x128xf32, #tpu.memory_space<vmem_shared>>
      tpu.wait_dma2 semaphore(%run_scoped3A : memref<!tpu.dma_semaphore, #tpu.memory_space<semaphore_mem>>) src(%dma_wait3A_364 : memref<632x128xf32, #tpu.memory_space<vmem_shared>>) dst(%dma_wait3A_362 : memref<632x128xf32, #tpu.memory_space<hbm>>)
      tpu.yield
    }) : () -> ()
    "tpu.trace_stop"() : () -> ()
    return
  }
}

#map = affine_map<(d0, d1) -> (0, 0)>
#map1 = affine_map<(d0, d1) -> (0, 0, 0)>
module attributes {stable_mosaic.version = 14 : i64} {
  func.func @_segsum_sc_body(%arg0: i32, %arg1: i32, %arg2: memref<10000x128xf32, #tpu.memory_space<hbm>>, %arg3: memref<32x128x128xi32, #tpu.memory_space<hbm>>, %arg4: memref<2x10112x128xf32, #tpu.memory_space<hbm>>, %arg5: memref<128x128xi32, #tpu.memory_space<vmem>>, %arg6: memref<128xi32, #tpu.memory_space<vmem>>, %arg7: memref<128xi32, #tpu.memory_space<vmem>>, %arg8: memref<128xi32, #tpu.memory_space<vmem>>, %arg9: memref<128xi32, #tpu.memory_space<vmem>>, %arg10: memref<128x128xf32, #tpu.memory_space<vmem>>, %arg11: memref<128x128xf32, #tpu.memory_space<vmem>>, %arg12: memref<10112x128xf32, #tpu.memory_space<vmem_shared>>, %arg13: memref<!tpu.dma_semaphore, #tpu.memory_space<semaphore_mem>>, %arg14: memref<!tpu.dma_semaphore, #tpu.memory_space<semaphore_mem>>) attributes {dimension_semantics = [#tpu.dimension_semantics<core_parallel>, #tpu.dimension_semantics<subcore_parallel>], iteration_bounds = array<i64: 2, 16>, scalar_prefetch = 0 : i64, scratch_operands = 10 : i64, tpu.core_type = #tpu.core_type<sc_vector_subcore>, window_params = [{transform_indices = #map}, {transform_indices = #map1}, {transform_indices = #map1}]} {
    %mul3A = arith.constant 16 : i32
    %mul3A_0 = arith.muli %arg0, %mul3A : i32
    %add3A = arith.addi %mul3A_0, %arg1 : i32
    %eq3A = arith.constant 0 : i32
    %eq3A_1 = arith.cmpi eq, %arg0, %eq3A : i32
    %jit3A = arith.constant 128 : i32
    %jit3A_2 = arith.constant 32 : i32
    %select_n3A = arith.select %eq3A_1, %jit3A, %jit3A_2 : i32
    %broadcast_in_dim3A = arith.constant 0.000000e+00 : f32
    %broadcast_in_dim3A_3 = vector.broadcast %broadcast_in_dim3A : f32 to vector<16xf32>
    "tpu.trace_start"() <{level = 10 : i32, message = "zero_vec"}> : () -> ()
    %scan3A = arith.constant 0 : i32
    %scan3A_4 = arith.constant 0 : i32
    %scan3A_5 = arith.constant 128 : i32
    %scan3A_6 = arith.addi %scan3A_4, %scan3A_5 : i32
    %scan3A_7 = arith.constant 1 : i32
    scf.for %scan3A_356 = %scan3A_4 to %scan3A_6 step %scan3A_7  : i32 {
      %swap3A_357 = arith.index_cast %scan3A_356 : i32 to index
      %swap3A_358 = arith.constant 0 : index
      %swap3A_359 = tpu.vector_load %arg10[%swap3A_357, %swap3A_358] {strides = array<i32>} : memref<128x128xf32, #tpu.memory_space<vmem>>, vector<1x16xf32>,
      %swap3A_360 = vector.shape_cast %swap3A_359 : vector<1x16xf32> to vector<16xf32>
      %swap3A_361 = vector.shape_cast %broadcast_in_dim3A_3 : vector<16xf32> to vector<1x16xf32>
      tpu.vector_store %arg10[%swap3A_357, %swap3A_358], %swap3A_361 {strides = array<i32>} : memref<128x128xf32, #tpu.memory_space<vmem>>, vector<1x16xf32>,
      %swap3A_362 = arith.index_cast %scan3A_356 : i32 to index
      %swap3A_363 = arith.constant 16 : index
      %swap3A_364 = tpu.vector_load %arg10[%swap3A_362, %swap3A_363] {strides = array<i32>} : memref<128x128xf32, #tpu.memory_space<vmem>>, vector<1x16xf32>,
      %swap3A_365 = vector.shape_cast %swap3A_364 : vector<1x16xf32> to vector<16xf32>
      %swap3A_366 = vector.shape_cast %broadcast_in_dim3A_3 : vector<16xf32> to vector<1x16xf32>
      tpu.vector_store %arg10[%swap3A_362, %swap3A_363], %swap3A_366 {strides = array<i32>} : memref<128x128xf32, #tpu.memory_space<vmem>>, vector<1x16xf32>,
      %swap3A_367 = arith.index_cast %scan3A_356 : i32 to index
      %swap3A_368 = arith.constant 32 : index
      %swap3A_369 = tpu.vector_load %arg10[%swap3A_367, %swap3A_368] {strides = array<i32>} : memref<128x128xf32, #tpu.memory_space<vmem>>, vector<1x16xf32>,
      %swap3A_370 = vector.shape_cast %swap3A_369 : vector<1x16xf32> to vector<16xf32>
      %swap3A_371 = vector.shape_cast %broadcast_in_dim3A_3 : vector<16xf32> to vector<1x16xf32>
      tpu.vector_store %arg10[%swap3A_367, %swap3A_368], %swap3A_371 {strides = array<i32>} : memref<128x128xf32, #tpu.memory_space<vmem>>, vector<1x16xf32>,
      %swap3A_372 = arith.index_cast %scan3A_356 : i32 to index
      %swap3A_373 = arith.constant 48 : index
      %swap3A_374 = tpu.vector_load %arg10[%swap3A_372, %swap3A_373] {strides = array<i32>} : memref<128x128xf32, #tpu.memory_space<vmem>>, vector<1x16xf32>,
      %swap3A_375 = vector.shape_cast %swap3A_374 : vector<1x16xf32> to vector<16xf32>
      %swap3A_376 = vector.shape_cast %broadcast_in_dim3A_3 : vector<16xf32> to vector<1x16xf32>
      tpu.vector_store %arg10[%swap3A_372, %swap3A_373], %swap3A_376 {strides = array<i32>} : memref<128x128xf32, #tpu.memory_space<vmem>>, vector<1x16xf32>,
      %swap3A_377 = arith.index_cast %scan3A_356 : i32 to index
      %swap3A_378 = arith.constant 64 : index
      %swap3A_379 = tpu.vector_load %arg10[%swap3A_377, %swap3A_378] {strides = array<i32>} : memref<128x128xf32, #tpu.memory_space<vmem>>, vector<1x16xf32>,
      %swap3A_380 = vector.shape_cast %swap3A_379 : vector<1x16xf32> to vector<16xf32>
      %swap3A_381 = vector.shape_cast %broadcast_in_dim3A_3 : vector<16xf32> to vector<1x16xf32>
      tpu.vector_store %arg10[%swap3A_377, %swap3A_378], %swap3A_381 {strides = array<i32>} : memref<128x128xf32, #tpu.memory_space<vmem>>, vector<1x16xf32>,
      %swap3A_382 = arith.index_cast %scan3A_356 : i32 to index
      %swap3A_383 = arith.constant 80 : index
      %swap3A_384 = tpu.vector_load %arg10[%swap3A_382, %swap3A_383] {strides = array<i32>} : memref<128x128xf32, #tpu.memory_space<vmem>>, vector<1x16xf32>,
      %swap3A_385 = vector.shape_cast %swap3A_384 : vector<1x16xf32> to vector<16xf32>
      %swap3A_386 = vector.shape_cast %broadcast_in_dim3A_3 : vector<16xf32> to vector<1x16xf32>
      tpu.vector_store %arg10[%swap3A_382, %swap3A_383], %swap3A_386 {strides = array<i32>} : memref<128x128xf32, #tpu.memory_space<vmem>>, vector<1x16xf32>,
      %swap3A_387 = arith.index_cast %scan3A_356 : i32 to index
      %swap3A_388 = arith.constant 96 : index
      %swap3A_389 = tpu.vector_load %arg10[%swap3A_387, %swap3A_388] {strides = array<i32>} : memref<128x128xf32, #tpu.memory_space<vmem>>, vector<1x16xf32>,
      %swap3A_390 = vector.shape_cast %swap3A_389 : vector<1x16xf32> to vector<16xf32>
      %swap3A_391 = vector.shape_cast %broadcast_in_dim3A_3 : vector<16xf32> to vector<1x16xf32>
      tpu.vector_store %arg10[%swap3A_387, %swap3A_388], %swap3A_391 {strides = array<i32>} : memref<128x128xf32, #tpu.memory_space<vmem>>, vector<1x16xf32>,
      %swap3A_392 = arith.index_cast %scan3A_356 : i32 to index
      %swap3A_393 = arith.constant 112 : index
      %swap3A_394 = tpu.vector_load %arg10[%swap3A_392, %swap3A_393] {strides = array<i32>} : memref<128x128xf32, #tpu.memory_space<vmem>>, vector<1x16xf32>,
      %swap3A_395 = vector.shape_cast %swap3A_394 : vector<1x16xf32> to vector<16xf32>
      %swap3A_396 = vector.shape_cast %broadcast_in_dim3A_3 : vector<16xf32> to vector<1x16xf32>
      tpu.vector_store %arg10[%swap3A_392, %swap3A_393], %swap3A_396 {strides = array<i32>} : memref<128x128xf32, #tpu.memory_space<vmem>>, vector<1x16xf32>,
    }
    %scan3A_8 = arith.constant 128 : i32
    "tpu.trace_stop"() : () -> ()
    "tpu.trace_start"() <{level = 10 : i32, message = "zero_acc"}> : () -> ()
    %mul3A_9 = arith.constant 632 : i32
    %mul3A_10 = arith.muli %arg1, %mul3A_9 : i32
    %add3A_11 = arith.constant 0 : i32
    %add3A_12 = arith.addi %mul3A_10, %add3A_11 : i32
    "tpu.region"() ({
      %run_scoped3A = tpu.sem_alloc : memref<!tpu.dma_semaphore, #tpu.memory_space<semaphore_mem>>
      %dma_start3A_356 = arith.constant 0 : i32
      %dma_start3A_357 = tpu.memref_slice %arg12[%add3A_12, %dma_start3A_356] : memref<10112x128xf32, #tpu.memory_space<vmem_shared>> -> memref<128x128xf32, #tpu.memory_space<vmem_shared>>
      %dma_start3A_358 = arith.constant 0 : i32
      %dma_start3A_359 = tpu.memref_slice %arg12[%add3A_12, %dma_start3A_358] : memref<10112x128xf32, #tpu.memory_space<vmem_shared>> -> memref<128x128xf32, #tpu.memory_space<vmem_shared>>
      tpu.enqueue_dma source(%arg10 : memref<128x128xf32, #tpu.memory_space<vmem>>) target(%dma_start3A_359 : memref<128x128xf32, #tpu.memory_space<vmem_shared>>) target_semaphore(%run_scoped3A : memref<!tpu.dma_semaphore, #tpu.memory_space<semaphore_mem>>)
      %dma_wait3A = arith.constant 0 : i32
      %dma_wait3A_360 = tpu.memref_slice %arg12[%add3A_12, %dma_wait3A] : memref<10112x128xf32, #tpu.memory_space<vmem_shared>> -> memref<128x128xf32, #tpu.memory_space<vmem_shared>>
      %dma_wait3A_361 = arith.constant 0 : i32
      %dma_wait3A_362 = tpu.memref_slice %arg12[%add3A_12, %dma_wait3A_361] : memref<10112x128xf32, #tpu.memory_space<vmem_shared>> -> memref<128x128xf32, #tpu.memory_space<vmem_shared>>
      tpu.wait_dma2 semaphore(%run_scoped3A : memref<!tpu.dma_semaphore, #tpu.memory_space<semaphore_mem>>) src(%arg10 : memref<128x128xf32, #tpu.memory_space<vmem>>) dst(%dma_wait3A_362 : memref<128x128xf32, #tpu.memory_space<vmem_shared>>)
      tpu.yield
    }) : () -> ()
    %add3A_13 = arith.constant 128 : i32
    %add3A_14 = arith.addi %mul3A_10, %add3A_13 : i32
    "tpu.region"() ({
      %run_scoped3A = tpu.sem_alloc : memref<!tpu.dma_semaphore, #tpu.memory_space<semaphore_mem>>
      %dma_start3A_356 = arith.constant 0 : i32
      %dma_start3A_357 = tpu.memref_slice %arg12[%add3A_14, %dma_start3A_356] : memref<10112x128xf32, #tpu.memory_space<vmem_shared>> -> memref<128x128xf32, #tpu.memory_space<vmem_shared>>
      %dma_start3A_358 = arith.constant 0 : i32
      %dma_start3A_359 = tpu.memref_slice %arg12[%add3A_14, %dma_start3A_358] : memref<10112x128xf32, #tpu.memory_space<vmem_shared>> -> memref<128x128xf32, #tpu.memory_space<vmem_shared>>
      tpu.enqueue_dma source(%arg10 : memref<128x128xf32, #tpu.memory_space<vmem>>) target(%dma_start3A_359 : memref<128x128xf32, #tpu.memory_space<vmem_shared>>) target_semaphore(%run_scoped3A : memref<!tpu.dma_semaphore, #tpu.memory_space<semaphore_mem>>)
      %dma_wait3A = arith.constant 0 : i32
      %dma_wait3A_360 = tpu.memref_slice %arg12[%add3A_14, %dma_wait3A] : memref<10112x128xf32, #tpu.memory_space<vmem_shared>> -> memref<128x128xf32, #tpu.memory_space<vmem_shared>>
      %dma_wait3A_361 = arith.constant 0 : i32
      %dma_wait3A_362 = tpu.memref_slice %arg12[%add3A_14, %dma_wait3A_361] : memref<10112x128xf32, #tpu.memory_space<vmem_shared>> -> memref<128x128xf32, #tpu.memory_space<vmem_shared>>
      tpu.wait_dma2 semaphore(%run_scoped3A : memref<!tpu.dma_semaphore, #tpu.memory_space<semaphore_mem>>) src(%arg10 : memref<128x128xf32, #tpu.memory_space<vmem>>) dst(%dma_wait3A_362 : memref<128x128xf32, #tpu.memory_space<vmem_shared>>)
      tpu.yield
    }) : () -> ()
    %add3A_15 = arith.constant 256 : i32
    %add3A_16 = arith.addi %mul3A_10, %add3A_15 : i32
    "tpu.region"() ({
      %run_scoped3A = tpu.sem_alloc : memref<!tpu.dma_semaphore, #tpu.memory_space<semaphore_mem>>
      %dma_start3A_356 = arith.constant 0 : i32
      %dma_start3A_357 = tpu.memref_slice %arg12[%add3A_16, %dma_start3A_356] : memref<10112x128xf32, #tpu.memory_space<vmem_shared>> -> memref<128x128xf32, #tpu.memory_space<vmem_shared>>
      %dma_start3A_358 = arith.constant 0 : i32
      %dma_start3A_359 = tpu.memref_slice %arg12[%add3A_16, %dma_start3A_358] : memref<10112x128xf32, #tpu.memory_space<vmem_shared>> -> memref<128x128xf32, #tpu.memory_space<vmem_shared>>
      tpu.enqueue_dma source(%arg10 : memref<128x128xf32, #tpu.memory_space<vmem>>) target(%dma_start3A_359 : memref<128x128xf32, #tpu.memory_space<vmem_shared>>) target_semaphore(%run_scoped3A : memref<!tpu.dma_semaphore, #tpu.memory_space<semaphore_mem>>)
      %dma_wait3A = arith.constant 0 : i32
      %dma_wait3A_360 = tpu.memref_slice %arg12[%add3A_16, %dma_wait3A] : memref<10112x128xf32, #tpu.memory_space<vmem_shared>> -> memref<128x128xf32, #tpu.memory_space<vmem_shared>>
      %dma_wait3A_361 = arith.constant 0 : i32
      %dma_wait3A_362 = tpu.memref_slice %arg12[%add3A_16, %dma_wait3A_361] : memref<10112x128xf32, #tpu.memory_space<vmem_shared>> -> memref<128x128xf32, #tpu.memory_space<vmem_shared>>
      tpu.wait_dma2 semaphore(%run_scoped3A : memref<!tpu.dma_semaphore, #tpu.memory_space<semaphore_mem>>) src(%arg10 : memref<128x128xf32, #tpu.memory_space<vmem>>) dst(%dma_wait3A_362 : memref<128x128xf32, #tpu.memory_space<vmem_shared>>)
      tpu.yield
    }) : () -> ()
    %add3A_17 = arith.constant 384 : i32
    %add3A_18 = arith.addi %mul3A_10, %add3A_17 : i32
    "tpu.region"() ({
      %run_scoped3A = tpu.sem_alloc : memref<!tpu.dma_semaphore, #tpu.memory_space<semaphore_mem>>
      %dma_start3A_356 = arith.constant 0 : i32
      %dma_start3A_357 = tpu.memref_slice %arg12[%add3A_18, %dma_start3A_356] : memref<10112x128xf32, #tpu.memory_space<vmem_shared>> -> memref<128x128xf32, #tpu.memory_space<vmem_shared>>
      %dma_start3A_358 = arith.constant 0 : i32
      %dma_start3A_359 = tpu.memref_slice %arg12[%add3A_18, %dma_start3A_358] : memref<10112x128xf32, #tpu.memory_space<vmem_shared>> -> memref<128x128xf32, #tpu.memory_space<vmem_shared>>
      tpu.enqueue_dma source(%arg10 : memref<128x128xf32, #tpu.memory_space<vmem>>) target(%dma_start3A_359 : memref<128x128xf32, #tpu.memory_space<vmem_shared>>) target_semaphore(%run_scoped3A : memref<!tpu.dma_semaphore, #tpu.memory_space<semaphore_mem>>)
      %dma_wait3A = arith.constant 0 : i32
      %dma_wait3A_360 = tpu.memref_slice %arg12[%add3A_18, %dma_wait3A] : memref<10112x128xf32, #tpu.memory_space<vmem_shared>> -> memref<128x128xf32, #tpu.memory_space<vmem_shared>>
      %dma_wait3A_361 = arith.constant 0 : i32
      %dma_wait3A_362 = tpu.memref_slice %arg12[%add3A_18, %dma_wait3A_361] : memref<10112x128xf32, #tpu.memory_space<vmem_shared>> -> memref<128x128xf32, #tpu.memory_space<vmem_shared>>
      tpu.wait_dma2 semaphore(%run_scoped3A : memref<!tpu.dma_semaphore, #tpu.memory_space<semaphore_mem>>) src(%arg10 : memref<128x128xf32, #tpu.memory_space<vmem>>) dst(%dma_wait3A_362 : memref<128x128xf32, #tpu.memory_space<vmem_shared>>)
      tpu.yield
    }) : () -> ()
    %add3A_19 = arith.constant 632 : i32
    %add3A_20 = arith.addi %mul3A_10, %add3A_19 : i32
    %sub3A = arith.constant 120 : i32
    %sub3A_21 = arith.subi %add3A_20, %sub3A : i32
    "tpu.region"() ({
      %run_scoped3A = tpu.sem_alloc : memref<!tpu.dma_semaphore, #tpu.memory_space<semaphore_mem>>
      %dma_start3A_356 = arith.constant 0 : i32
      %dma_start3A_357 = arith.constant 0 : i32
      %dma_start3A_358 = tpu.memref_slice %arg10[%dma_start3A_356, %dma_start3A_357] : memref<128x128xf32, #tpu.memory_space<vmem>> -> memref<120x128xf32, #tpu.memory_space<vmem>>
      %dma_start3A_359 = arith.constant 0 : i32
      %dma_start3A_360 = tpu.memref_slice %arg12[%sub3A_21, %dma_start3A_359] : memref<10112x128xf32, #tpu.memory_space<vmem_shared>> -> memref<120x128xf32, #tpu.memory_space<vmem_shared>>
      %dma_start3A_361 = arith.constant 0 : i32
      %dma_start3A_362 = tpu.memref_slice %arg12[%sub3A_21, %dma_start3A_361] : memref<10112x128xf32, #tpu.memory_space<vmem_shared>> -> memref<120x128xf32, #tpu.memory_space<vmem_shared>>
      %dma_start3A_363 = arith.constant 0 : i32
      %dma_start3A_364 = arith.constant 0 : i32
      %dma_start3A_365 = tpu.memref_slice %arg10[%dma_start3A_363, %dma_start3A_364] : memref<128x128xf32, #tpu.memory_space<vmem>> -> memref<120x128xf32, #tpu.memory_space<vmem>>
      tpu.enqueue_dma source(%dma_start3A_365 : memref<120x128xf32, #tpu.memory_space<vmem>>) target(%dma_start3A_362 : memref<120x128xf32, #tpu.memory_space<vmem_shared>>) target_semaphore(%run_scoped3A : memref<!tpu.dma_semaphore, #tpu.memory_space<semaphore_mem>>)
      %dma_wait3A = arith.constant 0 : i32
      %dma_wait3A_366 = arith.constant 0 : i32
      %dma_wait3A_367 = tpu.memref_slice %arg10[%dma_wait3A, %dma_wait3A_366] : memref<128x128xf32, #tpu.memory_space<vmem>> -> memref<120x128xf32, #tpu.memory_space<vmem>>
      %dma_wait3A_368 = arith.constant 0 : i32
      %dma_wait3A_369 = tpu.memref_slice %arg12[%sub3A_21, %dma_wait3A_368] : memref<10112x128xf32, #tpu.memory_space<vmem_shared>> -> memref<120x128xf32, #tpu.memory_space<vmem_shared>>
      %dma_wait3A_370 = arith.constant 0 : i32
      %dma_wait3A_371 = tpu.memref_slice %arg12[%sub3A_21, %dma_wait3A_370] : memref<10112x128xf32, #tpu.memory_space<vmem_shared>> -> memref<120x128xf32, #tpu.memory_space<vmem_shared>>
      %dma_wait3A_372 = arith.constant 0 : i32
      %dma_wait3A_373 = arith.constant 0 : i32
      %dma_wait3A_374 = tpu.memref_slice %arg10[%dma_wait3A_372, %dma_wait3A_373] : memref<128x128xf32, #tpu.memory_space<vmem>> -> memref<120x128xf32, #tpu.memory_space<vmem>>
      tpu.wait_dma2 semaphore(%run_scoped3A : memref<!tpu.dma_semaphore, #tpu.memory_space<semaphore_mem>>) src(%dma_wait3A_374 : memref<120x128xf32, #tpu.memory_space<vmem>>) dst(%dma_wait3A_371 : memref<120x128xf32, #tpu.memory_space<vmem_shared>>)
      tpu.yield
    }) : () -> ()
    "tpu.trace_stop"() : () -> ()
    "tpu.trace_start"() <{level = 10 : i32, message = "zbar"}> : () -> ()
    %barrier3A = arith.constant 0 : index
    tpu.barrier barrier_id(%barrier3A)
    "tpu.trace_stop"() : () -> ()
    "tpu.trace_start"() <{level = 10 : i32, message = "stage_idx"}> : () -> ()
    "tpu.region"() ({
      %run_scoped3A = tpu.sem_alloc : memref<!tpu.dma_semaphore, #tpu.memory_space<semaphore_mem>>
      %dma_start3A_356 = arith.constant 0 : i32
      %dma_start3A_357 = arith.constant 0 : i32
      %dma_start3A_358 = tpu.memref_slice %arg3[%add3A, %dma_start3A_356, %dma_start3A_357] : memref<32x128x128xi32, #tpu.memory_space<hbm>> -> memref<1x128x128xi32, #tpu.memory_space<hbm>>
      %dma_start3A_359 = tpu.memref_squeeze %dma_start3A_358 : memref<1x128x128xi32, #tpu.memory_space<hbm>> -> memref<128x128xi32, #tpu.memory_space<hbm>>
      %dma_start3A_360 = arith.constant 0 : i32
      %dma_start3A_361 = arith.constant 0 : i32
      %dma_start3A_362 = tpu.memref_slice %arg3[%add3A, %dma_start3A_360, %dma_start3A_361] : memref<32x128x128xi32, #tpu.memory_space<hbm>> -> memref<1x128x128xi32, #tpu.memory_space<hbm>>
      %dma_start3A_363 = tpu.memref_squeeze %dma_start3A_362 : memref<1x128x128xi32, #tpu.memory_space<hbm>> -> memref<128x128xi32, #tpu.memory_space<hbm>>
      tpu.enqueue_dma source(%dma_start3A_363 : memref<128x128xi32, #tpu.memory_space<hbm>>) target(%arg5 : memref<128x128xi32, #tpu.memory_space<vmem>>) target_semaphore(%run_scoped3A : memref<!tpu.dma_semaphore, #tpu.memory_space<semaphore_mem>>)
      %dma_wait3A = arith.constant 0 : i32
      %dma_wait3A_364 = arith.constant 0 : i32
      %dma_wait3A_365 = tpu.memref_slice %arg3[%add3A, %dma_wait3A, %dma_wait3A_364] : memref<32x128x128xi32, #tpu.memory_space<hbm>> -> memref<1x128x128xi32, #tpu.memory_space<hbm>>
      %dma_wait3A_366 = tpu.memref_squeeze %dma_wait3A_365 : memref<1x128x128xi32, #tpu.memory_space<hbm>> -> memref<128x128xi32, #tpu.memory_space<hbm>>
      %dma_wait3A_367 = arith.constant 0 : i32
      %dma_wait3A_368 = arith.constant 0 : i32
      %dma_wait3A_369 = tpu.memref_slice %arg3[%add3A, %dma_wait3A_367, %dma_wait3A_368] : memref<32x128x128xi32, #tpu.memory_space<hbm>> -> memref<1x128x128xi32, #tpu.memory_space<hbm>>
      %dma_wait3A_370 = tpu.memref_squeeze %dma_wait3A_369 : memref<1x128x128xi32, #tpu.memory_space<hbm>> -> memref<128x128xi32, #tpu.memory_space<hbm>>
      tpu.wait_dma2 semaphore(%run_scoped3A : memref<!tpu.dma_semaphore, #tpu.memory_space<semaphore_mem>>) src(%dma_wait3A_370 : memref<128x128xi32, #tpu.memory_space<hbm>>) dst(%arg5 : memref<128x128xi32, #tpu.memory_space<vmem>>)
      tpu.yield
    }) : () -> ()
    %get3A = arith.constant 0 : i32
    %get3A_22 = arith.index_cast %get3A : i32 to index
    %get3A_23 = arith.constant 0 : index
    %get3A_24 = tpu.vector_load %arg5[%get3A_22, %get3A_23] {strides = array<i32>} : memref<128x128xi32, #tpu.memory_space<vmem>>, vector<1x16xi32>,
    %get3A_25 = vector.shape_cast %get3A_24 : vector<1x16xi32> to vector<16xi32>
    %and3A = arith.constant 16383 : i32
    %and3A_26 = vector.broadcast %and3A : i32 to vector<16xi32>
    %and3A_27 = arith.andi %get3A_25, %and3A_26 : vector<16xi32>
    %swap3A = arith.constant 0 : index
    %swap3A_28 = tpu.vector_load %arg6[%swap3A] {strides = array<i32>} : memref<128xi32, #tpu.memory_space<vmem>>, vector<16xi32>,
    %swap3A_29 = vector.shape_cast %swap3A_28 : vector<16xi32> to vector<16xi32>
    %swap3A_30 = vector.shape_cast %and3A_27 : vector<16xi32> to vector<16xi32>
    tpu.vector_store %arg6[%swap3A], %swap3A_30 {strides = array<i32>} : memref<128xi32, #tpu.memory_space<vmem>>, vector<16xi32>,
    %shift_right_logical3A = arith.constant 14 : i32
    %shift_right_logical3A_31 = vector.broadcast %shift_right_logical3A : i32 to vector<16xi32>
    %shift_right_logical3A_32 = arith.shrui %get3A_25, %shift_right_logical3A_31 : vector<16xi32>
    %swap3A_33 = arith.constant 0 : index
    %swap3A_34 = tpu.vector_load %arg7[%swap3A_33] {strides = array<i32>} : memref<128xi32, #tpu.memory_space<vmem>>, vector<16xi32>,
    %swap3A_35 = vector.shape_cast %swap3A_34 : vector<16xi32> to vector<16xi32>
    %swap3A_36 = vector.shape_cast %shift_right_logical3A_32 : vector<16xi32> to vector<16xi32>
    tpu.vector_store %arg7[%swap3A_33], %swap3A_36 {strides = array<i32>} : memref<128xi32, #tpu.memory_space<vmem>>, vector<16xi32>,
    %get3A_37 = arith.constant 0 : i32
    %get3A_38 = arith.index_cast %get3A_37 : i32 to index
    %get3A_39 = arith.constant 16 : index
    %get3A_40 = tpu.vector_load %arg5[%get3A_38, %get3A_39] {strides = array<i32>} : memref<128x128xi32, #tpu.memory_space<vmem>>, vector<1x16xi32>,
    %get3A_41 = vector.shape_cast %get3A_40 : vector<1x16xi32> to vector<16xi32>
    %and3A_42 = arith.constant 16383 : i32
    %and3A_43 = vector.broadcast %and3A_42 : i32 to vector<16xi32>
    %and3A_44 = arith.andi %get3A_41, %and3A_43 : vector<16xi32>
    %swap3A_45 = arith.constant 16 : index
    %swap3A_46 = tpu.vector_load %arg6[%swap3A_45] {strides = array<i32>} : memref<128xi32, #tpu.memory_space<vmem>>, vector<16xi32>,
    %swap3A_47 = vector.shape_cast %swap3A_46 : vector<16xi32> to vector<16xi32>
    %swap3A_48 = vector.shape_cast %and3A_44 : vector<16xi32> to vector<16xi32>
    tpu.vector_store %arg6[%swap3A_45], %swap3A_48 {strides = array<i32>} : memref<128xi32, #tpu.memory_space<vmem>>, vector<16xi32>,
    %shift_right_logical3A_49 = arith.constant 14 : i32
    %shift_right_logical3A_50 = vector.broadcast %shift_right_logical3A_49 : i32 to vector<16xi32>
    %shift_right_logical3A_51 = arith.shrui %get3A_41, %shift_right_logical3A_50 : vector<16xi32>
    %swap3A_52 = arith.constant 16 : index
    %swap3A_53 = tpu.vector_load %arg7[%swap3A_52] {strides = array<i32>} : memref<128xi32, #tpu.memory_space<vmem>>, vector<16xi32>,
    %swap3A_54 = vector.shape_cast %swap3A_53 : vector<16xi32> to vector<16xi32>
    %swap3A_55 = vector.shape_cast %shift_right_logical3A_51 : vector<16xi32> to vector<16xi32>
    tpu.vector_store %arg7[%swap3A_52], %swap3A_55 {strides = array<i32>} : memref<128xi32, #tpu.memory_space<vmem>>, vector<16xi32>,
    %get3A_56 = arith.constant 0 : i32
    %get3A_57 = arith.index_cast %get3A_56 : i32 to index
    %get3A_58 = arith.constant 32 : index
    %get3A_59 = tpu.vector_load %arg5[%get3A_57, %get3A_58] {strides = array<i32>} : memref<128x128xi32, #tpu.memory_space<vmem>>, vector<1x16xi32>,
    %get3A_60 = vector.shape_cast %get3A_59 : vector<1x16xi32> to vector<16xi32>
    %and3A_61 = arith.constant 16383 : i32
    %and3A_62 = vector.broadcast %and3A_61 : i32 to vector<16xi32>
    %and3A_63 = arith.andi %get3A_60, %and3A_62 : vector<16xi32>
    %swap3A_64 = arith.constant 32 : index
    %swap3A_65 = tpu.vector_load %arg6[%swap3A_64] {strides = array<i32>} : memref<128xi32, #tpu.memory_space<vmem>>, vector<16xi32>,
    %swap3A_66 = vector.shape_cast %swap3A_65 : vector<16xi32> to vector<16xi32>
    %swap3A_67 = vector.shape_cast %and3A_63 : vector<16xi32> to vector<16xi32>
    tpu.vector_store %arg6[%swap3A_64], %swap3A_67 {strides = array<i32>} : memref<128xi32, #tpu.memory_space<vmem>>, vector<16xi32>,
    %shift_right_logical3A_68 = arith.constant 14 : i32
    %shift_right_logical3A_69 = vector.broadcast %shift_right_logical3A_68 : i32 to vector<16xi32>
    %shift_right_logical3A_70 = arith.shrui %get3A_60, %shift_right_logical3A_69 : vector<16xi32>
    %swap3A_71 = arith.constant 32 : index
    %swap3A_72 = tpu.vector_load %arg7[%swap3A_71] {strides = array<i32>} : memref<128xi32, #tpu.memory_space<vmem>>, vector<16xi32>,
    %swap3A_73 = vector.shape_cast %swap3A_72 : vector<16xi32> to vector<16xi32>
    %swap3A_74 = vector.shape_cast %shift_right_logical3A_70 : vector<16xi32> to vector<16xi32>
    tpu.vector_store %arg7[%swap3A_71], %swap3A_74 {strides = array<i32>} : memref<128xi32, #tpu.memory_space<vmem>>, vector<16xi32>,
    %get3A_75 = arith.constant 0 : i32
    %get3A_76 = arith.index_cast %get3A_75 : i32 to index
    %get3A_77 = arith.constant 48 : index
    %get3A_78 = tpu.vector_load %arg5[%get3A_76, %get3A_77] {strides = array<i32>} : memref<128x128xi32, #tpu.memory_space<vmem>>, vector<1x16xi32>,
    %get3A_79 = vector.shape_cast %get3A_78 : vector<1x16xi32> to vector<16xi32>
    %and3A_80 = arith.constant 16383 : i32
    %and3A_81 = vector.broadcast %and3A_80 : i32 to vector<16xi32>
    %and3A_82 = arith.andi %get3A_79, %and3A_81 : vector<16xi32>
    %swap3A_83 = arith.constant 48 : index
    %swap3A_84 = tpu.vector_load %arg6[%swap3A_83] {strides = array<i32>} : memref<128xi32, #tpu.memory_space<vmem>>, vector<16xi32>,
    %swap3A_85 = vector.shape_cast %swap3A_84 : vector<16xi32> to vector<16xi32>
    %swap3A_86 = vector.shape_cast %and3A_82 : vector<16xi32> to vector<16xi32>
    tpu.vector_store %arg6[%swap3A_83], %swap3A_86 {strides = array<i32>} : memref<128xi32, #tpu.memory_space<vmem>>, vector<16xi32>,
    %shift_right_logical3A_87 = arith.constant 14 : i32
    %shift_right_logical3A_88 = vector.broadcast %shift_right_logical3A_87 : i32 to vector<16xi32>
    %shift_right_logical3A_89 = arith.shrui %get3A_79, %shift_right_logical3A_88 : vector<16xi32>
    %swap3A_90 = arith.constant 48 : index
    %swap3A_91 = tpu.vector_load %arg7[%swap3A_90] {strides = array<i32>} : memref<128xi32, #tpu.memory_space<vmem>>, vector<16xi32>,
    %swap3A_92 = vector.shape_cast %swap3A_91 : vector<16xi32> to vector<16xi32>
    %swap3A_93 = vector.shape_cast %shift_right_logical3A_89 : vector<16xi32> to vector<16xi32>
    tpu.vector_store %arg7[%swap3A_90], %swap3A_93 {strides = array<i32>} : memref<128xi32, #tpu.memory_space<vmem>>, vector<16xi32>,
    %get3A_94 = arith.constant 0 : i32
    %get3A_95 = arith.index_cast %get3A_94 : i32 to index
    %get3A_96 = arith.constant 64 : index
    %get3A_97 = tpu.vector_load %arg5[%get3A_95, %get3A_96] {strides = array<i32>} : memref<128x128xi32, #tpu.memory_space<vmem>>, vector<1x16xi32>,
    %get3A_98 = vector.shape_cast %get3A_97 : vector<1x16xi32> to vector<16xi32>
    %and3A_99 = arith.constant 16383 : i32
    %and3A_100 = vector.broadcast %and3A_99 : i32 to vector<16xi32>
    %and3A_101 = arith.andi %get3A_98, %and3A_100 : vector<16xi32>
    %swap3A_102 = arith.constant 64 : index
    %swap3A_103 = tpu.vector_load %arg6[%swap3A_102] {strides = array<i32>} : memref<128xi32, #tpu.memory_space<vmem>>, vector<16xi32>,
    %swap3A_104 = vector.shape_cast %swap3A_103 : vector<16xi32> to vector<16xi32>
    %swap3A_105 = vector.shape_cast %and3A_101 : vector<16xi32> to vector<16xi32>
    tpu.vector_store %arg6[%swap3A_102], %swap3A_105 {strides = array<i32>} : memref<128xi32, #tpu.memory_space<vmem>>, vector<16xi32>,
    %shift_right_logical3A_106 = arith.constant 14 : i32
    %shift_right_logical3A_107 = vector.broadcast %shift_right_logical3A_106 : i32 to vector<16xi32>
    %shift_right_logical3A_108 = arith.shrui %get3A_98, %shift_right_logical3A_107 : vector<16xi32>
    %swap3A_109 = arith.constant 64 : index
    %swap3A_110 = tpu.vector_load %arg7[%swap3A_109] {strides = array<i32>} : memref<128xi32, #tpu.memory_space<vmem>>, vector<16xi32>,
    %swap3A_111 = vector.shape_cast %swap3A_110 : vector<16xi32> to vector<16xi32>
    %swap3A_112 = vector.shape_cast %shift_right_logical3A_108 : vector<16xi32> to vector<16xi32>
    tpu.vector_store %arg7[%swap3A_109], %swap3A_112 {strides = array<i32>} : memref<128xi32, #tpu.memory_space<vmem>>, vector<16xi32>,
    %get3A_113 = arith.constant 0 : i32
    %get3A_114 = arith.index_cast %get3A_113 : i32 to index
    %get3A_115 = arith.constant 80 : index
    %get3A_116 = tpu.vector_load %arg5[%get3A_114, %get3A_115] {strides = array<i32>} : memref<128x128xi32, #tpu.memory_space<vmem>>, vector<1x16xi32>,
    %get3A_117 = vector.shape_cast %get3A_116 : vector<1x16xi32> to vector<16xi32>
    %and3A_118 = arith.constant 16383 : i32
    %and3A_119 = vector.broadcast %and3A_118 : i32 to vector<16xi32>
    %and3A_120 = arith.andi %get3A_117, %and3A_119 : vector<16xi32>
    %swap3A_121 = arith.constant 80 : index
    %swap3A_122 = tpu.vector_load %arg6[%swap3A_121] {strides = array<i32>} : memref<128xi32, #tpu.memory_space<vmem>>, vector<16xi32>,
    %swap3A_123 = vector.shape_cast %swap3A_122 : vector<16xi32> to vector<16xi32>
    %swap3A_124 = vector.shape_cast %and3A_120 : vector<16xi32> to vector<16xi32>
    tpu.vector_store %arg6[%swap3A_121], %swap3A_124 {strides = array<i32>} : memref<128xi32, #tpu.memory_space<vmem>>, vector<16xi32>,
    %shift_right_logical3A_125 = arith.constant 14 : i32
    %shift_right_logical3A_126 = vector.broadcast %shift_right_logical3A_125 : i32 to vector<16xi32>
    %shift_right_logical3A_127 = arith.shrui %get3A_117, %shift_right_logical3A_126 : vector<16xi32>
    %swap3A_128 = arith.constant 80 : index
    %swap3A_129 = tpu.vector_load %arg7[%swap3A_128] {strides = array<i32>} : memref<128xi32, #tpu.memory_space<vmem>>, vector<16xi32>,
    %swap3A_130 = vector.shape_cast %swap3A_129 : vector<16xi32> to vector<16xi32>
    %swap3A_131 = vector.shape_cast %shift_right_logical3A_127 : vector<16xi32> to vector<16xi32>
    tpu.vector_store %arg7[%swap3A_128], %swap3A_131 {strides = array<i32>} : memref<128xi32, #tpu.memory_space<vmem>>, vector<16xi32>,
    %get3A_132 = arith.constant 0 : i32
    %get3A_133 = arith.index_cast %get3A_132 : i32 to index
    %get3A_134 = arith.constant 96 : index
    %get3A_135 = tpu.vector_load %arg5[%get3A_133, %get3A_134] {strides = array<i32>} : memref<128x128xi32, #tpu.memory_space<vmem>>, vector<1x16xi32>,
    %get3A_136 = vector.shape_cast %get3A_135 : vector<1x16xi32> to vector<16xi32>
    %and3A_137 = arith.constant 16383 : i32
    %and3A_138 = vector.broadcast %and3A_137 : i32 to vector<16xi32>
    %and3A_139 = arith.andi %get3A_136, %and3A_138 : vector<16xi32>
    %swap3A_140 = arith.constant 96 : index
    %swap3A_141 = tpu.vector_load %arg6[%swap3A_140] {strides = array<i32>} : memref<128xi32, #tpu.memory_space<vmem>>, vector<16xi32>,
    %swap3A_142 = vector.shape_cast %swap3A_141 : vector<16xi32> to vector<16xi32>
    %swap3A_143 = vector.shape_cast %and3A_139 : vector<16xi32> to vector<16xi32>
    tpu.vector_store %arg6[%swap3A_140], %swap3A_143 {strides = array<i32>} : memref<128xi32, #tpu.memory_space<vmem>>, vector<16xi32>,
    %shift_right_logical3A_144 = arith.constant 14 : i32
    %shift_right_logical3A_145 = vector.broadcast %shift_right_logical3A_144 : i32 to vector<16xi32>
    %shift_right_logical3A_146 = arith.shrui %get3A_136, %shift_right_logical3A_145 : vector<16xi32>
    %swap3A_147 = arith.constant 96 : index
    %swap3A_148 = tpu.vector_load %arg7[%swap3A_147] {strides = array<i32>} : memref<128xi32, #tpu.memory_space<vmem>>, vector<16xi32>,
    %swap3A_149 = vector.shape_cast %swap3A_148 : vector<16xi32> to vector<16xi32>
    %swap3A_150 = vector.shape_cast %shift_right_logical3A_146 : vector<16xi32> to vector<16xi32>
    tpu.vector_store %arg7[%swap3A_147], %swap3A_150 {strides = array<i32>} : memref<128xi32, #tpu.memory_space<vmem>>, vector<16xi32>,
    %get3A_151 = arith.constant 0 : i32
    %get3A_152 = arith.index_cast %get3A_151 : i32 to index
    %get3A_153 = arith.constant 112 : index
    %get3A_154 = tpu.vector_load %arg5[%get3A_152, %get3A_153] {strides = array<i32>} : memref<128x128xi32, #tpu.memory_space<vmem>>, vector<1x16xi32>,
    %get3A_155 = vector.shape_cast %get3A_154 : vector<1x16xi32> to vector<16xi32>
    %and3A_156 = arith.constant 16383 : i32
    %and3A_157 = vector.broadcast %and3A_156 : i32 to vector<16xi32>
    %and3A_158 = arith.andi %get3A_155, %and3A_157 : vector<16xi32>
    %swap3A_159 = arith.constant 112 : index
    %swap3A_160 = tpu.vector_load %arg6[%swap3A_159] {strides = array<i32>} : memref<128xi32, #tpu.memory_space<vmem>>, vector<16xi32>,
    %swap3A_161 = vector.shape_cast %swap3A_160 : vector<16xi32> to vector<16xi32>
    %swap3A_162 = vector.shape_cast %and3A_158 : vector<16xi32> to vector<16xi32>
    tpu.vector_store %arg6[%swap3A_159], %swap3A_162 {strides = array<i32>} : memref<128xi32, #tpu.memory_space<vmem>>, vector<16xi32>,
    %shift_right_logical3A_163 = arith.constant 14 : i32
    %shift_right_logical3A_164 = vector.broadcast %shift_right_logical3A_163 : i32 to vector<16xi32>
    %shift_right_logical3A_165 = arith.shrui %get3A_155, %shift_right_logical3A_164 : vector<16xi32>
    %swap3A_166 = arith.constant 112 : index
    %swap3A_167 = tpu.vector_load %arg7[%swap3A_166] {strides = array<i32>} : memref<128xi32, #tpu.memory_space<vmem>>, vector<16xi32>,
    %swap3A_168 = vector.shape_cast %swap3A_167 : vector<16xi32> to vector<16xi32>
    %swap3A_169 = vector.shape_cast %shift_right_logical3A_165 : vector<16xi32> to vector<16xi32>
    tpu.vector_store %arg7[%swap3A_166], %swap3A_169 {strides = array<i32>} : memref<128xi32, #tpu.memory_space<vmem>>, vector<16xi32>,
    %dma_start3A = arith.constant 0 : i32
    %dma_start3A_170 = arith.constant 0 : i32
    %dma_start3A_171 = tpu.memref_slice %arg2[%dma_start3A, %dma_start3A_170] : memref<10000x128xf32, #tpu.memory_space<hbm>> -> memref<10000x128xf32, #tpu.memory_space<hbm>>
    tpu.enqueue_indirect_dma source(%dma_start3A_171 : memref<10000x128xf32, #tpu.memory_space<hbm>>) target(%arg10 : memref<128x128xf32, #tpu.memory_space<vmem>>) offsets(%arg6 : memref<128xi32, #tpu.memory_space<vmem>>) semaphore(%arg13 : memref<!tpu.dma_semaphore, #tpu.memory_space<semaphore_mem>>)
    %get3A_172 = arith.constant 1 : i32
    %get3A_173 = arith.index_cast %get3A_172 : i32 to index
    %get3A_174 = arith.constant 0 : index
    %get3A_175 = tpu.vector_load %arg5[%get3A_173, %get3A_174] {strides = array<i32>} : memref<128x128xi32, #tpu.memory_space<vmem>>, vector<1x16xi32>,
    %get3A_176 = vector.shape_cast %get3A_175 : vector<1x16xi32> to vector<16xi32>
    %and3A_177 = arith.constant 16383 : i32
    %and3A_178 = vector.broadcast %and3A_177 : i32 to vector<16xi32>
    %and3A_179 = arith.andi %get3A_176, %and3A_178 : vector<16xi32>
    %swap3A_180 = arith.constant 0 : index
    %swap3A_181 = tpu.vector_load %arg8[%swap3A_180] {strides = array<i32>} : memref<128xi32, #tpu.memory_space<vmem>>, vector<16xi32>,
    %swap3A_182 = vector.shape_cast %swap3A_181 : vector<16xi32> to vector<16xi32>
    %swap3A_183 = vector.shape_cast %and3A_179 : vector<16xi32> to vector<16xi32>
    tpu.vector_store %arg8[%swap3A_180], %swap3A_183 {strides = array<i32>} : memref<128xi32, #tpu.memory_space<vmem>>, vector<16xi32>,
    %shift_right_logical3A_184 = arith.constant 14 : i32
    %shift_right_logical3A_185 = vector.broadcast %shift_right_logical3A_184 : i32 to vector<16xi32>
    %shift_right_logical3A_186 = arith.shrui %get3A_176, %shift_right_logical3A_185 : vector<16xi32>
    %swap3A_187 = arith.constant 0 : index
    %swap3A_188 = tpu.vector_load %arg9[%swap3A_187] {strides = array<i32>} : memref<128xi32, #tpu.memory_space<vmem>>, vector<16xi32>,
    %swap3A_189 = vector.shape_cast %swap3A_188 : vector<16xi32> to vector<16xi32>
    %swap3A_190 = vector.shape_cast %shift_right_logical3A_186 : vector<16xi32> to vector<16xi32>
    tpu.vector_store %arg9[%swap3A_187], %swap3A_190 {strides = array<i32>} : memref<128xi32, #tpu.memory_space<vmem>>, vector<16xi32>,
    %get3A_191 = arith.constant 1 : i32
    %get3A_192 = arith.index_cast %get3A_191 : i32 to index
    %get3A_193 = arith.constant 16 : index
    %get3A_194 = tpu.vector_load %arg5[%get3A_192, %get3A_193] {strides = array<i32>} : memref<128x128xi32, #tpu.memory_space<vmem>>, vector<1x16xi32>,
    %get3A_195 = vector.shape_cast %get3A_194 : vector<1x16xi32> to vector<16xi32>
    %and3A_196 = arith.constant 16383 : i32
    %and3A_197 = vector.broadcast %and3A_196 : i32 to vector<16xi32>
    %and3A_198 = arith.andi %get3A_195, %and3A_197 : vector<16xi32>
    %swap3A_199 = arith.constant 16 : index
    %swap3A_200 = tpu.vector_load %arg8[%swap3A_199] {strides = array<i32>} : memref<128xi32, #tpu.memory_space<vmem>>, vector<16xi32>,
    %swap3A_201 = vector.shape_cast %swap3A_200 : vector<16xi32> to vector<16xi32>
    %swap3A_202 = vector.shape_cast %and3A_198 : vector<16xi32> to vector<16xi32>
    tpu.vector_store %arg8[%swap3A_199], %swap3A_202 {strides = array<i32>} : memref<128xi32, #tpu.memory_space<vmem>>, vector<16xi32>,
    %shift_right_logical3A_203 = arith.constant 14 : i32
    %shift_right_logical3A_204 = vector.broadcast %shift_right_logical3A_203 : i32 to vector<16xi32>
    %shift_right_logical3A_205 = arith.shrui %get3A_195, %shift_right_logical3A_204 : vector<16xi32>
    %swap3A_206 = arith.constant 16 : index
    %swap3A_207 = tpu.vector_load %arg9[%swap3A_206] {strides = array<i32>} : memref<128xi32, #tpu.memory_space<vmem>>, vector<16xi32>,
    %swap3A_208 = vector.shape_cast %swap3A_207 : vector<16xi32> to vector<16xi32>
    %swap3A_209 = vector.shape_cast %shift_right_logical3A_205 : vector<16xi32> to vector<16xi32>
    tpu.vector_store %arg9[%swap3A_206], %swap3A_209 {strides = array<i32>} : memref<128xi32, #tpu.memory_space<vmem>>, vector<16xi32>,
    %get3A_210 = arith.constant 1 : i32
    %get3A_211 = arith.index_cast %get3A_210 : i32 to index
    %get3A_212 = arith.constant 32 : index
    %get3A_213 = tpu.vector_load %arg5[%get3A_211, %get3A_212] {strides = array<i32>} : memref<128x128xi32, #tpu.memory_space<vmem>>, vector<1x16xi32>,
    %get3A_214 = vector.shape_cast %get3A_213 : vector<1x16xi32> to vector<16xi32>
    %and3A_215 = arith.constant 16383 : i32
    %and3A_216 = vector.broadcast %and3A_215 : i32 to vector<16xi32>
    %and3A_217 = arith.andi %get3A_214, %and3A_216 : vector<16xi32>
    %swap3A_218 = arith.constant 32 : index
    %swap3A_219 = tpu.vector_load %arg8[%swap3A_218] {strides = array<i32>} : memref<128xi32, #tpu.memory_space<vmem>>, vector<16xi32>,
    %swap3A_220 = vector.shape_cast %swap3A_219 : vector<16xi32> to vector<16xi32>
    %swap3A_221 = vector.shape_cast %and3A_217 : vector<16xi32> to vector<16xi32>
    tpu.vector_store %arg8[%swap3A_218], %swap3A_221 {strides = array<i32>} : memref<128xi32, #tpu.memory_space<vmem>>, vector<16xi32>,
    %shift_right_logical3A_222 = arith.constant 14 : i32
    %shift_right_logical3A_223 = vector.broadcast %shift_right_logical3A_222 : i32 to vector<16xi32>
    %shift_right_logical3A_224 = arith.shrui %get3A_214, %shift_right_logical3A_223 : vector<16xi32>
    %swap3A_225 = arith.constant 32 : index
    %swap3A_226 = tpu.vector_load %arg9[%swap3A_225] {strides = array<i32>} : memref<128xi32, #tpu.memory_space<vmem>>, vector<16xi32>,
    %swap3A_227 = vector.shape_cast %swap3A_226 : vector<16xi32> to vector<16xi32>
    %swap3A_228 = vector.shape_cast %shift_right_logical3A_224 : vector<16xi32> to vector<16xi32>
    tpu.vector_store %arg9[%swap3A_225], %swap3A_228 {strides = array<i32>} : memref<128xi32, #tpu.memory_space<vmem>>, vector<16xi32>,
    %get3A_229 = arith.constant 1 : i32
    %get3A_230 = arith.index_cast %get3A_229 : i32 to index
    %get3A_231 = arith.constant 48 : index
    %get3A_232 = tpu.vector_load %arg5[%get3A_230, %get3A_231] {strides = array<i32>} : memref<128x128xi32, #tpu.memory_space<vmem>>, vector<1x16xi32>,
    %get3A_233 = vector.shape_cast %get3A_232 : vector<1x16xi32> to vector<16xi32>
    %and3A_234 = arith.constant 16383 : i32
    %and3A_235 = vector.broadcast %and3A_234 : i32 to vector<16xi32>
    %and3A_236 = arith.andi %get3A_233, %and3A_235 : vector<16xi32>
    %swap3A_237 = arith.constant 48 : index
    %swap3A_238 = tpu.vector_load %arg8[%swap3A_237] {strides = array<i32>} : memref<128xi32, #tpu.memory_space<vmem>>, vector<16xi32>,
    %swap3A_239 = vector.shape_cast %swap3A_238 : vector<16xi32> to vector<16xi32>
    %swap3A_240 = vector.shape_cast %and3A_236 : vector<16xi32> to vector<16xi32>
    tpu.vector_store %arg8[%swap3A_237], %swap3A_240 {strides = array<i32>} : memref<128xi32, #tpu.memory_space<vmem>>, vector<16xi32>,
    %shift_right_logical3A_241 = arith.constant 14 : i32
    %shift_right_logical3A_242 = vector.broadcast %shift_right_logical3A_241 : i32 to vector<16xi32>
    %shift_right_logical3A_243 = arith.shrui %get3A_233, %shift_right_logical3A_242 : vector<16xi32>
    %swap3A_244 = arith.constant 48 : index
    %swap3A_245 = tpu.vector_load %arg9[%swap3A_244] {strides = array<i32>} : memref<128xi32, #tpu.memory_space<vmem>>, vector<16xi32>,
    %swap3A_246 = vector.shape_cast %swap3A_245 : vector<16xi32> to vector<16xi32>
    %swap3A_247 = vector.shape_cast %shift_right_logical3A_243 : vector<16xi32> to vector<16xi32>
    tpu.vector_store %arg9[%swap3A_244], %swap3A_247 {strides = array<i32>} : memref<128xi32, #tpu.memory_space<vmem>>, vector<16xi32>,
    %get3A_248 = arith.constant 1 : i32
    %get3A_249 = arith.index_cast %get3A_248 : i32 to index
    %get3A_250 = arith.constant 64 : index
    %get3A_251 = tpu.vector_load %arg5[%get3A_249, %get3A_250] {strides = array<i32>} : memref<128x128xi32, #tpu.memory_space<vmem>>, vector<1x16xi32>,
    %get3A_252 = vector.shape_cast %get3A_251 : vector<1x16xi32> to vector<16xi32>
    %and3A_253 = arith.constant 16383 : i32
    %and3A_254 = vector.broadcast %and3A_253 : i32 to vector<16xi32>
    %and3A_255 = arith.andi %get3A_252, %and3A_254 : vector<16xi32>
    %swap3A_256 = arith.constant 64 : index
    %swap3A_257 = tpu.vector_load %arg8[%swap3A_256] {strides = array<i32>} : memref<128xi32, #tpu.memory_space<vmem>>, vector<16xi32>,
    %swap3A_258 = vector.shape_cast %swap3A_257 : vector<16xi32> to vector<16xi32>
    %swap3A_259 = vector.shape_cast %and3A_255 : vector<16xi32> to vector<16xi32>
    tpu.vector_store %arg8[%swap3A_256], %swap3A_259 {strides = array<i32>} : memref<128xi32, #tpu.memory_space<vmem>>, vector<16xi32>,
    %shift_right_logical3A_260 = arith.constant 14 : i32
    %shift_right_logical3A_261 = vector.broadcast %shift_right_logical3A_260 : i32 to vector<16xi32>
    %shift_right_logical3A_262 = arith.shrui %get3A_252, %shift_right_logical3A_261 : vector<16xi32>
    %swap3A_263 = arith.constant 64 : index
    %swap3A_264 = tpu.vector_load %arg9[%swap3A_263] {strides = array<i32>} : memref<128xi32, #tpu.memory_space<vmem>>, vector<16xi32>,
    %swap3A_265 = vector.shape_cast %swap3A_264 : vector<16xi32> to vector<16xi32>
    %swap3A_266 = vector.shape_cast %shift_right_logical3A_262 : vector<16xi32> to vector<16xi32>
    tpu.vector_store %arg9[%swap3A_263], %swap3A_266 {strides = array<i32>} : memref<128xi32, #tpu.memory_space<vmem>>, vector<16xi32>,
    %get3A_267 = arith.constant 1 : i32
    %get3A_268 = arith.index_cast %get3A_267 : i32 to index
    %get3A_269 = arith.constant 80 : index
    %get3A_270 = tpu.vector_load %arg5[%get3A_268, %get3A_269] {strides = array<i32>} : memref<128x128xi32, #tpu.memory_space<vmem>>, vector<1x16xi32>,
    %get3A_271 = vector.shape_cast %get3A_270 : vector<1x16xi32> to vector<16xi32>
    %and3A_272 = arith.constant 16383 : i32
    %and3A_273 = vector.broadcast %and3A_272 : i32 to vector<16xi32>
    %and3A_274 = arith.andi %get3A_271, %and3A_273 : vector<16xi32>
    %swap3A_275 = arith.constant 80 : index
    %swap3A_276 = tpu.vector_load %arg8[%swap3A_275] {strides = array<i32>} : memref<128xi32, #tpu.memory_space<vmem>>, vector<16xi32>,
    %swap3A_277 = vector.shape_cast %swap3A_276 : vector<16xi32> to vector<16xi32>
    %swap3A_278 = vector.shape_cast %and3A_274 : vector<16xi32> to vector<16xi32>
    tpu.vector_store %arg8[%swap3A_275], %swap3A_278 {strides = array<i32>} : memref<128xi32, #tpu.memory_space<vmem>>, vector<16xi32>,
    %shift_right_logical3A_279 = arith.constant 14 : i32
    %shift_right_logical3A_280 = vector.broadcast %shift_right_logical3A_279 : i32 to vector<16xi32>
    %shift_right_logical3A_281 = arith.shrui %get3A_271, %shift_right_logical3A_280 : vector<16xi32>
    %swap3A_282 = arith.constant 80 : index
    %swap3A_283 = tpu.vector_load %arg9[%swap3A_282] {strides = array<i32>} : memref<128xi32, #tpu.memory_space<vmem>>, vector<16xi32>,
    %swap3A_284 = vector.shape_cast %swap3A_283 : vector<16xi32> to vector<16xi32>
    %swap3A_285 = vector.shape_cast %shift_right_logical3A_281 : vector<16xi32> to vector<16xi32>
    tpu.vector_store %arg9[%swap3A_282], %swap3A_285 {strides = array<i32>} : memref<128xi32, #tpu.memory_space<vmem>>, vector<16xi32>,
    %get3A_286 = arith.constant 1 : i32
    %get3A_287 = arith.index_cast %get3A_286 : i32 to index
    %get3A_288 = arith.constant 96 : index
    %get3A_289 = tpu.vector_load %arg5[%get3A_287, %get3A_288] {strides = array<i32>} : memref<128x128xi32, #tpu.memory_space<vmem>>, vector<1x16xi32>,
    %get3A_290 = vector.shape_cast %get3A_289 : vector<1x16xi32> to vector<16xi32>
    %and3A_291 = arith.constant 16383 : i32
    %and3A_292 = vector.broadcast %and3A_291 : i32 to vector<16xi32>
    %and3A_293 = arith.andi %get3A_290, %and3A_292 : vector<16xi32>
    %swap3A_294 = arith.constant 96 : index
    %swap3A_295 = tpu.vector_load %arg8[%swap3A_294] {strides = array<i32>} : memref<128xi32, #tpu.memory_space<vmem>>, vector<16xi32>,
    %swap3A_296 = vector.shape_cast %swap3A_295 : vector<16xi32> to vector<16xi32>
    %swap3A_297 = vector.shape_cast %and3A_293 : vector<16xi32> to vector<16xi32>
    tpu.vector_store %arg8[%swap3A_294], %swap3A_297 {strides = array<i32>} : memref<128xi32, #tpu.memory_space<vmem>>, vector<16xi32>,
    %shift_right_logical3A_298 = arith.constant 14 : i32
    %shift_right_logical3A_299 = vector.broadcast %shift_right_logical3A_298 : i32 to vector<16xi32>
    %shift_right_logical3A_300 = arith.shrui %get3A_290, %shift_right_logical3A_299 : vector<16xi32>
    %swap3A_301 = arith.constant 96 : index
    %swap3A_302 = tpu.vector_load %arg9[%swap3A_301] {strides = array<i32>} : memref<128xi32, #tpu.memory_space<vmem>>, vector<16xi32>,
    %swap3A_303 = vector.shape_cast %swap3A_302 : vector<16xi32> to vector<16xi32>
    %swap3A_304 = vector.shape_cast %shift_right_logical3A_300 : vector<16xi32> to vector<16xi32>
    tpu.vector_store %arg9[%swap3A_301], %swap3A_304 {strides = array<i32>} : memref<128xi32, #tpu.memory_space<vmem>>, vector<16xi32>,
    %get3A_305 = arith.constant 1 : i32
    %get3A_306 = arith.index_cast %get3A_305 : i32 to index
    %get3A_307 = arith.constant 112 : index
    %get3A_308 = tpu.vector_load %arg5[%get3A_306, %get3A_307] {strides = array<i32>} : memref<128x128xi32, #tpu.memory_space<vmem>>, vector<1x16xi32>,
    %get3A_309 = vector.shape_cast %get3A_308 : vector<1x16xi32> to vector<16xi32>
    %and3A_310 = arith.constant 16383 : i32
    %and3A_311 = vector.broadcast %and3A_310 : i32 to vector<16xi32>
    %and3A_312 = arith.andi %get3A_309, %and3A_311 : vector<16xi32>
    %swap3A_313 = arith.constant 112 : index
    %swap3A_314 = tpu.vector_load %arg8[%swap3A_313] {strides = array<i32>} : memref<128xi32, #tpu.memory_space<vmem>>, vector<16xi32>,
    %swap3A_315 = vector.shape_cast %swap3A_314 : vector<16xi32> to vector<16xi32>
    %swap3A_316 = vector.shape_cast %and3A_312 : vector<16xi32> to vector<16xi32>
    tpu.vector_store %arg8[%swap3A_313], %swap3A_316 {strides = array<i32>} : memref<128xi32, #tpu.memory_space<vmem>>, vector<16xi32>,
    %shift_right_logical3A_317 = arith.constant 14 : i32
    %shift_right_logical3A_318 = vector.broadcast %shift_right_logical3A_317 : i32 to vector<16xi32>
    %shift_right_logical3A_319 = arith.shrui %get3A_309, %shift_right_logical3A_318 : vector<16xi32>
    %swap3A_320 = arith.constant 112 : index
    %swap3A_321 = tpu.vector_load %arg9[%swap3A_320] {strides = array<i32>} : memref<128xi32, #tpu.memory_space<vmem>>, vector<16xi32>,
    %swap3A_322 = vector.shape_cast %swap3A_321 : vector<16xi32> to vector<16xi32>
    %swap3A_323 = vector.shape_cast %shift_right_logical3A_319 : vector<16xi32> to vector<16xi32>
    tpu.vector_store %arg9[%swap3A_320], %swap3A_323 {strides = array<i32>} : memref<128xi32, #tpu.memory_space<vmem>>, vector<16xi32>,
    %jit3A_324 = arith.constant 2 : i32
    "tpu.trace_stop"() : () -> ()
    "tpu.trace_start"() <{level = 10 : i32, message = "mainloop"}> : () -> ()
    %div3A = arith.divsi %select_n3A, %jit3A_324 : i32
    %sign3A = arith.constant 0 : i32
    %sign3A_325 = arith.cmpi sgt, %select_n3A, %sign3A : i32
    %sign3A_326 = arith.extui %sign3A_325 : i1 to i32
    %sign3A_327 = arith.constant 0 : i32
    %sign3A_328 = arith.cmpi slt, %select_n3A, %sign3A_327 : i32
    %sign3A_329 = arith.extui %sign3A_328 : i1 to i32
    %sign3A_330 = arith.subi %sign3A_326, %sign3A_329 : i32
    %sign3A_331 = arith.constant 0 : i32
    %sign3A_332 = arith.cmpi sgt, %jit3A_324, %sign3A_331 : i32
    %sign3A_333 = arith.extui %sign3A_332 : i1 to i32
    %sign3A_334 = arith.constant 0 : i32
    %sign3A_335 = arith.cmpi slt, %jit3A_324, %sign3A_334 : i32
    %sign3A_336 = arith.extui %sign3A_335 : i1 to i32
    %sign3A_337 = arith.subi %sign3A_333, %sign3A_336 : i32
    %ne3A = arith.cmpi ne, %sign3A_330, %sign3A_337 : i32
    %rem3A = arith.remsi %select_n3A, %jit3A_324 : i32
    %ne3A_338 = arith.constant 0 : i32
    %ne3A_339 = arith.cmpi ne, %rem3A, %ne3A_338 : i32
    %and3A_340 = arith.andi %ne3A, %ne3A_339 : i1
    %sub3A_341 = arith.constant 1 : i32
    %sub3A_342 = arith.subi %div3A, %sub3A_341 : i32
    %select_n3A_343 = arith.select %and3A_340, %sub3A_342, %div3A : i32
    %while3A = arith.constant 0 : i32
    %while3A_344 = arith.constant 0 : i32
    %while3A_345 = arith.subi %select_n3A_343, %while3A_344 : i32
    %while3A_346 = arith.addi %while3A_344, %while3A_345 : i32
    %while3A_347 = arith.constant 1 : i32
    %while3A_348 = arith.divsi %while3A_345, %while3A_347 : i32
    %while3A_349 = arith.muli %while3A_348, %while3A_347 : i32
    %while3A_350 = arith.addi %while3A_344, %while3A_349 : i32
    %while3A_351 = arith.constant 1 : i32
    scf.for %while3A_356 = %while3A_344 to %while3A_350 step %while3A_351  : i32 {
      %mul3A_357 = arith.constant 2 : i32
      %mul3A_358 = arith.muli %mul3A_357, %while3A_356 : i32
      %dma_start3A_359 = arith.constant 0 : i32
      %dma_start3A_360 = arith.constant 0 : i32
      %dma_start3A_361 = tpu.memref_slice %arg2[%dma_start3A_359, %dma_start3A_360] : memref<10000x128xf32, #tpu.memory_space<hbm>> -> memref<10000x128xf32, #tpu.memory_space<hbm>>
      tpu.enqueue_indirect_dma source(%dma_start3A_361 : memref<10000x128xf32, #tpu.memory_space<hbm>>) target(%arg11 : memref<128x128xf32, #tpu.memory_space<vmem>>) offsets(%arg8 : memref<128xi32, #tpu.memory_space<vmem>>) semaphore(%arg14 : memref<!tpu.dma_semaphore, #tpu.memory_space<semaphore_mem>>)
      %dma_wait3A = arith.constant 0 : i32
      %dma_wait3A_362 = arith.constant 0 : i32
      %dma_wait3A_363 = tpu.memref_slice %arg2[%dma_wait3A, %dma_wait3A_362] : memref<10000x128xf32, #tpu.memory_space<hbm>> -> memref<10000x128xf32, #tpu.memory_space<hbm>>
      tpu.wait_indirect_dma semaphore(%arg13 : memref<!tpu.dma_semaphore, #tpu.memory_space<semaphore_mem>>) src(%dma_wait3A_363 : memref<10000x128xf32, #tpu.memory_space<hbm>>) dst(%arg10 : memref<128x128xf32, #tpu.memory_space<vmem>>)
      "tpu.region"() ({
        %run_scoped3A = tpu.sem_alloc : memref<!tpu.dma_semaphore, #tpu.memory_space<semaphore_mem>>
        %dma_start3A_376 = arith.constant 0 : i32
        %dma_start3A_377 = arith.constant 0 : i32
        %dma_start3A_378 = tpu.memref_slice %arg12[%dma_start3A_376, %dma_start3A_377] : memref<10112x128xf32, #tpu.memory_space<vmem_shared>> -> memref<10112x128xf32, #tpu.memory_space<vmem_shared>>
        tpu.enqueue_indirect_dma source(%arg10 : memref<128x128xf32, #tpu.memory_space<vmem>>) target(%dma_start3A_378 : memref<10112x128xf32, #tpu.memory_space<vmem_shared>>) offsets(%arg7 : memref<128xi32, #tpu.memory_space<vmem>>) semaphore(%run_scoped3A : memref<!tpu.dma_semaphore, #tpu.memory_space<semaphore_mem>>) {add = true}
        %dma_wait3A_379 = arith.constant 0 : i32
        %dma_wait3A_380 = arith.constant 0 : i32
        %dma_wait3A_381 = tpu.memref_slice %arg12[%dma_wait3A_379, %dma_wait3A_380] : memref<10112x128xf32, #tpu.memory_space<vmem_shared>> -> memref<10112x128xf32, #tpu.memory_space<vmem_shared>>
        tpu.wait_indirect_dma semaphore(%run_scoped3A : memref<!tpu.dma_semaphore, #tpu.memory_space<semaphore_mem>>) src(%arg10 : memref<128x128xf32, #tpu.memory_space<vmem>>) dst(%dma_wait3A_381 : memref<10112x128xf32, #tpu.memory_space<vmem_shared>>)
        tpu.yield
      }) : () -> ()
      %add3A_364 = arith.constant 2 : i32
      %add3A_365 = arith.addi %mul3A_358, %add3A_364 : i32
      %lt3A = arith.cmpi slt, %add3A_365, %select_n3A : i32
      %convert_element_type3A = arith.extui %lt3A : i1 to i32
      %cond3A = arith.constant 0 : i32
      %cond3A_366 = arith.cmpi ne, %convert_element_type3A, %cond3A : i32
      scf.if %cond3A_366 {
        %add3A_376 = arith.constant 2 : i32
        %add3A_377 = arith.addi %mul3A_358, %add3A_376 : i32
        %get3A_378 = arith.index_cast %add3A_377 : i32 to index
        %get3A_379 = arith.constant 0 : index
        %get3A_380 = tpu.vector_load %arg5[%get3A_378, %get3A_379] {strides = array<i32>} : memref<128x128xi32, #tpu.memory_space<vmem>>, vector<1x16xi32>,
        %get3A_381 = vector.shape_cast %get3A_380 : vector<1x16xi32> to vector<16xi32>
        %and3A_382 = arith.constant 16383 : i32
        %and3A_383 = vector.broadcast %and3A_382 : i32 to vector<16xi32>
        %and3A_384 = arith.andi %get3A_381, %and3A_383 : vector<16xi32>
        %swap3A_385 = arith.constant 0 : index
        %swap3A_386 = tpu.vector_load %arg6[%swap3A_385] {strides = array<i32>} : memref<128xi32, #tpu.memory_space<vmem>>, vector<16xi32>,
        %swap3A_387 = vector.shape_cast %swap3A_386 : vector<16xi32> to vector<16xi32>
        %swap3A_388 = vector.shape_cast %and3A_384 : vector<16xi32> to vector<16xi32>
        tpu.vector_store %arg6[%swap3A_385], %swap3A_388 {strides = array<i32>} : memref<128xi32, #tpu.memory_space<vmem>>, vector<16xi32>,
        %shift_right_logical3A_389 = arith.constant 14 : i32
        %shift_right_logical3A_390 = vector.broadcast %shift_right_logical3A_389 : i32 to vector<16xi32>
        %shift_right_logical3A_391 = arith.shrui %get3A_381, %shift_right_logical3A_390 : vector<16xi32>
        %swap3A_392 = arith.constant 0 : index
        %swap3A_393 = tpu.vector_load %arg7[%swap3A_392] {strides = array<i32>} : memref<128xi32, #tpu.memory_space<vmem>>, vector<16xi32>,
        %swap3A_394 = vector.shape_cast %swap3A_393 : vector<16xi32> to vector<16xi32>
        %swap3A_395 = vector.shape_cast %shift_right_logical3A_391 : vector<16xi32> to vector<16xi32>
        tpu.vector_store %arg7[%swap3A_392], %swap3A_395 {strides = array<i32>} : memref<128xi32, #tpu.memory_space<vmem>>, vector<16xi32>,
        %get3A_396 = arith.index_cast %add3A_377 : i32 to index
        %get3A_397 = arith.constant 16 : index
        %get3A_398 = tpu.vector_load %arg5[%get3A_396, %get3A_397] {strides = array<i32>} : memref<128x128xi32, #tpu.memory_space<vmem>>, vector<1x16xi32>,
        %get3A_399 = vector.shape_cast %get3A_398 : vector<1x16xi32> to vector<16xi32>
        %and3A_400 = arith.constant 16383 : i32
        %and3A_401 = vector.broadcast %and3A_400 : i32 to vector<16xi32>
        %and3A_402 = arith.andi %get3A_399, %and3A_401 : vector<16xi32>
        %swap3A_403 = arith.constant 16 : index
        %swap3A_404 = tpu.vector_load %arg6[%swap3A_403] {strides = array<i32>} : memref<128xi32, #tpu.memory_space<vmem>>, vector<16xi32>,
        %swap3A_405 = vector.shape_cast %swap3A_404 : vector<16xi32> to vector<16xi32>
        %swap3A_406 = vector.shape_cast %and3A_402 : vector<16xi32> to vector<16xi32>
        tpu.vector_store %arg6[%swap3A_403], %swap3A_406 {strides = array<i32>} : memref<128xi32, #tpu.memory_space<vmem>>, vector<16xi32>,
        %shift_right_logical3A_407 = arith.constant 14 : i32
        %shift_right_logical3A_408 = vector.broadcast %shift_right_logical3A_407 : i32 to vector<16xi32>
        %shift_right_logical3A_409 = arith.shrui %get3A_399, %shift_right_logical3A_408 : vector<16xi32>
        %swap3A_410 = arith.constant 16 : index
        %swap3A_411 = tpu.vector_load %arg7[%swap3A_410] {strides = array<i32>} : memref<128xi32, #tpu.memory_space<vmem>>, vector<16xi32>,
        %swap3A_412 = vector.shape_cast %swap3A_411 : vector<16xi32> to vector<16xi32>
        %swap3A_413 = vector.shape_cast %shift_right_logical3A_409 : vector<16xi32> to vector<16xi32>
        tpu.vector_store %arg7[%swap3A_410], %swap3A_413 {strides = array<i32>} : memref<128xi32, #tpu.memory_space<vmem>>, vector<16xi32>,
        %get3A_414 = arith.index_cast %add3A_377 : i32 to index
        %get3A_415 = arith.constant 32 : index
        %get3A_416 = tpu.vector_load %arg5[%get3A_414, %get3A_415] {strides = array<i32>} : memref<128x128xi32, #tpu.memory_space<vmem>>, vector<1x16xi32>,
        %get3A_417 = vector.shape_cast %get3A_416 : vector<1x16xi32> to vector<16xi32>
        %and3A_418 = arith.constant 16383 : i32
        %and3A_419 = vector.broadcast %and3A_418 : i32 to vector<16xi32>
        %and3A_420 = arith.andi %get3A_417, %and3A_419 : vector<16xi32>
        %swap3A_421 = arith.constant 32 : index
        %swap3A_422 = tpu.vector_load %arg6[%swap3A_421] {strides = array<i32>} : memref<128xi32, #tpu.memory_space<vmem>>, vector<16xi32>,
        %swap3A_423 = vector.shape_cast %swap3A_422 : vector<16xi32> to vector<16xi32>
        %swap3A_424 = vector.shape_cast %and3A_420 : vector<16xi32> to vector<16xi32>
        tpu.vector_store %arg6[%swap3A_421], %swap3A_424 {strides = array<i32>} : memref<128xi32, #tpu.memory_space<vmem>>, vector<16xi32>,
        %shift_right_logical3A_425 = arith.constant 14 : i32
        %shift_right_logical3A_426 = vector.broadcast %shift_right_logical3A_425 : i32 to vector<16xi32>
        %shift_right_logical3A_427 = arith.shrui %get3A_417, %shift_right_logical3A_426 : vector<16xi32>
        %swap3A_428 = arith.constant 32 : index
        %swap3A_429 = tpu.vector_load %arg7[%swap3A_428] {strides = array<i32>} : memref<128xi32, #tpu.memory_space<vmem>>, vector<16xi32>,
        %swap3A_430 = vector.shape_cast %swap3A_429 : vector<16xi32> to vector<16xi32>
        %swap3A_431 = vector.shape_cast %shift_right_logical3A_427 : vector<16xi32> to vector<16xi32>
        tpu.vector_store %arg7[%swap3A_428], %swap3A_431 {strides = array<i32>} : memref<128xi32, #tpu.memory_space<vmem>>, vector<16xi32>,
        %get3A_432 = arith.index_cast %add3A_377 : i32 to index
        %get3A_433 = arith.constant 48 : index
        %get3A_434 = tpu.vector_load %arg5[%get3A_432, %get3A_433] {strides = array<i32>} : memref<128x128xi32, #tpu.memory_space<vmem>>, vector<1x16xi32>,
        %get3A_435 = vector.shape_cast %get3A_434 : vector<1x16xi32> to vector<16xi32>
        %and3A_436 = arith.constant 16383 : i32
        %and3A_437 = vector.broadcast %and3A_436 : i32 to vector<16xi32>
        %and3A_438 = arith.andi %get3A_435, %and3A_437 : vector<16xi32>
        %swap3A_439 = arith.constant 48 : index
        %swap3A_440 = tpu.vector_load %arg6[%swap3A_439] {strides = array<i32>} : memref<128xi32, #tpu.memory_space<vmem>>, vector<16xi32>,
        %swap3A_441 = vector.shape_cast %swap3A_440 : vector<16xi32> to vector<16xi32>
        %swap3A_442 = vector.shape_cast %and3A_438 : vector<16xi32> to vector<16xi32>
        tpu.vector_store %arg6[%swap3A_439], %swap3A_442 {strides = array<i32>} : memref<128xi32, #tpu.memory_space<vmem>>, vector<16xi32>,
        %shift_right_logical3A_443 = arith.constant 14 : i32
        %shift_right_logical3A_444 = vector.broadcast %shift_right_logical3A_443 : i32 to vector<16xi32>
        %shift_right_logical3A_445 = arith.shrui %get3A_435, %shift_right_logical3A_444 : vector<16xi32>
        %swap3A_446 = arith.constant 48 : index
        %swap3A_447 = tpu.vector_load %arg7[%swap3A_446] {strides = array<i32>} : memref<128xi32, #tpu.memory_space<vmem>>, vector<16xi32>,
        %swap3A_448 = vector.shape_cast %swap3A_447 : vector<16xi32> to vector<16xi32>
        %swap3A_449 = vector.shape_cast %shift_right_logical3A_445 : vector<16xi32> to vector<16xi32>
        tpu.vector_store %arg7[%swap3A_446], %swap3A_449 {strides = array<i32>} : memref<128xi32, #tpu.memory_space<vmem>>, vector<16xi32>,
        %get3A_450 = arith.index_cast %add3A_377 : i32 to index
        %get3A_451 = arith.constant 64 : index
        %get3A_452 = tpu.vector_load %arg5[%get3A_450, %get3A_451] {strides = array<i32>} : memref<128x128xi32, #tpu.memory_space<vmem>>, vector<1x16xi32>,
        %get3A_453 = vector.shape_cast %get3A_452 : vector<1x16xi32> to vector<16xi32>
        %and3A_454 = arith.constant 16383 : i32
        %and3A_455 = vector.broadcast %and3A_454 : i32 to vector<16xi32>
        %and3A_456 = arith.andi %get3A_453, %and3A_455 : vector<16xi32>
        %swap3A_457 = arith.constant 64 : index
        %swap3A_458 = tpu.vector_load %arg6[%swap3A_457] {strides = array<i32>} : memref<128xi32, #tpu.memory_space<vmem>>, vector<16xi32>,
        %swap3A_459 = vector.shape_cast %swap3A_458 : vector<16xi32> to vector<16xi32>
        %swap3A_460 = vector.shape_cast %and3A_456 : vector<16xi32> to vector<16xi32>
        tpu.vector_store %arg6[%swap3A_457], %swap3A_460 {strides = array<i32>} : memref<128xi32, #tpu.memory_space<vmem>>, vector<16xi32>,
        %shift_right_logical3A_461 = arith.constant 14 : i32
        %shift_right_logical3A_462 = vector.broadcast %shift_right_logical3A_461 : i32 to vector<16xi32>
        %shift_right_logical3A_463 = arith.shrui %get3A_453, %shift_right_logical3A_462 : vector<16xi32>
        %swap3A_464 = arith.constant 64 : index
        %swap3A_465 = tpu.vector_load %arg7[%swap3A_464] {strides = array<i32>} : memref<128xi32, #tpu.memory_space<vmem>>, vector<16xi32>,
        %swap3A_466 = vector.shape_cast %swap3A_465 : vector<16xi32> to vector<16xi32>
        %swap3A_467 = vector.shape_cast %shift_right_logical3A_463 : vector<16xi32> to vector<16xi32>
        tpu.vector_store %arg7[%swap3A_464], %swap3A_467 {strides = array<i32>} : memref<128xi32, #tpu.memory_space<vmem>>, vector<16xi32>,
        %get3A_468 = arith.index_cast %add3A_377 : i32 to index
        %get3A_469 = arith.constant 80 : index
        %get3A_470 = tpu.vector_load %arg5[%get3A_468, %get3A_469] {strides = array<i32>} : memref<128x128xi32, #tpu.memory_space<vmem>>, vector<1x16xi32>,
        %get3A_471 = vector.shape_cast %get3A_470 : vector<1x16xi32> to vector<16xi32>
        %and3A_472 = arith.constant 16383 : i32
        %and3A_473 = vector.broadcast %and3A_472 : i32 to vector<16xi32>
        %and3A_474 = arith.andi %get3A_471, %and3A_473 : vector<16xi32>
        %swap3A_475 = arith.constant 80 : index
        %swap3A_476 = tpu.vector_load %arg6[%swap3A_475] {strides = array<i32>} : memref<128xi32, #tpu.memory_space<vmem>>, vector<16xi32>,
        %swap3A_477 = vector.shape_cast %swap3A_476 : vector<16xi32> to vector<16xi32>
        %swap3A_478 = vector.shape_cast %and3A_474 : vector<16xi32> to vector<16xi32>
        tpu.vector_store %arg6[%swap3A_475], %swap3A_478 {strides = array<i32>} : memref<128xi32, #tpu.memory_space<vmem>>, vector<16xi32>,
        %shift_right_logical3A_479 = arith.constant 14 : i32
        %shift_right_logical3A_480 = vector.broadcast %shift_right_logical3A_479 : i32 to vector<16xi32>
        %shift_right_logical3A_481 = arith.shrui %get3A_471, %shift_right_logical3A_480 : vector<16xi32>
        %swap3A_482 = arith.constant 80 : index
        %swap3A_483 = tpu.vector_load %arg7[%swap3A_482] {strides = array<i32>} : memref<128xi32, #tpu.memory_space<vmem>>, vector<16xi32>,
        %swap3A_484 = vector.shape_cast %swap3A_483 : vector<16xi32> to vector<16xi32>
        %swap3A_485 = vector.shape_cast %shift_right_logical3A_481 : vector<16xi32> to vector<16xi32>
        tpu.vector_store %arg7[%swap3A_482], %swap3A_485 {strides = array<i32>} : memref<128xi32, #tpu.memory_space<vmem>>, vector<16xi32>,
        %get3A_486 = arith.index_cast %add3A_377 : i32 to index
        %get3A_487 = arith.constant 96 : index
        %get3A_488 = tpu.vector_load %arg5[%get3A_486, %get3A_487] {strides = array<i32>} : memref<128x128xi32, #tpu.memory_space<vmem>>, vector<1x16xi32>,
        %get3A_489 = vector.shape_cast %get3A_488 : vector<1x16xi32> to vector<16xi32>
        %and3A_490 = arith.constant 16383 : i32
        %and3A_491 = vector.broadcast %and3A_490 : i32 to vector<16xi32>
        %and3A_492 = arith.andi %get3A_489, %and3A_491 : vector<16xi32>
        %swap3A_493 = arith.constant 96 : index
        %swap3A_494 = tpu.vector_load %arg6[%swap3A_493] {strides = array<i32>} : memref<128xi32, #tpu.memory_space<vmem>>, vector<16xi32>,
        %swap3A_495 = vector.shape_cast %swap3A_494 : vector<16xi32> to vector<16xi32>
        %swap3A_496 = vector.shape_cast %and3A_492 : vector<16xi32> to vector<16xi32>
        tpu.vector_store %arg6[%swap3A_493], %swap3A_496 {strides = array<i32>} : memref<128xi32, #tpu.memory_space<vmem>>, vector<16xi32>,
        %shift_right_logical3A_497 = arith.constant 14 : i32
        %shift_right_logical3A_498 = vector.broadcast %shift_right_logical3A_497 : i32 to vector<16xi32>
        %shift_right_logical3A_499 = arith.shrui %get3A_489, %shift_right_logical3A_498 : vector<16xi32>
        %swap3A_500 = arith.constant 96 : index
        %swap3A_501 = tpu.vector_load %arg7[%swap3A_500] {strides = array<i32>} : memref<128xi32, #tpu.memory_space<vmem>>, vector<16xi32>,
        %swap3A_502 = vector.shape_cast %swap3A_501 : vector<16xi32> to vector<16xi32>
        %swap3A_503 = vector.shape_cast %shift_right_logical3A_499 : vector<16xi32> to vector<16xi32>
        tpu.vector_store %arg7[%swap3A_500], %swap3A_503 {strides = array<i32>} : memref<128xi32, #tpu.memory_space<vmem>>, vector<16xi32>,
        %get3A_504 = arith.index_cast %add3A_377 : i32 to index
        %get3A_505 = arith.constant 112 : index
        %get3A_506 = tpu.vector_load %arg5[%get3A_504, %get3A_505] {strides = array<i32>} : memref<128x128xi32, #tpu.memory_space<vmem>>, vector<1x16xi32>,
        %get3A_507 = vector.shape_cast %get3A_506 : vector<1x16xi32> to vector<16xi32>
        %and3A_508 = arith.constant 16383 : i32
        %and3A_509 = vector.broadcast %and3A_508 : i32 to vector<16xi32>
        %and3A_510 = arith.andi %get3A_507, %and3A_509 : vector<16xi32>
        %swap3A_511 = arith.constant 112 : index
        %swap3A_512 = tpu.vector_load %arg6[%swap3A_511] {strides = array<i32>} : memref<128xi32, #tpu.memory_space<vmem>>, vector<16xi32>,
        %swap3A_513 = vector.shape_cast %swap3A_512 : vector<16xi32> to vector<16xi32>
        %swap3A_514 = vector.shape_cast %and3A_510 : vector<16xi32> to vector<16xi32>
        tpu.vector_store %arg6[%swap3A_511], %swap3A_514 {strides = array<i32>} : memref<128xi32, #tpu.memory_space<vmem>>, vector<16xi32>,
        %shift_right_logical3A_515 = arith.constant 14 : i32
        %shift_right_logical3A_516 = vector.broadcast %shift_right_logical3A_515 : i32 to vector<16xi32>
        %shift_right_logical3A_517 = arith.shrui %get3A_507, %shift_right_logical3A_516 : vector<16xi32>
        %swap3A_518 = arith.constant 112 : index
        %swap3A_519 = tpu.vector_load %arg7[%swap3A_518] {strides = array<i32>} : memref<128xi32, #tpu.memory_space<vmem>>, vector<16xi32>,
        %swap3A_520 = vector.shape_cast %swap3A_519 : vector<16xi32> to vector<16xi32>
        %swap3A_521 = vector.shape_cast %shift_right_logical3A_517 : vector<16xi32> to vector<16xi32>
        tpu.vector_store %arg7[%swap3A_518], %swap3A_521 {strides = array<i32>} : memref<128xi32, #tpu.memory_space<vmem>>, vector<16xi32>,
        %dma_start3A_522 = arith.constant 0 : i32
        %dma_start3A_523 = arith.constant 0 : i32
        %dma_start3A_524 = tpu.memref_slice %arg2[%dma_start3A_522, %dma_start3A_523] : memref<10000x128xf32, #tpu.memory_space<hbm>> -> memref<10000x128xf32, #tpu.memory_space<hbm>>
        tpu.enqueue_indirect_dma source(%dma_start3A_524 : memref<10000x128xf32, #tpu.memory_space<hbm>>) target(%arg10 : memref<128x128xf32, #tpu.memory_space<vmem>>) offsets(%arg6 : memref<128xi32, #tpu.memory_space<vmem>>) semaphore(%arg13 : memref<!tpu.dma_semaphore, #tpu.memory_space<semaphore_mem>>)
      } else {
      }
      %dma_wait3A_367 = arith.constant 0 : i32
      %dma_wait3A_368 = arith.constant 0 : i32
      %dma_wait3A_369 = tpu.memref_slice %arg2[%dma_wait3A_367, %dma_wait3A_368] : memref<10000x128xf32, #tpu.memory_space<hbm>> -> memref<10000x128xf32, #tpu.memory_space<hbm>>
      tpu.wait_indirect_dma semaphore(%arg14 : memref<!tpu.dma_semaphore, #tpu.memory_space<semaphore_mem>>) src(%dma_wait3A_369 : memref<10000x128xf32, #tpu.memory_space<hbm>>) dst(%arg11 : memref<128x128xf32, #tpu.memory_space<vmem>>)
      "tpu.region"() ({
        %run_scoped3A = tpu.sem_alloc : memref<!tpu.dma_semaphore, #tpu.memory_space<semaphore_mem>>
        %dma_start3A_376 = arith.constant 0 : i32
        %dma_start3A_377 = arith.constant 0 : i32
        %dma_start3A_378 = tpu.memref_slice %arg12[%dma_start3A_376, %dma_start3A_377] : memref<10112x128xf32, #tpu.memory_space<vmem_shared>> -> memref<10112x128xf32, #tpu.memory_space<vmem_shared>>
        tpu.enqueue_indirect_dma source(%arg11 : memref<128x128xf32, #tpu.memory_space<vmem>>) target(%dma_start3A_378 : memref<10112x128xf32, #tpu.memory_space<vmem_shared>>) offsets(%arg9 : memref<128xi32, #tpu.memory_space<vmem>>) semaphore(%run_scoped3A : memref<!tpu.dma_semaphore, #tpu.memory_space<semaphore_mem>>) {add = true}
        %dma_wait3A_379 = arith.constant 0 : i32
        %dma_wait3A_380 = arith.constant 0 : i32
        %dma_wait3A_381 = tpu.memref_slice %arg12[%dma_wait3A_379, %dma_wait3A_380] : memref<10112x128xf32, #tpu.memory_space<vmem_shared>> -> memref<10112x128xf32, #tpu.memory_space<vmem_shared>>
        tpu.wait_indirect_dma semaphore(%run_scoped3A : memref<!tpu.dma_semaphore, #tpu.memory_space<semaphore_mem>>) src(%arg11 : memref<128x128xf32, #tpu.memory_space<vmem>>) dst(%dma_wait3A_381 : memref<10112x128xf32, #tpu.memory_space<vmem_shared>>)
        tpu.yield
      }) : () -> ()
      %add3A_370 = arith.constant 3 : i32
      %add3A_371 = arith.addi %mul3A_358, %add3A_370 : i32
      %lt3A_372 = arith.cmpi slt, %add3A_371, %select_n3A : i32
      %convert_element_type3A_373 = arith.extui %lt3A_372 : i1 to i32
      %cond3A_374 = arith.constant 0 : i32
      %cond3A_375 = arith.cmpi ne, %convert_element_type3A_373, %cond3A_374 : i32
      scf.if %cond3A_375 {
        %add3A_376 = arith.constant 3 : i32
        %add3A_377 = arith.addi %mul3A_358, %add3A_376 : i32
        %get3A_378 = arith.index_cast %add3A_377 : i32 to index
        %get3A_379 = arith.constant 0 : index
        %get3A_380 = tpu.vector_load %arg5[%get3A_378, %get3A_379] {strides = array<i32>} : memref<128x128xi32, #tpu.memory_space<vmem>>, vector<1x16xi32>,
        %get3A_381 = vector.shape_cast %get3A_380 : vector<1x16xi32> to vector<16xi32>
        %and3A_382 = arith.constant 16383 : i32
        %and3A_383 = vector.broadcast %and3A_382 : i32 to vector<16xi32>
        %and3A_384 = arith.andi %get3A_381, %and3A_383 : vector<16xi32>
        %swap3A_385 = arith.constant 0 : index
        %swap3A_386 = tpu.vector_load %arg8[%swap3A_385] {strides = array<i32>} : memref<128xi32, #tpu.memory_space<vmem>>, vector<16xi32>,
        %swap3A_387 = vector.shape_cast %swap3A_386 : vector<16xi32> to vector<16xi32>
        %swap3A_388 = vector.shape_cast %and3A_384 : vector<16xi32> to vector<16xi32>
        tpu.vector_store %arg8[%swap3A_385], %swap3A_388 {strides = array<i32>} : memref<128xi32, #tpu.memory_space<vmem>>, vector<16xi32>,
        %shift_right_logical3A_389 = arith.constant 14 : i32
        %shift_right_logical3A_390 = vector.broadcast %shift_right_logical3A_389 : i32 to vector<16xi32>
        %shift_right_logical3A_391 = arith.shrui %get3A_381, %shift_right_logical3A_390 : vector<16xi32>
        %swap3A_392 = arith.constant 0 : index
        %swap3A_393 = tpu.vector_load %arg9[%swap3A_392] {strides = array<i32>} : memref<128xi32, #tpu.memory_space<vmem>>, vector<16xi32>,
        %swap3A_394 = vector.shape_cast %swap3A_393 : vector<16xi32> to vector<16xi32>
        %swap3A_395 = vector.shape_cast %shift_right_logical3A_391 : vector<16xi32> to vector<16xi32>
        tpu.vector_store %arg9[%swap3A_392], %swap3A_395 {strides = array<i32>} : memref<128xi32, #tpu.memory_space<vmem>>, vector<16xi32>,
        %get3A_396 = arith.index_cast %add3A_377 : i32 to index
        %get3A_397 = arith.constant 16 : index
        %get3A_398 = tpu.vector_load %arg5[%get3A_396, %get3A_397] {strides = array<i32>} : memref<128x128xi32, #tpu.memory_space<vmem>>, vector<1x16xi32>,
        %get3A_399 = vector.shape_cast %get3A_398 : vector<1x16xi32> to vector<16xi32>
        %and3A_400 = arith.constant 16383 : i32
        %and3A_401 = vector.broadcast %and3A_400 : i32 to vector<16xi32>
        %and3A_402 = arith.andi %get3A_399, %and3A_401 : vector<16xi32>
        %swap3A_403 = arith.constant 16 : index
        %swap3A_404 = tpu.vector_load %arg8[%swap3A_403] {strides = array<i32>} : memref<128xi32, #tpu.memory_space<vmem>>, vector<16xi32>,
        %swap3A_405 = vector.shape_cast %swap3A_404 : vector<16xi32> to vector<16xi32>
        %swap3A_406 = vector.shape_cast %and3A_402 : vector<16xi32> to vector<16xi32>
        tpu.vector_store %arg8[%swap3A_403], %swap3A_406 {strides = array<i32>} : memref<128xi32, #tpu.memory_space<vmem>>, vector<16xi32>,
        %shift_right_logical3A_407 = arith.constant 14 : i32
        %shift_right_logical3A_408 = vector.broadcast %shift_right_logical3A_407 : i32 to vector<16xi32>
        %shift_right_logical3A_409 = arith.shrui %get3A_399, %shift_right_logical3A_408 : vector<16xi32>
        %swap3A_410 = arith.constant 16 : index
        %swap3A_411 = tpu.vector_load %arg9[%swap3A_410] {strides = array<i32>} : memref<128xi32, #tpu.memory_space<vmem>>, vector<16xi32>,
        %swap3A_412 = vector.shape_cast %swap3A_411 : vector<16xi32> to vector<16xi32>
        %swap3A_413 = vector.shape_cast %shift_right_logical3A_409 : vector<16xi32> to vector<16xi32>
        tpu.vector_store %arg9[%swap3A_410], %swap3A_413 {strides = array<i32>} : memref<128xi32, #tpu.memory_space<vmem>>, vector<16xi32>,
        %get3A_414 = arith.index_cast %add3A_377 : i32 to index
        %get3A_415 = arith.constant 32 : index
        %get3A_416 = tpu.vector_load %arg5[%get3A_414, %get3A_415] {strides = array<i32>} : memref<128x128xi32, #tpu.memory_space<vmem>>, vector<1x16xi32>,
        %get3A_417 = vector.shape_cast %get3A_416 : vector<1x16xi32> to vector<16xi32>
        %and3A_418 = arith.constant 16383 : i32
        %and3A_419 = vector.broadcast %and3A_418 : i32 to vector<16xi32>
        %and3A_420 = arith.andi %get3A_417, %and3A_419 : vector<16xi32>
        %swap3A_421 = arith.constant 32 : index
        %swap3A_422 = tpu.vector_load %arg8[%swap3A_421] {strides = array<i32>} : memref<128xi32, #tpu.memory_space<vmem>>, vector<16xi32>,
        %swap3A_423 = vector.shape_cast %swap3A_422 : vector<16xi32> to vector<16xi32>
        %swap3A_424 = vector.shape_cast %and3A_420 : vector<16xi32> to vector<16xi32>
        tpu.vector_store %arg8[%swap3A_421], %swap3A_424 {strides = array<i32>} : memref<128xi32, #tpu.memory_space<vmem>>, vector<16xi32>,
        %shift_right_logical3A_425 = arith.constant 14 : i32
        %shift_right_logical3A_426 = vector.broadcast %shift_right_logical3A_425 : i32 to vector<16xi32>
        %shift_right_logical3A_427 = arith.shrui %get3A_417, %shift_right_logical3A_426 : vector<16xi32>
        %swap3A_428 = arith.constant 32 : index
        %swap3A_429 = tpu.vector_load %arg9[%swap3A_428] {strides = array<i32>} : memref<128xi32, #tpu.memory_space<vmem>>, vector<16xi32>,
        %swap3A_430 = vector.shape_cast %swap3A_429 : vector<16xi32> to vector<16xi32>
        %swap3A_431 = vector.shape_cast %shift_right_logical3A_427 : vector<16xi32> to vector<16xi32>
        tpu.vector_store %arg9[%swap3A_428], %swap3A_431 {strides = array<i32>} : memref<128xi32, #tpu.memory_space<vmem>>, vector<16xi32>,
        %get3A_432 = arith.index_cast %add3A_377 : i32 to index
        %get3A_433 = arith.constant 48 : index
        %get3A_434 = tpu.vector_load %arg5[%get3A_432, %get3A_433] {strides = array<i32>} : memref<128x128xi32, #tpu.memory_space<vmem>>, vector<1x16xi32>,
        %get3A_435 = vector.shape_cast %get3A_434 : vector<1x16xi32> to vector<16xi32>
        %and3A_436 = arith.constant 16383 : i32
        %and3A_437 = vector.broadcast %and3A_436 : i32 to vector<16xi32>
        %and3A_438 = arith.andi %get3A_435, %and3A_437 : vector<16xi32>
        %swap3A_439 = arith.constant 48 : index
        %swap3A_440 = tpu.vector_load %arg8[%swap3A_439] {strides = array<i32>} : memref<128xi32, #tpu.memory_space<vmem>>, vector<16xi32>,
        %swap3A_441 = vector.shape_cast %swap3A_440 : vector<16xi32> to vector<16xi32>
        %swap3A_442 = vector.shape_cast %and3A_438 : vector<16xi32> to vector<16xi32>
        tpu.vector_store %arg8[%swap3A_439], %swap3A_442 {strides = array<i32>} : memref<128xi32, #tpu.memory_space<vmem>>, vector<16xi32>,
        %shift_right_logical3A_443 = arith.constant 14 : i32
        %shift_right_logical3A_444 = vector.broadcast %shift_right_logical3A_443 : i32 to vector<16xi32>
        %shift_right_logical3A_445 = arith.shrui %get3A_435, %shift_right_logical3A_444 : vector<16xi32>
        %swap3A_446 = arith.constant 48 : index
        %swap3A_447 = tpu.vector_load %arg9[%swap3A_446] {strides = array<i32>} : memref<128xi32, #tpu.memory_space<vmem>>, vector<16xi32>,
        %swap3A_448 = vector.shape_cast %swap3A_447 : vector<16xi32> to vector<16xi32>
        %swap3A_449 = vector.shape_cast %shift_right_logical3A_445 : vector<16xi32> to vector<16xi32>
        tpu.vector_store %arg9[%swap3A_446], %swap3A_449 {strides = array<i32>} : memref<128xi32, #tpu.memory_space<vmem>>, vector<16xi32>,
        %get3A_450 = arith.index_cast %add3A_377 : i32 to index
        %get3A_451 = arith.constant 64 : index
        %get3A_452 = tpu.vector_load %arg5[%get3A_450, %get3A_451] {strides = array<i32>} : memref<128x128xi32, #tpu.memory_space<vmem>>, vector<1x16xi32>,
        %get3A_453 = vector.shape_cast %get3A_452 : vector<1x16xi32> to vector<16xi32>
        %and3A_454 = arith.constant 16383 : i32
        %and3A_455 = vector.broadcast %and3A_454 : i32 to vector<16xi32>
        %and3A_456 = arith.andi %get3A_453, %and3A_455 : vector<16xi32>
        %swap3A_457 = arith.constant 64 : index
        %swap3A_458 = tpu.vector_load %arg8[%swap3A_457] {strides = array<i32>} : memref<128xi32, #tpu.memory_space<vmem>>, vector<16xi32>,
        %swap3A_459 = vector.shape_cast %swap3A_458 : vector<16xi32> to vector<16xi32>
        %swap3A_460 = vector.shape_cast %and3A_456 : vector<16xi32> to vector<16xi32>
        tpu.vector_store %arg8[%swap3A_457], %swap3A_460 {strides = array<i32>} : memref<128xi32, #tpu.memory_space<vmem>>, vector<16xi32>,
        %shift_right_logical3A_461 = arith.constant 14 : i32
        %shift_right_logical3A_462 = vector.broadcast %shift_right_logical3A_461 : i32 to vector<16xi32>
        %shift_right_logical3A_463 = arith.shrui %get3A_453, %shift_right_logical3A_462 : vector<16xi32>
        %swap3A_464 = arith.constant 64 : index
        %swap3A_465 = tpu.vector_load %arg9[%swap3A_464] {strides = array<i32>} : memref<128xi32, #tpu.memory_space<vmem>>, vector<16xi32>,
        %swap3A_466 = vector.shape_cast %swap3A_465 : vector<16xi32> to vector<16xi32>
        %swap3A_467 = vector.shape_cast %shift_right_logical3A_463 : vector<16xi32> to vector<16xi32>
        tpu.vector_store %arg9[%swap3A_464], %swap3A_467 {strides = array<i32>} : memref<128xi32, #tpu.memory_space<vmem>>, vector<16xi32>,
        %get3A_468 = arith.index_cast %add3A_377 : i32 to index
        %get3A_469 = arith.constant 80 : index
        %get3A_470 = tpu.vector_load %arg5[%get3A_468, %get3A_469] {strides = array<i32>} : memref<128x128xi32, #tpu.memory_space<vmem>>, vector<1x16xi32>,
        %get3A_471 = vector.shape_cast %get3A_470 : vector<1x16xi32> to vector<16xi32>
        %and3A_472 = arith.constant 16383 : i32
        %and3A_473 = vector.broadcast %and3A_472 : i32 to vector<16xi32>
        %and3A_474 = arith.andi %get3A_471, %and3A_473 : vector<16xi32>
        %swap3A_475 = arith.constant 80 : index
        %swap3A_476 = tpu.vector_load %arg8[%swap3A_475] {strides = array<i32>} : memref<128xi32, #tpu.memory_space<vmem>>, vector<16xi32>,
        %swap3A_477 = vector.shape_cast %swap3A_476 : vector<16xi32> to vector<16xi32>
        %swap3A_478 = vector.shape_cast %and3A_474 : vector<16xi32> to vector<16xi32>
        tpu.vector_store %arg8[%swap3A_475], %swap3A_478 {strides = array<i32>} : memref<128xi32, #tpu.memory_space<vmem>>, vector<16xi32>,
        %shift_right_logical3A_479 = arith.constant 14 : i32
        %shift_right_logical3A_480 = vector.broadcast %shift_right_logical3A_479 : i32 to vector<16xi32>
        %shift_right_logical3A_481 = arith.shrui %get3A_471, %shift_right_logical3A_480 : vector<16xi32>
        %swap3A_482 = arith.constant 80 : index
        %swap3A_483 = tpu.vector_load %arg9[%swap3A_482] {strides = array<i32>} : memref<128xi32, #tpu.memory_space<vmem>>, vector<16xi32>,
        %swap3A_484 = vector.shape_cast %swap3A_483 : vector<16xi32> to vector<16xi32>
        %swap3A_485 = vector.shape_cast %shift_right_logical3A_481 : vector<16xi32> to vector<16xi32>
        tpu.vector_store %arg9[%swap3A_482], %swap3A_485 {strides = array<i32>} : memref<128xi32, #tpu.memory_space<vmem>>, vector<16xi32>,
        %get3A_486 = arith.index_cast %add3A_377 : i32 to index
        %get3A_487 = arith.constant 96 : index
        %get3A_488 = tpu.vector_load %arg5[%get3A_486, %get3A_487] {strides = array<i32>} : memref<128x128xi32, #tpu.memory_space<vmem>>, vector<1x16xi32>,
        %get3A_489 = vector.shape_cast %get3A_488 : vector<1x16xi32> to vector<16xi32>
        %and3A_490 = arith.constant 16383 : i32
        %and3A_491 = vector.broadcast %and3A_490 : i32 to vector<16xi32>
        %and3A_492 = arith.andi %get3A_489, %and3A_491 : vector<16xi32>
        %swap3A_493 = arith.constant 96 : index
        %swap3A_494 = tpu.vector_load %arg8[%swap3A_493] {strides = array<i32>} : memref<128xi32, #tpu.memory_space<vmem>>, vector<16xi32>,
        %swap3A_495 = vector.shape_cast %swap3A_494 : vector<16xi32> to vector<16xi32>
        %swap3A_496 = vector.shape_cast %and3A_492 : vector<16xi32> to vector<16xi32>
        tpu.vector_store %arg8[%swap3A_493], %swap3A_496 {strides = array<i32>} : memref<128xi32, #tpu.memory_space<vmem>>, vector<16xi32>,
        %shift_right_logical3A_497 = arith.constant 14 : i32
        %shift_right_logical3A_498 = vector.broadcast %shift_right_logical3A_497 : i32 to vector<16xi32>
        %shift_right_logical3A_499 = arith.shrui %get3A_489, %shift_right_logical3A_498 : vector<16xi32>
        %swap3A_500 = arith.constant 96 : index
        %swap3A_501 = tpu.vector_load %arg9[%swap3A_500] {strides = array<i32>} : memref<128xi32, #tpu.memory_space<vmem>>, vector<16xi32>,
        %swap3A_502 = vector.shape_cast %swap3A_501 : vector<16xi32> to vector<16xi32>
        %swap3A_503 = vector.shape_cast %shift_right_logical3A_499 : vector<16xi32> to vector<16xi32>
        tpu.vector_store %arg9[%swap3A_500], %swap3A_503 {strides = array<i32>} : memref<128xi32, #tpu.memory_space<vmem>>, vector<16xi32>,
        %get3A_504 = arith.index_cast %add3A_377 : i32 to index
        %get3A_505 = arith.constant 112 : index
        %get3A_506 = tpu.vector_load %arg5[%get3A_504, %get3A_505] {strides = array<i32>} : memref<128x128xi32, #tpu.memory_space<vmem>>, vector<1x16xi32>,
        %get3A_507 = vector.shape_cast %get3A_506 : vector<1x16xi32> to vector<16xi32>
        %and3A_508 = arith.constant 16383 : i32
        %and3A_509 = vector.broadcast %and3A_508 : i32 to vector<16xi32>
        %and3A_510 = arith.andi %get3A_507, %and3A_509 : vector<16xi32>
        %swap3A_511 = arith.constant 112 : index
        %swap3A_512 = tpu.vector_load %arg8[%swap3A_511] {strides = array<i32>} : memref<128xi32, #tpu.memory_space<vmem>>, vector<16xi32>,
        %swap3A_513 = vector.shape_cast %swap3A_512 : vector<16xi32> to vector<16xi32>
        %swap3A_514 = vector.shape_cast %and3A_510 : vector<16xi32> to vector<16xi32>
        tpu.vector_store %arg8[%swap3A_511], %swap3A_514 {strides = array<i32>} : memref<128xi32, #tpu.memory_space<vmem>>, vector<16xi32>,
        %shift_right_logical3A_515 = arith.constant 14 : i32
        %shift_right_logical3A_516 = vector.broadcast %shift_right_logical3A_515 : i32 to vector<16xi32>
        %shift_right_logical3A_517 = arith.shrui %get3A_507, %shift_right_logical3A_516 : vector<16xi32>
        %swap3A_518 = arith.constant 112 : index
        %swap3A_519 = tpu.vector_load %arg9[%swap3A_518] {strides = array<i32>} : memref<128xi32, #tpu.memory_space<vmem>>, vector<16xi32>,
        %swap3A_520 = vector.shape_cast %swap3A_519 : vector<16xi32> to vector<16xi32>
        %swap3A_521 = vector.shape_cast %shift_right_logical3A_517 : vector<16xi32> to vector<16xi32>
        tpu.vector_store %arg9[%swap3A_518], %swap3A_521 {strides = array<i32>} : memref<128xi32, #tpu.memory_space<vmem>>, vector<16xi32>,
      } else {
      }
    }
    %while3A_352 = arith.constant 1 : i32
    scf.for %while3A_356 = %while3A_350 to %while3A_346 step %while3A_352  : i32 {
      %mul3A_357 = arith.constant 2 : i32
      %mul3A_358 = arith.muli %mul3A_357, %while3A_356 : i32
      %dma_start3A_359 = arith.constant 0 : i32
      %dma_start3A_360 = arith.constant 0 : i32
      %dma_start3A_361 = tpu.memref_slice %arg2[%dma_start3A_359, %dma_start3A_360] : memref<10000x128xf32, #tpu.memory_space<hbm>> -> memref<10000x128xf32, #tpu.memory_space<hbm>>
      tpu.enqueue_indirect_dma source(%dma_start3A_361 : memref<10000x128xf32, #tpu.memory_space<hbm>>) target(%arg11 : memref<128x128xf32, #tpu.memory_space<vmem>>) offsets(%arg8 : memref<128xi32, #tpu.memory_space<vmem>>) semaphore(%arg14 : memref<!tpu.dma_semaphore, #tpu.memory_space<semaphore_mem>>)
      %dma_wait3A = arith.constant 0 : i32
      %dma_wait3A_362 = arith.constant 0 : i32
      %dma_wait3A_363 = tpu.memref_slice %arg2[%dma_wait3A, %dma_wait3A_362] : memref<10000x128xf32, #tpu.memory_space<hbm>> -> memref<10000x128xf32, #tpu.memory_space<hbm>>
      tpu.wait_indirect_dma semaphore(%arg13 : memref<!tpu.dma_semaphore, #tpu.memory_space<semaphore_mem>>) src(%dma_wait3A_363 : memref<10000x128xf32, #tpu.memory_space<hbm>>) dst(%arg10 : memref<128x128xf32, #tpu.memory_space<vmem>>)
      "tpu.region"() ({
        %run_scoped3A = tpu.sem_alloc : memref<!tpu.dma_semaphore, #tpu.memory_space<semaphore_mem>>
        %dma_start3A_376 = arith.constant 0 : i32
        %dma_start3A_377 = arith.constant 0 : i32
        %dma_start3A_378 = tpu.memref_slice %arg12[%dma_start3A_376, %dma_start3A_377] : memref<10112x128xf32, #tpu.memory_space<vmem_shared>> -> memref<10112x128xf32, #tpu.memory_space<vmem_shared>>
        tpu.enqueue_indirect_dma source(%arg10 : memref<128x128xf32, #tpu.memory_space<vmem>>) target(%dma_start3A_378 : memref<10112x128xf32, #tpu.memory_space<vmem_shared>>) offsets(%arg7 : memref<128xi32, #tpu.memory_space<vmem>>) semaphore(%run_scoped3A : memref<!tpu.dma_semaphore, #tpu.memory_space<semaphore_mem>>) {add = true}
        %dma_wait3A_379 = arith.constant 0 : i32
        %dma_wait3A_380 = arith.constant 0 : i32
        %dma_wait3A_381 = tpu.memref_slice %arg12[%dma_wait3A_379, %dma_wait3A_380] : memref<10112x128xf32, #tpu.memory_space<vmem_shared>> -> memref<10112x128xf32, #tpu.memory_space<vmem_shared>>
        tpu.wait_indirect_dma semaphore(%run_scoped3A : memref<!tpu.dma_semaphore, #tpu.memory_space<semaphore_mem>>) src(%arg10 : memref<128x128xf32, #tpu.memory_space<vmem>>) dst(%dma_wait3A_381 : memref<10112x128xf32, #tpu.memory_space<vmem_shared>>)
        tpu.yield
      }) : () -> ()
      %add3A_364 = arith.constant 2 : i32
      %add3A_365 = arith.addi %mul3A_358, %add3A_364 : i32
      %lt3A = arith.cmpi slt, %add3A_365, %select_n3A : i32
      %convert_element_type3A = arith.extui %lt3A : i1 to i32
      %cond3A = arith.constant 0 : i32
      %cond3A_366 = arith.cmpi ne, %convert_element_type3A, %cond3A : i32
      scf.if %cond3A_366 {
        %add3A_376 = arith.constant 2 : i32
        %add3A_377 = arith.addi %mul3A_358, %add3A_376 : i32
        %get3A_378 = arith.index_cast %add3A_377 : i32 to index
        %get3A_379 = arith.constant 0 : index
        %get3A_380 = tpu.vector_load %arg5[%get3A_378, %get3A_379] {strides = array<i32>} : memref<128x128xi32, #tpu.memory_space<vmem>>, vector<1x16xi32>,
        %get3A_381 = vector.shape_cast %get3A_380 : vector<1x16xi32> to vector<16xi32>
        %and3A_382 = arith.constant 16383 : i32
        %and3A_383 = vector.broadcast %and3A_382 : i32 to vector<16xi32>
        %and3A_384 = arith.andi %get3A_381, %and3A_383 : vector<16xi32>
        %swap3A_385 = arith.constant 0 : index
        %swap3A_386 = tpu.vector_load %arg6[%swap3A_385] {strides = array<i32>} : memref<128xi32, #tpu.memory_space<vmem>>, vector<16xi32>,
        %swap3A_387 = vector.shape_cast %swap3A_386 : vector<16xi32> to vector<16xi32>
        %swap3A_388 = vector.shape_cast %and3A_384 : vector<16xi32> to vector<16xi32>
        tpu.vector_store %arg6[%swap3A_385], %swap3A_388 {strides = array<i32>} : memref<128xi32, #tpu.memory_space<vmem>>, vector<16xi32>,
        %shift_right_logical3A_389 = arith.constant 14 : i32
        %shift_right_logical3A_390 = vector.broadcast %shift_right_logical3A_389 : i32 to vector<16xi32>
        %shift_right_logical3A_391 = arith.shrui %get3A_381, %shift_right_logical3A_390 : vector<16xi32>
        %swap3A_392 = arith.constant 0 : index
        %swap3A_393 = tpu.vector_load %arg7[%swap3A_392] {strides = array<i32>} : memref<128xi32, #tpu.memory_space<vmem>>, vector<16xi32>,
        %swap3A_394 = vector.shape_cast %swap3A_393 : vector<16xi32> to vector<16xi32>
        %swap3A_395 = vector.shape_cast %shift_right_logical3A_391 : vector<16xi32> to vector<16xi32>
        tpu.vector_store %arg7[%swap3A_392], %swap3A_395 {strides = array<i32>} : memref<128xi32, #tpu.memory_space<vmem>>, vector<16xi32>,
        %get3A_396 = arith.index_cast %add3A_377 : i32 to index
        %get3A_397 = arith.constant 16 : index
        %get3A_398 = tpu.vector_load %arg5[%get3A_396, %get3A_397] {strides = array<i32>} : memref<128x128xi32, #tpu.memory_space<vmem>>, vector<1x16xi32>,
        %get3A_399 = vector.shape_cast %get3A_398 : vector<1x16xi32> to vector<16xi32>
        %and3A_400 = arith.constant 16383 : i32
        %and3A_401 = vector.broadcast %and3A_400 : i32 to vector<16xi32>
        %and3A_402 = arith.andi %get3A_399, %and3A_401 : vector<16xi32>
        %swap3A_403 = arith.constant 16 : index
        %swap3A_404 = tpu.vector_load %arg6[%swap3A_403] {strides = array<i32>} : memref<128xi32, #tpu.memory_space<vmem>>, vector<16xi32>,
        %swap3A_405 = vector.shape_cast %swap3A_404 : vector<16xi32> to vector<16xi32>
        %swap3A_406 = vector.shape_cast %and3A_402 : vector<16xi32> to vector<16xi32>
        tpu.vector_store %arg6[%swap3A_403], %swap3A_406 {strides = array<i32>} : memref<128xi32, #tpu.memory_space<vmem>>, vector<16xi32>,
        %shift_right_logical3A_407 = arith.constant 14 : i32
        %shift_right_logical3A_408 = vector.broadcast %shift_right_logical3A_407 : i32 to vector<16xi32>
        %shift_right_logical3A_409 = arith.shrui %get3A_399, %shift_right_logical3A_408 : vector<16xi32>
        %swap3A_410 = arith.constant 16 : index
        %swap3A_411 = tpu.vector_load %arg7[%swap3A_410] {strides = array<i32>} : memref<128xi32, #tpu.memory_space<vmem>>, vector<16xi32>,
        %swap3A_412 = vector.shape_cast %swap3A_411 : vector<16xi32> to vector<16xi32>
        %swap3A_413 = vector.shape_cast %shift_right_logical3A_409 : vector<16xi32> to vector<16xi32>
        tpu.vector_store %arg7[%swap3A_410], %swap3A_413 {strides = array<i32>} : memref<128xi32, #tpu.memory_space<vmem>>, vector<16xi32>,
        %get3A_414 = arith.index_cast %add3A_377 : i32 to index
        %get3A_415 = arith.constant 32 : index
        %get3A_416 = tpu.vector_load %arg5[%get3A_414, %get3A_415] {strides = array<i32>} : memref<128x128xi32, #tpu.memory_space<vmem>>, vector<1x16xi32>,
        %get3A_417 = vector.shape_cast %get3A_416 : vector<1x16xi32> to vector<16xi32>
        %and3A_418 = arith.constant 16383 : i32
        %and3A_419 = vector.broadcast %and3A_418 : i32 to vector<16xi32>
        %and3A_420 = arith.andi %get3A_417, %and3A_419 : vector<16xi32>
        %swap3A_421 = arith.constant 32 : index
        %swap3A_422 = tpu.vector_load %arg6[%swap3A_421] {strides = array<i32>} : memref<128xi32, #tpu.memory_space<vmem>>, vector<16xi32>,
        %swap3A_423 = vector.shape_cast %swap3A_422 : vector<16xi32> to vector<16xi32>
        %swap3A_424 = vector.shape_cast %and3A_420 : vector<16xi32> to vector<16xi32>
        tpu.vector_store %arg6[%swap3A_421], %swap3A_424 {strides = array<i32>} : memref<128xi32, #tpu.memory_space<vmem>>, vector<16xi32>,
        %shift_right_logical3A_425 = arith.constant 14 : i32
        %shift_right_logical3A_426 = vector.broadcast %shift_right_logical3A_425 : i32 to vector<16xi32>
        %shift_right_logical3A_427 = arith.shrui %get3A_417, %shift_right_logical3A_426 : vector<16xi32>
        %swap3A_428 = arith.constant 32 : index
        %swap3A_429 = tpu.vector_load %arg7[%swap3A_428] {strides = array<i32>} : memref<128xi32, #tpu.memory_space<vmem>>, vector<16xi32>,
        %swap3A_430 = vector.shape_cast %swap3A_429 : vector<16xi32> to vector<16xi32>
        %swap3A_431 = vector.shape_cast %shift_right_logical3A_427 : vector<16xi32> to vector<16xi32>
        tpu.vector_store %arg7[%swap3A_428], %swap3A_431 {strides = array<i32>} : memref<128xi32, #tpu.memory_space<vmem>>, vector<16xi32>,
        %get3A_432 = arith.index_cast %add3A_377 : i32 to index
        %get3A_433 = arith.constant 48 : index
        %get3A_434 = tpu.vector_load %arg5[%get3A_432, %get3A_433] {strides = array<i32>} : memref<128x128xi32, #tpu.memory_space<vmem>>, vector<1x16xi32>,
        %get3A_435 = vector.shape_cast %get3A_434 : vector<1x16xi32> to vector<16xi32>
        %and3A_436 = arith.constant 16383 : i32
        %and3A_437 = vector.broadcast %and3A_436 : i32 to vector<16xi32>
        %and3A_438 = arith.andi %get3A_435, %and3A_437 : vector<16xi32>
        %swap3A_439 = arith.constant 48 : index
        %swap3A_440 = tpu.vector_load %arg6[%swap3A_439] {strides = array<i32>} : memref<128xi32, #tpu.memory_space<vmem>>, vector<16xi32>,
        %swap3A_441 = vector.shape_cast %swap3A_440 : vector<16xi32> to vector<16xi32>
        %swap3A_442 = vector.shape_cast %and3A_438 : vector<16xi32> to vector<16xi32>
        tpu.vector_store %arg6[%swap3A_439], %swap3A_442 {strides = array<i32>} : memref<128xi32, #tpu.memory_space<vmem>>, vector<16xi32>,
        %shift_right_logical3A_443 = arith.constant 14 : i32
        %shift_right_logical3A_444 = vector.broadcast %shift_right_logical3A_443 : i32 to vector<16xi32>
        %shift_right_logical3A_445 = arith.shrui %get3A_435, %shift_right_logical3A_444 : vector<16xi32>
        %swap3A_446 = arith.constant 48 : index
        %swap3A_447 = tpu.vector_load %arg7[%swap3A_446] {strides = array<i32>} : memref<128xi32, #tpu.memory_space<vmem>>, vector<16xi32>,
        %swap3A_448 = vector.shape_cast %swap3A_447 : vector<16xi32> to vector<16xi32>
        %swap3A_449 = vector.shape_cast %shift_right_logical3A_445 : vector<16xi32> to vector<16xi32>
        tpu.vector_store %arg7[%swap3A_446], %swap3A_449 {strides = array<i32>} : memref<128xi32, #tpu.memory_space<vmem>>, vector<16xi32>,
        %get3A_450 = arith.index_cast %add3A_377 : i32 to index
        %get3A_451 = arith.constant 64 : index
        %get3A_452 = tpu.vector_load %arg5[%get3A_450, %get3A_451] {strides = array<i32>} : memref<128x128xi32, #tpu.memory_space<vmem>>, vector<1x16xi32>,
        %get3A_453 = vector.shape_cast %get3A_452 : vector<1x16xi32> to vector<16xi32>
        %and3A_454 = arith.constant 16383 : i32
        %and3A_455 = vector.broadcast %and3A_454 : i32 to vector<16xi32>
        %and3A_456 = arith.andi %get3A_453, %and3A_455 : vector<16xi32>
        %swap3A_457 = arith.constant 64 : index
        %swap3A_458 = tpu.vector_load %arg6[%swap3A_457] {strides = array<i32>} : memref<128xi32, #tpu.memory_space<vmem>>, vector<16xi32>,
        %swap3A_459 = vector.shape_cast %swap3A_458 : vector<16xi32> to vector<16xi32>
        %swap3A_460 = vector.shape_cast %and3A_456 : vector<16xi32> to vector<16xi32>
        tpu.vector_store %arg6[%swap3A_457], %swap3A_460 {strides = array<i32>} : memref<128xi32, #tpu.memory_space<vmem>>, vector<16xi32>,
        %shift_right_logical3A_461 = arith.constant 14 : i32
        %shift_right_logical3A_462 = vector.broadcast %shift_right_logical3A_461 : i32 to vector<16xi32>
        %shift_right_logical3A_463 = arith.shrui %get3A_453, %shift_right_logical3A_462 : vector<16xi32>
        %swap3A_464 = arith.constant 64 : index
        %swap3A_465 = tpu.vector_load %arg7[%swap3A_464] {strides = array<i32>} : memref<128xi32, #tpu.memory_space<vmem>>, vector<16xi32>,
        %swap3A_466 = vector.shape_cast %swap3A_465 : vector<16xi32> to vector<16xi32>
        %swap3A_467 = vector.shape_cast %shift_right_logical3A_463 : vector<16xi32> to vector<16xi32>
        tpu.vector_store %arg7[%swap3A_464], %swap3A_467 {strides = array<i32>} : memref<128xi32, #tpu.memory_space<vmem>>, vector<16xi32>,
        %get3A_468 = arith.index_cast %add3A_377 : i32 to index
        %get3A_469 = arith.constant 80 : index
        %get3A_470 = tpu.vector_load %arg5[%get3A_468, %get3A_469] {strides = array<i32>} : memref<128x128xi32, #tpu.memory_space<vmem>>, vector<1x16xi32>,
        %get3A_471 = vector.shape_cast %get3A_470 : vector<1x16xi32> to vector<16xi32>
        %and3A_472 = arith.constant 16383 : i32
        %and3A_473 = vector.broadcast %and3A_472 : i32 to vector<16xi32>
        %and3A_474 = arith.andi %get3A_471, %and3A_473 : vector<16xi32>
        %swap3A_475 = arith.constant 80 : index
        %swap3A_476 = tpu.vector_load %arg6[%swap3A_475] {strides = array<i32>} : memref<128xi32, #tpu.memory_space<vmem>>, vector<16xi32>,
        %swap3A_477 = vector.shape_cast %swap3A_476 : vector<16xi32> to vector<16xi32>
        %swap3A_478 = vector.shape_cast %and3A_474 : vector<16xi32> to vector<16xi32>
        tpu.vector_store %arg6[%swap3A_475], %swap3A_478 {strides = array<i32>} : memref<128xi32, #tpu.memory_space<vmem>>, vector<16xi32>,
        %shift_right_logical3A_479 = arith.constant 14 : i32
        %shift_right_logical3A_480 = vector.broadcast %shift_right_logical3A_479 : i32 to vector<16xi32>
        %shift_right_logical3A_481 = arith.shrui %get3A_471, %shift_right_logical3A_480 : vector<16xi32>
        %swap3A_482 = arith.constant 80 : index
        %swap3A_483 = tpu.vector_load %arg7[%swap3A_482] {strides = array<i32>} : memref<128xi32, #tpu.memory_space<vmem>>, vector<16xi32>,
        %swap3A_484 = vector.shape_cast %swap3A_483 : vector<16xi32> to vector<16xi32>
        %swap3A_485 = vector.shape_cast %shift_right_logical3A_481 : vector<16xi32> to vector<16xi32>
        tpu.vector_store %arg7[%swap3A_482], %swap3A_485 {strides = array<i32>} : memref<128xi32, #tpu.memory_space<vmem>>, vector<16xi32>,
        %get3A_486 = arith.index_cast %add3A_377 : i32 to index
        %get3A_487 = arith.constant 96 : index
        %get3A_488 = tpu.vector_load %arg5[%get3A_486, %get3A_487] {strides = array<i32>} : memref<128x128xi32, #tpu.memory_space<vmem>>, vector<1x16xi32>,
        %get3A_489 = vector.shape_cast %get3A_488 : vector<1x16xi32> to vector<16xi32>
        %and3A_490 = arith.constant 16383 : i32
        %and3A_491 = vector.broadcast %and3A_490 : i32 to vector<16xi32>
        %and3A_492 = arith.andi %get3A_489, %and3A_491 : vector<16xi32>
        %swap3A_493 = arith.constant 96 : index
        %swap3A_494 = tpu.vector_load %arg6[%swap3A_493] {strides = array<i32>} : memref<128xi32, #tpu.memory_space<vmem>>, vector<16xi32>,
        %swap3A_495 = vector.shape_cast %swap3A_494 : vector<16xi32> to vector<16xi32>
        %swap3A_496 = vector.shape_cast %and3A_492 : vector<16xi32> to vector<16xi32>
        tpu.vector_store %arg6[%swap3A_493], %swap3A_496 {strides = array<i32>} : memref<128xi32, #tpu.memory_space<vmem>>, vector<16xi32>,
        %shift_right_logical3A_497 = arith.constant 14 : i32
        %shift_right_logical3A_498 = vector.broadcast %shift_right_logical3A_497 : i32 to vector<16xi32>
        %shift_right_logical3A_499 = arith.shrui %get3A_489, %shift_right_logical3A_498 : vector<16xi32>
        %swap3A_500 = arith.constant 96 : index
        %swap3A_501 = tpu.vector_load %arg7[%swap3A_500] {strides = array<i32>} : memref<128xi32, #tpu.memory_space<vmem>>, vector<16xi32>,
        %swap3A_502 = vector.shape_cast %swap3A_501 : vector<16xi32> to vector<16xi32>
        %swap3A_503 = vector.shape_cast %shift_right_logical3A_499 : vector<16xi32> to vector<16xi32>
        tpu.vector_store %arg7[%swap3A_500], %swap3A_503 {strides = array<i32>} : memref<128xi32, #tpu.memory_space<vmem>>, vector<16xi32>,
        %get3A_504 = arith.index_cast %add3A_377 : i32 to index
        %get3A_505 = arith.constant 112 : index
        %get3A_506 = tpu.vector_load %arg5[%get3A_504, %get3A_505] {strides = array<i32>} : memref<128x128xi32, #tpu.memory_space<vmem>>, vector<1x16xi32>,
        %get3A_507 = vector.shape_cast %get3A_506 : vector<1x16xi32> to vector<16xi32>
        %and3A_508 = arith.constant 16383 : i32
        %and3A_509 = vector.broadcast %and3A_508 : i32 to vector<16xi32>
        %and3A_510 = arith.andi %get3A_507, %and3A_509 : vector<16xi32>
        %swap3A_511 = arith.constant 112 : index
        %swap3A_512 = tpu.vector_load %arg6[%swap3A_511] {strides = array<i32>} : memref<128xi32, #tpu.memory_space<vmem>>, vector<16xi32>,
        %swap3A_513 = vector.shape_cast %swap3A_512 : vector<16xi32> to vector<16xi32>
        %swap3A_514 = vector.shape_cast %and3A_510 : vector<16xi32> to vector<16xi32>
        tpu.vector_store %arg6[%swap3A_511], %swap3A_514 {strides = array<i32>} : memref<128xi32, #tpu.memory_space<vmem>>, vector<16xi32>,
        %shift_right_logical3A_515 = arith.constant 14 : i32
        %shift_right_logical3A_516 = vector.broadcast %shift_right_logical3A_515 : i32 to vector<16xi32>
        %shift_right_logical3A_517 = arith.shrui %get3A_507, %shift_right_logical3A_516 : vector<16xi32>
        %swap3A_518 = arith.constant 112 : index
        %swap3A_519 = tpu.vector_load %arg7[%swap3A_518] {strides = array<i32>} : memref<128xi32, #tpu.memory_space<vmem>>, vector<16xi32>,
        %swap3A_520 = vector.shape_cast %swap3A_519 : vector<16xi32> to vector<16xi32>
        %swap3A_521 = vector.shape_cast %shift_right_logical3A_517 : vector<16xi32> to vector<16xi32>
        tpu.vector_store %arg7[%swap3A_518], %swap3A_521 {strides = array<i32>} : memref<128xi32, #tpu.memory_space<vmem>>, vector<16xi32>,
        %dma_start3A_522 = arith.constant 0 : i32
        %dma_start3A_523 = arith.constant 0 : i32
        %dma_start3A_524 = tpu.memref_slice %arg2[%dma_start3A_522, %dma_start3A_523] : memref<10000x128xf32, #tpu.memory_space<hbm>> -> memref<10000x128xf32, #tpu.memory_space<hbm>>
        tpu.enqueue_indirect_dma source(%dma_start3A_524 : memref<10000x128xf32, #tpu.memory_space<hbm>>) target(%arg10 : memref<128x128xf32, #tpu.memory_space<vmem>>) offsets(%arg6 : memref<128xi32, #tpu.memory_space<vmem>>) semaphore(%arg13 : memref<!tpu.dma_semaphore, #tpu.memory_space<semaphore_mem>>)
      } else {
      }
      %dma_wait3A_367 = arith.constant 0 : i32
      %dma_wait3A_368 = arith.constant 0 : i32
      %dma_wait3A_369 = tpu.memref_slice %arg2[%dma_wait3A_367, %dma_wait3A_368] : memref<10000x128xf32, #tpu.memory_space<hbm>> -> memref<10000x128xf32, #tpu.memory_space<hbm>>
      tpu.wait_indirect_dma semaphore(%arg14 : memref<!tpu.dma_semaphore, #tpu.memory_space<semaphore_mem>>) src(%dma_wait3A_369 : memref<10000x128xf32, #tpu.memory_space<hbm>>) dst(%arg11 : memref<128x128xf32, #tpu.memory_space<vmem>>)
      "tpu.region"() ({
        %run_scoped3A = tpu.sem_alloc : memref<!tpu.dma_semaphore, #tpu.memory_space<semaphore_mem>>
        %dma_start3A_376 = arith.constant 0 : i32
        %dma_start3A_377 = arith.constant 0 : i32
        %dma_start3A_378 = tpu.memref_slice %arg12[%dma_start3A_376, %dma_start3A_377] : memref<10112x128xf32, #tpu.memory_space<vmem_shared>> -> memref<10112x128xf32, #tpu.memory_space<vmem_shared>>
        tpu.enqueue_indirect_dma source(%arg11 : memref<128x128xf32, #tpu.memory_space<vmem>>) target(%dma_start3A_378 : memref<10112x128xf32, #tpu.memory_space<vmem_shared>>) offsets(%arg9 : memref<128xi32, #tpu.memory_space<vmem>>) semaphore(%run_scoped3A : memref<!tpu.dma_semaphore, #tpu.memory_space<semaphore_mem>>) {add = true}
        %dma_wait3A_379 = arith.constant 0 : i32
        %dma_wait3A_380 = arith.constant 0 : i32
        %dma_wait3A_381 = tpu.memref_slice %arg12[%dma_wait3A_379, %dma_wait3A_380] : memref<10112x128xf32, #tpu.memory_space<vmem_shared>> -> memref<10112x128xf32, #tpu.memory_space<vmem_shared>>
        tpu.wait_indirect_dma semaphore(%run_scoped3A : memref<!tpu.dma_semaphore, #tpu.memory_space<semaphore_mem>>) src(%arg11 : memref<128x128xf32, #tpu.memory_space<vmem>>) dst(%dma_wait3A_381 : memref<10112x128xf32, #tpu.memory_space<vmem_shared>>)
        tpu.yield
      }) : () -> ()
      %add3A_370 = arith.constant 3 : i32
      %add3A_371 = arith.addi %mul3A_358, %add3A_370 : i32
      %lt3A_372 = arith.cmpi slt, %add3A_371, %select_n3A : i32
      %convert_element_type3A_373 = arith.extui %lt3A_372 : i1 to i32
      %cond3A_374 = arith.constant 0 : i32
      %cond3A_375 = arith.cmpi ne, %convert_element_type3A_373, %cond3A_374 : i32
      scf.if %cond3A_375 {
        %add3A_376 = arith.constant 3 : i32
        %add3A_377 = arith.addi %mul3A_358, %add3A_376 : i32
        %get3A_378 = arith.index_cast %add3A_377 : i32 to index
        %get3A_379 = arith.constant 0 : index
        %get3A_380 = tpu.vector_load %arg5[%get3A_378, %get3A_379] {strides = array<i32>} : memref<128x128xi32, #tpu.memory_space<vmem>>, vector<1x16xi32>,
        %get3A_381 = vector.shape_cast %get3A_380 : vector<1x16xi32> to vector<16xi32>
        %and3A_382 = arith.constant 16383 : i32
        %and3A_383 = vector.broadcast %and3A_382 : i32 to vector<16xi32>
        %and3A_384 = arith.andi %get3A_381, %and3A_383 : vector<16xi32>
        %swap3A_385 = arith.constant 0 : index
        %swap3A_386 = tpu.vector_load %arg8[%swap3A_385] {strides = array<i32>} : memref<128xi32, #tpu.memory_space<vmem>>, vector<16xi32>,
        %swap3A_387 = vector.shape_cast %swap3A_386 : vector<16xi32> to vector<16xi32>
        %swap3A_388 = vector.shape_cast %and3A_384 : vector<16xi32> to vector<16xi32>
        tpu.vector_store %arg8[%swap3A_385], %swap3A_388 {strides = array<i32>} : memref<128xi32, #tpu.memory_space<vmem>>, vector<16xi32>,
        %shift_right_logical3A_389 = arith.constant 14 : i32
        %shift_right_logical3A_390 = vector.broadcast %shift_right_logical3A_389 : i32 to vector<16xi32>
        %shift_right_logical3A_391 = arith.shrui %get3A_381, %shift_right_logical3A_390 : vector<16xi32>
        %swap3A_392 = arith.constant 0 : index
        %swap3A_393 = tpu.vector_load %arg9[%swap3A_392] {strides = array<i32>} : memref<128xi32, #tpu.memory_space<vmem>>, vector<16xi32>,
        %swap3A_394 = vector.shape_cast %swap3A_393 : vector<16xi32> to vector<16xi32>
        %swap3A_395 = vector.shape_cast %shift_right_logical3A_391 : vector<16xi32> to vector<16xi32>
        tpu.vector_store %arg9[%swap3A_392], %swap3A_395 {strides = array<i32>} : memref<128xi32, #tpu.memory_space<vmem>>, vector<16xi32>,
        %get3A_396 = arith.index_cast %add3A_377 : i32 to index
        %get3A_397 = arith.constant 16 : index
        %get3A_398 = tpu.vector_load %arg5[%get3A_396, %get3A_397] {strides = array<i32>} : memref<128x128xi32, #tpu.memory_space<vmem>>, vector<1x16xi32>,
        %get3A_399 = vector.shape_cast %get3A_398 : vector<1x16xi32> to vector<16xi32>
        %and3A_400 = arith.constant 16383 : i32
        %and3A_401 = vector.broadcast %and3A_400 : i32 to vector<16xi32>
        %and3A_402 = arith.andi %get3A_399, %and3A_401 : vector<16xi32>
        %swap3A_403 = arith.constant 16 : index
        %swap3A_404 = tpu.vector_load %arg8[%swap3A_403] {strides = array<i32>} : memref<128xi32, #tpu.memory_space<vmem>>, vector<16xi32>,
        %swap3A_405 = vector.shape_cast %swap3A_404 : vector<16xi32> to vector<16xi32>
        %swap3A_406 = vector.shape_cast %and3A_402 : vector<16xi32> to vector<16xi32>
        tpu.vector_store %arg8[%swap3A_403], %swap3A_406 {strides = array<i32>} : memref<128xi32, #tpu.memory_space<vmem>>, vector<16xi32>,
        %shift_right_logical3A_407 = arith.constant 14 : i32
        %shift_right_logical3A_408 = vector.broadcast %shift_right_logical3A_407 : i32 to vector<16xi32>
        %shift_right_logical3A_409 = arith.shrui %get3A_399, %shift_right_logical3A_408 : vector<16xi32>
        %swap3A_410 = arith.constant 16 : index
        %swap3A_411 = tpu.vector_load %arg9[%swap3A_410] {strides = array<i32>} : memref<128xi32, #tpu.memory_space<vmem>>, vector<16xi32>,
        %swap3A_412 = vector.shape_cast %swap3A_411 : vector<16xi32> to vector<16xi32>
        %swap3A_413 = vector.shape_cast %shift_right_logical3A_409 : vector<16xi32> to vector<16xi32>
        tpu.vector_store %arg9[%swap3A_410], %swap3A_413 {strides = array<i32>} : memref<128xi32, #tpu.memory_space<vmem>>, vector<16xi32>,
        %get3A_414 = arith.index_cast %add3A_377 : i32 to index
        %get3A_415 = arith.constant 32 : index
        %get3A_416 = tpu.vector_load %arg5[%get3A_414, %get3A_415] {strides = array<i32>} : memref<128x128xi32, #tpu.memory_space<vmem>>, vector<1x16xi32>,
        %get3A_417 = vector.shape_cast %get3A_416 : vector<1x16xi32> to vector<16xi32>
        %and3A_418 = arith.constant 16383 : i32
        %and3A_419 = vector.broadcast %and3A_418 : i32 to vector<16xi32>
        %and3A_420 = arith.andi %get3A_417, %and3A_419 : vector<16xi32>
        %swap3A_421 = arith.constant 32 : index
        %swap3A_422 = tpu.vector_load %arg8[%swap3A_421] {strides = array<i32>} : memref<128xi32, #tpu.memory_space<vmem>>, vector<16xi32>,
        %swap3A_423 = vector.shape_cast %swap3A_422 : vector<16xi32> to vector<16xi32>
        %swap3A_424 = vector.shape_cast %and3A_420 : vector<16xi32> to vector<16xi32>
        tpu.vector_store %arg8[%swap3A_421], %swap3A_424 {strides = array<i32>} : memref<128xi32, #tpu.memory_space<vmem>>, vector<16xi32>,
        %shift_right_logical3A_425 = arith.constant 14 : i32
        %shift_right_logical3A_426 = vector.broadcast %shift_right_logical3A_425 : i32 to vector<16xi32>
        %shift_right_logical3A_427 = arith.shrui %get3A_417, %shift_right_logical3A_426 : vector<16xi32>
        %swap3A_428 = arith.constant 32 : index
        %swap3A_429 = tpu.vector_load %arg9[%swap3A_428] {strides = array<i32>} : memref<128xi32, #tpu.memory_space<vmem>>, vector<16xi32>,
        %swap3A_430 = vector.shape_cast %swap3A_429 : vector<16xi32> to vector<16xi32>
        %swap3A_431 = vector.shape_cast %shift_right_logical3A_427 : vector<16xi32> to vector<16xi32>
        tpu.vector_store %arg9[%swap3A_428], %swap3A_431 {strides = array<i32>} : memref<128xi32, #tpu.memory_space<vmem>>, vector<16xi32>,
        %get3A_432 = arith.index_cast %add3A_377 : i32 to index
        %get3A_433 = arith.constant 48 : index
        %get3A_434 = tpu.vector_load %arg5[%get3A_432, %get3A_433] {strides = array<i32>} : memref<128x128xi32, #tpu.memory_space<vmem>>, vector<1x16xi32>,
        %get3A_435 = vector.shape_cast %get3A_434 : vector<1x16xi32> to vector<16xi32>
        %and3A_436 = arith.constant 16383 : i32
        %and3A_437 = vector.broadcast %and3A_436 : i32 to vector<16xi32>
        %and3A_438 = arith.andi %get3A_435, %and3A_437 : vector<16xi32>
        %swap3A_439 = arith.constant 48 : index
        %swap3A_440 = tpu.vector_load %arg8[%swap3A_439] {strides = array<i32>} : memref<128xi32, #tpu.memory_space<vmem>>, vector<16xi32>,
        %swap3A_441 = vector.shape_cast %swap3A_440 : vector<16xi32> to vector<16xi32>
        %swap3A_442 = vector.shape_cast %and3A_438 : vector<16xi32> to vector<16xi32>
        tpu.vector_store %arg8[%swap3A_439], %swap3A_442 {strides = array<i32>} : memref<128xi32, #tpu.memory_space<vmem>>, vector<16xi32>,
        %shift_right_logical3A_443 = arith.constant 14 : i32
        %shift_right_logical3A_444 = vector.broadcast %shift_right_logical3A_443 : i32 to vector<16xi32>
        %shift_right_logical3A_445 = arith.shrui %get3A_435, %shift_right_logical3A_444 : vector<16xi32>
        %swap3A_446 = arith.constant 48 : index
        %swap3A_447 = tpu.vector_load %arg9[%swap3A_446] {strides = array<i32>} : memref<128xi32, #tpu.memory_space<vmem>>, vector<16xi32>,
        %swap3A_448 = vector.shape_cast %swap3A_447 : vector<16xi32> to vector<16xi32>
        %swap3A_449 = vector.shape_cast %shift_right_logical3A_445 : vector<16xi32> to vector<16xi32>
        tpu.vector_store %arg9[%swap3A_446], %swap3A_449 {strides = array<i32>} : memref<128xi32, #tpu.memory_space<vmem>>, vector<16xi32>,
        %get3A_450 = arith.index_cast %add3A_377 : i32 to index
        %get3A_451 = arith.constant 64 : index
        %get3A_452 = tpu.vector_load %arg5[%get3A_450, %get3A_451] {strides = array<i32>} : memref<128x128xi32, #tpu.memory_space<vmem>>, vector<1x16xi32>,
        %get3A_453 = vector.shape_cast %get3A_452 : vector<1x16xi32> to vector<16xi32>
        %and3A_454 = arith.constant 16383 : i32
        %and3A_455 = vector.broadcast %and3A_454 : i32 to vector<16xi32>
        %and3A_456 = arith.andi %get3A_453, %and3A_455 : vector<16xi32>
        %swap3A_457 = arith.constant 64 : index
        %swap3A_458 = tpu.vector_load %arg8[%swap3A_457] {strides = array<i32>} : memref<128xi32, #tpu.memory_space<vmem>>, vector<16xi32>,
        %swap3A_459 = vector.shape_cast %swap3A_458 : vector<16xi32> to vector<16xi32>
        %swap3A_460 = vector.shape_cast %and3A_456 : vector<16xi32> to vector<16xi32>
        tpu.vector_store %arg8[%swap3A_457], %swap3A_460 {strides = array<i32>} : memref<128xi32, #tpu.memory_space<vmem>>, vector<16xi32>,
        %shift_right_logical3A_461 = arith.constant 14 : i32
        %shift_right_logical3A_462 = vector.broadcast %shift_right_logical3A_461 : i32 to vector<16xi32>
        %shift_right_logical3A_463 = arith.shrui %get3A_453, %shift_right_logical3A_462 : vector<16xi32>
        %swap3A_464 = arith.constant 64 : index
        %swap3A_465 = tpu.vector_load %arg9[%swap3A_464] {strides = array<i32>} : memref<128xi32, #tpu.memory_space<vmem>>, vector<16xi32>,
        %swap3A_466 = vector.shape_cast %swap3A_465 : vector<16xi32> to vector<16xi32>
        %swap3A_467 = vector.shape_cast %shift_right_logical3A_463 : vector<16xi32> to vector<16xi32>
        tpu.vector_store %arg9[%swap3A_464], %swap3A_467 {strides = array<i32>} : memref<128xi32, #tpu.memory_space<vmem>>, vector<16xi32>,
        %get3A_468 = arith.index_cast %add3A_377 : i32 to index
        %get3A_469 = arith.constant 80 : index
        %get3A_470 = tpu.vector_load %arg5[%get3A_468, %get3A_469] {strides = array<i32>} : memref<128x128xi32, #tpu.memory_space<vmem>>, vector<1x16xi32>,
        %get3A_471 = vector.shape_cast %get3A_470 : vector<1x16xi32> to vector<16xi32>
        %and3A_472 = arith.constant 16383 : i32
        %and3A_473 = vector.broadcast %and3A_472 : i32 to vector<16xi32>
        %and3A_474 = arith.andi %get3A_471, %and3A_473 : vector<16xi32>
        %swap3A_475 = arith.constant 80 : index
        %swap3A_476 = tpu.vector_load %arg8[%swap3A_475] {strides = array<i32>} : memref<128xi32, #tpu.memory_space<vmem>>, vector<16xi32>,
        %swap3A_477 = vector.shape_cast %swap3A_476 : vector<16xi32> to vector<16xi32>
        %swap3A_478 = vector.shape_cast %and3A_474 : vector<16xi32> to vector<16xi32>
        tpu.vector_store %arg8[%swap3A_475], %swap3A_478 {strides = array<i32>} : memref<128xi32, #tpu.memory_space<vmem>>, vector<16xi32>,
        %shift_right_logical3A_479 = arith.constant 14 : i32
        %shift_right_logical3A_480 = vector.broadcast %shift_right_logical3A_479 : i32 to vector<16xi32>
        %shift_right_logical3A_481 = arith.shrui %get3A_471, %shift_right_logical3A_480 : vector<16xi32>
        %swap3A_482 = arith.constant 80 : index
        %swap3A_483 = tpu.vector_load %arg9[%swap3A_482] {strides = array<i32>} : memref<128xi32, #tpu.memory_space<vmem>>, vector<16xi32>,
        %swap3A_484 = vector.shape_cast %swap3A_483 : vector<16xi32> to vector<16xi32>
        %swap3A_485 = vector.shape_cast %shift_right_logical3A_481 : vector<16xi32> to vector<16xi32>
        tpu.vector_store %arg9[%swap3A_482], %swap3A_485 {strides = array<i32>} : memref<128xi32, #tpu.memory_space<vmem>>, vector<16xi32>,
        %get3A_486 = arith.index_cast %add3A_377 : i32 to index
        %get3A_487 = arith.constant 96 : index
        %get3A_488 = tpu.vector_load %arg5[%get3A_486, %get3A_487] {strides = array<i32>} : memref<128x128xi32, #tpu.memory_space<vmem>>, vector<1x16xi32>,
        %get3A_489 = vector.shape_cast %get3A_488 : vector<1x16xi32> to vector<16xi32>
        %and3A_490 = arith.constant 16383 : i32
        %and3A_491 = vector.broadcast %and3A_490 : i32 to vector<16xi32>
        %and3A_492 = arith.andi %get3A_489, %and3A_491 : vector<16xi32>
        %swap3A_493 = arith.constant 96 : index
        %swap3A_494 = tpu.vector_load %arg8[%swap3A_493] {strides = array<i32>} : memref<128xi32, #tpu.memory_space<vmem>>, vector<16xi32>,
        %swap3A_495 = vector.shape_cast %swap3A_494 : vector<16xi32> to vector<16xi32>
        %swap3A_496 = vector.shape_cast %and3A_492 : vector<16xi32> to vector<16xi32>
        tpu.vector_store %arg8[%swap3A_493], %swap3A_496 {strides = array<i32>} : memref<128xi32, #tpu.memory_space<vmem>>, vector<16xi32>,
        %shift_right_logical3A_497 = arith.constant 14 : i32
        %shift_right_logical3A_498 = vector.broadcast %shift_right_logical3A_497 : i32 to vector<16xi32>
        %shift_right_logical3A_499 = arith.shrui %get3A_489, %shift_right_logical3A_498 : vector<16xi32>
        %swap3A_500 = arith.constant 96 : index
        %swap3A_501 = tpu.vector_load %arg9[%swap3A_500] {strides = array<i32>} : memref<128xi32, #tpu.memory_space<vmem>>, vector<16xi32>,
        %swap3A_502 = vector.shape_cast %swap3A_501 : vector<16xi32> to vector<16xi32>
        %swap3A_503 = vector.shape_cast %shift_right_logical3A_499 : vector<16xi32> to vector<16xi32>
        tpu.vector_store %arg9[%swap3A_500], %swap3A_503 {strides = array<i32>} : memref<128xi32, #tpu.memory_space<vmem>>, vector<16xi32>,
        %get3A_504 = arith.index_cast %add3A_377 : i32 to index
        %get3A_505 = arith.constant 112 : index
        %get3A_506 = tpu.vector_load %arg5[%get3A_504, %get3A_505] {strides = array<i32>} : memref<128x128xi32, #tpu.memory_space<vmem>>, vector<1x16xi32>,
        %get3A_507 = vector.shape_cast %get3A_506 : vector<1x16xi32> to vector<16xi32>
        %and3A_508 = arith.constant 16383 : i32
        %and3A_509 = vector.broadcast %and3A_508 : i32 to vector<16xi32>
        %and3A_510 = arith.andi %get3A_507, %and3A_509 : vector<16xi32>
        %swap3A_511 = arith.constant 112 : index
        %swap3A_512 = tpu.vector_load %arg8[%swap3A_511] {strides = array<i32>} : memref<128xi32, #tpu.memory_space<vmem>>, vector<16xi32>,
        %swap3A_513 = vector.shape_cast %swap3A_512 : vector<16xi32> to vector<16xi32>
        %swap3A_514 = vector.shape_cast %and3A_510 : vector<16xi32> to vector<16xi32>
        tpu.vector_store %arg8[%swap3A_511], %swap3A_514 {strides = array<i32>} : memref<128xi32, #tpu.memory_space<vmem>>, vector<16xi32>,
        %shift_right_logical3A_515 = arith.constant 14 : i32
        %shift_right_logical3A_516 = vector.broadcast %shift_right_logical3A_515 : i32 to vector<16xi32>
        %shift_right_logical3A_517 = arith.shrui %get3A_507, %shift_right_logical3A_516 : vector<16xi32>
        %swap3A_518 = arith.constant 112 : index
        %swap3A_519 = tpu.vector_load %arg9[%swap3A_518] {strides = array<i32>} : memref<128xi32, #tpu.memory_space<vmem>>, vector<16xi32>,
        %swap3A_520 = vector.shape_cast %swap3A_519 : vector<16xi32> to vector<16xi32>
        %swap3A_521 = vector.shape_cast %shift_right_logical3A_517 : vector<16xi32> to vector<16xi32>
        tpu.vector_store %arg9[%swap3A_518], %swap3A_521 {strides = array<i32>} : memref<128xi32, #tpu.memory_space<vmem>>, vector<16xi32>,
      } else {
      }
    }
    "tpu.trace_stop"() : () -> ()
    "tpu.trace_start"() <{level = 10 : i32, message = "endbar"}> : () -> ()
    %barrier3A_353 = arith.constant 0 : index
    tpu.barrier barrier_id(%barrier3A_353)
    "tpu.trace_stop"() : () -> ()
    "tpu.trace_start"() <{level = 10 : i32, message = "writeback"}> : () -> ()
    %mul3A_354 = arith.constant 632 : i32
    %mul3A_355 = arith.muli %arg1, %mul3A_354 : i32
    "tpu.region"() ({
      %run_scoped3A = tpu.sem_alloc : memref<!tpu.dma_semaphore, #tpu.memory_space<semaphore_mem>>
      %dma_start3A_356 = arith.constant 0 : i32
      %dma_start3A_357 = tpu.memref_slice %arg4[%arg0, %mul3A_355, %dma_start3A_356] : memref<2x10112x128xf32, #tpu.memory_space<hbm>> -> memref<1x632x128xf32, #tpu.memory_space<hbm>>
      %dma_start3A_358 = tpu.memref_squeeze %dma_start3A_357 : memref<1x632x128xf32, #tpu.memory_space<hbm>> -> memref<632x128xf32, #tpu.memory_space<hbm>>
      %dma_start3A_359 = arith.constant 0 : i32
      %dma_start3A_360 = tpu.memref_slice %arg12[%mul3A_355, %dma_start3A_359] : memref<10112x128xf32, #tpu.memory_space<vmem_shared>> -> memref<632x128xf32, #tpu.memory_space<vmem_shared>>
      tpu.enqueue_dma source(%dma_start3A_360 : memref<632x128xf32, #tpu.memory_space<vmem_shared>>) target(%dma_start3A_358 : memref<632x128xf32, #tpu.memory_space<hbm>>) target_semaphore(%run_scoped3A : memref<!tpu.dma_semaphore, #tpu.memory_space<semaphore_mem>>)
      %dma_wait3A = arith.constant 0 : i32
      %dma_wait3A_361 = tpu.memref_slice %arg4[%arg0, %mul3A_355, %dma_wait3A] : memref<2x10112x128xf32, #tpu.memory_space<hbm>> -> memref<1x632x128xf32, #tpu.memory_space<hbm>>
      %dma_wait3A_362 = tpu.memref_squeeze %dma_wait3A_361 : memref<1x632x128xf32, #tpu.memory_space<hbm>> -> memref<632x128xf32, #tpu.memory_space<hbm>>
      %dma_wait3A_363 = arith.constant 0 : i32
      %dma_wait3A_364 = tpu.memref_slice %arg12[%mul3A_355, %dma_wait3A_363] : memref<10112x128xf32, #tpu.memory_space<vmem_shared>> -> memref<632x128xf32, #tpu.memory_space<vmem_shared>>
      tpu.wait_dma2 semaphore(%run_scoped3A : memref<!tpu.dma_semaphore, #tpu.memory_space<semaphore_mem>>) src(%dma_wait3A_364 : memref<632x128xf32, #tpu.memory_space<vmem_shared>>) dst(%dma_wait3A_362 : memref<632x128xf32, #tpu.memory_space<hbm>>)
      tpu.yield
    }) : () -> ()
    "tpu.trace_stop"() : () -> ()
    return
  }
}

module attributes {stable_mosaic.version = 14 : i64} {
  func.func @_lin_pair_first_body(%arg0: i32, %arg1: memref<1000x128xf32, #tpu.memory_space<vmem>>, %arg2: memref<128x128xf32, #tpu.memory_space<vmem>>, %arg3: memref<1x128xf32, #tpu.memory_space<vmem>>, %arg4: memref<128x128xf32, #tpu.memory_space<vmem>>, %arg5: memref<1x128xf32, #tpu.memory_space<vmem>>, %arg6: memref<1000x128xf32, #tpu.memory_space<vmem>>, %arg7: memref<1000x128xf32, #tpu.memory_space<vmem>>) attributes {dimension_semantics = [#tpu.dimension_semantics<arbitrary>], iteration_bounds = array<i64: 10>, scalar_prefetch = 0 : i64, scratch_operands = 0 : i64, tpu.core_type = #tpu.core_type<tc>, window_params = [{transform_indices = @transform_0, window_bounds = array<i64: 1000, 128>}, {pipeline_mode = #tpu.pipeline_mode<synchronous>, transform_indices = @transform_1, window_bounds = array<i64: 128, 128>}, {pipeline_mode = #tpu.pipeline_mode<synchronous>, transform_indices = @transform_2, window_bounds = array<i64: 1, 128>}, {pipeline_mode = #tpu.pipeline_mode<synchronous>, transform_indices = @transform_3, window_bounds = array<i64: 128, 128>}, {pipeline_mode = #tpu.pipeline_mode<synchronous>, transform_indices = @transform_4, window_bounds = array<i64: 1, 128>}, {transform_indices = @transform_5, window_bounds = array<i64: 1000, 128>}, {transform_indices = @transform_6, window_bounds = array<i64: 1000, 128>}]} {
    %get3A = arith.constant 0 : index
    %get3A_0 = arith.constant 0 : index
    %get3A_1 = vector.load %arg1[%get3A, %get3A_0] : memref<1000x128xf32, #tpu.memory_space<vmem>>, vector<1000x128xf32>
    %get3A_2 = arith.constant 0 : index
    %get3A_3 = arith.constant 0 : index
    %get3A_4 = vector.load %arg2[%get3A_2, %get3A_3] : memref<128x128xf32, #tpu.memory_space<vmem>>, vector<128x128xf32>
    %dot_general3A = arith.constant dense<0.000000e+00> : vector<1000x128xf32>
    %dot_general3A_5 = tpu.matmul %get3A_1, %get3A_4, %dot_general3A {dimension_numbers = #tpu.dot_dimension_numbers<[1], [0], [0], [1], [0, 0, 1, 1], [], []>, transpose_lhs_hint = false} : vector<1000x128xf32>, vector<128x128xf32>, vector<1000x128xf32> -> vector<1000x128xf32>
    %get3A_6 = arith.constant 0 : index
    %get3A_7 = arith.constant 0 : index
    %get3A_8 = vector.load %arg3[%get3A_6, %get3A_7] : memref<1x128xf32, #tpu.memory_space<vmem>>, vector<1x128xf32>
    %add3A = vector.broadcast %get3A_8 : vector<1x128xf32> to vector<1000x128xf32>
    %add3A_9 = arith.addf %dot_general3A_5, %add3A : vector<1000x128xf32>
    %swap3A = arith.constant 0 : index
    %swap3A_10 = arith.constant 0 : index
    %swap3A_11 = vector.load %arg6[%swap3A, %swap3A_10] : memref<1000x128xf32, #tpu.memory_space<vmem>>, vector<1000x128xf32>
    tpu.vector_store %arg6[%swap3A, %swap3A_10], %add3A_9 {strides = array<i32>} : memref<1000x128xf32, #tpu.memory_space<vmem>>, vector<1000x128xf32>,
    %get3A_12 = arith.constant 0 : index
    %get3A_13 = arith.constant 0 : index
    %get3A_14 = vector.load %arg4[%get3A_12, %get3A_13] : memref<128x128xf32, #tpu.memory_space<vmem>>, vector<128x128xf32>
    %dot_general3A_15 = arith.constant dense<0.000000e+00> : vector<1000x128xf32>
    %dot_general3A_16 = tpu.matmul %get3A_1, %get3A_14, %dot_general3A_15 {dimension_numbers = #tpu.dot_dimension_numbers<[1], [0], [0], [1], [0, 0, 1, 1], [], []>, transpose_lhs_hint = false} : vector<1000x128xf32>, vector<128x128xf32>, vector<1000x128xf32> -> vector<1000x128xf32>
    %get3A_17 = arith.constant 0 : index
    %get3A_18 = arith.constant 0 : index
    %get3A_19 = vector.load %arg5[%get3A_17, %get3A_18] : memref<1x128xf32, #tpu.memory_space<vmem>>, vector<1x128xf32>
    %add3A_20 = vector.broadcast %get3A_19 : vector<1x128xf32> to vector<1000x128xf32>
    %add3A_21 = arith.addf %dot_general3A_16, %add3A_20 : vector<1000x128xf32>
    %swap3A_22 = arith.constant 0 : index
    %swap3A_23 = arith.constant 0 : index
    %swap3A_24 = vector.load %arg7[%swap3A_22, %swap3A_23] : memref<1000x128xf32, #tpu.memory_space<vmem>>, vector<1000x128xf32>
    tpu.vector_store %arg7[%swap3A_22, %swap3A_23], %add3A_21 {strides = array<i32>} : memref<1000x128xf32, #tpu.memory_space<vmem>>, vector<1000x128xf32>,
    return
  }
  func.func @transform_0(%arg0: i32) -> (i32, i32) {
    %c0_i32 = arith.constant 0 : i32
    %c0_i32_0 = arith.constant 0 : i32
    return %arg0, %c0_i32 : i32, i32
  }
  func.func @transform_1(%arg0: i32) -> (i32, i32) {
    %c0_i32 = arith.constant 0 : i32
    %c0_i32_0 = arith.constant 0 : i32
    %c0_i32_1 = arith.constant 0 : i32
    return %c0_i32, %c0_i32_0 : i32, i32
  }
  func.func @transform_2(%arg0: i32) -> (i32, i32) {
    %c0_i32 = arith.constant 0 : i32
    %c0_i32_0 = arith.constant 0 : i32
    %c0_i32_1 = arith.constant 0 : i32
    return %c0_i32, %c0_i32_0 : i32, i32
  }
  func.func @transform_3(%arg0: i32) -> (i32, i32) {
    %c0_i32 = arith.constant 0 : i32
    %c0_i32_0 = arith.constant 0 : i32
    %c0_i32_1 = arith.constant 0 : i32
    return %c0_i32, %c0_i32_0 : i32, i32
  }
  func.func @transform_4(%arg0: i32) -> (i32, i32) {
    %c0_i32 = arith.constant 0 : i32
    %c0_i32_0 = arith.constant 0 : i32
    %c0_i32_1 = arith.constant 0 : i32
    return %c0_i32, %c0_i32_0 : i32, i32
  }
  func.func @transform_5(%arg0: i32) -> (i32, i32) {
    %c0_i32 = arith.constant 0 : i32
    %c0_i32_0 = arith.constant 0 : i32
    return %arg0, %c0_i32 : i32, i32
  }
  func.func @transform_6(%arg0: i32) -> (i32, i32) {
    %c0_i32 = arith.constant 0 : i32
    %c0_i32_0 = arith.constant 0 : i32
    return %arg0, %c0_i32 : i32, i32
  }
}

module attributes {stable_mosaic.version = 14 : i64} {
  func.func @_lin_pair_next_body(%arg0: i32, %arg1: memref<1000x128xf32, #tpu.memory_space<vmem>>, %arg2: memref<2x1000x128xf32, #tpu.memory_space<vmem>>, %arg3: memref<128x128xf32, #tpu.memory_space<vmem>>, %arg4: memref<1x128xf32, #tpu.memory_space<vmem>>, %arg5: memref<128x128xf32, #tpu.memory_space<vmem>>, %arg6: memref<1x128xf32, #tpu.memory_space<vmem>>, %arg7: memref<1000x128xf32, #tpu.memory_space<vmem>>, %arg8: memref<1000x128xf32, #tpu.memory_space<vmem>>) attributes {dimension_semantics = [#tpu.dimension_semantics<arbitrary>], iteration_bounds = array<i64: 10>, scalar_prefetch = 0 : i64, scratch_operands = 0 : i64, tpu.core_type = #tpu.core_type<tc>, window_params = [{transform_indices = @transform_0, window_bounds = array<i64: 1000, 128>}, {transform_indices = @transform_1, window_bounds = array<i64: 2, 1000, 128>}, {pipeline_mode = #tpu.pipeline_mode<synchronous>, transform_indices = @transform_2, window_bounds = array<i64: 128, 128>}, {pipeline_mode = #tpu.pipeline_mode<synchronous>, transform_indices = @transform_3, window_bounds = array<i64: 1, 128>}, {pipeline_mode = #tpu.pipeline_mode<synchronous>, transform_indices = @transform_4, window_bounds = array<i64: 128, 128>}, {pipeline_mode = #tpu.pipeline_mode<synchronous>, transform_indices = @transform_5, window_bounds = array<i64: 1, 128>}, {transform_indices = @transform_6, window_bounds = array<i64: 1000, 128>}, {transform_indices = @transform_7, window_bounds = array<i64: 1000, 128>}]} {
    %get3A = arith.constant 0 : index
    %get3A_0 = arith.constant 0 : index
    %get3A_1 = vector.load %arg1[%get3A, %get3A_0] : memref<1000x128xf32, #tpu.memory_space<vmem>>, vector<1000x128xf32>
    %get3A_2 = arith.constant 0 : index
    %get3A_3 = arith.constant 0 : index
    %get3A_4 = arith.constant 0 : index
    %get3A_5 = vector.load %arg2[%get3A_2, %get3A_3, %get3A_4] : memref<2x1000x128xf32, #tpu.memory_space<vmem>>, vector<1x1000x128xf32>
    %get3A_6 = vector.shape_cast %get3A_5 : vector<1x1000x128xf32> to vector<1000x128xf32>
    %add3A = arith.addf %get3A_1, %get3A_6 : vector<1000x128xf32>
    %get3A_7 = arith.constant 1 : index
    %get3A_8 = arith.constant 0 : index
    %get3A_9 = arith.constant 0 : index
    %get3A_10 = vector.load %arg2[%get3A_7, %get3A_8, %get3A_9] : memref<2x1000x128xf32, #tpu.memory_space<vmem>>, vector<1x1000x128xf32>
    %get3A_11 = vector.shape_cast %get3A_10 : vector<1x1000x128xf32> to vector<1000x128xf32>
    %add3A_12 = arith.addf %add3A, %get3A_11 : vector<1000x128xf32>
    %max3A = arith.constant 0.000000e+00 : f32
    %max3A_13 = vector.broadcast %max3A : f32 to vector<1000x128xf32>
    %max3A_14 = arith.maximumf %add3A_12, %max3A_13 : vector<1000x128xf32>
    %get3A_15 = arith.constant 0 : index
    %get3A_16 = arith.constant 0 : index
    %get3A_17 = vector.load %arg3[%get3A_15, %get3A_16] : memref<128x128xf32, #tpu.memory_space<vmem>>, vector<128x128xf32>
    %dot_general3A = arith.constant dense<0.000000e+00> : vector<1000x128xf32>
    %dot_general3A_18 = tpu.matmul %max3A_14, %get3A_17, %dot_general3A {dimension_numbers = #tpu.dot_dimension_numbers<[1], [0], [0], [1], [0, 0, 1, 1], [], []>, transpose_lhs_hint = false} : vector<1000x128xf32>, vector<128x128xf32>, vector<1000x128xf32> -> vector<1000x128xf32>
    %get3A_19 = arith.constant 0 : index
    %get3A_20 = arith.constant 0 : index
    %get3A_21 = vector.load %arg4[%get3A_19, %get3A_20] : memref<1x128xf32, #tpu.memory_space<vmem>>, vector<1x128xf32>
    %add3A_22 = vector.broadcast %get3A_21 : vector<1x128xf32> to vector<1000x128xf32>
    %add3A_23 = arith.addf %dot_general3A_18, %add3A_22 : vector<1000x128xf32>
    %swap3A = arith.constant 0 : index
    %swap3A_24 = arith.constant 0 : index
    %swap3A_25 = vector.load %arg7[%swap3A, %swap3A_24] : memref<1000x128xf32, #tpu.memory_space<vmem>>, vector<1000x128xf32>
    tpu.vector_store %arg7[%swap3A, %swap3A_24], %add3A_23 {strides = array<i32>} : memref<1000x128xf32, #tpu.memory_space<vmem>>, vector<1000x128xf32>,
    %get3A_26 = arith.constant 0 : index
    %get3A_27 = arith.constant 0 : index
    %get3A_28 = vector.load %arg5[%get3A_26, %get3A_27] : memref<128x128xf32, #tpu.memory_space<vmem>>, vector<128x128xf32>
    %dot_general3A_29 = arith.constant dense<0.000000e+00> : vector<1000x128xf32>
    %dot_general3A_30 = tpu.matmul %max3A_14, %get3A_28, %dot_general3A_29 {dimension_numbers = #tpu.dot_dimension_numbers<[1], [0], [0], [1], [0, 0, 1, 1], [], []>, transpose_lhs_hint = false} : vector<1000x128xf32>, vector<128x128xf32>, vector<1000x128xf32> -> vector<1000x128xf32>
    %get3A_31 = arith.constant 0 : index
    %get3A_32 = arith.constant 0 : index
    %get3A_33 = vector.load %arg6[%get3A_31, %get3A_32] : memref<1x128xf32, #tpu.memory_space<vmem>>, vector<1x128xf32>
    %add3A_34 = vector.broadcast %get3A_33 : vector<1x128xf32> to vector<1000x128xf32>
    %add3A_35 = arith.addf %dot_general3A_30, %add3A_34 : vector<1000x128xf32>
    %swap3A_36 = arith.constant 0 : index
    %swap3A_37 = arith.constant 0 : index
    %swap3A_38 = vector.load %arg8[%swap3A_36, %swap3A_37] : memref<1000x128xf32, #tpu.memory_space<vmem>>, vector<1000x128xf32>
    tpu.vector_store %arg8[%swap3A_36, %swap3A_37], %add3A_35 {strides = array<i32>} : memref<1000x128xf32, #tpu.memory_space<vmem>>, vector<1000x128xf32>,
    return
  }
  func.func @transform_0(%arg0: i32) -> (i32, i32) {
    %c0_i32 = arith.constant 0 : i32
    %c0_i32_0 = arith.constant 0 : i32
    return %arg0, %c0_i32 : i32, i32
  }
  func.func @transform_1(%arg0: i32) -> (i32, i32, i32) {
    %c0_i32 = arith.constant 0 : i32
    %c0_i32_0 = arith.constant 0 : i32
    %c0_i32_1 = arith.constant 0 : i32
    return %c0_i32, %arg0, %c0_i32_0 : i32, i32, i32
  }
  func.func @transform_2(%arg0: i32) -> (i32, i32) {
    %c0_i32 = arith.constant 0 : i32
    %c0_i32_0 = arith.constant 0 : i32
    %c0_i32_1 = arith.constant 0 : i32
    return %c0_i32, %c0_i32_0 : i32, i32
  }
  func.func @transform_3(%arg0: i32) -> (i32, i32) {
    %c0_i32 = arith.constant 0 : i32
    %c0_i32_0 = arith.constant 0 : i32
    %c0_i32_1 = arith.constant 0 : i32
    return %c0_i32, %c0_i32_0 : i32, i32
  }
  func.func @transform_4(%arg0: i32) -> (i32, i32) {
    %c0_i32 = arith.constant 0 : i32
    %c0_i32_0 = arith.constant 0 : i32
    %c0_i32_1 = arith.constant 0 : i32
    return %c0_i32, %c0_i32_0 : i32, i32
  }
  func.func @transform_5(%arg0: i32) -> (i32, i32) {
    %c0_i32 = arith.constant 0 : i32
    %c0_i32_0 = arith.constant 0 : i32
    %c0_i32_1 = arith.constant 0 : i32
    return %c0_i32, %c0_i32_0 : i32, i32
  }
  func.func @transform_6(%arg0: i32) -> (i32, i32) {
    %c0_i32 = arith.constant 0 : i32
    %c0_i32_0 = arith.constant 0 : i32
    return %arg0, %c0_i32 : i32, i32
  }
  func.func @transform_7(%arg0: i32) -> (i32, i32) {
    %c0_i32 = arith.constant 0 : i32
    %c0_i32_0 = arith.constant 0 : i32
    return %arg0, %c0_i32 : i32, i32
  }
}

module attributes {stable_mosaic.version = 14 : i64} {
  func.func @_head_body(%arg0: i32, %arg1: memref<1000x128xf32, #tpu.memory_space<vmem>>, %arg2: memref<2x1000x128xf32, #tpu.memory_space<vmem>>, %arg3: memref<128x128xf32, #tpu.memory_space<vmem>>, %arg4: memref<1x128xf32, #tpu.memory_space<vmem>>, %arg5: memref<128x128xf32, #tpu.memory_space<vmem>>, %arg6: memref<1x128xf32, #tpu.memory_space<vmem>>, %arg7: memref<1000x128xf32, #tpu.memory_space<vmem>>, %arg8: memref<1000x128xf32, #tpu.memory_space<vmem>>) attributes {dimension_semantics = [#tpu.dimension_semantics<arbitrary>], iteration_bounds = array<i64: 10>, scalar_prefetch = 0 : i64, scratch_operands = 0 : i64, tpu.core_type = #tpu.core_type<tc>, window_params = [{transform_indices = @transform_0, window_bounds = array<i64: 1000, 128>}, {transform_indices = @transform_1, window_bounds = array<i64: 2, 1000, 128>}, {pipeline_mode = #tpu.pipeline_mode<synchronous>, transform_indices = @transform_2, window_bounds = array<i64: 128, 128>}, {pipeline_mode = #tpu.pipeline_mode<synchronous>, transform_indices = @transform_3, window_bounds = array<i64: 1, 128>}, {pipeline_mode = #tpu.pipeline_mode<synchronous>, transform_indices = @transform_4, window_bounds = array<i64: 128, 128>}, {pipeline_mode = #tpu.pipeline_mode<synchronous>, transform_indices = @transform_5, window_bounds = array<i64: 1, 128>}, {transform_indices = @transform_6, window_bounds = array<i64: 1000, 128>}, {transform_indices = @transform_7, window_bounds = array<i64: 1000, 128>}]} {
    %get3A = arith.constant 0 : index
    %get3A_0 = arith.constant 0 : index
    %get3A_1 = vector.load %arg1[%get3A, %get3A_0] : memref<1000x128xf32, #tpu.memory_space<vmem>>, vector<1000x128xf32>
    %get3A_2 = arith.constant 0 : index
    %get3A_3 = arith.constant 0 : index
    %get3A_4 = arith.constant 0 : index
    %get3A_5 = vector.load %arg2[%get3A_2, %get3A_3, %get3A_4] : memref<2x1000x128xf32, #tpu.memory_space<vmem>>, vector<1x1000x128xf32>
    %get3A_6 = vector.shape_cast %get3A_5 : vector<1x1000x128xf32> to vector<1000x128xf32>
    %add3A = arith.addf %get3A_1, %get3A_6 : vector<1000x128xf32>
    %get3A_7 = arith.constant 1 : index
    %get3A_8 = arith.constant 0 : index
    %get3A_9 = arith.constant 0 : index
    %get3A_10 = vector.load %arg2[%get3A_7, %get3A_8, %get3A_9] : memref<2x1000x128xf32, #tpu.memory_space<vmem>>, vector<1x1000x128xf32>
    %get3A_11 = vector.shape_cast %get3A_10 : vector<1x1000x128xf32> to vector<1000x128xf32>
    %add3A_12 = arith.addf %add3A, %get3A_11 : vector<1000x128xf32>
    %swap3A = arith.constant 0 : index
    %swap3A_13 = arith.constant 0 : index
    %swap3A_14 = vector.load %arg7[%swap3A, %swap3A_13] : memref<1000x128xf32, #tpu.memory_space<vmem>>, vector<1000x128xf32>
    tpu.vector_store %arg7[%swap3A, %swap3A_13], %add3A_12 {strides = array<i32>} : memref<1000x128xf32, #tpu.memory_space<vmem>>, vector<1000x128xf32>,
    %max3A = arith.constant 0.000000e+00 : f32
    %max3A_15 = vector.broadcast %max3A : f32 to vector<1000x128xf32>
    %max3A_16 = arith.maximumf %add3A_12, %max3A_15 : vector<1000x128xf32>
    %get3A_17 = arith.constant 0 : index
    %get3A_18 = arith.constant 0 : index
    %get3A_19 = vector.load %arg3[%get3A_17, %get3A_18] : memref<128x128xf32, #tpu.memory_space<vmem>>, vector<128x128xf32>
    %dot_general3A = arith.constant dense<0.000000e+00> : vector<1000x128xf32>
    %dot_general3A_20 = tpu.matmul %max3A_16, %get3A_19, %dot_general3A {dimension_numbers = #tpu.dot_dimension_numbers<[1], [0], [0], [1], [0, 0, 1, 1], [], []>, transpose_lhs_hint = false} : vector<1000x128xf32>, vector<128x128xf32>, vector<1000x128xf32> -> vector<1000x128xf32>
    %get3A_21 = arith.constant 0 : index
    %get3A_22 = arith.constant 0 : index
    %get3A_23 = vector.load %arg4[%get3A_21, %get3A_22] : memref<1x128xf32, #tpu.memory_space<vmem>>, vector<1x128xf32>
    %add3A_24 = vector.broadcast %get3A_23 : vector<1x128xf32> to vector<1000x128xf32>
    %add3A_25 = arith.addf %dot_general3A_20, %add3A_24 : vector<1000x128xf32>
    %max3A_26 = arith.constant 0.000000e+00 : f32
    %max3A_27 = vector.broadcast %max3A_26 : f32 to vector<1000x128xf32>
    %max3A_28 = arith.maximumf %add3A_25, %max3A_27 : vector<1000x128xf32>
    %get3A_29 = arith.constant 0 : index
    %get3A_30 = arith.constant 0 : index
    %get3A_31 = vector.load %arg5[%get3A_29, %get3A_30] : memref<128x128xf32, #tpu.memory_space<vmem>>, vector<128x128xf32>
    %dot_general3A_32 = arith.constant dense<0.000000e+00> : vector<1000x128xf32>
    %dot_general3A_33 = tpu.matmul %max3A_28, %get3A_31, %dot_general3A_32 {dimension_numbers = #tpu.dot_dimension_numbers<[1], [0], [0], [1], [0, 0, 1, 1], [], []>, transpose_lhs_hint = false} : vector<1000x128xf32>, vector<128x128xf32>, vector<1000x128xf32> -> vector<1000x128xf32>
    %get3A_34 = arith.constant 0 : index
    %get3A_35 = arith.constant 0 : index
    %get3A_36 = vector.load %arg6[%get3A_34, %get3A_35] : memref<1x128xf32, #tpu.memory_space<vmem>>, vector<1x128xf32>
    %add3A_37 = vector.broadcast %get3A_36 : vector<1x128xf32> to vector<1000x128xf32>
    %add3A_38 = arith.addf %dot_general3A_33, %add3A_37 : vector<1000x128xf32>
    %swap3A_39 = arith.constant 0 : index
    %swap3A_40 = arith.constant 0 : index
    %swap3A_41 = vector.load %arg8[%swap3A_39, %swap3A_40] : memref<1000x128xf32, #tpu.memory_space<vmem>>, vector<1000x128xf32>
    tpu.vector_store %arg8[%swap3A_39, %swap3A_40], %add3A_38 {strides = array<i32>} : memref<1000x128xf32, #tpu.memory_space<vmem>>, vector<1000x128xf32>,
    return
  }
  func.func @transform_0(%arg0: i32) -> (i32, i32) {
    %c0_i32 = arith.constant 0 : i32
    %c0_i32_0 = arith.constant 0 : i32
    return %arg0, %c0_i32 : i32, i32
  }
  func.func @transform_1(%arg0: i32) -> (i32, i32, i32) {
    %c0_i32 = arith.constant 0 : i32
    %c0_i32_0 = arith.constant 0 : i32
    %c0_i32_1 = arith.constant 0 : i32
    return %c0_i32, %arg0, %c0_i32_0 : i32, i32, i32
  }
  func.func @transform_2(%arg0: i32) -> (i32, i32) {
    %c0_i32 = arith.constant 0 : i32
    %c0_i32_0 = arith.constant 0 : i32
    %c0_i32_1 = arith.constant 0 : i32
    return %c0_i32, %c0_i32_0 : i32, i32
  }
  func.func @transform_3(%arg0: i32) -> (i32, i32) {
    %c0_i32 = arith.constant 0 : i32
    %c0_i32_0 = arith.constant 0 : i32
    %c0_i32_1 = arith.constant 0 : i32
    return %c0_i32, %c0_i32_0 : i32, i32
  }
  func.func @transform_4(%arg0: i32) -> (i32, i32) {
    %c0_i32 = arith.constant 0 : i32
    %c0_i32_0 = arith.constant 0 : i32
    %c0_i32_1 = arith.constant 0 : i32
    return %c0_i32, %c0_i32_0 : i32, i32
  }
  func.func @transform_5(%arg0: i32) -> (i32, i32) {
    %c0_i32 = arith.constant 0 : i32
    %c0_i32_0 = arith.constant 0 : i32
    %c0_i32_1 = arith.constant 0 : i32
    return %c0_i32, %c0_i32_0 : i32, i32
  }
  func.func @transform_6(%arg0: i32) -> (i32, i32) {
    %c0_i32 = arith.constant 0 : i32
    %c0_i32_0 = arith.constant 0 : i32
    return %arg0, %c0_i32 : i32, i32
  }
  func.func @transform_7(%arg0: i32) -> (i32, i32) {
    %c0_i32 = arith.constant 0 : i32
    %c0_i32_0 = arith.constant 0 : i32
    return %arg0, %c0_i32 : i32, i32
  }
}

</mosaic_0001>

<sc_bundles>
// kernel: kernel.12.cloned.1.call-start
scs
__scs_entry_jumppad:
0x0: {  	(pc) =	sbr.rel $0x88, $3  }
0x1: {  	(tag) =	ssettag $0x0;
	lr =	simm.s32 $0x1  }
0x2: {  	[smem:$0x3F8F] =	sst lr;
	_ =	strace $0xD0000000  }
0x3: {  	_ = 	snop  }
0x4: {  	_ = 	snop  }
0x5: {  	_ = 	snop  }
0x6: {  	_ = 	snop  }
0x7: {  	_ = 	snop  }
__scs_overlays_trampoline_lowered:
0x8: {  	[smem:$0x3F9E] =	sst s0  }
0x9: {  	[smem:$0x3F9F] =	sst s1  }
0xa: {  	[smem:$0x3FA0] =	sst s2  }
0xb: {  	[smem:$0x3FA1] =	sst s3  }
0xc: {  	[smem:$0x3FA2] =	sst s4  }
0xd: {  	[smem:$0x3FA3] =	sst s5  }
0xe: {  	[smem:$0x3FA4] =	sst s6  }
0xf: {  	[smem:$0x3FA5] =	sst s7  }
0x10: {  	[smem:$0x3FA6] =	sst s8  }
0x11: {  	[smem:$0x3FA7] =	sst s9;
	s0 =	simm.s32 @!p0 $0x0  }
0x12: {  	s1 =	sld [smem:$0x3F8D];
	s0 =	simm.s32 @p0 $0x1  }
0x13: {  	[smem:$0x3FA8] =	sst s0;
	s0 =	simm.s32 @!p1 $0x0  }
0x14: {  	s2 =	sld [smem:$0x3F8C];
	s0 =	simm.s32 @p1 $0x1  }
0x15: {  	[smem:$0x3FA9] =	sst s0;
	s0 =	simm.s32 @!p2 $0x0  }
0x16: {  	s3 =	sld [smem:$0x3FDB];
	s0 =	simm.s32 @p2 $0x1  }
0x17: {  	s4 =	simm.s32 $0x1BF5;
	[smem:$0x3FAB] =	sst s0  }
0x18: {  	s0 =	sld [smem:$0x3F8E];
	_ =	swait.ge [sflag:s4], $0x0  }
0x19: {  	s7 =	sld [smem:$0x3F8F]  }
0x1a: {  	s8 =	sadd.s32 $0xFFFFE003, lr  }
0x1b: {  	s9 =	sadd.s32 $0xFFFFFEF7, lr;
	s5 =	simm.s32 $0xFFFFFFFF;
	p2 =	slt.u32 s8, $0xFFFFF086  }
0x1c: {  	p1 =	slt.u32 s9, $0xF7A;
	s5 =	simm.s32 @!p2 $0x0  }
0x1d: {  	s5 =	simm.s32 @p1 $0x1;
	p0 =	seq.s32 s7, s2  }
0x1e: {  	s7 =	smul.u32 @!p0 $0xF7A, s2;
	p2 =	seq.s32 @!p0 s5, $0x0  }
0x1f: {  	s9 =	smul.u32 $0xF7A, s1;
	s8 =	simm.s32 @!p0 $0x1BF5;
	p2 =	por !p2, p0  }
0x20: {  	[sflag:s8] =	ssyncset.s32 @!p0 $0xFFFFF086;
	s6 =	sadd.s32 @!p0 s3, s7;
	s7 =	simm.s32 @!p0 $0x108  }
0x21: {  	s3 =	sadd.s32 s3, s9;
	s6 =	sadd.s32 @!p0 $0x88, s6;
	s7 =	simm.s32 @p2 $0x1082  }
0x22: {  	[simem:s7], [sflag:s8] =	dma.local @!p0 [hbm:s6], $0xF7A  }
0x23: {  	s9 =	sor.u32 $0xD0000000, s2;
	s6 =	simm.s32 $0x108;
	_ =	swait.ge @!p0 [sflag:s8], $0x0  }
0x24: {  	s3 =	sadd.s32 $0x88, s3;
	s6 =	simm.s32 @!p1 $0x1082;
	[sflag:s4] =	ssyncset.s32 $0xFFFFF086  }
0x25: {  	[simem:s6], [sflag:s4] =	dma.local [hbm:s3], $0xF7A  }
0x26: {  	[smem:$0x3F8F] =	sst s1;
	(tag) =	ssettag s2;
	_ =	strace s9  }
0x27: {  	s1 =	sld [smem:$0x3F9F]  }
0x28: {  	s2 =	sld [smem:$0x3FA0]  }
0x29: {  	s4 =	sld [smem:$0x3FA2]  }
0x2a: {  	p0 =	seq.s32 s5, $0x0;
	s5 =	sld [smem:$0x3FA3]  }
0x2b: {  	s6 =	sld [smem:$0x3FA4]  }
0x2c: {  	s7 =	sld [smem:$0x3FA5]  }
0x2d: {  	s3 =	simm.s32 $0x108;
	s8 =	sld [smem:$0x3FA6]  }
0x2e: {  	s3 =	simm.s32 @!p0 $0x1082;
	s9 =	sld [smem:$0x3FA7]  }
0x2f: {  	lr =	sadd.s32 s0, s3;
	s0 =	sld [smem:$0x3F9E]  }
0x30: {  	s3 =	sld [smem:$0x3FA1]  }
0x31: {  	[smem:$0x3FAA] =	sst s10  }
0x32: {  	s10 =	sld [smem:$0x3FA8];
	_ =	sdelay $0x3  }
0x33: {  	p0 =	seq.s32 s10, $0x1;
	s10 =	sld [smem:$0x3FAA];
	_ =	sdelay $0x3  }
0x34: {  	[smem:$0x3FAA] =	sst s10  }
0x35: {  	s10 =	sld [smem:$0x3FA9];
	_ =	sdelay $0x3  }
0x36: {  	p1 =	seq.s32 s10, $0x1;
	s10 =	sld [smem:$0x3FAA];
	_ =	sdelay $0x3  }
0x37: {  	[smem:$0x3FAA] =	sst s10  }
0x38: {  	s10 =	sld [smem:$0x3FAB]  }
0x39: {  	_ = 	snop;
	(pc) =	sbr.ind lr, $3  }
0x3a: {  	_ = 	snop  }
0x3b: {  	_ = 	snop  }
0x3c: {  	p2 =	seq.s32 s10, $0x1;
	s10 =	sld [smem:$0x3FAA]  }
0x3d: {  	_ =	shalt  }
0x3e: {  	_ =	shalt  }
0x3f: {  	_ =	shalt  }
0x40: {  	_ =	shalt  }
0x41: {  	_ =	shalt  }
0x42: {  	_ =	shalt  }
0x43: {  	_ =	shalt  }
0x44: {  	_ =	shalt  }
0x45: {  	_ =	shalt  }
0x46: {  	_ =	shalt  }
0x47: {  	_ =	shalt  }
0x48: {  	_ =	shalt  }
0x49: {  	_ =	shalt  }
0x4a: {  	_ =	shalt  }
0x4b: {  	_ =	shalt  }
0x4c: {  	_ =	shalt  }
0x4d: {  	_ =	shalt  }
0x4e: {  	_ =	shalt  }
0x4f: {  	_ =	shalt  }
0x50: {  	_ =	shalt  }
0x51: {  	_ =	shalt  }
0x52: {  	_ =	shalt  }
0x53: {  	_ =	shalt  }
0x54: {  	_ =	shalt  }
0x55: {  	_ =	shalt  }
0x56: {  	_ =	shalt  }
0x57: {  	_ =	shalt  }
0x58: {  	_ =	shalt  }
0x59: {  	_ =	shalt  }
0x5a: {  	_ =	shalt  }
0x5b: {  	_ =	shalt  }
0x5c: {  	_ =	shalt  }
0x5d: {  	_ =	shalt  }
0x5e: {  	_ =	shalt  }
0x5f: {  	_ =	shalt  }
0x60: {  	_ =	shalt  }
0x61: {  	_ =	shalt  }
0x62: {  	_ =	shalt  }
0x63: {  	_ =	shalt  }
0x64: {  	_ =	shalt  }
0x65: {  	_ =	shalt  }
0x66: {  	_ =	shalt  }
0x67: {  	_ =	shalt  }
0x68: {  	_ =	shalt  }
0x69: {  	_ =	shalt  }
0x6a: {  	_ =	shalt  }
0x6b: {  	_ =	shalt  }
0x6c: {  	_ =	shalt  }
0x6d: {  	_ =	shalt  }
0x6e: {  	_ =	shalt  }
0x6f: {  	_ =	shalt  }
0x70: {  	_ =	shalt  }
0x71: {  	_ =	shalt  }
0x72: {  	_ =	shalt  }
0x73: {  	_ =	shalt  }
0x74: {  	_ =	shalt  }
0x75: {  	_ =	shalt  }
0x76: {  	_ =	shalt  }
0x77: {  	_ =	shalt  }
0x78: {  	_ =	shalt  }
0x79: {  	_ =	shalt  }
0x7a: {  	_ =	shalt  }
0x7b: {  	_ =	shalt  }
0x7c: {  	_ =	shalt  }
0x7d: {  	_ =	shalt  }
0x7e: {  	_ =	shalt  }
0x7f: {  	_ =	shalt  }
0x80: {  	_ =	shalt  }
0x81: {  	_ =	shalt  }
0x82: {  	_ =	shalt  }
0x83: {  	_ =	shalt  }
0x84: {  	_ =	shalt  }
0x85: {  	_ =	shalt  }
0x86: {  	_ =	shalt  }
0x87: {  	_ =	shalt  }
.Lfunc_end0:
.L_simem_size_0:
called_computation.1_lowered:
.L_overlay_start_0:
0x88: {  	s2 =	sld [smem:$0x3FD9]  }
0x89: {  	s3 =	sld [smem:$0x3FFE];
	_ =	sdelay $0x1  }
0x8a: {  	s1 =	srdreg.scid  }
0x8b: {  	s0 =	sand.u32 $0x1, s1  }
0x8c: {  	s14 =	sshll.u32 s0, $0xA;
	s2 =	sadd.s32 s3, s2  }
0x8d: {  	s2 =	sadd.s32 s2, s14  }
0x8e: {  	[smem:$0x3FB6] =	sst s2  }
0x8f: {  	_ = 	snop  }
0x90: {  	s2 =	sld [smem:$0x3FD0];
	_ =	sdelay $0x2  }
0x91: {  	s15 =	simm.s32 $0xA;
	s4 =	simm.s32 $0x10  }
0x92: {  	[smem:s4], [sflag:s15] =	dma.local [hbm:s2], $0x1  }
0x93: {  	_ =	swait.eq [sflag:s15], $0x1  }
0x94: {  	[sflag:s15] =	ssyncset.done $0x0  }
0x95: {  	s16 =	sld [smem:$0x10];
	[sflag:s15] =	ssyncadd.s32 $0xFFFFFFFF  }
0x96: {  	s17 =	sld [smem:$0x11];
	(tm) =	ssettm $0x1  }
0x97: {  	s18 =	sld [smem:$0x3FFB];
	_ =	sdelay $0x3  }
0x98: {  	_ =	strace s18  }
0x99: {  	s4 =	sld [smem:$0x3FFC];
	_ =	sdelay $0x3  }
0x9a: {  	_ =	strace s4  }
0x9b: {  	s4 =	sld [smem:$0x3FFD];
	_ =	sdelay $0x3  }
0x9c: {  	_ =	strace s4  }
0x9d: {  	_ =	strace $0x8FFFFFFF  }
0x9e: {  	s19 =	sld [smem:$0x3FDB];
	_ =	sdelay $0x1  }
0x9f: {  	s5 =	simm.s32 $_scs_section_size  }
0xa0: {  	s6 =	simm.s32 $_size__tile_overlayer_lowered;
	s7 =	simm.s32 $_tile_overlayer_lowered  }
0xa1: {  	s22 =	simm.s32 $0x1BFF;
	s21 =	sshll.u32 s7, $0x1;
	s4 =	sadd.s32 s5, s19  }
0xa2: {  	s8 =	simm.s32 $0x0;
	s20 =	sshll.u32 s6, $0x1;
	s6 =	sadd.s32 s21, s4  }
0xa3: {  	[timem:s8], [sflag:s22] =	dma.local [hbm:s6], s20  }
0xa4: {  	_ =	swait.ge [sflag:s22], s20  }
0xa5: {  	s5 =	ssub.s32 $0x0, s20;
	[sflag:s22] =	ssyncset.done $0x0  }
0xa6: {  	[sflag:s22] =	ssyncadd.s32 s5;
	_ =	sdelay $0x1  }
0xa7: {  	s23 =	simm.s32 $0x1B8B  }
0xa8: {  	_ =	swait.ge [sflag:s23], $0x1  }
0xa9: {  	[sflag:s23] =	ssyncset.done $0x0  }
0xaa: {  	s25 =	simm.s32 $0x1B8E;
	s24 =	sld [smem:$0x3FFE];
	[sflag:s23] =	ssyncadd.s32 $0xFFFFFFFF  }
0xab: {  	s26 =	simm.s32 $execute0_lowered;
	[smem:$0x3FD2] =	sst s25  }
0xac: {  	s6 =	sshll.u32 s26, $0x1;
	_ =	strace $0x80000050;
	[dreg:$0x1] =	wrdreg $0xFFFFFFFF  }
0xad: {  	s28 =	simm.s32 $_size_execute0_lowered;
	s4 =	sadd.s32 s4, s6;
	[dreg:$0x0] =	wrdreg $0x0  }
0xae: {  	s6 =	sshll.u32 s28, $0x1;
	[dreg:$0x2] =	wrdreg s4  }
0xaf: {  	[dreg:$0x3] =	wrdreg s6  }
0xb0: {  	[dreg:$0x4] =	wrdreg $0xC0  }
0xb1: {  	_ =	task [dreg:s8], $0x5FFFF  }
0xb2: {  	[dreg:$0x1] =	wrdreg $0xFFFFFFFF  }
0xb3: {  	[dreg:$0x0] =	wrdreg $0x60  }
0xb4: {  	[dreg:$0x2] =	wrdreg s17  }
0xb5: {  	[dreg:$0x3] =	wrdreg s16  }
0xb6: {  	[dreg:$0x4] =	wrdreg s24  }
0xb7: {  	[dreg:$0x5] =	wrdreg $0xC2000  }
0xb8: {  	[dreg:$0x6] =	wrdreg $0x9  }
0xb9: {  	_ =	task.clear_ibuf [dreg:s8], $0x7FFFF;
	_ =	strace $0x90000050  }
0xba: {  	s29 =	simm.s32 $0x9;
	_ =	strace $0x80000059  }
0xbb: {  	_ =	swait.ge [sflag:s29], $0x1  }
0xbc: {  	[sflag:s29] =	ssyncadd.s32 $0xFFFFFFFF  }
0xbd: {  	_ =	strace $0x90000059  }
0xbe: {  	_ =	sfence  }
0xbf: {  	s30 =	sld [smem:$0x0];
	_ =	sdelay $0x2  }
0xc0: {  	s31 =	sshll.u32 s1, $0xD;
	s1 =	sshrl.u32 s1, $0x2  }
0xc1: {  	s3 =	sand.u32 $0x4000, s31;
	s1 =	sadd.s32 s1, s30  }
0xc2: {  	s0 =	sor.u32 s3, s0;
	s1 =	sshll.u32 s1, $0x11  }
0xc3: {  	s0 =	sor.u32 s1, s0  }
0xc4: {  	s0 =	sadd.s32 $0x8F2B, s0  }
0xc5: {  	[sflag:s0] =	ssyncadd.remote.s32 $0x1  }
0xc6: {  	_ =	sfence.sel $0xFFFF  }
0xc7: {  	[dreg:$0x0] =	wrdreg $0xFFFFFFFF;
	(pc) =	sbr.abs _section_cstart, $3  }
0xc8: {  	[dreg:$0x1] =	wrdreg $0xFFFFFFFF  }
0xc9: {  	_ =	task.clear_ibuf [dreg:s8], $0x2FFFF;
	_ =	strace $0x9FFFFFFF  }
0xca: {  	(tm) =	ssettm $0x7FFFFFFF  }
0xcb: {  	_ =	shalt  }
tec
execute0_lowered:
.L_overlay_start_1:
0x0: {  	(tag) =	ssettag $0x1  }
0x1: {  	s0 =	rddreg [dreg:$0x0]  }
0x2: {  	s11 =	rddreg [dreg:$0x1]  }
0x3: {  	s1 =	srdreg.scid;
	s5 =	rddreg [dreg:$0x2]  }
0x4: {  	s3 =	rddreg [dreg:$0x3];
	s2 =	simm.s32 $0x0;
	s16 =	simm.s32 $0x4200  }
0x5: {  	s17 =	simm.s32 $0x4000;
	s18 =	simm.s32 $0x4100;
	s19 =	simm.s32 $0x8200  }
0x6: {  	s20 =	simm.s32 $0x1;
	s21 =	simm.s32 $0x4080;
	s22 =	simm.s32 $0x3  }
0x7: {  	s23 =	simm.s32 $0x2;
	s24 =	simm.s32 $0x4180;
	s12 =	sand.u32 $0x1, s1  }
0x8: {  	s25 =	simm.s32 $0x0;
	s1 =	stileid.u32;
	s6 =	smul.u32 $0x13C000, s12  }
0x9: {  	[smem:$0x7FF] =	sst s2;
	s7 =	smul.u32 $0x13C00, s1;
	s30 =	ssub.s32 $0x2, s12  }
0xa: {  	s9 =	smul.u32 $0x4F000, s1;
	_ =	strace $0x80000051;
	p0 =	seq.s32 s12, $0x0  }
0xb: {  	s13 =	sshll.u32 s1, $0xB;
	s12 =	sshll.u32 s12, $0xF;
	s8 =	sshrl.u32 s30, $0x1  }
0xc: {  	s13 =	sadd.s32 s11, s13;
	s6 =	sadd.s32 s7, s6;
	s15 =	ssub.s32 s30, s8  }
0xd: {  	s31 =	sshrl.u32 s9, $0x2;
	s12 =	sadd.s32 s12, s13;
	s6 =	sshrl.u32 s6, $0x3  }
0xe: {  	s7 =	sadd.s32 s31, s3;
	s15 =	smax.u32 s15, $0x1;
	s14 =	sadd.s32 s6, s5  }
0xf: {  	s5 =	simm.s32 $0x80;
	s6 =	simm.s32 $0x80;
	s8 =	sadd.s32 $0x4000, s7  }
0x10: {  	s9 =	sadd.s32 $0x8000, s7;
	s10 =	sadd.s32 $0xC000, s7;
	s5 =	simm.s32 @!p0 $0x20  }
0x11: {  	v0 =	vimm.f32 $0.0e+00;
	s11 =	sadd.s32 $0x10000, s7;
	s14 =	sadd.s32 $0x3A00, s14;
	s13 =	sshrl.u32 s5, $0x1  }
.LBB2_1:
0x12: {  	_ =	strace $0x80000052;
	s26 =	simm.s32 $0x0;
	s28 =	simm.s32 $0x200  }
.LBB2_2:
0x13: {  	p0 =	sne.s32 s28, $0xFE00;
	[tilespmem:s26+$0x4270] =	vst v0  }
0x14: {  	[tilespmem:s26+$0x4200] =	vst v0  }
0x15: {  	[tilespmem:s26+$0x4210] =	vst v0  }
.Ltmp0:
0x16: {  	[tilespmem:s26+$0x4220] =	vst v0;
	(pc) =	sbr.rel @p0 .LBB2_2-.Ltmp0, $4  }
0x17: {  	[tilespmem:s26+$0x4230] =	vst v0  }
0x18: {  	[tilespmem:s26+$0x4240] =	vst v0  }
0x19: {  	[tilespmem:s26+$0x4250] =	vst v0  }
0x1a: {  	[tilespmem:s26+$0x4260] =	vst v0;
	s26 =	sshra.s32 s28, $0x2;
	s28 =	sadd.s32 $0x200, s28  }
0x1b: {  	[tilespmem:s26+$0x4270] =	vst v0  }
0x1c: {  	[tilespmem:s26+$0x4200] =	vst v0  }
0x1d: {  	[tilespmem:s26+$0x4210] =	vst v0  }
0x1e: {  	[tilespmem:s26+$0x4220] =	vst v0  }
0x1f: {  	[tilespmem:s26+$0x4230] =	vst v0  }
0x20: {  	[tilespmem:s26+$0x4240] =	vst v0  }
0x21: {  	[tilespmem:s26+$0x4250] =	vst v0  }
0x22: {  	[tilespmem:s26+$0x4260] =	vst v0  }
0x23: {  	_ =	strace $0x90000052  }
0x24: {  	s26 =	simm.s32 $0x3;
	_ =	strace $0x80000053  }
0x25: {  	[spmem:s7] =	stream.linear.scatter [tilespmem:s16], [sflag:$0x3], $0x4000, $0x200038;
	[tilespmem:$0x1FE00] =	vst v63  }
0x26: {  	_ =	swait.ge [sflag:s26], $0x4000  }
0x27: {  	[sflag:s26] =	ssyncset.done $0x0  }
0x28: {  	[sflag:s26] =	ssyncadd.s32 $0xFFFFC000  }
0x29: {  	[spmem:s8] =	stream.linear.scatter [tilespmem:s16], [sflag:$0x3], $0x4000, $0x200038;
	[tilespmem:$0x1FE00] =	vst v63  }
0x2a: {  	_ =	swait.ge [sflag:s26], $0x4000  }
0x2b: {  	[sflag:s26] =	ssyncset.done $0x0  }
0x2c: {  	[sflag:s26] =	ssyncadd.s32 $0xFFFFC000  }
0x2d: {  	[spmem:s9] =	stream.linear.scatter [tilespmem:s16], [sflag:$0x3], $0x4000, $0x200038;
	[tilespmem:$0x1FE00] =	vst v63  }
0x2e: {  	_ =	swait.ge [sflag:s26], $0x4000  }
0x2f: {  	[sflag:s26] =	ssyncset.done $0x0  }
0x30: {  	[sflag:s26] =	ssyncadd.s32 $0xFFFFC000  }
0x31: {  	[spmem:s10] =	stream.linear.scatter [tilespmem:s16], [sflag:$0x3], $0x4000, $0x200038;
	[tilespmem:$0x1FE00] =	vst v63  }
0x32: {  	_ =	swait.ge [sflag:s26], $0x4000  }
0x33: {  	[sflag:s26] =	ssyncset.done $0x0  }
0x34: {  	[sflag:s26] =	ssyncadd.s32 $0xFFFFC000  }
0x35: {  	[spmem:s11] =	stream.linear.scatter [tilespmem:s16], [sflag:$0x3], $0x3C00, $0x200038;
	[tilespmem:$0x1FE00] =	vst v63  }
0x36: {  	_ =	swait.ge [sflag:s26], $0x3C00  }
0x37: {  	[sflag:s26] =	ssyncset.done $0x0  }
0x38: {  	[sflag:s26] =	ssyncadd.s32 $0xFFFFC400  }
0x39: {  	_ =	strace $0x90000053  }
0x3a: {  	_ =	strace $0x80000054  }
0x3b: {  	[bflag:$0x0] =	sbarrier.arrive $0xFFFF  }
0x3c: {  	_ =	strace $0x90000054  }
0x3d: {  	s2 =	simm.s32 $0x0;
	_ =	strace $0x80000055  }
0x3e: {  	[tilespmem:s2], [sflag:$0x3] =	stream.linear.gather [hbm4b:s12+s2], $0x4000, $0x200038;
	[tilespmem:$0x1FE00] =	vst v63  }
0x3f: {  	_ =	swait.ge [sflag:s26], $0x4000  }
0x40: {  	[sflag:s26] =	ssyncset.done $0x0  }
0x41: {  	[sflag:s26] =	ssyncadd.s32 $0xFFFFC000  }
0x42: {  	v1 =	vld [tilespmem:$0x0];
	_ =	sdelay $0x1  }
0x43: {  	v2 =	vld [tilespmem:$0x10];
	_ =	sdelay $0x1  }
0x44: {  	v3 =	vld [tilespmem:$0x20]  }
0x45: {  	v4 =	vand.u32 $0x3FFF, v1  }
0x46: {  	v59 =	vld [tilespmem:$0x30];
	v1 =	vshrl.u32 v1, $0xE;
	[tilespmem:$0x4000] =	vst v4  }
0x47: {  	[tilespmem:$0x4080] =	vst v1;
	v1 =	vand.u32 $0x3FFF, v2  }
0x48: {  	[tilespmem:$0x4010] =	vst v1;
	v1 =	vshrl.u32 v2, $0xE;
	v2 =	vld [tilespmem:$0x40]  }
0x49: {  	[tilespmem:$0x4090] =	vst v1;
	v1 =	vand.u32 $0x3FFF, v3  }
0x4a: {  	[tilespmem:$0x4020] =	vst v1;
	v1 =	vshrl.u32 v3, $0xE;
	v3 =	vld [tilespmem:$0x50]  }
0x4b: {  	[tilespmem:$0x40A0] =	vst v1;
	v1 =	vand.u32 $0x3FFF, v59  }
0x4c: {  	v60 =	vld [tilespmem:$0x60];
	[tilespmem:$0x4030] =	vst v1;
	v1 =	vshrl.u32 v59, $0xE  }
0x4d: {  	[tilespmem:$0x40B0] =	vst v1;
	v1 =	vand.u32 $0x3FFF, v2  }
0x4e: {  	[tilespmem:$0x4040] =	vst v1;
	v1 =	vshrl.u32 v2, $0xE;
	v2 =	vld [tilespmem:$0x70]  }
0x4f: {  	[tilespmem:$0x40C0] =	vst v1;
	v1 =	vand.u32 $0x3FFF, v3  }
0x50: {  	[tilespmem:$0x4050] =	vst v1;
	v1 =	vshrl.u32 v3, $0xE  }
0x51: {  	[tilespmem:$0x40D0] =	vst v1;
	v1 =	vand.u32 $0x3FFF, v60  }
0x52: {  	[tilespmem:$0x4060] =	vst v1;
	v1 =	vshrl.u32 v60, $0xE  }
0x53: {  	[tilespmem:$0x40E0] =	vst v1;
	v1 =	vand.u32 $0x3FFF, v2  }
0x54: {  	[tilespmem:$0x4070] =	vst v1;
	v1 =	vshrl.u32 v2, $0xE  }
0x55: {  	[tilespmem:$0x40F0] =	vst v1  }
0x56: {  	[tilespmem:s16], [sflag:$0x1] =	stream.indirect.gather [hbm4b:s0+s6], $0x80, s17, s6, $0x2000b8;
	[tilespmem:$0x1FE00] =	vst v63  }
0x57: {  	v1 =	vld [tilespmem:$0x80];
	_ =	sdelay $0x1  }
0x58: {  	v2 =	vld [tilespmem:$0x90];
	_ =	sdelay $0x1  }
0x59: {  	v3 =	vld [tilespmem:$0xA0]  }
0x5a: {  	v61 =	vand.u32 $0x3FFF, v1  }
0x5b: {  	v62 =	vld [tilespmem:$0xB0];
	v1 =	vshrl.u32 v1, $0xE;
	[tilespmem:$0x4100] =	vst v61  }
0x5c: {  	[tilespmem:$0x4180] =	vst v1;
	v1 =	vand.u32 $0x3FFF, v2  }
0x5d: {  	[tilespmem:$0x4110] =	vst v1;
	v1 =	vshrl.u32 v2, $0xE;
	v2 =	vld [tilespmem:$0xC0]  }
0x5e: {  	[tilespmem:$0x4190] =	vst v1;
	v1 =	vand.u32 $0x3FFF, v3  }
0x5f: {  	[tilespmem:$0x4120] =	vst v1;
	v1 =	vshrl.u32 v3, $0xE;
	v3 =	vld [tilespmem:$0xD0]  }
0x60: {  	[tilespmem:$0x41A0] =	vst v1;
	v1 =	vand.u32 $0x3FFF, v62  }
0x61: {  	v63 =	vld [tilespmem:$0xE0];
	[tilespmem:$0x4130] =	vst v1;
	v1 =	vshrl.u32 v62, $0xE  }
0x62: {  	[tilespmem:$0x41B0] =	vst v1;
	v1 =	vand.u32 $0x3FFF, v2  }
0x63: {  	[tilespmem:$0x4140] =	vst v1;
	v1 =	vshrl.u32 v2, $0xE;
	v2 =	vld [tilespmem:$0xF0]  }
0x64: {  	[tilespmem:$0x41C0] =	vst v1;
	v1 =	vand.u32 $0x3FFF, v3  }
0x65: {  	[tilespmem:$0x4150] =	vst v1;
	v1 =	vshrl.u32 v3, $0xE  }
0x66: {  	[tilespmem:$0x41D0] =	vst v1;
	v1 =	vand.u32 $0x3FFF, v63  }
0x67: {  	[tilespmem:$0x4160] =	vst v1;
	v1 =	vshrl.u32 v63, $0xE  }
0x68: {  	[tilespmem:$0x41E0] =	vst v1;
	v1 =	vand.u32 $0x3FFF, v2  }
0x69: {  	[tilespmem:$0x4170] =	vst v1;
	v1 =	vshrl.u32 v2, $0xE  }
0x6a: {  	[tilespmem:$0x41F0] =	vst v1  }
0x6b: {  	_ =	strace $0x90000055  }
0x6c: {  	_ =	strace $0x80000056  }
0x6d: {  	[tilespmem:s19], [sflag:$0x2] =	stream.indirect.gather [hbm4b:s0+s6], $0x80, s18, s6, $0x2000b8;
	[tilespmem:$0x1FE00] =	vst v63  }
0x6e: {  	_ =	swait.ge [sflag:s20], $0x4000  }
0x6f: {  	[sflag:s20] =	ssyncset.done $0x0  }
0x70: {  	[sflag:s20] =	ssyncadd.s32 $0xFFFFC000  }
0x71: {  	[spmem:s3] =	stream.indirect.scatter.add.f32 [tilespmem:s16], [sflag:$0x3], $0x80, s21, s6, $0x2000b8;
	[tilespmem:$0x1FE00] =	vst v63  }
0x72: {  	_ =	swait.ge [sflag:s22], $0x4000  }
0x73: {  	[sflag:s22] =	ssyncset.done $0x0  }
0x74: {  	s28 =	simm.s32 $0x1F0;
	p0 =	sle.u32 s5, $0x2;
	[sflag:s22] =	ssyncadd.s32 $0xFFFFC000  }
0x75: {  	v1 =	vld @!p0 [tilespmem:s28+$0xFFFFFF10];
	_ =	sdelay $0x4  }
0x76: {  	v2 =	vand.u32 @!p0 $0x3FFF, v1  }
0x77: {  	v1 =	vshrl.u32 @!p0 v1, $0xE;
	[tilespmem:$0x4000] =	vst @!p0 v2  }
0x78: {  	[tilespmem:$0x4080] =	vst @!p0 v1  }
0x79: {  	v1 =	vld @!p0 [tilespmem:s28+$0xFFFFFF20];
	_ =	sdelay $0x4  }
0x7a: {  	v2 =	vand.u32 @!p0 $0x3FFF, v1  }
0x7b: {  	v1 =	vshrl.u32 @!p0 v1, $0xE;
	[tilespmem:$0x4010] =	vst @!p0 v2  }
0x7c: {  	[tilespmem:$0x4090] =	vst @!p0 v1  }
0x7d: {  	v1 =	vld @!p0 [tilespmem:s28+$0xFFFFFF30];
	_ =	sdelay $0x4  }
0x7e: {  	v2 =	vand.u32 @!p0 $0x3FFF, v1  }
0x7f: {  	v1 =	vshrl.u32 @!p0 v1, $0xE;
	[tilespmem:$0x4020] =	vst @!p0 v2  }
0x80: {  	[tilespmem:$0x40A0] =	vst @!p0 v1  }
0x81: {  	v1 =	vld @!p0 [tilespmem:s28+$0xFFFFFF40];
	_ =	sdelay $0x4  }
0x82: {  	v2 =	vand.u32 @!p0 $0x3FFF, v1  }
0x83: {  	v1 =	vshrl.u32 @!p0 v1, $0xE;
	[tilespmem:$0x4030] =	vst @!p0 v2  }
0x84: {  	[tilespmem:$0x40B0] =	vst @!p0 v1  }
0x85: {  	v1 =	vld @!p0 [tilespmem:s28+$0xFFFFFF50];
	_ =	sdelay $0x4  }
0x86: {  	v2 =	vand.u32 @!p0 $0x3FFF, v1  }
0x87: {  	v1 =	vshrl.u32 @!p0 v1, $0xE;
	[tilespmem:$0x4040] =	vst @!p0 v2  }
0x88: {  	[tilespmem:$0x40C0] =	vst @!p0 v1  }
0x89: {  	v1 =	vld @!p0 [tilespmem:s28+$0xFFFFFF60];
	_ =	sdelay $0x4  }
0x8a: {  	v2 =	vand.u32 @!p0 $0x3FFF, v1  }
0x8b: {  	v1 =	vshrl.u32 @!p0 v1, $0xE;
	[tilespmem:$0x4050] =	vst @!p0 v2  }
0x8c: {  	[tilespmem:$0x40D0] =	vst @!p0 v1  }
0x8d: {  	v1 =	vld @!p0 [tilespmem:s28+$0xFFFFFF70];
	_ =	sdelay $0x4  }
0x8e: {  	v2 =	vand.u32 @!p0 $0x3FFF, v1  }
0x8f: {  	v1 =	vshrl.u32 @!p0 v1, $0xE;
	[tilespmem:$0x4060] =	vst @!p0 v2  }
0x90: {  	[tilespmem:$0x40E0] =	vst @!p0 v1  }
0x91: {  	v1 =	vld @!p0 [tilespmem:s28+$0xFFFFFF80];
	_ =	sdelay $0x4  }
0x92: {  	v2 =	vand.u32 @!p0 $0x3FFF, v1  }
0x93: {  	v1 =	vshrl.u32 @!p0 v1, $0xE;
	[tilespmem:$0x4070] =	vst @!p0 v2  }
0x94: {  	s29 =	simm.s32 @!p0 $0x80;
	s30 =	simm.s32 @!p0 $0x4000;
	s31 =	simm.s32 @!p0 $0x4200;
	[tilespmem:$0x40F0] =	vst @!p0 v1  }
0x95: {  	[tilespmem:s31], [sflag:$0x1] =	stream.indirect.gather @!p0 [hbm4b:s0+s29], $0x80, s30, s29, $0x2000b8;
	[tilespmem:$0x1FE00] =	vst v63  }
0x96: {  	_ =	swait.ge [sflag:s23], $0x4000  }
0x97: {  	[sflag:s23] =	ssyncset.done $0x0  }
0x98: {  	[sflag:s23] =	ssyncadd.s32 $0xFFFFC000  }
0x99: {  	[spmem:s3] =	stream.indirect.scatter.add.f32 [tilespmem:s19], [sflag:$0x3], $0x80, s24, s6, $0x2000b8;
	[tilespmem:$0x1FE00] =	vst v63  }
0x9a: {  	_ =	swait.ge [sflag:s22], $0x4000  }
0x9b: {  	[sflag:s22] =	ssyncset.done $0x0  }
0x9c: {  	p1 =	sle.u32 s5, $0x3;
	[sflag:s22] =	ssyncadd.s32 $0xFFFFC000  }
0x9d: {  	v1 =	vld @!p1 [tilespmem:s28+$0xFFFFFF90];
	_ =	sdelay $0x4  }
0x9e: {  	v2 =	vand.u32 @!p1 $0x3FFF, v1  }
0x9f: {  	v1 =	vshrl.u32 @!p1 v1, $0xE;
	[tilespmem:$0x4100] =	vst @!p1 v2  }
0xa0: {  	[tilespmem:$0x4180] =	vst @!p1 v1  }
0xa1: {  	v1 =	vld @!p1 [tilespmem:s28+$0xFFFFFFA0];
	_ =	sdelay $0x4  }
0xa2: {  	v2 =	vand.u32 @!p1 $0x3FFF, v1  }
0xa3: {  	v1 =	vshrl.u32 @!p1 v1, $0xE;
	[tilespmem:$0x4110] =	vst @!p1 v2  }
0xa4: {  	[tilespmem:$0x4190] =	vst @!p1 v1  }
0xa5: {  	v1 =	vld @!p1 [tilespmem:s28+$0xFFFFFFB0];
	_ =	sdelay $0x4  }
0xa6: {  	v2 =	vand.u32 @!p1 $0x3FFF, v1  }
0xa7: {  	v1 =	vshrl.u32 @!p1 v1, $0xE;
	[tilespmem:$0x4120] =	vst @!p1 v2  }
0xa8: {  	[tilespmem:$0x41A0] =	vst @!p1 v1  }
0xa9: {  	v1 =	vld @!p1 [tilespmem:s28+$0xFFFFFFC0];
	_ =	sdelay $0x4  }
0xaa: {  	v2 =	vand.u32 @!p1 $0x3FFF, v1  }
0xab: {  	v1 =	vshrl.u32 @!p1 v1, $0xE;
	[tilespmem:$0x4130] =	vst @!p1 v2  }
0xac: {  	[tilespmem:$0x41B0] =	vst @!p1 v1  }
0xad: {  	v1 =	vld @!p1 [tilespmem:s28+$0xFFFFFFD0];
	_ =	sdelay $0x4  }
0xae: {  	v2 =	vand.u32 @!p1 $0x3FFF, v1  }
0xaf: {  	v1 =	vshrl.u32 @!p1 v1, $0xE;
	[tilespmem:$0x4140] =	vst @!p1 v2  }
0xb0: {  	[tilespmem:$0x41C0] =	vst @!p1 v1  }
0xb1: {  	s29 =	sadd.s32 $0xFFFFFFFF, s13;
	v1 =	vld @!p1 [tilespmem:s28+$0xFFFFFFE0]  }
0xb2: {  	p0 =	sne.s32 s29, $0x0  }
.Ltmp1:
0xb3: {  	_ = 	snop;
	(pc) =	sbr.rel @!p0 .LBB2_5-.Ltmp1, $3  }
0xb4: {  	_ =	sdelay $0x1  }
0xb5: {  	v2 =	vand.u32 @!p1 $0x3FFF, v1  }
0xb6: {  	s30 =	simm.s32 $0x1F0;
	v1 =	vshrl.u32 @!p1 v1, $0xE;
	[tilespmem:$0x4150] =	vst @!p1 v2  }
.LBB2_4:
0xb7: {  	s29 =	sadd.s32 $0xFFFFFFFF, s29;
	[tilespmem:$0x41D0] =	vst @!p1 v1;
	s26 =	sadd.s32 $0x2, s26;
	s30 =	sadd.s32 $0x100, s30  }
0xb8: {  	p0 =	sne.s32 s29, $0x0;
	v1 =	vld @!p1 [tilespmem:s28+$0xFFFFFFF0];
	_ =	sdelay $0x4  }
0xb9: {  	v2 =	vand.u32 @!p1 $0x3FFF, v1;
	v1 =	vshrl.u32 @!p1 v1, $0xE  }
0xba: {  	[tilespmem:$0x4160] =	vst @!p1 v2  }
0xbb: {  	[tilespmem:$0x41E0] =	vst @!p1 v1  }
0xbc: {  	v1 =	vld @!p1 [tilespmem:s28+$0x0];
	s28 =	smov.u32 s30;
	_ =	sdelay $0x4  }
0xbd: {  	v2 =	vand.u32 @!p1 $0x3FFF, v1;
	v1 =	vshrl.u32 @!p1 v1, $0xE  }
0xbe: {  	[tilespmem:$0x4170] =	vst @!p1 v2  }
0xbf: {  	[tilespmem:$0x41F0] =	vst @!p1 v1  }
0xc0: {  	[tilespmem:s19], [sflag:$0x2] =	stream.indirect.gather [hbm4b:s0+s6], $0x80, s18, s6, $0x2000b8;
	[tilespmem:$0x1FE00] =	vst v63  }
0xc1: {  	_ =	swait.ge [sflag:s20], $0x4000  }
0xc2: {  	[sflag:s20] =	ssyncset.done $0x0  }
0xc3: {  	[sflag:s20] =	ssyncadd.s32 $0xFFFFC000  }
0xc4: {  	[spmem:s3] =	stream.indirect.scatter.add.f32 [tilespmem:s16], [sflag:$0x3], $0x80, s21, s6, $0x2000b8;
	[tilespmem:$0x1FE00] =	vst v63  }
0xc5: {  	_ =	swait.ge [sflag:s22], $0x4000  }
0xc6: {  	s31 =	sadd.s32 $0xFFFFFFFF, s26;
	[sflag:s22] =	ssyncset.done $0x0  }
0xc7: {  	p1 =	sge.u32 s31, s5;
	[sflag:s22] =	ssyncadd.s32 $0xFFFFC000  }
0xc8: {  	v1 =	vld @!p1 [tilespmem:s30+$0xFFFFFF10];
	_ =	sdelay $0x4  }
0xc9: {  	v2 =	vand.u32 @!p1 $0x3FFF, v1;
	v1 =	vshrl.u32 @!p1 v1, $0xE  }
0xca: {  	[tilespmem:$0x4000] =	vst @!p1 v2  }
0xcb: {  	[tilespmem:$0x4080] =	vst @!p1 v1  }
0xcc: {  	v1 =	vld @!p1 [tilespmem:s30+$0xFFFFFF20];
	_ =	sdelay $0x4  }
0xcd: {  	v2 =	vand.u32 @!p1 $0x3FFF, v1;
	v1 =	vshrl.u32 @!p1 v1, $0xE  }
0xce: {  	[tilespmem:$0x4010] =	vst @!p1 v2  }
0xcf: {  	[tilespmem:$0x4090] =	vst @!p1 v1  }
0xd0: {  	v1 =	vld @!p1 [tilespmem:s30+$0xFFFFFF30];
	_ =	sdelay $0x4  }
0xd1: {  	v2 =	vand.u32 @!p1 $0x3FFF, v1;
	v1 =	vshrl.u32 @!p1 v1, $0xE  }
0xd2: {  	[tilespmem:$0x4020] =	vst @!p1 v2  }
0xd3: {  	[tilespmem:$0x40A0] =	vst @!p1 v1  }
0xd4: {  	v1 =	vld @!p1 [tilespmem:s30+$0xFFFFFF40];
	_ =	sdelay $0x4  }
0xd5: {  	v2 =	vand.u32 @!p1 $0x3FFF, v1;
	v1 =	vshrl.u32 @!p1 v1, $0xE  }
0xd6: {  	[tilespmem:$0x4030] =	vst @!p1 v2  }
0xd7: {  	[tilespmem:$0x40B0] =	vst @!p1 v1  }
0xd8: {  	v1 =	vld @!p1 [tilespmem:s30+$0xFFFFFF50];
	_ =	sdelay $0x4  }
0xd9: {  	v2 =	vand.u32 @!p1 $0x3FFF, v1;
	v1 =	vshrl.u32 @!p1 v1, $0xE  }
0xda: {  	[tilespmem:$0x4040] =	vst @!p1 v2  }
0xdb: {  	[tilespmem:$0x40C0] =	vst @!p1 v1  }
0xdc: {  	v1 =	vld @!p1 [tilespmem:s30+$0xFFFFFF60];
	_ =	sdelay $0x4  }
0xdd: {  	v2 =	vand.u32 @!p1 $0x3FFF, v1;
	v1 =	vshrl.u32 @!p1 v1, $0xE  }
0xde: {  	[tilespmem:$0x4050] =	vst @!p1 v2  }
0xdf: {  	[tilespmem:$0x40D0] =	vst @!p1 v1  }
0xe0: {  	v1 =	vld @!p1 [tilespmem:s30+$0xFFFFFF70];
	_ =	sdelay $0x4  }
0xe1: {  	v2 =	vand.u32 @!p1 $0x3FFF, v1;
	v1 =	vshrl.u32 @!p1 v1, $0xE  }
0xe2: {  	[tilespmem:$0x4060] =	vst @!p1 v2  }
0xe3: {  	s31 =	simm.s32 @!p1 $0x80;
	s2 =	simm.s32 @!p1 $0x4000;
	s4 =	simm.s32 @!p1 $0x4200;
	[tilespmem:$0x40E0] =	vst @!p1 v1  }
0xe4: {  	v1 =	vld @!p1 [tilespmem:s30+$0xFFFFFF80];
	_ =	sdelay $0x4  }
0xe5: {  	v2 =	vand.u32 @!p1 $0x3FFF, v1;
	v1 =	vshrl.u32 @!p1 v1, $0xE  }
0xe6: {  	[tilespmem:$0x4070] =	vst @!p1 v2  }
0xe7: {  	[tilespmem:$0x40F0] =	vst @!p1 v1  }
0xe8: {  	[tilespmem:s4], [sflag:$0x1] =	stream.indirect.gather @!p1 [hbm4b:s0+s31], $0x80, s2, s31, $0x2000b8;
	[tilespmem:$0x1FE00] =	vst v63  }
0xe9: {  	_ =	swait.ge [sflag:s23], $0x4000  }
0xea: {  	[sflag:s23] =	ssyncset.done $0x0  }
0xeb: {  	[sflag:s23] =	ssyncadd.s32 $0xFFFFC000  }
0xec: {  	[spmem:s3] =	stream.indirect.scatter.add.f32 [tilespmem:s19], [sflag:$0x3], $0x80, s24, s6, $0x2000b8;
	[tilespmem:$0x1FE00] =	vst v63  }
0xed: {  	_ =	swait.ge [sflag:s22], $0x4000  }
0xee: {  	[sflag:s22] =	ssyncset.done $0x0  }
0xef: {  	p1 =	sge.u32 s26, s5;
	[sflag:s22] =	ssyncadd.s32 $0xFFFFC000  }
0xf0: {  	v1 =	vld @!p1 [tilespmem:s30+$0xFFFFFF90];
	_ =	sdelay $0x4  }
0xf1: {  	v2 =	vand.u32 @!p1 $0x3FFF, v1;
	v1 =	vshrl.u32 @!p1 v1, $0xE  }
0xf2: {  	[tilespmem:$0x4100] =	vst @!p1 v2  }
0xf3: {  	[tilespmem:$0x4180] =	vst @!p1 v1  }
0xf4: {  	v1 =	vld @!p1 [tilespmem:s30+$0xFFFFFFA0];
	_ =	sdelay $0x4  }
0xf5: {  	v2 =	vand.u32 @!p1 $0x3FFF, v1;
	v1 =	vshrl.u32 @!p1 v1, $0xE  }
0xf6: {  	[tilespmem:$0x4110] =	vst @!p1 v2  }
0xf7: {  	[tilespmem:$0x4190] =	vst @!p1 v1  }
0xf8: {  	v1 =	vld @!p1 [tilespmem:s30+$0xFFFFFFB0];
	_ =	sdelay $0x4  }
0xf9: {  	v2 =	vand.u32 @!p1 $0x3FFF, v1;
	v1 =	vshrl.u32 @!p1 v1, $0xE  }
0xfa: {  	[tilespmem:$0x4120] =	vst @!p1 v2  }
0xfb: {  	[tilespmem:$0x41A0] =	vst @!p1 v1  }
0xfc: {  	v1 =	vld @!p1 [tilespmem:s30+$0xFFFFFFC0];
	_ =	sdelay $0x4  }
0xfd: {  	v2 =	vand.u32 @!p1 $0x3FFF, v1;
	v1 =	vshrl.u32 @!p1 v1, $0xE  }
0xfe: {  	[tilespmem:$0x4130] =	vst @!p1 v2  }
0xff: {  	[tilespmem:$0x41B0] =	vst @!p1 v1  }
0x100: {  	v1 =	vld @!p1 [tilespmem:s30+$0xFFFFFFD0];
	_ =	sdelay $0x4  }
0x101: {  	v2 =	vand.u32 @!p1 $0x3FFF, v1;
	v1 =	vshrl.u32 @!p1 v1, $0xE  }
0x102: {  	[tilespmem:$0x4140] =	vst @!p1 v2  }
0x103: {  	[tilespmem:$0x41C0] =	vst @!p1 v1  }
0x104: {  	v1 =	vld @!p1 [tilespmem:s30+$0xFFFFFFE0];
	_ =	sdelay $0x1  }
.Ltmp2:
0x105: {  	(pc) =	sbr.rel @p0 .LBB2_4-.Ltmp2, $3  }
0x106: {  	_ =	sdelay $0x1  }
0x107: {  	v2 =	vand.u32 @!p1 $0x3FFF, v1;
	v1 =	vshrl.u32 @!p1 v1, $0xE  }
0x108: {  	[tilespmem:$0x4150] =	vst @!p1 v2  }
.LBB2_5:
0x109: {  	[tilespmem:$0x41D0] =	vst @!p1 v1  }
0x10a: {  	v1 =	vld @!p1 [tilespmem:s28+$0xFFFFFFF0];
	_ =	sdelay $0x4  }
0x10b: {  	v2 =	vand.u32 @!p1 $0x3FFF, v1  }
0x10c: {  	v1 =	vshrl.u32 @!p1 v1, $0xE;
	[tilespmem:$0x4160] =	vst @!p1 v2  }
0x10d: {  	[tilespmem:$0x41E0] =	vst @!p1 v1  }
0x10e: {  	v1 =	vld @!p1 [tilespmem:s28+$0x0];
	_ =	sdelay $0x4  }
0x10f: {  	v2 =	vand.u32 @!p1 $0x3FFF, v1  }
0x110: {  	v1 =	vshrl.u32 @!p1 v1, $0xE;
	[tilespmem:$0x4170] =	vst @!p1 v2  }
0x111: {  	[tilespmem:$0x41F0] =	vst @!p1 v1  }
0x112: {  	_ =	strace $0x90000056  }
0x113: {  	_ =	strace $0x80000057  }
0x114: {  	s2 =	sshll.u32 s1, $0x6;
	[bflag:$0x0] =	sbarrier.arrive $0xFFFF  }
0x115: {  	s4 =	sshrl.u32 s7, $0x3;
	s25 =	sadd.s32 $0x1, s25;
	_ =	strace $0x90000057  }
0x116: {  	s2 =	sor.u32 $0x1C03, s2;
	p0 =	sne.s32 s25, s15;
	_ =	strace $0x80000058  }
0x117: {  	[hbm:s14], [sflag:s2] =	dma.local [spmem:s4], $0x2780  }
.Ltmp3:
0x118: {  	_ = 	snop;
	(pc) =	sbr.rel @p0 .LBB2_1-.Ltmp3, $4  }
0x119: {  	_ =	swait.ge [sflag:s22], $0x2780  }
0x11a: {  	[sflag:s22] =	ssyncset.done $0x0  }
0x11b: {  	[sflag:s22] =	ssyncadd.s32 $0xFFFFD880  }
0x11c: {  	_ =	strace $0x90000058  }
0x11d: {  	_ =	sfence.sel $0x180000  }
0x11e: {  	[bflag:$0x0] =	sbarrier.arrive $0xFFFF  }
0x11f: {  	_ =	strace $0x90000051  }
0x120: {  	[bflag:$0x2] =	sbarrier.arrive $0xFFFF  }
0x121: {  	p0 =	sne.s32 s1, $0x0;
	s0 =	rddreg [dreg:$0x4]  }
0x122: {  	s0 =	sadd.s32 @!p0 $0x100000, s0  }
0x123: {  	[sflag:s0] =	ssyncadd.tile.s32 @!p0 $0x1;
	_ =	shalt  }
.Lfunc_end2:
_tile_overlayer_lowered:
.L_overlay_start_2:
0x124: {  	(tag) =	ssettag $0x2  }
0x125: {  	s0 =	rddreg [dreg:$0x0];
	s2 =	stileid.u32  }
0x126: {  	s1 =	rddreg [dreg:$0x1];
	p0 =	sne.s32 s2, $0x0  }
0x127: {  	s3 =	rddreg [dreg:$0x2];
	[bflag:$0x3] =	sbarrier.arrive $0xFFFF;
	s2 =	simm.s32 @!p0 $0x1C03  }
0x128: {  	[timem:s3], [sflag:s2] =	dma.local @!p0 [hbm:s0], s1  }
0x129: {  	s0 =	simm.s32 @!p0 $0x3  }
0x12a: {  	_ =	swait.ge @!p0 [sflag:s0], s1  }
0x12b: {  	s1 =	ssub.s32 @!p0 $0x0, s1;
	[sflag:s0] =	ssyncset.done @!p0 $0x0  }
0x12c: {  	[sflag:s0] =	ssyncadd.s32 @!p0 s1  }
0x12d: {  	[bflag:$0x3] =	sbarrier.arrive $0xFFFF  }
0x12e: {  	_ =	shalt  }

// kernel: kernel.15.cloned.1.call-start
scs
__scs_entry_jumppad:
0x0: {  	(pc) =	sbr.rel $0x88, $3  }
0x1: {  	(tag) =	ssettag $0x0;
	lr =	simm.s32 $0x1  }
0x2: {  	[smem:$0x3F8F] =	sst lr;
	_ =	strace $0xD0000000  }
0x3: {  	_ = 	snop  }
0x4: {  	_ = 	snop  }
0x5: {  	_ = 	snop  }
0x6: {  	_ = 	snop  }
0x7: {  	_ = 	snop  }
__scs_overlays_trampoline_lowered:
0x8: {  	[smem:$0x3F9E] =	sst s0  }
0x9: {  	[smem:$0x3F9F] =	sst s1  }
0xa: {  	[smem:$0x3FA0] =	sst s2  }
0xb: {  	[smem:$0x3FA1] =	sst s3  }
0xc: {  	[smem:$0x3FA2] =	sst s4  }
0xd: {  	[smem:$0x3FA3] =	sst s5  }
0xe: {  	[smem:$0x3FA4] =	sst s6  }
0xf: {  	[smem:$0x3FA5] =	sst s7  }
0x10: {  	[smem:$0x3FA6] =	sst s8  }
0x11: {  	[smem:$0x3FA7] =	sst s9;
	s0 =	simm.s32 @!p0 $0x0  }
0x12: {  	s1 =	sld [smem:$0x3F8D];
	s0 =	simm.s32 @p0 $0x1  }
0x13: {  	[smem:$0x3FA8] =	sst s0;
	s0 =	simm.s32 @!p1 $0x0  }
0x14: {  	s2 =	sld [smem:$0x3F8C];
	s0 =	simm.s32 @p1 $0x1  }
0x15: {  	[smem:$0x3FA9] =	sst s0;
	s0 =	simm.s32 @!p2 $0x0  }
0x16: {  	s3 =	sld [smem:$0x3FDB];
	s0 =	simm.s32 @p2 $0x1  }
0x17: {  	s4 =	simm.s32 $0x1BF5;
	[smem:$0x3FAB] =	sst s0  }
0x18: {  	s0 =	sld [smem:$0x3F8E];
	_ =	swait.ge [sflag:s4], $0x0  }
0x19: {  	s7 =	sld [smem:$0x3F8F]  }
0x1a: {  	s8 =	sadd.s32 $0xFFFFE003, lr  }
0x1b: {  	s9 =	sadd.s32 $0xFFFFFEF7, lr;
	s5 =	simm.s32 $0xFFFFFFFF;
	p2 =	slt.u32 s8, $0xFFFFF086  }
0x1c: {  	p1 =	slt.u32 s9, $0xF7A;
	s5 =	simm.s32 @!p2 $0x0  }
0x1d: {  	s5 =	simm.s32 @p1 $0x1;
	p0 =	seq.s32 s7, s2  }
0x1e: {  	s7 =	smul.u32 @!p0 $0xF7A, s2;
	p2 =	seq.s32 @!p0 s5, $0x0  }
0x1f: {  	s9 =	smul.u32 $0xF7A, s1;
	s8 =	simm.s32 @!p0 $0x1BF5;
	p2 =	por !p2, p0  }
0x20: {  	[sflag:s8] =	ssyncset.s32 @!p0 $0xFFFFF086;
	s6 =	sadd.s32 @!p0 s3, s7;
	s7 =	simm.s32 @!p0 $0x108  }
0x21: {  	s3 =	sadd.s32 s3, s9;
	s6 =	sadd.s32 @!p0 $0x88, s6;
	s7 =	simm.s32 @p2 $0x1082  }
0x22: {  	[simem:s7], [sflag:s8] =	dma.local @!p0 [hbm:s6], $0xF7A  }
0x23: {  	s9 =	sor.u32 $0xD0000000, s2;
	s6 =	simm.s32 $0x108;
	_ =	swait.ge @!p0 [sflag:s8], $0x0  }
0x24: {  	s3 =	sadd.s32 $0x88, s3;
	s6 =	simm.s32 @!p1 $0x1082;
	[sflag:s4] =	ssyncset.s32 $0xFFFFF086  }
0x25: {  	[simem:s6], [sflag:s4] =	dma.local [hbm:s3], $0xF7A  }
0x26: {  	[smem:$0x3F8F] =	sst s1;
	(tag) =	ssettag s2;
	_ =	strace s9  }
0x27: {  	s1 =	sld [smem:$0x3F9F]  }
0x28: {  	s2 =	sld [smem:$0x3FA0]  }
0x29: {  	s4 =	sld [smem:$0x3FA2]  }
0x2a: {  	p0 =	seq.s32 s5, $0x0;
	s5 =	sld [smem:$0x3FA3]  }
0x2b: {  	s6 =	sld [smem:$0x3FA4]  }
0x2c: {  	s7 =	sld [smem:$0x3FA5]  }
0x2d: {  	s3 =	simm.s32 $0x108;
	s8 =	sld [smem:$0x3FA6]  }
0x2e: {  	s3 =	simm.s32 @!p0 $0x1082;
	s9 =	sld [smem:$0x3FA7]  }
0x2f: {  	lr =	sadd.s32 s0, s3;
	s0 =	sld [smem:$0x3F9E]  }
0x30: {  	s3 =	sld [smem:$0x3FA1]  }
0x31: {  	[smem:$0x3FAA] =	sst s10  }
0x32: {  	s10 =	sld [smem:$0x3FA8];
	_ =	sdelay $0x3  }
0x33: {  	p0 =	seq.s32 s10, $0x1;
	s10 =	sld [smem:$0x3FAA];
	_ =	sdelay $0x3  }
0x34: {  	[smem:$0x3FAA] =	sst s10  }
0x35: {  	s10 =	sld [smem:$0x3FA9];
	_ =	sdelay $0x3  }
0x36: {  	p1 =	seq.s32 s10, $0x1;
	s10 =	sld [smem:$0x3FAA];
	_ =	sdelay $0x3  }
0x37: {  	[smem:$0x3FAA] =	sst s10  }
0x38: {  	s10 =	sld [smem:$0x3FAB]  }
0x39: {  	_ = 	snop;
	(pc) =	sbr.ind lr, $3  }
0x3a: {  	_ = 	snop  }
0x3b: {  	_ = 	snop  }
0x3c: {  	p2 =	seq.s32 s10, $0x1;
	s10 =	sld [smem:$0x3FAA]  }
0x3d: {  	_ =	shalt  }
0x3e: {  	_ =	shalt  }
0x3f: {  	_ =	shalt  }
0x40: {  	_ =	shalt  }
0x41: {  	_ =	shalt  }
0x42: {  	_ =	shalt  }
0x43: {  	_ =	shalt  }
0x44: {  	_ =	shalt  }
0x45: {  	_ =	shalt  }
0x46: {  	_ =	shalt  }
0x47: {  	_ =	shalt  }
0x48: {  	_ =	shalt  }
0x49: {  	_ =	shalt  }
0x4a: {  	_ =	shalt  }
0x4b: {  	_ =	shalt  }
0x4c: {  	_ =	shalt  }
0x4d: {  	_ =	shalt  }
0x4e: {  	_ =	shalt  }
0x4f: {  	_ =	shalt  }
0x50: {  	_ =	shalt  }
0x51: {  	_ =	shalt  }
0x52: {  	_ =	shalt  }
0x53: {  	_ =	shalt  }
0x54: {  	_ =	shalt  }
0x55: {  	_ =	shalt  }
0x56: {  	_ =	shalt  }
0x57: {  	_ =	shalt  }
0x58: {  	_ =	shalt  }
0x59: {  	_ =	shalt  }
0x5a: {  	_ =	shalt  }
0x5b: {  	_ =	shalt  }
0x5c: {  	_ =	shalt  }
0x5d: {  	_ =	shalt  }
0x5e: {  	_ =	shalt  }
0x5f: {  	_ =	shalt  }
0x60: {  	_ =	shalt  }
0x61: {  	_ =	shalt  }
0x62: {  	_ =	shalt  }
0x63: {  	_ =	shalt  }
0x64: {  	_ =	shalt  }
0x65: {  	_ =	shalt  }
0x66: {  	_ =	shalt  }
0x67: {  	_ =	shalt  }
0x68: {  	_ =	shalt  }
0x69: {  	_ =	shalt  }
0x6a: {  	_ =	shalt  }
0x6b: {  	_ =	shalt  }
0x6c: {  	_ =	shalt  }
0x6d: {  	_ =	shalt  }
0x6e: {  	_ =	shalt  }
0x6f: {  	_ =	shalt  }
0x70: {  	_ =	shalt  }
0x71: {  	_ =	shalt  }
0x72: {  	_ =	shalt  }
0x73: {  	_ =	shalt  }
0x74: {  	_ =	shalt  }
0x75: {  	_ =	shalt  }
0x76: {  	_ =	shalt  }
0x77: {  	_ =	shalt  }
0x78: {  	_ =	shalt  }
0x79: {  	_ =	shalt  }
0x7a: {  	_ =	shalt  }
0x7b: {  	_ =	shalt  }
0x7c: {  	_ =	shalt  }
0x7d: {  	_ =	shalt  }
0x7e: {  	_ =	shalt  }
0x7f: {  	_ =	shalt  }
0x80: {  	_ =	shalt  }
0x81: {  	_ =	shalt  }
0x82: {  	_ =	shalt  }
0x83: {  	_ =	shalt  }
0x84: {  	_ =	shalt  }
0x85: {  	_ =	shalt  }
0x86: {  	_ =	shalt  }
0x87: {  	_ =	shalt  }
.Lfunc_end0:
.L_simem_size_0:
called_computation.2_lowered:
.L_overlay_start_0:
0x88: {  	s2 =	sld [smem:$0x3FD9]  }
0x89: {  	s3 =	sld [smem:$0x3FFE];
	_ =	sdelay $0x1  }
0x8a: {  	s1 =	srdreg.scid  }
0x8b: {  	s0 =	sand.u32 $0x1, s1  }
0x8c: {  	s14 =	sshll.u32 s0, $0xA;
	s2 =	sadd.s32 s3, s2  }
0x8d: {  	s2 =	sadd.s32 s2, s14  }
0x8e: {  	[smem:$0x3FB6] =	sst s2  }
0x8f: {  	_ = 	snop  }
0x90: {  	s2 =	sld [smem:$0x3FD0];
	_ =	sdelay $0x2  }
0x91: {  	s15 =	simm.s32 $0xA;
	s4 =	simm.s32 $0x10  }
0x92: {  	[smem:s4], [sflag:s15] =	dma.local [hbm:s2], $0x1  }
0x93: {  	_ =	swait.eq [sflag:s15], $0x1  }
0x94: {  	[sflag:s15] =	ssyncset.done $0x0  }
0x95: {  	s16 =	sld [smem:$0x10];
	[sflag:s15] =	ssyncadd.s32 $0xFFFFFFFF  }
0x96: {  	s17 =	sld [smem:$0x11];
	(tm) =	ssettm $0x1  }
0x97: {  	s18 =	sld [smem:$0x3FFB];
	_ =	sdelay $0x3  }
0x98: {  	_ =	strace s18  }
0x99: {  	s4 =	sld [smem:$0x3FFC];
	_ =	sdelay $0x3  }
0x9a: {  	_ =	strace s4  }
0x9b: {  	s4 =	sld [smem:$0x3FFD];
	_ =	sdelay $0x3  }
0x9c: {  	_ =	strace s4  }
0x9d: {  	_ =	strace $0x8FFFFFFF  }
0x9e: {  	s19 =	sld [smem:$0x3FDB];
	_ =	sdelay $0x1  }
0x9f: {  	s5 =	simm.s32 $_scs_section_size  }
0xa0: {  	s6 =	simm.s32 $_size__tile_overlayer_lowered;
	s7 =	simm.s32 $_tile_overlayer_lowered  }
0xa1: {  	s22 =	simm.s32 $0x1BFF;
	s21 =	sshll.u32 s7, $0x1;
	s4 =	sadd.s32 s5, s19  }
0xa2: {  	s8 =	simm.s32 $0x0;
	s20 =	sshll.u32 s6, $0x1;
	s6 =	sadd.s32 s21, s4  }
0xa3: {  	[timem:s8], [sflag:s22] =	dma.local [hbm:s6], s20  }
0xa4: {  	_ =	swait.ge [sflag:s22], s20  }
0xa5: {  	s5 =	ssub.s32 $0x0, s20;
	[sflag:s22] =	ssyncset.done $0x0  }
0xa6: {  	[sflag:s22] =	ssyncadd.s32 s5;
	_ =	sdelay $0x1  }
0xa7: {  	s23 =	simm.s32 $0x1B8B  }
0xa8: {  	_ =	swait.ge [sflag:s23], $0x1  }
0xa9: {  	[sflag:s23] =	ssyncset.done $0x0  }
0xaa: {  	s25 =	simm.s32 $0x1B8E;
	s24 =	sld [smem:$0x3FFE];
	[sflag:s23] =	ssyncadd.s32 $0xFFFFFFFF  }
0xab: {  	s26 =	simm.s32 $execute0_lowered;
	[smem:$0x3FD2] =	sst s25  }
0xac: {  	s6 =	sshll.u32 s26, $0x1;
	_ =	strace $0x8000005A;
	[dreg:$0x1] =	wrdreg $0xFFFFFFFF  }
0xad: {  	s28 =	simm.s32 $_size_execute0_lowered;
	s4 =	sadd.s32 s4, s6;
	[dreg:$0x0] =	wrdreg $0x0  }
0xae: {  	s6 =	sshll.u32 s28, $0x1;
	[dreg:$0x2] =	wrdreg s4  }
0xaf: {  	[dreg:$0x3] =	wrdreg s6  }
0xb0: {  	[dreg:$0x4] =	wrdreg $0xC0  }
0xb1: {  	_ =	task [dreg:s8], $0x5FFFF  }
0xb2: {  	[dreg:$0x1] =	wrdreg $0xFFFFFFFF  }
0xb3: {  	[dreg:$0x0] =	wrdreg $0x60  }
0xb4: {  	[dreg:$0x2] =	wrdreg s17  }
0xb5: {  	[dreg:$0x3] =	wrdreg s16  }
0xb6: {  	[dreg:$0x4] =	wrdreg s24  }
0xb7: {  	[dreg:$0x5] =	wrdreg $0xC2000  }
0xb8: {  	[dreg:$0x6] =	wrdreg $0x9  }
0xb9: {  	_ =	task.clear_ibuf [dreg:s8], $0x7FFFF;
	_ =	strace $0x9000005A  }
0xba: {  	s29 =	simm.s32 $0x9;
	_ =	strace $0x80000063  }
0xbb: {  	_ =	swait.ge [sflag:s29], $0x1  }
0xbc: {  	[sflag:s29] =	ssyncadd.s32 $0xFFFFFFFF  }
0xbd: {  	_ =	strace $0x90000063  }
0xbe: {  	_ =	sfence  }
0xbf: {  	s30 =	sld [smem:$0x0];
	_ =	sdelay $0x2  }
0xc0: {  	s31 =	sshll.u32 s1, $0xD;
	s1 =	sshrl.u32 s1, $0x2  }
0xc1: {  	s3 =	sand.u32 $0x4000, s31;
	s1 =	sadd.s32 s1, s30  }
0xc2: {  	s0 =	sor.u32 s3, s0;
	s1 =	sshll.u32 s1, $0x11  }
0xc3: {  	s0 =	sor.u32 s1, s0  }
0xc4: {  	s0 =	sadd.s32 $0x8F2B, s0  }
0xc5: {  	[sflag:s0] =	ssyncadd.remote.s32 $0x1  }
0xc6: {  	_ =	sfence.sel $0xFFFF  }
0xc7: {  	[dreg:$0x0] =	wrdreg $0xFFFFFFFF;
	(pc) =	sbr.abs _section_cstart, $3  }
0xc8: {  	[dreg:$0x1] =	wrdreg $0xFFFFFFFF  }
0xc9: {  	_ =	task.clear_ibuf [dreg:s8], $0x2FFFF;
	_ =	strace $0x9FFFFFFF  }
0xca: {  	(tm) =	ssettm $0x7FFFFFFF  }
0xcb: {  	_ =	shalt  }
tec
execute0_lowered:
.L_overlay_start_1:
0x0: {  	(tag) =	ssettag $0x1  }
0x1: {  	s0 =	rddreg [dreg:$0x0]  }
0x2: {  	s11 =	rddreg [dreg:$0x1]  }
0x3: {  	s1 =	srdreg.scid;
	s5 =	rddreg [dreg:$0x2]  }
0x4: {  	s3 =	rddreg [dreg:$0x3];
	s2 =	simm.s32 $0x0;
	s16 =	simm.s32 $0x4200  }
0x5: {  	s17 =	simm.s32 $0x4000;
	s18 =	simm.s32 $0x4100;
	s19 =	simm.s32 $0x8200  }
0x6: {  	s20 =	simm.s32 $0x1;
	s21 =	simm.s32 $0x4080;
	s22 =	simm.s32 $0x3  }
0x7: {  	s23 =	simm.s32 $0x2;
	s24 =	simm.s32 $0x4180;
	s12 =	sand.u32 $0x1, s1  }
0x8: {  	s25 =	simm.s32 $0x0;
	s1 =	stileid.u32;
	s6 =	smul.u32 $0x13C000, s12  }
0x9: {  	[smem:$0x7FF] =	sst s2;
	s7 =	smul.u32 $0x13C00, s1;
	s30 =	ssub.s32 $0x2, s12  }
0xa: {  	s9 =	smul.u32 $0x4F000, s1;
	_ =	strace $0x8000005B;
	p0 =	seq.s32 s12, $0x0  }
0xb: {  	s13 =	sshll.u32 s1, $0xB;
	s12 =	sshll.u32 s12, $0xF;
	s8 =	sshrl.u32 s30, $0x1  }
0xc: {  	s13 =	sadd.s32 s11, s13;
	s6 =	sadd.s32 s7, s6;
	s15 =	ssub.s32 s30, s8  }
0xd: {  	s31 =	sshrl.u32 s9, $0x2;
	s12 =	sadd.s32 s12, s13;
	s6 =	sshrl.u32 s6, $0x3  }
0xe: {  	s7 =	sadd.s32 s31, s3;
	s15 =	smax.u32 s15, $0x1;
	s14 =	sadd.s32 s6, s5  }
0xf: {  	s5 =	simm.s32 $0x80;
	s6 =	simm.s32 $0x80;
	s8 =	sadd.s32 $0x4000, s7  }
0x10: {  	s9 =	sadd.s32 $0x8000, s7;
	s10 =	sadd.s32 $0xC000, s7;
	s5 =	simm.s32 @!p0 $0x20  }
0x11: {  	v0 =	vimm.f32 $0.0e+00;
	s11 =	sadd.s32 $0x10000, s7;
	s14 =	sadd.s32 $0x3A00, s14;
	s13 =	sshrl.u32 s5, $0x1  }
.LBB2_1:
0x12: {  	_ =	strace $0x8000005C;
	s26 =	simm.s32 $0x0;
	s28 =	simm.s32 $0x200  }
.LBB2_2:
0x13: {  	p0 =	sne.s32 s28, $0xFE00;
	[tilespmem:s26+$0x4270] =	vst v0  }
0x14: {  	[tilespmem:s26+$0x4200] =	vst v0  }
0x15: {  	[tilespmem:s26+$0x4210] =	vst v0  }
.Ltmp0:
0x16: {  	[tilespmem:s26+$0x4220] =	vst v0;
	(pc) =	sbr.rel @p0 .LBB2_2-.Ltmp0, $4  }
0x17: {  	[tilespmem:s26+$0x4230] =	vst v0  }
0x18: {  	[tilespmem:s26+$0x4240] =	vst v0  }
0x19: {  	[tilespmem:s26+$0x4250] =	vst v0  }
0x1a: {  	[tilespmem:s26+$0x4260] =	vst v0;
	s26 =	sshra.s32 s28, $0x2;
	s28 =	sadd.s32 $0x200, s28  }
0x1b: {  	[tilespmem:s26+$0x4270] =	vst v0  }
0x1c: {  	[tilespmem:s26+$0x4200] =	vst v0  }
0x1d: {  	[tilespmem:s26+$0x4210] =	vst v0  }
0x1e: {  	[tilespmem:s26+$0x4220] =	vst v0  }
0x1f: {  	[tilespmem:s26+$0x4230] =	vst v0  }
0x20: {  	[tilespmem:s26+$0x4240] =	vst v0  }
0x21: {  	[tilespmem:s26+$0x4250] =	vst v0  }
0x22: {  	[tilespmem:s26+$0x4260] =	vst v0  }
0x23: {  	_ =	strace $0x9000005C  }
0x24: {  	s26 =	simm.s32 $0x3;
	_ =	strace $0x8000005D  }
0x25: {  	[spmem:s7] =	stream.linear.scatter [tilespmem:s16], [sflag:$0x3], $0x4000, $0x200038;
	[tilespmem:$0x1FE00] =	vst v63  }
0x26: {  	_ =	swait.ge [sflag:s26], $0x4000  }
0x27: {  	[sflag:s26] =	ssyncset.done $0x0  }
0x28: {  	[sflag:s26] =	ssyncadd.s32 $0xFFFFC000  }
0x29: {  	[spmem:s8] =	stream.linear.scatter [tilespmem:s16], [sflag:$0x3], $0x4000, $0x200038;
	[tilespmem:$0x1FE00] =	vst v63  }
0x2a: {  	_ =	swait.ge [sflag:s26], $0x4000  }
0x2b: {  	[sflag:s26] =	ssyncset.done $0x0  }
0x2c: {  	[sflag:s26] =	ssyncadd.s32 $0xFFFFC000  }
0x2d: {  	[spmem:s9] =	stream.linear.scatter [tilespmem:s16], [sflag:$0x3], $0x4000, $0x200038;
	[tilespmem:$0x1FE00] =	vst v63  }
0x2e: {  	_ =	swait.ge [sflag:s26], $0x4000  }
0x2f: {  	[sflag:s26] =	ssyncset.done $0x0  }
0x30: {  	[sflag:s26] =	ssyncadd.s32 $0xFFFFC000  }
0x31: {  	[spmem:s10] =	stream.linear.scatter [tilespmem:s16], [sflag:$0x3], $0x4000, $0x200038;
	[tilespmem:$0x1FE00] =	vst v63  }
0x32: {  	_ =	swait.ge [sflag:s26], $0x4000  }
0x33: {  	[sflag:s26] =	ssyncset.done $0x0  }
0x34: {  	[sflag:s26] =	ssyncadd.s32 $0xFFFFC000  }
0x35: {  	[spmem:s11] =	stream.linear.scatter [tilespmem:s16], [sflag:$0x3], $0x3C00, $0x200038;
	[tilespmem:$0x1FE00] =	vst v63  }
0x36: {  	_ =	swait.ge [sflag:s26], $0x3C00  }
0x37: {  	[sflag:s26] =	ssyncset.done $0x0  }
0x38: {  	[sflag:s26] =	ssyncadd.s32 $0xFFFFC400  }
0x39: {  	_ =	strace $0x9000005D  }
0x3a: {  	_ =	strace $0x8000005E  }
0x3b: {  	[bflag:$0x0] =	sbarrier.arrive $0xFFFF  }
0x3c: {  	_ =	strace $0x9000005E  }
0x3d: {  	s2 =	simm.s32 $0x0;
	_ =	strace $0x8000005F  }
0x3e: {  	[tilespmem:s2], [sflag:$0x3] =	stream.linear.gather [hbm4b:s12+s2], $0x4000, $0x200038;
	[tilespmem:$0x1FE00] =	vst v63  }
0x3f: {  	_ =	swait.ge [sflag:s26], $0x4000  }
0x40: {  	[sflag:s26] =	ssyncset.done $0x0  }
0x41: {  	[sflag:s26] =	ssyncadd.s32 $0xFFFFC000  }
0x42: {  	v1 =	vld [tilespmem:$0x0];
	_ =	sdelay $0x1  }
0x43: {  	v2 =	vld [tilespmem:$0x10];
	_ =	sdelay $0x1  }
0x44: {  	v3 =	vld [tilespmem:$0x20]  }
0x45: {  	v4 =	vand.u32 $0x3FFF, v1  }
0x46: {  	v59 =	vld [tilespmem:$0x30];
	v1 =	vshrl.u32 v1, $0xE;
	[tilespmem:$0x4000] =	vst v4  }
0x47: {  	[tilespmem:$0x4080] =	vst v1;
	v1 =	vand.u32 $0x3FFF, v2  }
0x48: {  	[tilespmem:$0x4010] =	vst v1;
	v1 =	vshrl.u32 v2, $0xE;
	v2 =	vld [tilespmem:$0x40]  }
0x49: {  	[tilespmem:$0x4090] =	vst v1;
	v1 =	vand.u32 $0x3FFF, v3  }
0x4a: {  	[tilespmem:$0x4020] =	vst v1;
	v1 =	vshrl.u32 v3, $0xE;
	v3 =	vld [tilespmem:$0x50]  }
0x4b: {  	[tilespmem:$0x40A0] =	vst v1;
	v1 =	vand.u32 $0x3FFF, v59  }
0x4c: {  	v60 =	vld [tilespmem:$0x60];
	[tilespmem:$0x4030] =	vst v1;
	v1 =	vshrl.u32 v59, $0xE  }
0x4d: {  	[tilespmem:$0x40B0] =	vst v1;
	v1 =	vand.u32 $0x3FFF, v2  }
0x4e: {  	[tilespmem:$0x4040] =	vst v1;
	v1 =	vshrl.u32 v2, $0xE;
	v2 =	vld [tilespmem:$0x70]  }
0x4f: {  	[tilespmem:$0x40C0] =	vst v1;
	v1 =	vand.u32 $0x3FFF, v3  }
0x50: {  	[tilespmem:$0x4050] =	vst v1;
	v1 =	vshrl.u32 v3, $0xE  }
0x51: {  	[tilespmem:$0x40D0] =	vst v1;
	v1 =	vand.u32 $0x3FFF, v60  }
0x52: {  	[tilespmem:$0x4060] =	vst v1;
	v1 =	vshrl.u32 v60, $0xE  }
0x53: {  	[tilespmem:$0x40E0] =	vst v1;
	v1 =	vand.u32 $0x3FFF, v2  }
0x54: {  	[tilespmem:$0x4070] =	vst v1;
	v1 =	vshrl.u32 v2, $0xE  }
0x55: {  	[tilespmem:$0x40F0] =	vst v1  }
0x56: {  	[tilespmem:s16], [sflag:$0x1] =	stream.indirect.gather [hbm4b:s0+s6], $0x80, s17, s6, $0x2000b8;
	[tilespmem:$0x1FE00] =	vst v63  }
0x57: {  	v1 =	vld [tilespmem:$0x80];
	_ =	sdelay $0x1  }
0x58: {  	v2 =	vld [tilespmem:$0x90];
	_ =	sdelay $0x1  }
0x59: {  	v3 =	vld [tilespmem:$0xA0]  }
0x5a: {  	v61 =	vand.u32 $0x3FFF, v1  }
0x5b: {  	v62 =	vld [tilespmem:$0xB0];
	v1 =	vshrl.u32 v1, $0xE;
	[tilespmem:$0x4100] =	vst v61  }
0x5c: {  	[tilespmem:$0x4180] =	vst v1;
	v1 =	vand.u32 $0x3FFF, v2  }
0x5d: {  	[tilespmem:$0x4110] =	vst v1;
	v1 =	vshrl.u32 v2, $0xE;
	v2 =	vld [tilespmem:$0xC0]  }
0x5e: {  	[tilespmem:$0x4190] =	vst v1;
	v1 =	vand.u32 $0x3FFF, v3  }
0x5f: {  	[tilespmem:$0x4120] =	vst v1;
	v1 =	vshrl.u32 v3, $0xE;
	v3 =	vld [tilespmem:$0xD0]  }
0x60: {  	[tilespmem:$0x41A0] =	vst v1;
	v1 =	vand.u32 $0x3FFF, v62  }
0x61: {  	v63 =	vld [tilespmem:$0xE0];
	[tilespmem:$0x4130] =	vst v1;
	v1 =	vshrl.u32 v62, $0xE  }
0x62: {  	[tilespmem:$0x41B0] =	vst v1;
	v1 =	vand.u32 $0x3FFF, v2  }
0x63: {  	[tilespmem:$0x4140] =	vst v1;
	v1 =	vshrl.u32 v2, $0xE;
	v2 =	vld [tilespmem:$0xF0]  }
0x64: {  	[tilespmem:$0x41C0] =	vst v1;
	v1 =	vand.u32 $0x3FFF, v3  }
0x65: {  	[tilespmem:$0x4150] =	vst v1;
	v1 =	vshrl.u32 v3, $0xE  }
0x66: {  	[tilespmem:$0x41D0] =	vst v1;
	v1 =	vand.u32 $0x3FFF, v63  }
0x67: {  	[tilespmem:$0x4160] =	vst v1;
	v1 =	vshrl.u32 v63, $0xE  }
0x68: {  	[tilespmem:$0x41E0] =	vst v1;
	v1 =	vand.u32 $0x3FFF, v2  }
0x69: {  	[tilespmem:$0x4170] =	vst v1;
	v1 =	vshrl.u32 v2, $0xE  }
0x6a: {  	[tilespmem:$0x41F0] =	vst v1  }
0x6b: {  	_ =	strace $0x9000005F  }
0x6c: {  	_ =	strace $0x80000060  }
0x6d: {  	[tilespmem:s19], [sflag:$0x2] =	stream.indirect.gather [hbm4b:s0+s6], $0x80, s18, s6, $0x2000b8;
	[tilespmem:$0x1FE00] =	vst v63  }
0x6e: {  	_ =	swait.ge [sflag:s20], $0x4000  }
0x6f: {  	[sflag:s20] =	ssyncset.done $0x0  }
0x70: {  	[sflag:s20] =	ssyncadd.s32 $0xFFFFC000  }
0x71: {  	[spmem:s3] =	stream.indirect.scatter.add.f32 [tilespmem:s16], [sflag:$0x3], $0x80, s21, s6, $0x2000b8;
	[tilespmem:$0x1FE00] =	vst v63  }
0x72: {  	_ =	swait.ge [sflag:s22], $0x4000  }
0x73: {  	[sflag:s22] =	ssyncset.done $0x0  }
0x74: {  	s28 =	simm.s32 $0x1F0;
	p0 =	sle.u32 s5, $0x2;
	[sflag:s22] =	ssyncadd.s32 $0xFFFFC000  }
0x75: {  	v1 =	vld @!p0 [tilespmem:s28+$0xFFFFFF10];
	_ =	sdelay $0x4  }
0x76: {  	v2 =	vand.u32 @!p0 $0x3FFF, v1  }
0x77: {  	v1 =	vshrl.u32 @!p0 v1, $0xE;
	[tilespmem:$0x4000] =	vst @!p0 v2  }
0x78: {  	[tilespmem:$0x4080] =	vst @!p0 v1  }
0x79: {  	v1 =	vld @!p0 [tilespmem:s28+$0xFFFFFF20];
	_ =	sdelay $0x4  }
0x7a: {  	v2 =	vand.u32 @!p0 $0x3FFF, v1  }
0x7b: {  	v1 =	vshrl.u32 @!p0 v1, $0xE;
	[tilespmem:$0x4010] =	vst @!p0 v2  }
0x7c: {  	[tilespmem:$0x4090] =	vst @!p0 v1  }
0x7d: {  	v1 =	vld @!p0 [tilespmem:s28+$0xFFFFFF30];
	_ =	sdelay $0x4  }
0x7e: {  	v2 =	vand.u32 @!p0 $0x3FFF, v1  }
0x7f: {  	v1 =	vshrl.u32 @!p0 v1, $0xE;
	[tilespmem:$0x4020] =	vst @!p0 v2  }
0x80: {  	[tilespmem:$0x40A0] =	vst @!p0 v1  }
0x81: {  	v1 =	vld @!p0 [tilespmem:s28+$0xFFFFFF40];
	_ =	sdelay $0x4  }
0x82: {  	v2 =	vand.u32 @!p0 $0x3FFF, v1  }
0x83: {  	v1 =	vshrl.u32 @!p0 v1, $0xE;
	[tilespmem:$0x4030] =	vst @!p0 v2  }
0x84: {  	[tilespmem:$0x40B0] =	vst @!p0 v1  }
0x85: {  	v1 =	vld @!p0 [tilespmem:s28+$0xFFFFFF50];
	_ =	sdelay $0x4  }
0x86: {  	v2 =	vand.u32 @!p0 $0x3FFF, v1  }
0x87: {  	v1 =	vshrl.u32 @!p0 v1, $0xE;
	[tilespmem:$0x4040] =	vst @!p0 v2  }
0x88: {  	[tilespmem:$0x40C0] =	vst @!p0 v1  }
0x89: {  	v1 =	vld @!p0 [tilespmem:s28+$0xFFFFFF60];
	_ =	sdelay $0x4  }
0x8a: {  	v2 =	vand.u32 @!p0 $0x3FFF, v1  }
0x8b: {  	v1 =	vshrl.u32 @!p0 v1, $0xE;
	[tilespmem:$0x4050] =	vst @!p0 v2  }
0x8c: {  	[tilespmem:$0x40D0] =	vst @!p0 v1  }
0x8d: {  	v1 =	vld @!p0 [tilespmem:s28+$0xFFFFFF70];
	_ =	sdelay $0x4  }
0x8e: {  	v2 =	vand.u32 @!p0 $0x3FFF, v1  }
0x8f: {  	v1 =	vshrl.u32 @!p0 v1, $0xE;
	[tilespmem:$0x4060] =	vst @!p0 v2  }
0x90: {  	[tilespmem:$0x40E0] =	vst @!p0 v1  }
0x91: {  	v1 =	vld @!p0 [tilespmem:s28+$0xFFFFFF80];
	_ =	sdelay $0x4  }
0x92: {  	v2 =	vand.u32 @!p0 $0x3FFF, v1  }
0x93: {  	v1 =	vshrl.u32 @!p0 v1, $0xE;
	[tilespmem:$0x4070] =	vst @!p0 v2  }
0x94: {  	s29 =	simm.s32 @!p0 $0x80;
	s30 =	simm.s32 @!p0 $0x4000;
	s31 =	simm.s32 @!p0 $0x4200;
	[tilespmem:$0x40F0] =	vst @!p0 v1  }
0x95: {  	[tilespmem:s31], [sflag:$0x1] =	stream.indirect.gather @!p0 [hbm4b:s0+s29], $0x80, s30, s29, $0x2000b8;
	[tilespmem:$0x1FE00] =	vst v63  }
0x96: {  	_ =	swait.ge [sflag:s23], $0x4000  }
0x97: {  	[sflag:s23] =	ssyncset.done $0x0  }
0x98: {  	[sflag:s23] =	ssyncadd.s32 $0xFFFFC000  }
0x99: {  	[spmem:s3] =	stream.indirect.scatter.add.f32 [tilespmem:s19], [sflag:$0x3], $0x80, s24, s6, $0x2000b8;
	[tilespmem:$0x1FE00] =	vst v63  }
0x9a: {  	_ =	swait.ge [sflag:s22], $0x4000  }
0x9b: {  	[sflag:s22] =	ssyncset.done $0x0  }
0x9c: {  	p1 =	sle.u32 s5, $0x3;
	[sflag:s22] =	ssyncadd.s32 $0xFFFFC000  }
0x9d: {  	v1 =	vld @!p1 [tilespmem:s28+$0xFFFFFF90];
	_ =	sdelay $0x4  }
0x9e: {  	v2 =	vand.u32 @!p1 $0x3FFF, v1  }
0x9f: {  	v1 =	vshrl.u32 @!p1 v1, $0xE;
	[tilespmem:$0x4100] =	vst @!p1 v2  }
0xa0: {  	[tilespmem:$0x4180] =	vst @!p1 v1  }
0xa1: {  	v1 =	vld @!p1 [tilespmem:s28+$0xFFFFFFA0];
	_ =	sdelay $0x4  }
0xa2: {  	v2 =	vand.u32 @!p1 $0x3FFF, v1  }
0xa3: {  	v1 =	vshrl.u32 @!p1 v1, $0xE;
	[tilespmem:$0x4110] =	vst @!p1 v2  }
0xa4: {  	[tilespmem:$0x4190] =	vst @!p1 v1  }
0xa5: {  	v1 =	vld @!p1 [tilespmem:s28+$0xFFFFFFB0];
	_ =	sdelay $0x4  }
0xa6: {  	v2 =	vand.u32 @!p1 $0x3FFF, v1  }
0xa7: {  	v1 =	vshrl.u32 @!p1 v1, $0xE;
	[tilespmem:$0x4120] =	vst @!p1 v2  }
0xa8: {  	[tilespmem:$0x41A0] =	vst @!p1 v1  }
0xa9: {  	v1 =	vld @!p1 [tilespmem:s28+$0xFFFFFFC0];
	_ =	sdelay $0x4  }
0xaa: {  	v2 =	vand.u32 @!p1 $0x3FFF, v1  }
0xab: {  	v1 =	vshrl.u32 @!p1 v1, $0xE;
	[tilespmem:$0x4130] =	vst @!p1 v2  }
0xac: {  	[tilespmem:$0x41B0] =	vst @!p1 v1  }
0xad: {  	v1 =	vld @!p1 [tilespmem:s28+$0xFFFFFFD0];
	_ =	sdelay $0x4  }
0xae: {  	v2 =	vand.u32 @!p1 $0x3FFF, v1  }
0xaf: {  	v1 =	vshrl.u32 @!p1 v1, $0xE;
	[tilespmem:$0x4140] =	vst @!p1 v2  }
0xb0: {  	[tilespmem:$0x41C0] =	vst @!p1 v1  }
0xb1: {  	s29 =	sadd.s32 $0xFFFFFFFF, s13;
	v1 =	vld @!p1 [tilespmem:s28+$0xFFFFFFE0]  }
0xb2: {  	p0 =	sne.s32 s29, $0x0  }
.Ltmp1:
0xb3: {  	_ = 	snop;
	(pc) =	sbr.rel @!p0 .LBB2_5-.Ltmp1, $3  }
0xb4: {  	_ =	sdelay $0x1  }
0xb5: {  	v2 =	vand.u32 @!p1 $0x3FFF, v1  }
0xb6: {  	s30 =	simm.s32 $0x1F0;
	v1 =	vshrl.u32 @!p1 v1, $0xE;
	[tilespmem:$0x4150] =	vst @!p1 v2  }
.LBB2_4:
0xb7: {  	s29 =	sadd.s32 $0xFFFFFFFF, s29;
	[tilespmem:$0x41D0] =	vst @!p1 v1;
	s26 =	sadd.s32 $0x2, s26;
	s30 =	sadd.s32 $0x100, s30  }
0xb8: {  	p0 =	sne.s32 s29, $0x0;
	v1 =	vld @!p1 [tilespmem:s28+$0xFFFFFFF0];
	_ =	sdelay $0x4  }
0xb9: {  	v2 =	vand.u32 @!p1 $0x3FFF, v1;
	v1 =	vshrl.u32 @!p1 v1, $0xE  }
0xba: {  	[tilespmem:$0x4160] =	vst @!p1 v2  }
0xbb: {  	[tilespmem:$0x41E0] =	vst @!p1 v1  }
0xbc: {  	v1 =	vld @!p1 [tilespmem:s28+$0x0];
	s28 =	smov.u32 s30;
	_ =	sdelay $0x4  }
0xbd: {  	v2 =	vand.u32 @!p1 $0x3FFF, v1;
	v1 =	vshrl.u32 @!p1 v1, $0xE  }
0xbe: {  	[tilespmem:$0x4170] =	vst @!p1 v2  }
0xbf: {  	[tilespmem:$0x41F0] =	vst @!p1 v1  }
0xc0: {  	[tilespmem:s19], [sflag:$0x2] =	stream.indirect.gather [hbm4b:s0+s6], $0x80, s18, s6, $0x2000b8;
	[tilespmem:$0x1FE00] =	vst v63  }
0xc1: {  	_ =	swait.ge [sflag:s20], $0x4000  }
0xc2: {  	[sflag:s20] =	ssyncset.done $0x0  }
0xc3: {  	[sflag:s20] =	ssyncadd.s32 $0xFFFFC000  }
0xc4: {  	[spmem:s3] =	stream.indirect.scatter.add.f32 [tilespmem:s16], [sflag:$0x3], $0x80, s21, s6, $0x2000b8;
	[tilespmem:$0x1FE00] =	vst v63  }
0xc5: {  	_ =	swait.ge [sflag:s22], $0x4000  }
0xc6: {  	s31 =	sadd.s32 $0xFFFFFFFF, s26;
	[sflag:s22] =	ssyncset.done $0x0  }
0xc7: {  	p1 =	sge.u32 s31, s5;
	[sflag:s22] =	ssyncadd.s32 $0xFFFFC000  }
0xc8: {  	v1 =	vld @!p1 [tilespmem:s30+$0xFFFFFF10];
	_ =	sdelay $0x4  }
0xc9: {  	v2 =	vand.u32 @!p1 $0x3FFF, v1;
	v1 =	vshrl.u32 @!p1 v1, $0xE  }
0xca: {  	[tilespmem:$0x4000] =	vst @!p1 v2  }
0xcb: {  	[tilespmem:$0x4080] =	vst @!p1 v1  }
0xcc: {  	v1 =	vld @!p1 [tilespmem:s30+$0xFFFFFF20];
	_ =	sdelay $0x4  }
0xcd: {  	v2 =	vand.u32 @!p1 $0x3FFF, v1;
	v1 =	vshrl.u32 @!p1 v1, $0xE  }
0xce: {  	[tilespmem:$0x4010] =	vst @!p1 v2  }
0xcf: {  	[tilespmem:$0x4090] =	vst @!p1 v1  }
0xd0: {  	v1 =	vld @!p1 [tilespmem:s30+$0xFFFFFF30];
	_ =	sdelay $0x4  }
0xd1: {  	v2 =	vand.u32 @!p1 $0x3FFF, v1;
	v1 =	vshrl.u32 @!p1 v1, $0xE  }
0xd2: {  	[tilespmem:$0x4020] =	vst @!p1 v2  }
0xd3: {  	[tilespmem:$0x40A0] =	vst @!p1 v1  }
0xd4: {  	v1 =	vld @!p1 [tilespmem:s30+$0xFFFFFF40];
	_ =	sdelay $0x4  }
0xd5: {  	v2 =	vand.u32 @!p1 $0x3FFF, v1;
	v1 =	vshrl.u32 @!p1 v1, $0xE  }
0xd6: {  	[tilespmem:$0x4030] =	vst @!p1 v2  }
0xd7: {  	[tilespmem:$0x40B0] =	vst @!p1 v1  }
0xd8: {  	v1 =	vld @!p1 [tilespmem:s30+$0xFFFFFF50];
	_ =	sdelay $0x4  }
0xd9: {  	v2 =	vand.u32 @!p1 $0x3FFF, v1;
	v1 =	vshrl.u32 @!p1 v1, $0xE  }
0xda: {  	[tilespmem:$0x4040] =	vst @!p1 v2  }
0xdb: {  	[tilespmem:$0x40C0] =	vst @!p1 v1  }
0xdc: {  	v1 =	vld @!p1 [tilespmem:s30+$0xFFFFFF60];
	_ =	sdelay $0x4  }
0xdd: {  	v2 =	vand.u32 @!p1 $0x3FFF, v1;
	v1 =	vshrl.u32 @!p1 v1, $0xE  }
0xde: {  	[tilespmem:$0x4050] =	vst @!p1 v2  }
0xdf: {  	[tilespmem:$0x40D0] =	vst @!p1 v1  }
0xe0: {  	v1 =	vld @!p1 [tilespmem:s30+$0xFFFFFF70];
	_ =	sdelay $0x4  }
0xe1: {  	v2 =	vand.u32 @!p1 $0x3FFF, v1;
	v1 =	vshrl.u32 @!p1 v1, $0xE  }
0xe2: {  	[tilespmem:$0x4060] =	vst @!p1 v2  }
0xe3: {  	s31 =	simm.s32 @!p1 $0x80;
	s2 =	simm.s32 @!p1 $0x4000;
	s4 =	simm.s32 @!p1 $0x4200;
	[tilespmem:$0x40E0] =	vst @!p1 v1  }
0xe4: {  	v1 =	vld @!p1 [tilespmem:s30+$0xFFFFFF80];
	_ =	sdelay $0x4  }
0xe5: {  	v2 =	vand.u32 @!p1 $0x3FFF, v1;
	v1 =	vshrl.u32 @!p1 v1, $0xE  }
0xe6: {  	[tilespmem:$0x4070] =	vst @!p1 v2  }
0xe7: {  	[tilespmem:$0x40F0] =	vst @!p1 v1  }
0xe8: {  	[tilespmem:s4], [sflag:$0x1] =	stream.indirect.gather @!p1 [hbm4b:s0+s31], $0x80, s2, s31, $0x2000b8;
	[tilespmem:$0x1FE00] =	vst v63  }
0xe9: {  	_ =	swait.ge [sflag:s23], $0x4000  }
0xea: {  	[sflag:s23] =	ssyncset.done $0x0  }
0xeb: {  	[sflag:s23] =	ssyncadd.s32 $0xFFFFC000  }
0xec: {  	[spmem:s3] =	stream.indirect.scatter.add.f32 [tilespmem:s19], [sflag:$0x3], $0x80, s24, s6, $0x2000b8;
	[tilespmem:$0x1FE00] =	vst v63  }
0xed: {  	_ =	swait.ge [sflag:s22], $0x4000  }
0xee: {  	[sflag:s22] =	ssyncset.done $0x0  }
0xef: {  	p1 =	sge.u32 s26, s5;
	[sflag:s22] =	ssyncadd.s32 $0xFFFFC000  }
0xf0: {  	v1 =	vld @!p1 [tilespmem:s30+$0xFFFFFF90];
	_ =	sdelay $0x4  }
0xf1: {  	v2 =	vand.u32 @!p1 $0x3FFF, v1;
	v1 =	vshrl.u32 @!p1 v1, $0xE  }
0xf2: {  	[tilespmem:$0x4100] =	vst @!p1 v2  }
0xf3: {  	[tilespmem:$0x4180] =	vst @!p1 v1  }
0xf4: {  	v1 =	vld @!p1 [tilespmem:s30+$0xFFFFFFA0];
	_ =	sdelay $0x4  }
0xf5: {  	v2 =	vand.u32 @!p1 $0x3FFF, v1;
	v1 =	vshrl.u32 @!p1 v1, $0xE  }
0xf6: {  	[tilespmem:$0x4110] =	vst @!p1 v2  }
0xf7: {  	[tilespmem:$0x4190] =	vst @!p1 v1  }
0xf8: {  	v1 =	vld @!p1 [tilespmem:s30+$0xFFFFFFB0];
	_ =	sdelay $0x4  }
0xf9: {  	v2 =	vand.u32 @!p1 $0x3FFF, v1;
	v1 =	vshrl.u32 @!p1 v1, $0xE  }
0xfa: {  	[tilespmem:$0x4120] =	vst @!p1 v2  }
0xfb: {  	[tilespmem:$0x41A0] =	vst @!p1 v1  }
0xfc: {  	v1 =	vld @!p1 [tilespmem:s30+$0xFFFFFFC0];
	_ =	sdelay $0x4  }
0xfd: {  	v2 =	vand.u32 @!p1 $0x3FFF, v1;
	v1 =	vshrl.u32 @!p1 v1, $0xE  }
0xfe: {  	[tilespmem:$0x4130] =	vst @!p1 v2  }
0xff: {  	[tilespmem:$0x41B0] =	vst @!p1 v1  }
0x100: {  	v1 =	vld @!p1 [tilespmem:s30+$0xFFFFFFD0];
	_ =	sdelay $0x4  }
0x101: {  	v2 =	vand.u32 @!p1 $0x3FFF, v1;
	v1 =	vshrl.u32 @!p1 v1, $0xE  }
0x102: {  	[tilespmem:$0x4140] =	vst @!p1 v2  }
0x103: {  	[tilespmem:$0x41C0] =	vst @!p1 v1  }
0x104: {  	v1 =	vld @!p1 [tilespmem:s30+$0xFFFFFFE0];
	_ =	sdelay $0x1  }
.Ltmp2:
0x105: {  	(pc) =	sbr.rel @p0 .LBB2_4-.Ltmp2, $3  }
0x106: {  	_ =	sdelay $0x1  }
0x107: {  	v2 =	vand.u32 @!p1 $0x3FFF, v1;
	v1 =	vshrl.u32 @!p1 v1, $0xE  }
0x108: {  	[tilespmem:$0x4150] =	vst @!p1 v2  }
.LBB2_5:
0x109: {  	[tilespmem:$0x41D0] =	vst @!p1 v1  }
0x10a: {  	v1 =	vld @!p1 [tilespmem:s28+$0xFFFFFFF0];
	_ =	sdelay $0x4  }
0x10b: {  	v2 =	vand.u32 @!p1 $0x3FFF, v1  }
0x10c: {  	v1 =	vshrl.u32 @!p1 v1, $0xE;
	[tilespmem:$0x4160] =	vst @!p1 v2  }
0x10d: {  	[tilespmem:$0x41E0] =	vst @!p1 v1  }
0x10e: {  	v1 =	vld @!p1 [tilespmem:s28+$0x0];
	_ =	sdelay $0x4  }
0x10f: {  	v2 =	vand.u32 @!p1 $0x3FFF, v1  }
0x110: {  	v1 =	vshrl.u32 @!p1 v1, $0xE;
	[tilespmem:$0x4170] =	vst @!p1 v2  }
0x111: {  	[tilespmem:$0x41F0] =	vst @!p1 v1  }
0x112: {  	_ =	strace $0x90000060  }
0x113: {  	_ =	strace $0x80000061  }
0x114: {  	s2 =	sshll.u32 s1, $0x6;
	[bflag:$0x0] =	sbarrier.arrive $0xFFFF  }
0x115: {  	s4 =	sshrl.u32 s7, $0x3;
	s25 =	sadd.s32 $0x1, s25;
	_ =	strace $0x90000061  }
0x116: {  	s2 =	sor.u32 $0x1C03, s2;
	p0 =	sne.s32 s25, s15;
	_ =	strace $0x80000062  }
0x117: {  	[hbm:s14], [sflag:s2] =	dma.local [spmem:s4], $0x2780  }
.Ltmp3:
0x118: {  	_ = 	snop;
	(pc) =	sbr.rel @p0 .LBB2_1-.Ltmp3, $4  }
0x119: {  	_ =	swait.ge [sflag:s22], $0x2780  }
0x11a: {  	[sflag:s22] =	ssyncset.done $0x0  }
0x11b: {  	[sflag:s22] =	ssyncadd.s32 $0xFFFFD880  }
0x11c: {  	_ =	strace $0x90000062  }
0x11d: {  	_ =	sfence.sel $0x180000  }
0x11e: {  	[bflag:$0x0] =	sbarrier.arrive $0xFFFF  }
0x11f: {  	_ =	strace $0x9000005B  }
0x120: {  	[bflag:$0x2] =	sbarrier.arrive $0xFFFF  }
0x121: {  	p0 =	sne.s32 s1, $0x0;
	s0 =	rddreg [dreg:$0x4]  }
0x122: {  	s0 =	sadd.s32 @!p0 $0x100000, s0  }
0x123: {  	[sflag:s0] =	ssyncadd.tile.s32 @!p0 $0x1;
	_ =	shalt  }
.Lfunc_end2:
_tile_overlayer_lowered:
.L_overlay_start_2:
0x124: {  	(tag) =	ssettag $0x2  }
0x125: {  	s0 =	rddreg [dreg:$0x0];
	s2 =	stileid.u32  }
0x126: {  	s1 =	rddreg [dreg:$0x1];
	p0 =	sne.s32 s2, $0x0  }
0x127: {  	s3 =	rddreg [dreg:$0x2];
	[bflag:$0x3] =	sbarrier.arrive $0xFFFF;
	s2 =	simm.s32 @!p0 $0x1C03  }
0x128: {  	[timem:s3], [sflag:s2] =	dma.local @!p0 [hbm:s0], s1  }
0x129: {  	s0 =	simm.s32 @!p0 $0x3  }
0x12a: {  	_ =	swait.ge @!p0 [sflag:s0], s1  }
0x12b: {  	s1 =	ssub.s32 @!p0 $0x0, s1;
	[sflag:s0] =	ssyncset.done @!p0 $0x0  }
0x12c: {  	[sflag:s0] =	ssyncadd.s32 @!p0 s1  }
0x12d: {  	[bflag:$0x3] =	sbarrier.arrive $0xFFFF  }
0x12e: {  	_ =	shalt  }

// kernel: kernel.9.cloned.1.call-start
scs
__scs_entry_jumppad:
0x0: {  	(pc) =	sbr.rel $0x88, $3  }
0x1: {  	(tag) =	ssettag $0x0;
	lr =	simm.s32 $0x1  }
0x2: {  	[smem:$0x3F8F] =	sst lr;
	_ =	strace $0xD0000000  }
0x3: {  	_ = 	snop  }
0x4: {  	_ = 	snop  }
0x5: {  	_ = 	snop  }
0x6: {  	_ = 	snop  }
0x7: {  	_ = 	snop  }
__scs_overlays_trampoline_lowered:
0x8: {  	[smem:$0x3F9E] =	sst s0  }
0x9: {  	[smem:$0x3F9F] =	sst s1  }
0xa: {  	[smem:$0x3FA0] =	sst s2  }
0xb: {  	[smem:$0x3FA1] =	sst s3  }
0xc: {  	[smem:$0x3FA2] =	sst s4  }
0xd: {  	[smem:$0x3FA3] =	sst s5  }
0xe: {  	[smem:$0x3FA4] =	sst s6  }
0xf: {  	[smem:$0x3FA5] =	sst s7  }
0x10: {  	[smem:$0x3FA6] =	sst s8  }
0x11: {  	[smem:$0x3FA7] =	sst s9;
	s0 =	simm.s32 @!p0 $0x0  }
0x12: {  	s1 =	sld [smem:$0x3F8D];
	s0 =	simm.s32 @p0 $0x1  }
0x13: {  	[smem:$0x3FA8] =	sst s0;
	s0 =	simm.s32 @!p1 $0x0  }
0x14: {  	s2 =	sld [smem:$0x3F8C];
	s0 =	simm.s32 @p1 $0x1  }
0x15: {  	[smem:$0x3FA9] =	sst s0;
	s0 =	simm.s32 @!p2 $0x0  }
0x16: {  	s3 =	sld [smem:$0x3FDB];
	s0 =	simm.s32 @p2 $0x1  }
0x17: {  	s4 =	simm.s32 $0x1BF5;
	[smem:$0x3FAB] =	sst s0  }
0x18: {  	s0 =	sld [smem:$0x3F8E];
	_ =	swait.ge [sflag:s4], $0x0  }
0x19: {  	s7 =	sld [smem:$0x3F8F]  }
0x1a: {  	s8 =	sadd.s32 $0xFFFFE003, lr  }
0x1b: {  	s9 =	sadd.s32 $0xFFFFFEF7, lr;
	s5 =	simm.s32 $0xFFFFFFFF;
	p2 =	slt.u32 s8, $0xFFFFF086  }
0x1c: {  	p1 =	slt.u32 s9, $0xF7A;
	s5 =	simm.s32 @!p2 $0x0  }
0x1d: {  	s5 =	simm.s32 @p1 $0x1;
	p0 =	seq.s32 s7, s2  }
0x1e: {  	s7 =	smul.u32 @!p0 $0xF7A, s2;
	p2 =	seq.s32 @!p0 s5, $0x0  }
0x1f: {  	s9 =	smul.u32 $0xF7A, s1;
	s8 =	simm.s32 @!p0 $0x1BF5;
	p2 =	por !p2, p0  }
0x20: {  	[sflag:s8] =	ssyncset.s32 @!p0 $0xFFFFF086;
	s6 =	sadd.s32 @!p0 s3, s7;
	s7 =	simm.s32 @!p0 $0x108  }
0x21: {  	s3 =	sadd.s32 s3, s9;
	s6 =	sadd.s32 @!p0 $0x88, s6;
	s7 =	simm.s32 @p2 $0x1082  }
0x22: {  	[simem:s7], [sflag:s8] =	dma.local @!p0 [hbm:s6], $0xF7A  }
0x23: {  	s9 =	sor.u32 $0xD0000000, s2;
	s6 =	simm.s32 $0x108;
	_ =	swait.ge @!p0 [sflag:s8], $0x0  }
0x24: {  	s3 =	sadd.s32 $0x88, s3;
	s6 =	simm.s32 @!p1 $0x1082;
	[sflag:s4] =	ssyncset.s32 $0xFFFFF086  }
0x25: {  	[simem:s6], [sflag:s4] =	dma.local [hbm:s3], $0xF7A  }
0x26: {  	[smem:$0x3F8F] =	sst s1;
	(tag) =	ssettag s2;
	_ =	strace s9  }
0x27: {  	s1 =	sld [smem:$0x3F9F]  }
0x28: {  	s2 =	sld [smem:$0x3FA0]  }
0x29: {  	s4 =	sld [smem:$0x3FA2]  }
0x2a: {  	p0 =	seq.s32 s5, $0x0;
	s5 =	sld [smem:$0x3FA3]  }
0x2b: {  	s6 =	sld [smem:$0x3FA4]  }
0x2c: {  	s7 =	sld [smem:$0x3FA5]  }
0x2d: {  	s3 =	simm.s32 $0x108;
	s8 =	sld [smem:$0x3FA6]  }
0x2e: {  	s3 =	simm.s32 @!p0 $0x1082;
	s9 =	sld [smem:$0x3FA7]  }
0x2f: {  	lr =	sadd.s32 s0, s3;
	s0 =	sld [smem:$0x3F9E]  }
0x30: {  	s3 =	sld [smem:$0x3FA1]  }
0x31: {  	[smem:$0x3FAA] =	sst s10  }
0x32: {  	s10 =	sld [smem:$0x3FA8];
	_ =	sdelay $0x3  }
0x33: {  	p0 =	seq.s32 s10, $0x1;
	s10 =	sld [smem:$0x3FAA];
	_ =	sdelay $0x3  }
0x34: {  	[smem:$0x3FAA] =	sst s10  }
0x35: {  	s10 =	sld [smem:$0x3FA9];
	_ =	sdelay $0x3  }
0x36: {  	p1 =	seq.s32 s10, $0x1;
	s10 =	sld [smem:$0x3FAA];
	_ =	sdelay $0x3  }
0x37: {  	[smem:$0x3FAA] =	sst s10  }
0x38: {  	s10 =	sld [smem:$0x3FAB]  }
0x39: {  	_ = 	snop;
	(pc) =	sbr.ind lr, $3  }
0x3a: {  	_ = 	snop  }
0x3b: {  	_ = 	snop  }
0x3c: {  	p2 =	seq.s32 s10, $0x1;
	s10 =	sld [smem:$0x3FAA]  }
0x3d: {  	_ =	shalt  }
0x3e: {  	_ =	shalt  }
0x3f: {  	_ =	shalt  }
0x40: {  	_ =	shalt  }
0x41: {  	_ =	shalt  }
0x42: {  	_ =	shalt  }
0x43: {  	_ =	shalt  }
0x44: {  	_ =	shalt  }
0x45: {  	_ =	shalt  }
0x46: {  	_ =	shalt  }
0x47: {  	_ =	shalt  }
0x48: {  	_ =	shalt  }
0x49: {  	_ =	shalt  }
0x4a: {  	_ =	shalt  }
0x4b: {  	_ =	shalt  }
0x4c: {  	_ =	shalt  }
0x4d: {  	_ =	shalt  }
0x4e: {  	_ =	shalt  }
0x4f: {  	_ =	shalt  }
0x50: {  	_ =	shalt  }
0x51: {  	_ =	shalt  }
0x52: {  	_ =	shalt  }
0x53: {  	_ =	shalt  }
0x54: {  	_ =	shalt  }
0x55: {  	_ =	shalt  }
0x56: {  	_ =	shalt  }
0x57: {  	_ =	shalt  }
0x58: {  	_ =	shalt  }
0x59: {  	_ =	shalt  }
0x5a: {  	_ =	shalt  }
0x5b: {  	_ =	shalt  }
0x5c: {  	_ =	shalt  }
0x5d: {  	_ =	shalt  }
0x5e: {  	_ =	shalt  }
0x5f: {  	_ =	shalt  }
0x60: {  	_ =	shalt  }
0x61: {  	_ =	shalt  }
0x62: {  	_ =	shalt  }
0x63: {  	_ =	shalt  }
0x64: {  	_ =	shalt  }
0x65: {  	_ =	shalt  }
0x66: {  	_ =	shalt  }
0x67: {  	_ =	shalt  }
0x68: {  	_ =	shalt  }
0x69: {  	_ =	shalt  }
0x6a: {  	_ =	shalt  }
0x6b: {  	_ =	shalt  }
0x6c: {  	_ =	shalt  }
0x6d: {  	_ =	shalt  }
0x6e: {  	_ =	shalt  }
0x6f: {  	_ =	shalt  }
0x70: {  	_ =	shalt  }
0x71: {  	_ =	shalt  }
0x72: {  	_ =	shalt  }
0x73: {  	_ =	shalt  }
0x74: {  	_ =	shalt  }
0x75: {  	_ =	shalt  }
0x76: {  	_ =	shalt  }
0x77: {  	_ =	shalt  }
0x78: {  	_ =	shalt  }
0x79: {  	_ =	shalt  }
0x7a: {  	_ =	shalt  }
0x7b: {  	_ =	shalt  }
0x7c: {  	_ =	shalt  }
0x7d: {  	_ =	shalt  }
0x7e: {  	_ =	shalt  }
0x7f: {  	_ =	shalt  }
0x80: {  	_ =	shalt  }
0x81: {  	_ =	shalt  }
0x82: {  	_ =	shalt  }
0x83: {  	_ =	shalt  }
0x84: {  	_ =	shalt  }
0x85: {  	_ =	shalt  }
0x86: {  	_ =	shalt  }
0x87: {  	_ =	shalt  }
.Lfunc_end0:
.L_simem_size_0:
called_computation_lowered:
.L_overlay_start_0:
0x88: {  	s2 =	sld [smem:$0x3FD9]  }
0x89: {  	s3 =	sld [smem:$0x3FFE];
	_ =	sdelay $0x1  }
0x8a: {  	s1 =	srdreg.scid  }
0x8b: {  	s0 =	sand.u32 $0x1, s1  }
0x8c: {  	s14 =	sshll.u32 s0, $0xA;
	s2 =	sadd.s32 s3, s2  }
0x8d: {  	s2 =	sadd.s32 s2, s14  }
0x8e: {  	[smem:$0x3FB6] =	sst s2  }
0x8f: {  	_ = 	snop  }
0x90: {  	s2 =	sld [smem:$0x3FD0];
	_ =	sdelay $0x2  }
0x91: {  	s15 =	simm.s32 $0xA;
	s4 =	simm.s32 $0x10  }
0x92: {  	[smem:s4], [sflag:s15] =	dma.local [hbm:s2], $0x1  }
0x93: {  	_ =	swait.eq [sflag:s15], $0x1  }
0x94: {  	[sflag:s15] =	ssyncset.done $0x0  }
0x95: {  	s16 =	sld [smem:$0x10];
	[sflag:s15] =	ssyncadd.s32 $0xFFFFFFFF  }
0x96: {  	s17 =	sld [smem:$0x11];
	(tm) =	ssettm $0x1  }
0x97: {  	s18 =	sld [smem:$0x3FFB];
	_ =	sdelay $0x3  }
0x98: {  	_ =	strace s18  }
0x99: {  	s4 =	sld [smem:$0x3FFC];
	_ =	sdelay $0x3  }
0x9a: {  	_ =	strace s4  }
0x9b: {  	s4 =	sld [smem:$0x3FFD];
	_ =	sdelay $0x3  }
0x9c: {  	_ =	strace s4  }
0x9d: {  	_ =	strace $0x8FFFFFFF  }
0x9e: {  	s19 =	sld [smem:$0x3FDB];
	_ =	sdelay $0x1  }
0x9f: {  	s5 =	simm.s32 $_scs_section_size  }
0xa0: {  	s6 =	simm.s32 $_size__tile_overlayer_lowered;
	s7 =	simm.s32 $_tile_overlayer_lowered  }
0xa1: {  	s22 =	simm.s32 $0x1BFF;
	s21 =	sshll.u32 s7, $0x1;
	s4 =	sadd.s32 s5, s19  }
0xa2: {  	s8 =	simm.s32 $0x0;
	s20 =	sshll.u32 s6, $0x1;
	s6 =	sadd.s32 s21, s4  }
0xa3: {  	[timem:s8], [sflag:s22] =	dma.local [hbm:s6], s20  }
0xa4: {  	_ =	swait.ge [sflag:s22], s20  }
0xa5: {  	s5 =	ssub.s32 $0x0, s20;
	[sflag:s22] =	ssyncset.done $0x0  }
0xa6: {  	[sflag:s22] =	ssyncadd.s32 s5;
	_ =	sdelay $0x1  }
0xa7: {  	s23 =	simm.s32 $0x1B8B  }
0xa8: {  	_ =	swait.ge [sflag:s23], $0x1  }
0xa9: {  	[sflag:s23] =	ssyncset.done $0x0  }
0xaa: {  	s25 =	simm.s32 $0x1B8E;
	s24 =	sld [smem:$0x3FFE];
	[sflag:s23] =	ssyncadd.s32 $0xFFFFFFFF  }
0xab: {  	s26 =	simm.s32 $execute0_lowered;
	[smem:$0x3FD2] =	sst s25  }
0xac: {  	s6 =	sshll.u32 s26, $0x1;
	_ =	strace $0x80000046;
	[dreg:$0x1] =	wrdreg $0xFFFFFFFF  }
0xad: {  	s28 =	simm.s32 $_size_execute0_lowered;
	s4 =	sadd.s32 s4, s6;
	[dreg:$0x0] =	wrdreg $0x0  }
0xae: {  	s6 =	sshll.u32 s28, $0x1;
	[dreg:$0x2] =	wrdreg s4  }
0xaf: {  	[dreg:$0x3] =	wrdreg s6  }
0xb0: {  	[dreg:$0x4] =	wrdreg $0xC0  }
0xb1: {  	_ =	task [dreg:s8], $0x5FFFF  }
0xb2: {  	[dreg:$0x1] =	wrdreg $0xFFFFFFFF  }
0xb3: {  	[dreg:$0x0] =	wrdreg $0x60  }
0xb4: {  	[dreg:$0x2] =	wrdreg s17  }
0xb5: {  	[dreg:$0x3] =	wrdreg s16  }
0xb6: {  	[dreg:$0x4] =	wrdreg s24  }
0xb7: {  	[dreg:$0x5] =	wrdreg $0xC2000  }
0xb8: {  	[dreg:$0x6] =	wrdreg $0x9  }
0xb9: {  	_ =	task.clear_ibuf [dreg:s8], $0x7FFFF;
	_ =	strace $0x90000046  }
0xba: {  	s29 =	simm.s32 $0x9;
	_ =	strace $0x8000004F  }
0xbb: {  	_ =	swait.ge [sflag:s29], $0x1  }
0xbc: {  	[sflag:s29] =	ssyncadd.s32 $0xFFFFFFFF  }
0xbd: {  	_ =	strace $0x9000004F  }
0xbe: {  	_ =	sfence  }
0xbf: {  	s30 =	sld [smem:$0x0];
	_ =	sdelay $0x2  }
0xc0: {  	s31 =	sshll.u32 s1, $0xD;
	s1 =	sshrl.u32 s1, $0x2  }
0xc1: {  	s3 =	sand.u32 $0x4000, s31;
	s1 =	sadd.s32 s1, s30  }
0xc2: {  	s0 =	sor.u32 s3, s0;
	s1 =	sshll.u32 s1, $0x11  }
0xc3: {  	s0 =	sor.u32 s1, s0  }
0xc4: {  	s0 =	sadd.s32 $0x8F2B, s0  }
0xc5: {  	[sflag:s0] =	ssyncadd.remote.s32 $0x1  }
0xc6: {  	_ =	sfence.sel $0xFFFF  }
0xc7: {  	[dreg:$0x0] =	wrdreg $0xFFFFFFFF;
	(pc) =	sbr.abs _section_cstart, $3  }
0xc8: {  	[dreg:$0x1] =	wrdreg $0xFFFFFFFF  }
0xc9: {  	_ =	task.clear_ibuf [dreg:s8], $0x2FFFF;
	_ =	strace $0x9FFFFFFF  }
0xca: {  	(tm) =	ssettm $0x7FFFFFFF  }
0xcb: {  	_ =	shalt  }
tec
execute0_lowered:
.L_overlay_start_1:
0x0: {  	(tag) =	ssettag $0x1  }
0x1: {  	s0 =	rddreg [dreg:$0x0]  }
0x2: {  	s11 =	rddreg [dreg:$0x1]  }
0x3: {  	s1 =	srdreg.scid;
	s5 =	rddreg [dreg:$0x2]  }
0x4: {  	s3 =	rddreg [dreg:$0x3];
	s2 =	simm.s32 $0x0;
	s16 =	simm.s32 $0x4200  }
0x5: {  	s17 =	simm.s32 $0x4000;
	s18 =	simm.s32 $0x4100;
	s19 =	simm.s32 $0x8200  }
0x6: {  	s20 =	simm.s32 $0x1;
	s21 =	simm.s32 $0x4080;
	s22 =	simm.s32 $0x3  }
0x7: {  	s23 =	simm.s32 $0x2;
	s24 =	simm.s32 $0x4180;
	s12 =	sand.u32 $0x1, s1  }
0x8: {  	s25 =	simm.s32 $0x0;
	s1 =	stileid.u32;
	s6 =	smul.u32 $0x13C000, s12  }
0x9: {  	[smem:$0x7FF] =	sst s2;
	s7 =	smul.u32 $0x13C00, s1;
	s30 =	ssub.s32 $0x2, s12  }
0xa: {  	s9 =	smul.u32 $0x4F000, s1;
	_ =	strace $0x80000047;
	p0 =	seq.s32 s12, $0x0  }
0xb: {  	s13 =	sshll.u32 s1, $0xB;
	s12 =	sshll.u32 s12, $0xF;
	s8 =	sshrl.u32 s30, $0x1  }
0xc: {  	s13 =	sadd.s32 s11, s13;
	s6 =	sadd.s32 s7, s6;
	s15 =	ssub.s32 s30, s8  }
0xd: {  	s31 =	sshrl.u32 s9, $0x2;
	s12 =	sadd.s32 s12, s13;
	s6 =	sshrl.u32 s6, $0x3  }
0xe: {  	s7 =	sadd.s32 s31, s3;
	s15 =	smax.u32 s15, $0x1;
	s14 =	sadd.s32 s6, s5  }
0xf: {  	s5 =	simm.s32 $0x80;
	s6 =	simm.s32 $0x80;
	s8 =	sadd.s32 $0x4000, s7  }
0x10: {  	s9 =	sadd.s32 $0x8000, s7;
	s10 =	sadd.s32 $0xC000, s7;
	s5 =	simm.s32 @!p0 $0x20  }
0x11: {  	v0 =	vimm.f32 $0.0e+00;
	s11 =	sadd.s32 $0x10000, s7;
	s14 =	sadd.s32 $0x3A00, s14;
	s13 =	sshrl.u32 s5, $0x1  }
.LBB2_1:
0x12: {  	_ =	strace $0x80000048;
	s26 =	simm.s32 $0x0;
	s28 =	simm.s32 $0x200  }
.LBB2_2:
0x13: {  	p0 =	sne.s32 s28, $0xFE00;
	[tilespmem:s26+$0x4270] =	vst v0  }
0x14: {  	[tilespmem:s26+$0x4200] =	vst v0  }
0x15: {  	[tilespmem:s26+$0x4210] =	vst v0  }
.Ltmp0:
0x16: {  	[tilespmem:s26+$0x4220] =	vst v0;
	(pc) =	sbr.rel @p0 .LBB2_2-.Ltmp0, $4  }
0x17: {  	[tilespmem:s26+$0x4230] =	vst v0  }
0x18: {  	[tilespmem:s26+$0x4240] =	vst v0  }
0x19: {  	[tilespmem:s26+$0x4250] =	vst v0  }
0x1a: {  	[tilespmem:s26+$0x4260] =	vst v0;
	s26 =	sshra.s32 s28, $0x2;
	s28 =	sadd.s32 $0x200, s28  }
0x1b: {  	[tilespmem:s26+$0x4270] =	vst v0  }
0x1c: {  	[tilespmem:s26+$0x4200] =	vst v0  }
0x1d: {  	[tilespmem:s26+$0x4210] =	vst v0  }
0x1e: {  	[tilespmem:s26+$0x4220] =	vst v0  }
0x1f: {  	[tilespmem:s26+$0x4230] =	vst v0  }
0x20: {  	[tilespmem:s26+$0x4240] =	vst v0  }
0x21: {  	[tilespmem:s26+$0x4250] =	vst v0  }
0x22: {  	[tilespmem:s26+$0x4260] =	vst v0  }
0x23: {  	_ =	strace $0x90000048  }
0x24: {  	s26 =	simm.s32 $0x3;
	_ =	strace $0x80000049  }
0x25: {  	[spmem:s7] =	stream.linear.scatter [tilespmem:s16], [sflag:$0x3], $0x4000, $0x200038;
	[tilespmem:$0x1FE00] =	vst v63  }
0x26: {  	_ =	swait.ge [sflag:s26], $0x4000  }
0x27: {  	[sflag:s26] =	ssyncset.done $0x0  }
0x28: {  	[sflag:s26] =	ssyncadd.s32 $0xFFFFC000  }
0x29: {  	[spmem:s8] =	stream.linear.scatter [tilespmem:s16], [sflag:$0x3], $0x4000, $0x200038;
	[tilespmem:$0x1FE00] =	vst v63  }
0x2a: {  	_ =	swait.ge [sflag:s26], $0x4000  }
0x2b: {  	[sflag:s26] =	ssyncset.done $0x0  }
0x2c: {  	[sflag:s26] =	ssyncadd.s32 $0xFFFFC000  }
0x2d: {  	[spmem:s9] =	stream.linear.scatter [tilespmem:s16], [sflag:$0x3], $0x4000, $0x200038;
	[tilespmem:$0x1FE00] =	vst v63  }
0x2e: {  	_ =	swait.ge [sflag:s26], $0x4000  }
0x2f: {  	[sflag:s26] =	ssyncset.done $0x0  }
0x30: {  	[sflag:s26] =	ssyncadd.s32 $0xFFFFC000  }
0x31: {  	[spmem:s10] =	stream.linear.scatter [tilespmem:s16], [sflag:$0x3], $0x4000, $0x200038;
	[tilespmem:$0x1FE00] =	vst v63  }
0x32: {  	_ =	swait.ge [sflag:s26], $0x4000  }
0x33: {  	[sflag:s26] =	ssyncset.done $0x0  }
0x34: {  	[sflag:s26] =	ssyncadd.s32 $0xFFFFC000  }
0x35: {  	[spmem:s11] =	stream.linear.scatter [tilespmem:s16], [sflag:$0x3], $0x3C00, $0x200038;
	[tilespmem:$0x1FE00] =	vst v63  }
0x36: {  	_ =	swait.ge [sflag:s26], $0x3C00  }
0x37: {  	[sflag:s26] =	ssyncset.done $0x0  }
0x38: {  	[sflag:s26] =	ssyncadd.s32 $0xFFFFC400  }
0x39: {  	_ =	strace $0x90000049  }
0x3a: {  	_ =	strace $0x8000004A  }
0x3b: {  	[bflag:$0x0] =	sbarrier.arrive $0xFFFF  }
0x3c: {  	_ =	strace $0x9000004A  }
0x3d: {  	s2 =	simm.s32 $0x0;
	_ =	strace $0x8000004B  }
0x3e: {  	[tilespmem:s2], [sflag:$0x3] =	stream.linear.gather [hbm4b:s12+s2], $0x4000, $0x200038;
	[tilespmem:$0x1FE00] =	vst v63  }
0x3f: {  	_ =	swait.ge [sflag:s26], $0x4000  }
0x40: {  	[sflag:s26] =	ssyncset.done $0x0  }
0x41: {  	[sflag:s26] =	ssyncadd.s32 $0xFFFFC000  }
0x42: {  	v1 =	vld [tilespmem:$0x0];
	_ =	sdelay $0x1  }
0x43: {  	v2 =	vld [tilespmem:$0x10];
	_ =	sdelay $0x1  }
0x44: {  	v3 =	vld [tilespmem:$0x20]  }
0x45: {  	v4 =	vand.u32 $0x3FFF, v1  }
0x46: {  	v59 =	vld [tilespmem:$0x30];
	v1 =	vshrl.u32 v1, $0xE;
	[tilespmem:$0x4000] =	vst v4  }
0x47: {  	[tilespmem:$0x4080] =	vst v1;
	v1 =	vand.u32 $0x3FFF, v2  }
0x48: {  	[tilespmem:$0x4010] =	vst v1;
	v1 =	vshrl.u32 v2, $0xE;
	v2 =	vld [tilespmem:$0x40]  }
0x49: {  	[tilespmem:$0x4090] =	vst v1;
	v1 =	vand.u32 $0x3FFF, v3  }
0x4a: {  	[tilespmem:$0x4020] =	vst v1;
	v1 =	vshrl.u32 v3, $0xE;
	v3 =	vld [tilespmem:$0x50]  }
0x4b: {  	[tilespmem:$0x40A0] =	vst v1;
	v1 =	vand.u32 $0x3FFF, v59  }
0x4c: {  	v60 =	vld [tilespmem:$0x60];
	[tilespmem:$0x4030] =	vst v1;
	v1 =	vshrl.u32 v59, $0xE  }
0x4d: {  	[tilespmem:$0x40B0] =	vst v1;
	v1 =	vand.u32 $0x3FFF, v2  }
0x4e: {  	[tilespmem:$0x4040] =	vst v1;
	v1 =	vshrl.u32 v2, $0xE;
	v2 =	vld [tilespmem:$0x70]  }
0x4f: {  	[tilespmem:$0x40C0] =	vst v1;
	v1 =	vand.u32 $0x3FFF, v3  }
0x50: {  	[tilespmem:$0x4050] =	vst v1;
	v1 =	vshrl.u32 v3, $0xE  }
0x51: {  	[tilespmem:$0x40D0] =	vst v1;
	v1 =	vand.u32 $0x3FFF, v60  }
0x52: {  	[tilespmem:$0x4060] =	vst v1;
	v1 =	vshrl.u32 v60, $0xE  }
0x53: {  	[tilespmem:$0x40E0] =	vst v1;
	v1 =	vand.u32 $0x3FFF, v2  }
0x54: {  	[tilespmem:$0x4070] =	vst v1;
	v1 =	vshrl.u32 v2, $0xE  }
0x55: {  	[tilespmem:$0x40F0] =	vst v1  }
0x56: {  	[tilespmem:s16], [sflag:$0x1] =	stream.indirect.gather [hbm4b:s0+s6], $0x80, s17, s6, $0x2000b8;
	[tilespmem:$0x1FE00] =	vst v63  }
0x57: {  	v1 =	vld [tilespmem:$0x80];
	_ =	sdelay $0x1  }
0x58: {  	v2 =	vld [tilespmem:$0x90];
	_ =	sdelay $0x1  }
0x59: {  	v3 =	vld [tilespmem:$0xA0]  }
0x5a: {  	v61 =	vand.u32 $0x3FFF, v1  }
0x5b: {  	v62 =	vld [tilespmem:$0xB0];
	v1 =	vshrl.u32 v1, $0xE;
	[tilespmem:$0x4100] =	vst v61  }
0x5c: {  	[tilespmem:$0x4180] =	vst v1;
	v1 =	vand.u32 $0x3FFF, v2  }
0x5d: {  	[tilespmem:$0x4110] =	vst v1;
	v1 =	vshrl.u32 v2, $0xE;
	v2 =	vld [tilespmem:$0xC0]  }
0x5e: {  	[tilespmem:$0x4190] =	vst v1;
	v1 =	vand.u32 $0x3FFF, v3  }
0x5f: {  	[tilespmem:$0x4120] =	vst v1;
	v1 =	vshrl.u32 v3, $0xE;
	v3 =	vld [tilespmem:$0xD0]  }
0x60: {  	[tilespmem:$0x41A0] =	vst v1;
	v1 =	vand.u32 $0x3FFF, v62  }
0x61: {  	v63 =	vld [tilespmem:$0xE0];
	[tilespmem:$0x4130] =	vst v1;
	v1 =	vshrl.u32 v62, $0xE  }
0x62: {  	[tilespmem:$0x41B0] =	vst v1;
	v1 =	vand.u32 $0x3FFF, v2  }
0x63: {  	[tilespmem:$0x4140] =	vst v1;
	v1 =	vshrl.u32 v2, $0xE;
	v2 =	vld [tilespmem:$0xF0]  }
0x64: {  	[tilespmem:$0x41C0] =	vst v1;
	v1 =	vand.u32 $0x3FFF, v3  }
0x65: {  	[tilespmem:$0x4150] =	vst v1;
	v1 =	vshrl.u32 v3, $0xE  }
0x66: {  	[tilespmem:$0x41D0] =	vst v1;
	v1 =	vand.u32 $0x3FFF, v63  }
0x67: {  	[tilespmem:$0x4160] =	vst v1;
	v1 =	vshrl.u32 v63, $0xE  }
0x68: {  	[tilespmem:$0x41E0] =	vst v1;
	v1 =	vand.u32 $0x3FFF, v2  }
0x69: {  	[tilespmem:$0x4170] =	vst v1;
	v1 =	vshrl.u32 v2, $0xE  }
0x6a: {  	[tilespmem:$0x41F0] =	vst v1  }
0x6b: {  	_ =	strace $0x9000004B  }
0x6c: {  	_ =	strace $0x8000004C  }
0x6d: {  	[tilespmem:s19], [sflag:$0x2] =	stream.indirect.gather [hbm4b:s0+s6], $0x80, s18, s6, $0x2000b8;
	[tilespmem:$0x1FE00] =	vst v63  }
0x6e: {  	_ =	swait.ge [sflag:s20], $0x4000  }
0x6f: {  	[sflag:s20] =	ssyncset.done $0x0  }
0x70: {  	[sflag:s20] =	ssyncadd.s32 $0xFFFFC000  }
0x71: {  	[spmem:s3] =	stream.indirect.scatter.add.f32 [tilespmem:s16], [sflag:$0x3], $0x80, s21, s6, $0x2000b8;
	[tilespmem:$0x1FE00] =	vst v63  }
0x72: {  	_ =	swait.ge [sflag:s22], $0x4000  }
0x73: {  	[sflag:s22] =	ssyncset.done $0x0  }
0x74: {  	s28 =	simm.s32 $0x1F0;
	p0 =	sle.u32 s5, $0x2;
	[sflag:s22] =	ssyncadd.s32 $0xFFFFC000  }
0x75: {  	v1 =	vld @!p0 [tilespmem:s28+$0xFFFFFF10];
	_ =	sdelay $0x4  }
0x76: {  	v2 =	vand.u32 @!p0 $0x3FFF, v1  }
0x77: {  	v1 =	vshrl.u32 @!p0 v1, $0xE;
	[tilespmem:$0x4000] =	vst @!p0 v2  }
0x78: {  	[tilespmem:$0x4080] =	vst @!p0 v1  }
0x79: {  	v1 =	vld @!p0 [tilespmem:s28+$0xFFFFFF20];
	_ =	sdelay $0x4  }
0x7a: {  	v2 =	vand.u32 @!p0 $0x3FFF, v1  }
0x7b: {  	v1 =	vshrl.u32 @!p0 v1, $0xE;
	[tilespmem:$0x4010] =	vst @!p0 v2  }
0x7c: {  	[tilespmem:$0x4090] =	vst @!p0 v1  }
0x7d: {  	v1 =	vld @!p0 [tilespmem:s28+$0xFFFFFF30];
	_ =	sdelay $0x4  }
0x7e: {  	v2 =	vand.u32 @!p0 $0x3FFF, v1  }
0x7f: {  	v1 =	vshrl.u32 @!p0 v1, $0xE;
	[tilespmem:$0x4020] =	vst @!p0 v2  }
0x80: {  	[tilespmem:$0x40A0] =	vst @!p0 v1  }
0x81: {  	v1 =	vld @!p0 [tilespmem:s28+$0xFFFFFF40];
	_ =	sdelay $0x4  }
0x82: {  	v2 =	vand.u32 @!p0 $0x3FFF, v1  }
0x83: {  	v1 =	vshrl.u32 @!p0 v1, $0xE;
	[tilespmem:$0x4030] =	vst @!p0 v2  }
0x84: {  	[tilespmem:$0x40B0] =	vst @!p0 v1  }
0x85: {  	v1 =	vld @!p0 [tilespmem:s28+$0xFFFFFF50];
	_ =	sdelay $0x4  }
0x86: {  	v2 =	vand.u32 @!p0 $0x3FFF, v1  }
0x87: {  	v1 =	vshrl.u32 @!p0 v1, $0xE;
	[tilespmem:$0x4040] =	vst @!p0 v2  }
0x88: {  	[tilespmem:$0x40C0] =	vst @!p0 v1  }
0x89: {  	v1 =	vld @!p0 [tilespmem:s28+$0xFFFFFF60];
	_ =	sdelay $0x4  }
0x8a: {  	v2 =	vand.u32 @!p0 $0x3FFF, v1  }
0x8b: {  	v1 =	vshrl.u32 @!p0 v1, $0xE;
	[tilespmem:$0x4050] =	vst @!p0 v2  }
0x8c: {  	[tilespmem:$0x40D0] =	vst @!p0 v1  }
0x8d: {  	v1 =	vld @!p0 [tilespmem:s28+$0xFFFFFF70];
	_ =	sdelay $0x4  }
0x8e: {  	v2 =	vand.u32 @!p0 $0x3FFF, v1  }
0x8f: {  	v1 =	vshrl.u32 @!p0 v1, $0xE;
	[tilespmem:$0x4060] =	vst @!p0 v2  }
0x90: {  	[tilespmem:$0x40E0] =	vst @!p0 v1  }
0x91: {  	v1 =	vld @!p0 [tilespmem:s28+$0xFFFFFF80];
	_ =	sdelay $0x4  }
0x92: {  	v2 =	vand.u32 @!p0 $0x3FFF, v1  }
0x93: {  	v1 =	vshrl.u32 @!p0 v1, $0xE;
	[tilespmem:$0x4070] =	vst @!p0 v2  }
0x94: {  	s29 =	simm.s32 @!p0 $0x80;
	s30 =	simm.s32 @!p0 $0x4000;
	s31 =	simm.s32 @!p0 $0x4200;
	[tilespmem:$0x40F0] =	vst @!p0 v1  }
0x95: {  	[tilespmem:s31], [sflag:$0x1] =	stream.indirect.gather @!p0 [hbm4b:s0+s29], $0x80, s30, s29, $0x2000b8;
	[tilespmem:$0x1FE00] =	vst v63  }
0x96: {  	_ =	swait.ge [sflag:s23], $0x4000  }
0x97: {  	[sflag:s23] =	ssyncset.done $0x0  }
0x98: {  	[sflag:s23] =	ssyncadd.s32 $0xFFFFC000  }
0x99: {  	[spmem:s3] =	stream.indirect.scatter.add.f32 [tilespmem:s19], [sflag:$0x3], $0x80, s24, s6, $0x2000b8;
	[tilespmem:$0x1FE00] =	vst v63  }
0x9a: {  	_ =	swait.ge [sflag:s22], $0x4000  }
0x9b: {  	[sflag:s22] =	ssyncset.done $0x0  }
0x9c: {  	p1 =	sle.u32 s5, $0x3;
	[sflag:s22] =	ssyncadd.s32 $0xFFFFC000  }
0x9d: {  	v1 =	vld @!p1 [tilespmem:s28+$0xFFFFFF90];
	_ =	sdelay $0x4  }
0x9e: {  	v2 =	vand.u32 @!p1 $0x3FFF, v1  }
0x9f: {  	v1 =	vshrl.u32 @!p1 v1, $0xE;
	[tilespmem:$0x4100] =	vst @!p1 v2  }
0xa0: {  	[tilespmem:$0x4180] =	vst @!p1 v1  }
0xa1: {  	v1 =	vld @!p1 [tilespmem:s28+$0xFFFFFFA0];
	_ =	sdelay $0x4  }
0xa2: {  	v2 =	vand.u32 @!p1 $0x3FFF, v1  }
0xa3: {  	v1 =	vshrl.u32 @!p1 v1, $0xE;
	[tilespmem:$0x4110] =	vst @!p1 v2  }
0xa4: {  	[tilespmem:$0x4190] =	vst @!p1 v1  }
0xa5: {  	v1 =	vld @!p1 [tilespmem:s28+$0xFFFFFFB0];
	_ =	sdelay $0x4  }
0xa6: {  	v2 =	vand.u32 @!p1 $0x3FFF, v1  }
0xa7: {  	v1 =	vshrl.u32 @!p1 v1, $0xE;
	[tilespmem:$0x4120] =	vst @!p1 v2  }
0xa8: {  	[tilespmem:$0x41A0] =	vst @!p1 v1  }
0xa9: {  	v1 =	vld @!p1 [tilespmem:s28+$0xFFFFFFC0];
	_ =	sdelay $0x4  }
0xaa: {  	v2 =	vand.u32 @!p1 $0x3FFF, v1  }
0xab: {  	v1 =	vshrl.u32 @!p1 v1, $0xE;
	[tilespmem:$0x4130] =	vst @!p1 v2  }
0xac: {  	[tilespmem:$0x41B0] =	vst @!p1 v1  }
0xad: {  	v1 =	vld @!p1 [tilespmem:s28+$0xFFFFFFD0];
	_ =	sdelay $0x4  }
0xae: {  	v2 =	vand.u32 @!p1 $0x3FFF, v1  }
0xaf: {  	v1 =	vshrl.u32 @!p1 v1, $0xE;
	[tilespmem:$0x4140] =	vst @!p1 v2  }
0xb0: {  	[tilespmem:$0x41C0] =	vst @!p1 v1  }
0xb1: {  	s29 =	sadd.s32 $0xFFFFFFFF, s13;
	v1 =	vld @!p1 [tilespmem:s28+$0xFFFFFFE0]  }
0xb2: {  	p0 =	sne.s32 s29, $0x0  }
.Ltmp1:
0xb3: {  	_ = 	snop;
	(pc) =	sbr.rel @!p0 .LBB2_5-.Ltmp1, $3  }
0xb4: {  	_ =	sdelay $0x1  }
0xb5: {  	v2 =	vand.u32 @!p1 $0x3FFF, v1  }
0xb6: {  	s30 =	simm.s32 $0x1F0;
	v1 =	vshrl.u32 @!p1 v1, $0xE;
	[tilespmem:$0x4150] =	vst @!p1 v2  }
.LBB2_4:
0xb7: {  	s29 =	sadd.s32 $0xFFFFFFFF, s29;
	[tilespmem:$0x41D0] =	vst @!p1 v1;
	s26 =	sadd.s32 $0x2, s26;
	s30 =	sadd.s32 $0x100, s30  }
0xb8: {  	p0 =	sne.s32 s29, $0x0;
	v1 =	vld @!p1 [tilespmem:s28+$0xFFFFFFF0];
	_ =	sdelay $0x4  }
0xb9: {  	v2 =	vand.u32 @!p1 $0x3FFF, v1;
	v1 =	vshrl.u32 @!p1 v1, $0xE  }
0xba: {  	[tilespmem:$0x4160] =	vst @!p1 v2  }
0xbb: {  	[tilespmem:$0x41E0] =	vst @!p1 v1  }
0xbc: {  	v1 =	vld @!p1 [tilespmem:s28+$0x0];
	s28 =	smov.u32 s30;
	_ =	sdelay $0x4  }
0xbd: {  	v2 =	vand.u32 @!p1 $0x3FFF, v1;
	v1 =	vshrl.u32 @!p1 v1, $0xE  }
0xbe: {  	[tilespmem:$0x4170] =	vst @!p1 v2  }
0xbf: {  	[tilespmem:$0x41F0] =	vst @!p1 v1  }
0xc0: {  	[tilespmem:s19], [sflag:$0x2] =	stream.indirect.gather [hbm4b:s0+s6], $0x80, s18, s6, $0x2000b8;
	[tilespmem:$0x1FE00] =	vst v63  }
0xc1: {  	_ =	swait.ge [sflag:s20], $0x4000  }
0xc2: {  	[sflag:s20] =	ssyncset.done $0x0  }
0xc3: {  	[sflag:s20] =	ssyncadd.s32 $0xFFFFC000  }
0xc4: {  	[spmem:s3] =	stream.indirect.scatter.add.f32 [tilespmem:s16], [sflag:$0x3], $0x80, s21, s6, $0x2000b8;
	[tilespmem:$0x1FE00] =	vst v63  }
0xc5: {  	_ =	swait.ge [sflag:s22], $0x4000  }
0xc6: {  	s31 =	sadd.s32 $0xFFFFFFFF, s26;
	[sflag:s22] =	ssyncset.done $0x0  }
0xc7: {  	p1 =	sge.u32 s31, s5;
	[sflag:s22] =	ssyncadd.s32 $0xFFFFC000  }
0xc8: {  	v1 =	vld @!p1 [tilespmem:s30+$0xFFFFFF10];
	_ =	sdelay $0x4  }
0xc9: {  	v2 =	vand.u32 @!p1 $0x3FFF, v1;
	v1 =	vshrl.u32 @!p1 v1, $0xE  }
0xca: {  	[tilespmem:$0x4000] =	vst @!p1 v2  }
0xcb: {  	[tilespmem:$0x4080] =	vst @!p1 v1  }
0xcc: {  	v1 =	vld @!p1 [tilespmem:s30+$0xFFFFFF20];
	_ =	sdelay $0x4  }
0xcd: {  	v2 =	vand.u32 @!p1 $0x3FFF, v1;
	v1 =	vshrl.u32 @!p1 v1, $0xE  }
0xce: {  	[tilespmem:$0x4010] =	vst @!p1 v2  }
0xcf: {  	[tilespmem:$0x4090] =	vst @!p1 v1  }
0xd0: {  	v1 =	vld @!p1 [tilespmem:s30+$0xFFFFFF30];
	_ =	sdelay $0x4  }
0xd1: {  	v2 =	vand.u32 @!p1 $0x3FFF, v1;
	v1 =	vshrl.u32 @!p1 v1, $0xE  }
0xd2: {  	[tilespmem:$0x4020] =	vst @!p1 v2  }
0xd3: {  	[tilespmem:$0x40A0] =	vst @!p1 v1  }
0xd4: {  	v1 =	vld @!p1 [tilespmem:s30+$0xFFFFFF40];
	_ =	sdelay $0x4  }
0xd5: {  	v2 =	vand.u32 @!p1 $0x3FFF, v1;
	v1 =	vshrl.u32 @!p1 v1, $0xE  }
0xd6: {  	[tilespmem:$0x4030] =	vst @!p1 v2  }
0xd7: {  	[tilespmem:$0x40B0] =	vst @!p1 v1  }
0xd8: {  	v1 =	vld @!p1 [tilespmem:s30+$0xFFFFFF50];
	_ =	sdelay $0x4  }
0xd9: {  	v2 =	vand.u32 @!p1 $0x3FFF, v1;
	v1 =	vshrl.u32 @!p1 v1, $0xE  }
0xda: {  	[tilespmem:$0x4040] =	vst @!p1 v2  }
0xdb: {  	[tilespmem:$0x40C0] =	vst @!p1 v1  }
0xdc: {  	v1 =	vld @!p1 [tilespmem:s30+$0xFFFFFF60];
	_ =	sdelay $0x4  }
0xdd: {  	v2 =	vand.u32 @!p1 $0x3FFF, v1;
	v1 =	vshrl.u32 @!p1 v1, $0xE  }
0xde: {  	[tilespmem:$0x4050] =	vst @!p1 v2  }
0xdf: {  	[tilespmem:$0x40D0] =	vst @!p1 v1  }
0xe0: {  	v1 =	vld @!p1 [tilespmem:s30+$0xFFFFFF70];
	_ =	sdelay $0x4  }
0xe1: {  	v2 =	vand.u32 @!p1 $0x3FFF, v1;
	v1 =	vshrl.u32 @!p1 v1, $0xE  }
0xe2: {  	[tilespmem:$0x4060] =	vst @!p1 v2  }
0xe3: {  	s31 =	simm.s32 @!p1 $0x80;
	s2 =	simm.s32 @!p1 $0x4000;
	s4 =	simm.s32 @!p1 $0x4200;
	[tilespmem:$0x40E0] =	vst @!p1 v1  }
0xe4: {  	v1 =	vld @!p1 [tilespmem:s30+$0xFFFFFF80];
	_ =	sdelay $0x4  }
0xe5: {  	v2 =	vand.u32 @!p1 $0x3FFF, v1;
	v1 =	vshrl.u32 @!p1 v1, $0xE  }
0xe6: {  	[tilespmem:$0x4070] =	vst @!p1 v2  }
0xe7: {  	[tilespmem:$0x40F0] =	vst @!p1 v1  }
0xe8: {  	[tilespmem:s4], [sflag:$0x1] =	stream.indirect.gather @!p1 [hbm4b:s0+s31], $0x80, s2, s31, $0x2000b8;
	[tilespmem:$0x1FE00] =	vst v63  }
0xe9: {  	_ =	swait.ge [sflag:s23], $0x4000  }
0xea: {  	[sflag:s23] =	ssyncset.done $0x0  }
0xeb: {  	[sflag:s23] =	ssyncadd.s32 $0xFFFFC000  }
0xec: {  	[spmem:s3] =	stream.indirect.scatter.add.f32 [tilespmem:s19], [sflag:$0x3], $0x80, s24, s6, $0x2000b8;
	[tilespmem:$0x1FE00] =	vst v63  }
0xed: {  	_ =	swait.ge [sflag:s22], $0x4000  }
0xee: {  	[sflag:s22] =	ssyncset.done $0x0  }
0xef: {  	p1 =	sge.u32 s26, s5;
	[sflag:s22] =	ssyncadd.s32 $0xFFFFC000  }
0xf0: {  	v1 =	vld @!p1 [tilespmem:s30+$0xFFFFFF90];
	_ =	sdelay $0x4  }
0xf1: {  	v2 =	vand.u32 @!p1 $0x3FFF, v1;
	v1 =	vshrl.u32 @!p1 v1, $0xE  }
0xf2: {  	[tilespmem:$0x4100] =	vst @!p1 v2  }
0xf3: {  	[tilespmem:$0x4180] =	vst @!p1 v1  }
0xf4: {  	v1 =	vld @!p1 [tilespmem:s30+$0xFFFFFFA0];
	_ =	sdelay $0x4  }
0xf5: {  	v2 =	vand.u32 @!p1 $0x3FFF, v1;
	v1 =	vshrl.u32 @!p1 v1, $0xE  }
0xf6: {  	[tilespmem:$0x4110] =	vst @!p1 v2  }
0xf7: {  	[tilespmem:$0x4190] =	vst @!p1 v1  }
0xf8: {  	v1 =	vld @!p1 [tilespmem:s30+$0xFFFFFFB0];
	_ =	sdelay $0x4  }
0xf9: {  	v2 =	vand.u32 @!p1 $0x3FFF, v1;
	v1 =	vshrl.u32 @!p1 v1, $0xE  }
0xfa: {  	[tilespmem:$0x4120] =	vst @!p1 v2  }
0xfb: {  	[tilespmem:$0x41A0] =	vst @!p1 v1  }
0xfc: {  	v1 =	vld @!p1 [tilespmem:s30+$0xFFFFFFC0];
	_ =	sdelay $0x4  }
0xfd: {  	v2 =	vand.u32 @!p1 $0x3FFF, v1;
	v1 =	vshrl.u32 @!p1 v1, $0xE  }
0xfe: {  	[tilespmem:$0x4130] =	vst @!p1 v2  }
0xff: {  	[tilespmem:$0x41B0] =	vst @!p1 v1  }
0x100: {  	v1 =	vld @!p1 [tilespmem:s30+$0xFFFFFFD0];
	_ =	sdelay $0x4  }
0x101: {  	v2 =	vand.u32 @!p1 $0x3FFF, v1;
	v1 =	vshrl.u32 @!p1 v1, $0xE  }
0x102: {  	[tilespmem:$0x4140] =	vst @!p1 v2  }
0x103: {  	[tilespmem:$0x41C0] =	vst @!p1 v1  }
0x104: {  	v1 =	vld @!p1 [tilespmem:s30+$0xFFFFFFE0];
	_ =	sdelay $0x1  }
.Ltmp2:
0x105: {  	(pc) =	sbr.rel @p0 .LBB2_4-.Ltmp2, $3  }
0x106: {  	_ =	sdelay $0x1  }
0x107: {  	v2 =	vand.u32 @!p1 $0x3FFF, v1;
	v1 =	vshrl.u32 @!p1 v1, $0xE  }
0x108: {  	[tilespmem:$0x4150] =	vst @!p1 v2  }
.LBB2_5:
0x109: {  	[tilespmem:$0x41D0] =	vst @!p1 v1  }
0x10a: {  	v1 =	vld @!p1 [tilespmem:s28+$0xFFFFFFF0];
	_ =	sdelay $0x4  }
0x10b: {  	v2 =	vand.u32 @!p1 $0x3FFF, v1  }
0x10c: {  	v1 =	vshrl.u32 @!p1 v1, $0xE;
	[tilespmem:$0x4160] =	vst @!p1 v2  }
0x10d: {  	[tilespmem:$0x41E0] =	vst @!p1 v1  }
0x10e: {  	v1 =	vld @!p1 [tilespmem:s28+$0x0];
	_ =	sdelay $0x4  }
0x10f: {  	v2 =	vand.u32 @!p1 $0x3FFF, v1  }
0x110: {  	v1 =	vshrl.u32 @!p1 v1, $0xE;
	[tilespmem:$0x4170] =	vst @!p1 v2  }
0x111: {  	[tilespmem:$0x41F0] =	vst @!p1 v1  }
0x112: {  	_ =	strace $0x9000004C  }
0x113: {  	_ =	strace $0x8000004D  }
0x114: {  	s2 =	sshll.u32 s1, $0x6;
	[bflag:$0x0] =	sbarrier.arrive $0xFFFF  }
0x115: {  	s4 =	sshrl.u32 s7, $0x3;
	s25 =	sadd.s32 $0x1, s25;
	_ =	strace $0x9000004D  }
0x116: {  	s2 =	sor.u32 $0x1C03, s2;
	p0 =	sne.s32 s25, s15;
	_ =	strace $0x8000004E  }
0x117: {  	[hbm:s14], [sflag:s2] =	dma.local [spmem:s4], $0x2780  }
.Ltmp3:
0x118: {  	_ = 	snop;
	(pc) =	sbr.rel @p0 .LBB2_1-.Ltmp3, $4  }
0x119: {  	_ =	swait.ge [sflag:s22], $0x2780  }
0x11a: {  	[sflag:s22] =	ssyncset.done $0x0  }
0x11b: {  	[sflag:s22] =	ssyncadd.s32 $0xFFFFD880  }
0x11c: {  	_ =	strace $0x9000004E  }
0x11d: {  	_ =	sfence.sel $0x180000  }
0x11e: {  	[bflag:$0x0] =	sbarrier.arrive $0xFFFF  }
0x11f: {  	_ =	strace $0x90000047  }
0x120: {  	[bflag:$0x2] =	sbarrier.arrive $0xFFFF  }
0x121: {  	p0 =	sne.s32 s1, $0x0;
	s0 =	rddreg [dreg:$0x4]  }
0x122: {  	s0 =	sadd.s32 @!p0 $0x100000, s0  }
0x123: {  	[sflag:s0] =	ssyncadd.tile.s32 @!p0 $0x1;
	_ =	shalt  }
.Lfunc_end2:
_tile_overlayer_lowered:
.L_overlay_start_2:
0x124: {  	(tag) =	ssettag $0x2  }
0x125: {  	s0 =	rddreg [dreg:$0x0];
	s2 =	stileid.u32  }
0x126: {  	s1 =	rddreg [dreg:$0x1];
	p0 =	sne.s32 s2, $0x0  }
0x127: {  	s3 =	rddreg [dreg:$0x2];
	[bflag:$0x3] =	sbarrier.arrive $0xFFFF;
	s2 =	simm.s32 @!p0 $0x1C03  }
0x128: {  	[timem:s3], [sflag:s2] =	dma.local @!p0 [hbm:s0], s1  }
0x129: {  	s0 =	simm.s32 @!p0 $0x3  }
0x12a: {  	_ =	swait.ge @!p0 [sflag:s0], s1  }
0x12b: {  	s1 =	ssub.s32 @!p0 $0x0, s1;
	[sflag:s0] =	ssyncset.done @!p0 $0x0  }
0x12c: {  	[sflag:s0] =	ssyncadd.s32 @!p0 s1  }
0x12d: {  	[bflag:$0x3] =	sbarrier.arrive $0xFFFF  }
0x12e: {  	_ =	shalt  }

</sc_bundles>
